<compile_context>
chip_gen: v7x
topology: tpu7x:2x2x1
jax: 0.10.2.dev20260603
libtpu: 0.0.44.dev20260713+nightly
codegen_flags: <defaults>
</compile_context>

<pallas_src>
import functools

import jax
import jax.numpy as jnp
from jax import lax
from jax.experimental import pallas as pl
from jax.experimental.pallas import tpu as pltpu
from jax.experimental.pallas import tpu_sc as plsc

_B, _L, _D = 4096, 50, 64
_DP = 128
_V = 1000000
_N = _B * _L
_NW = 32
_BPW = _N // _NW
_GR = 320
_G = _BPW // _GR

_CB = 256
_NCH = 999936 // _CB
_FULL = _NCH // _NW
_REM = _NCH - _FULL * _NW
_PAIRS = _FULL // 2
_TAIL = 999936
_VX = _V + 64

_mesh = plsc.VectorSubcoreMesh(core_axis_name="c", subcore_axis_name="s")
_params = pltpu.CompilerParams(use_tc_tiling_on_sc=True, needs_layout_passes=False)


@functools.partial(
    pl.kernel,
    mesh=_mesh,
    out_type=jax.ShapeDtypeStruct((_VX, _DP), jnp.float32),
    scratch_types=[
        pltpu.VMEM((_D, _CB), jnp.float32),
        pltpu.VMEM((_D, _CB), jnp.float32),
        pltpu.VMEM((_CB, _DP), jnp.float32),
        pltpu.VMEM((_CB, _DP), jnp.float32),
        pltpu.VMEM((_D, _D), jnp.float32),
        pltpu.SemaphoreType.DMA,
        pltpu.SemaphoreType.DMA,
        pltpu.SemaphoreType.DMA,
        pltpu.SemaphoreType.DMA,
    ],
    compiler_params=_params,
)
def _xpose(tt_hbm, tail_hbm, xp_hbm, in0, in1, ob0, ob1, tail_v,
           si0, si1, so0, so1):
    wid = lax.axis_index("s") * 2 + lax.axis_index("c")
    iot = lax.iota(jnp.int32, 16)
    perms = [(iot + s) & 15 for s in range(16)]
    base = _FULL * wid + jnp.minimum(wid, _REM)

    ins = (in0, in1)
    obs = (ob0, ob1)
    sis = (si0, si1)
    sos = (so0, so1)

    def start_in(k, b):
        pltpu.async_copy(tt_hbm.at[:, pl.ds((base + k) * _CB, _CB)],
                         ins[b], sis[b])

    def wait_in(b):
        pltpu.make_async_copy(tt_hbm.at[:, pl.ds(0, _CB)], ins[b], sis[b]).wait()

    def start_out(k, b):
        pltpu.async_copy(obs[b], xp_hbm.at[pl.ds((base + k) * _CB, _CB)], sos[b])

    def wait_out(b):
        pltpu.make_async_copy(obs[b], xp_hbm.at[pl.ds(0, _CB)], sos[b]).wait()

    def compute(in_b, ob_b):
        def blk(rr0, carry):
            rrv = iot + rr0 * 16
            for cb in range(4):
                dss = [perms[s] + (16 * cb) for s in range(16)]
                vals = [plsc.load_gather(in_b, [dss[s], rrv])
                        for s in range(16)]
                for s in range(16):
                    plsc.store_scatter(ob_b, [rrv, dss[s]], vals[s])
            return carry
        lax.fori_loop(0, _CB // 16, blk, 0)

    start_in(0, 0)

    def pair_body(p, carry):
        for b in range(2):
            k = p * 2 + b
            wait_in(b)
            if b == 0:
                start_in(k + 1, 1)
            else:
                @pl.when(p < _PAIRS - 1)
                def _():
                    start_in(k + 1, 0)
            @pl.when(p >= 1)
            def _():
                wait_out(b)
            compute(ins[b], obs[b])
            start_out(k, b)
        return carry

    lax.fori_loop(0, _PAIRS, pair_body, 0)
    wait_out(0)
    wait_out(1)

    @pl.when(wid < _REM)
    def _():
        k = _FULL
        pltpu.sync_copy(tt_hbm.at[:, pl.ds((base + k) * _CB, _CB)], in0)
        compute(in0, ob0)
        pltpu.sync_copy(ob0, xp_hbm.at[pl.ds((base + k) * _CB, _CB)])

    @pl.when(wid == _NW - 1)
    def _():
        pltpu.sync_copy(tail_hbm, tail_v)
        def row_body(rr, carry):
            rrv = jnp.full((16,), rr, jnp.int32)
            for cb in range(4):
                ob1[rr, pl.ds(cb * 16, 16)] = plsc.load_gather(
                    tail_v, [iot + 16 * cb, rrv])
            return carry
        lax.fori_loop(0, 64, row_body, 0)
        pltpu.sync_copy(ob1.at[pl.ds(0, 64)], xp_hbm.at[pl.ds(_V, 64)])


@functools.partial(
    pl.kernel,
    mesh=_mesh,
    out_type=jax.ShapeDtypeStruct((_N, _DP), jnp.float32),
    scratch_types=[
        pltpu.VMEM((_BPW,), jnp.int32),
        pltpu.VMEM((_GR, _DP), jnp.float32),
        pltpu.VMEM((_GR, _DP), jnp.float32),
        pltpu.SemaphoreType.DMA,
        pltpu.SemaphoreType.DMA,
    ],
    compiler_params=_params,
)
def _gather(table_hbm, idx_hbm, out_hbm, idx_v, rows0, rows1, sem0, sem1):
    wid = lax.axis_index("s") * 2 + lax.axis_index("c")
    base = wid * _BPW
    pltpu.sync_copy(idx_hbm.at[wid], idx_v)

    bufs = (rows0, rows1)
    sems = (sem0, sem1)
    copies = [None, None]
    for g in range(_G):
        b = g % 2
        copies[b] = pltpu.async_copy(
            table_hbm.at[idx_v.at[pl.ds(g * _GR, _GR)]], bufs[b], sems[b])
        if g >= 1:
            pb = (g - 1) % 2
            copies[pb].wait()
            pltpu.sync_copy(bufs[pb], out_hbm.at[pl.ds(base + (g - 1) * _GR, _GR)])
    lb = (_G - 1) % 2
    copies[lb].wait()
    pltpu.sync_copy(bufs[lb], out_hbm.at[pl.ds(base + (_G - 1) * _GR, _GR)])


def kernel(source, table):
    tt = table.T
    xp = _xpose(tt, lax.slice(tt, (0, _TAIL), (_D, _V)))
    idx = source.reshape(_NW, _BPW)
    idx = jnp.where(idx >= _TAIL, idx + 64, idx)
    out = _gather(xp, idx)
    return lax.slice(out, (0, 0), (_N, _D)).reshape(_B, _L, _D)

# --- scband reference (transcript-rebuilt; emitter-appended) ---
"""Pipeline reference for scband-embeddings-78116865179994 (READ-ONLY COPY).

The authoritative reference and input builder live on the scoring server;
editing this copy changes nothing except your own understanding.
"""

import jax, jax.numpy as jnp
import numpy as np

VOCAB = 1000000
DIM = 64
PAD_IDX = 0

def setup_inputs(seed: int = 0) -> dict:
    key = jax.random.key(seed)
    k1, k2 = jax.random.split(key)
    source = jax.random.randint(k1, (4096, 50, 1), 0, VOCAB).astype(jnp.int64) if jax.config.jax_enable_x64 else jax.random.randint(k1, (4096, 50, 1), 0, VOCAB)
    table = jax.random.normal(k2, (VOCAB, DIM), dtype=jnp.float32)
    # nn.Embedding with padding_idx zeroes that row
    table = table.at[PAD_IDX].set(0.0)
    return {"source": source, "table": table}

def reference(source, table):
    # Elementwise: split source on dim=2 (nfeat=1), squeeze, apply embedding lut,
    # return first output. No positional encoding, dropout=0.
    idx = source[:, :, 0]            # (batch, len)
    emb = jnp.take(table, idx, axis=0)  # (batch, len, dim) - embedding gather
    return emb

if __name__ == "__main__":
    import jax
    _d = setup_inputs()
    print(jax.jit(kernel)(*tuple(_d.values())))

</pallas_src>

<mosaic_0001>
#map = affine_map<(d0, d1) -> (0, 0)>
module attributes {stable_mosaic.version = 14 : i64} {
  func.func @_xpose(%arg0: i32, %arg1: i32, %arg2: memref<64x1000000xf32, #tpu.memory_space<hbm>>, %arg3: memref<64x64xf32, #tpu.memory_space<hbm>>, %arg4: memref<1000064x128xf32, #tpu.memory_space<hbm>>, %arg5: memref<64x256xf32, #tpu.memory_space<vmem>>, %arg6: memref<64x256xf32, #tpu.memory_space<vmem>>, %arg7: memref<256x128xf32, #tpu.memory_space<vmem>>, %arg8: memref<256x128xf32, #tpu.memory_space<vmem>>, %arg9: memref<64x64xf32, #tpu.memory_space<vmem>>, %arg10: memref<!tpu.dma_semaphore, #tpu.memory_space<semaphore_mem>>, %arg11: memref<!tpu.dma_semaphore, #tpu.memory_space<semaphore_mem>>, %arg12: memref<!tpu.dma_semaphore, #tpu.memory_space<semaphore_mem>>, %arg13: memref<!tpu.dma_semaphore, #tpu.memory_space<semaphore_mem>>) attributes {dimension_semantics = [#tpu.dimension_semantics<core_parallel>, #tpu.dimension_semantics<subcore_parallel>], iteration_bounds = array<i64: 2, 16>, scalar_prefetch = 0 : i64, scratch_operands = 9 : i64, tpu.core_type = #tpu.core_type<sc_vector_subcore>, window_params = [{transform_indices = #map}, {transform_indices = #map}, {transform_indices = #map}]} {
    %mul3A = arith.constant 2 : i32
    %mul3A_0 = arith.muli %arg1, %mul3A : i32
    %add3A = arith.addi %mul3A_0, %arg0 : i32
    %iota3A = tpu.iota {dimensions = array<i32: 0>} : vector<16xi32>
    %add3A_1 = arith.constant 0 : i32
    %add3A_2 = vector.broadcast %add3A_1 : i32 to vector<16xi32>
    %add3A_3 = arith.addi %iota3A, %add3A_2 : vector<16xi32>
    %and3A = arith.constant 15 : i32
    %and3A_4 = vector.broadcast %and3A : i32 to vector<16xi32>
    %and3A_5 = arith.andi %add3A_3, %and3A_4 : vector<16xi32>
    %add3A_6 = arith.constant 1 : i32
    %add3A_7 = vector.broadcast %add3A_6 : i32 to vector<16xi32>
    %add3A_8 = arith.addi %iota3A, %add3A_7 : vector<16xi32>
    %and3A_9 = arith.constant 15 : i32
    %and3A_10 = vector.broadcast %and3A_9 : i32 to vector<16xi32>
    %and3A_11 = arith.andi %add3A_8, %and3A_10 : vector<16xi32>
    %add3A_12 = arith.constant 2 : i32
    %add3A_13 = vector.broadcast %add3A_12 : i32 to vector<16xi32>
    %add3A_14 = arith.addi %iota3A, %add3A_13 : vector<16xi32>
    %and3A_15 = arith.constant 15 : i32
    %and3A_16 = vector.broadcast %and3A_15 : i32 to vector<16xi32>
    %and3A_17 = arith.andi %add3A_14, %and3A_16 : vector<16xi32>
    %add3A_18 = arith.constant 3 : i32
    %add3A_19 = vector.broadcast %add3A_18 : i32 to vector<16xi32>
    %add3A_20 = arith.addi %iota3A, %add3A_19 : vector<16xi32>
    %and3A_21 = arith.constant 15 : i32
    %and3A_22 = vector.broadcast %and3A_21 : i32 to vector<16xi32>
    %and3A_23 = arith.andi %add3A_20, %and3A_22 : vector<16xi32>
    %add3A_24 = arith.constant 4 : i32
    %add3A_25 = vector.broadcast %add3A_24 : i32 to vector<16xi32>
    %add3A_26 = arith.addi %iota3A, %add3A_25 : vector<16xi32>
    %and3A_27 = arith.constant 15 : i32
    %and3A_28 = vector.broadcast %and3A_27 : i32 to vector<16xi32>
    %and3A_29 = arith.andi %add3A_26, %and3A_28 : vector<16xi32>
    %add3A_30 = arith.constant 5 : i32
    %add3A_31 = vector.broadcast %add3A_30 : i32 to vector<16xi32>
    %add3A_32 = arith.addi %iota3A, %add3A_31 : vector<16xi32>
    %and3A_33 = arith.constant 15 : i32
    %and3A_34 = vector.broadcast %and3A_33 : i32 to vector<16xi32>
    %and3A_35 = arith.andi %add3A_32, %and3A_34 : vector<16xi32>
    %add3A_36 = arith.constant 6 : i32
    %add3A_37 = vector.broadcast %add3A_36 : i32 to vector<16xi32>
    %add3A_38 = arith.addi %iota3A, %add3A_37 : vector<16xi32>
    %and3A_39 = arith.constant 15 : i32
    %and3A_40 = vector.broadcast %and3A_39 : i32 to vector<16xi32>
    %and3A_41 = arith.andi %add3A_38, %and3A_40 : vector<16xi32>
    %add3A_42 = arith.constant 7 : i32
    %add3A_43 = vector.broadcast %add3A_42 : i32 to vector<16xi32>
    %add3A_44 = arith.addi %iota3A, %add3A_43 : vector<16xi32>
    %and3A_45 = arith.constant 15 : i32
    %and3A_46 = vector.broadcast %and3A_45 : i32 to vector<16xi32>
    %and3A_47 = arith.andi %add3A_44, %and3A_46 : vector<16xi32>
    %add3A_48 = arith.constant 8 : i32
    %add3A_49 = vector.broadcast %add3A_48 : i32 to vector<16xi32>
    %add3A_50 = arith.addi %iota3A, %add3A_49 : vector<16xi32>
    %and3A_51 = arith.constant 15 : i32
    %and3A_52 = vector.broadcast %and3A_51 : i32 to vector<16xi32>
    %and3A_53 = arith.andi %add3A_50, %and3A_52 : vector<16xi32>
    %add3A_54 = arith.constant 9 : i32
    %add3A_55 = vector.broadcast %add3A_54 : i32 to vector<16xi32>
    %add3A_56 = arith.addi %iota3A, %add3A_55 : vector<16xi32>
    %and3A_57 = arith.constant 15 : i32
    %and3A_58 = vector.broadcast %and3A_57 : i32 to vector<16xi32>
    %and3A_59 = arith.andi %add3A_56, %and3A_58 : vector<16xi32>
    %add3A_60 = arith.constant 10 : i32
    %add3A_61 = vector.broadcast %add3A_60 : i32 to vector<16xi32>
    %add3A_62 = arith.addi %iota3A, %add3A_61 : vector<16xi32>
    %and3A_63 = arith.constant 15 : i32
    %and3A_64 = vector.broadcast %and3A_63 : i32 to vector<16xi32>
    %and3A_65 = arith.andi %add3A_62, %and3A_64 : vector<16xi32>
    %add3A_66 = arith.constant 11 : i32
    %add3A_67 = vector.broadcast %add3A_66 : i32 to vector<16xi32>
    %add3A_68 = arith.addi %iota3A, %add3A_67 : vector<16xi32>
    %and3A_69 = arith.constant 15 : i32
    %and3A_70 = vector.broadcast %and3A_69 : i32 to vector<16xi32>
    %and3A_71 = arith.andi %add3A_68, %and3A_70 : vector<16xi32>
    %add3A_72 = arith.constant 12 : i32
    %add3A_73 = vector.broadcast %add3A_72 : i32 to vector<16xi32>
    %add3A_74 = arith.addi %iota3A, %add3A_73 : vector<16xi32>
    %and3A_75 = arith.constant 15 : i32
    %and3A_76 = vector.broadcast %and3A_75 : i32 to vector<16xi32>
    %and3A_77 = arith.andi %add3A_74, %and3A_76 : vector<16xi32>
    %add3A_78 = arith.constant 13 : i32
    %add3A_79 = vector.broadcast %add3A_78 : i32 to vector<16xi32>
    %add3A_80 = arith.addi %iota3A, %add3A_79 : vector<16xi32>
    %and3A_81 = arith.constant 15 : i32
    %and3A_82 = vector.broadcast %and3A_81 : i32 to vector<16xi32>
    %and3A_83 = arith.andi %add3A_80, %and3A_82 : vector<16xi32>
    %add3A_84 = arith.constant 14 : i32
    %add3A_85 = vector.broadcast %add3A_84 : i32 to vector<16xi32>
    %add3A_86 = arith.addi %iota3A, %add3A_85 : vector<16xi32>
    %and3A_87 = arith.constant 15 : i32
    %and3A_88 = vector.broadcast %and3A_87 : i32 to vector<16xi32>
    %and3A_89 = arith.andi %add3A_86, %and3A_88 : vector<16xi32>
    %add3A_90 = arith.constant 15 : i32
    %add3A_91 = vector.broadcast %add3A_90 : i32 to vector<16xi32>
    %add3A_92 = arith.addi %iota3A, %add3A_91 : vector<16xi32>
    %and3A_93 = arith.constant 15 : i32
    %and3A_94 = vector.broadcast %and3A_93 : i32 to vector<16xi32>
    %and3A_95 = arith.andi %add3A_92, %and3A_94 : vector<16xi32>
    %mul3A_96 = arith.constant 122 : i32
    %mul3A_97 = arith.muli %mul3A_96, %add3A : i32
    %min3A = arith.constant 2 : i32
    %min3A_98 = arith.minsi %add3A, %min3A : i32
    %add3A_99 = arith.addi %mul3A_97, %min3A_98 : i32
    %add3A_100 = arith.constant 0 : i32
    %add3A_101 = arith.addi %add3A_99, %add3A_100 : i32
    %mul3A_102 = arith.constant 256 : i32
    %mul3A_103 = arith.muli %add3A_101, %mul3A_102 : i32
    %dma_start3A = arith.constant 0 : i32
    %dma_start3A_104 = tpu.memref_slice %arg2[%dma_start3A, %mul3A_103] : memref<64x1000000xf32, #tpu.memory_space<hbm>> -> memref<64x256xf32, #tpu.memory_space<hbm>>
    %dma_start3A_105 = arith.constant 0 : i32
    %dma_start3A_106 = tpu.memref_slice %arg2[%dma_start3A_105, %mul3A_103] : memref<64x1000000xf32, #tpu.memory_space<hbm>> -> memref<64x256xf32, #tpu.memory_space<hbm>>
    tpu.enqueue_dma source(%dma_start3A_106 : memref<64x256xf32, #tpu.memory_space<hbm>>) target(%arg5 : memref<64x256xf32, #tpu.memory_space<vmem>>) target_semaphore(%arg10 : memref<!tpu.dma_semaphore, #tpu.memory_space<semaphore_mem>>)
    %scan3A = arith.constant 0 : i32
    %scan3A_107 = arith.constant 0 : i32
    %scan3A_108 = arith.constant 61 : i32
    %scan3A_109 = arith.addi %scan3A_107, %scan3A_108 : i32
    %scan3A_110 = arith.constant 1 : i32
    scf.for %scan3A_129 = %scan3A_107 to %scan3A_109 step %scan3A_110  : i32 {
      %mul3A_130 = arith.constant 2 : i32
      %mul3A_131 = arith.muli %scan3A_129, %mul3A_130 : i32
      %add3A_132 = arith.constant 0 : i32
      %add3A_133 = arith.addi %mul3A_131, %add3A_132 : i32
      %dma_wait3A_134 = arith.constant 0 : i32
      %dma_wait3A_135 = arith.constant 0 : i32
      %dma_wait3A_136 = tpu.memref_slice %arg2[%dma_wait3A_134, %dma_wait3A_135] : memref<64x1000000xf32, #tpu.memory_space<hbm>> -> memref<64x256xf32, #tpu.memory_space<hbm>>
      %dma_wait3A_137 = arith.constant 0 : i32
      %dma_wait3A_138 = arith.constant 0 : i32
      %dma_wait3A_139 = tpu.memref_slice %arg2[%dma_wait3A_137, %dma_wait3A_138] : memref<64x1000000xf32, #tpu.memory_space<hbm>> -> memref<64x256xf32, #tpu.memory_space<hbm>>
      tpu.wait_dma2 semaphore(%arg10 : memref<!tpu.dma_semaphore, #tpu.memory_space<semaphore_mem>>) src(%dma_wait3A_139 : memref<64x256xf32, #tpu.memory_space<hbm>>) dst(%arg5 : memref<64x256xf32, #tpu.memory_space<vmem>>)
      %add3A_140 = arith.constant 1 : i32
      %add3A_141 = arith.addi %add3A_133, %add3A_140 : i32
      %add3A_142 = arith.addi %add3A_99, %add3A_141 : i32
      %mul3A_143 = arith.constant 256 : i32
      %mul3A_144 = arith.muli %add3A_142, %mul3A_143 : i32
      %dma_start3A_145 = arith.constant 0 : i32
      %dma_start3A_146 = tpu.memref_slice %arg2[%dma_start3A_145, %mul3A_144] : memref<64x1000000xf32, #tpu.memory_space<hbm>> -> memref<64x256xf32, #tpu.memory_space<hbm>>
      %dma_start3A_147 = arith.constant 0 : i32
      %dma_start3A_148 = tpu.memref_slice %arg2[%dma_start3A_147, %mul3A_144] : memref<64x1000000xf32, #tpu.memory_space<hbm>> -> memref<64x256xf32, #tpu.memory_space<hbm>>
      tpu.enqueue_dma source(%dma_start3A_148 : memref<64x256xf32, #tpu.memory_space<hbm>>) target(%arg6 : memref<64x256xf32, #tpu.memory_space<vmem>>) target_semaphore(%arg11 : memref<!tpu.dma_semaphore, #tpu.memory_space<semaphore_mem>>)
      %ge3A = arith.constant 1 : i32
      %ge3A_149 = arith.cmpi sge, %scan3A_129, %ge3A : i32
      %convert_element_type3A_150 = arith.extui %ge3A_149 : i1 to i32
      %cond3A_151 = arith.constant 0 : i32
      %cond3A_152 = arith.cmpi ne, %convert_element_type3A_150, %cond3A_151 : i32
      scf.if %cond3A_152 {
        %dma_wait3A_199 = arith.constant 0 : i32
        %dma_wait3A_200 = arith.constant 0 : i32
        %dma_wait3A_201 = tpu.memref_slice %arg4[%dma_wait3A_199, %dma_wait3A_200] : memref<1000064x128xf32, #tpu.memory_space<hbm>> -> memref<256x128xf32, #tpu.memory_space<hbm>>
        %dma_wait3A_202 = arith.constant 0 : i32
        %dma_wait3A_203 = arith.constant 0 : i32
        %dma_wait3A_204 = tpu.memref_slice %arg4[%dma_wait3A_202, %dma_wait3A_203] : memref<1000064x128xf32, #tpu.memory_space<hbm>> -> memref<256x128xf32, #tpu.memory_space<hbm>>
        tpu.wait_dma2 semaphore(%arg12 : memref<!tpu.dma_semaphore, #tpu.memory_space<semaphore_mem>>) src(%arg7 : memref<256x128xf32, #tpu.memory_space<vmem>>) dst(%dma_wait3A_204 : memref<256x128xf32, #tpu.memory_space<hbm>>)
      } else {
      }
      %scan3A_153 = arith.constant 0 : i32
      %scan3A_154 = arith.constant 0 : i32
      %scan3A_155 = arith.constant 16 : i32
      %scan3A_156 = arith.addi %scan3A_154, %scan3A_155 : i32
      %scan3A_157 = arith.constant 1 : i32
      scf.for %scan3A_199 = %scan3A_154 to %scan3A_156 step %scan3A_157  : i32 {
        %mul3A_200 = arith.constant 16 : i32
        %mul3A_201 = arith.muli %scan3A_199, %mul3A_200 : i32
        %add3A_202 = vector.broadcast %mul3A_201 : i32 to vector<16xi32>
        %add3A_203 = arith.addi %iota3A, %add3A_202 : vector<16xi32>
        %add3A_204 = arith.constant 0 : i32
        %add3A_205 = vector.broadcast %add3A_204 : i32 to vector<16xi32>
        %add3A_206 = arith.addi %and3A_5, %add3A_205 : vector<16xi32>
        %add3A_207 = arith.constant 0 : i32
        %add3A_208 = vector.broadcast %add3A_207 : i32 to vector<16xi32>
        %add3A_209 = arith.addi %and3A_11, %add3A_208 : vector<16xi32>
        %add3A_210 = arith.constant 0 : i32
        %add3A_211 = vector.broadcast %add3A_210 : i32 to vector<16xi32>
        %add3A_212 = arith.addi %and3A_17, %add3A_211 : vector<16xi32>
        %add3A_213 = arith.constant 0 : i32
        %add3A_214 = vector.broadcast %add3A_213 : i32 to vector<16xi32>
        %add3A_215 = arith.addi %and3A_23, %add3A_214 : vector<16xi32>
        %add3A_216 = arith.constant 0 : i32
        %add3A_217 = vector.broadcast %add3A_216 : i32 to vector<16xi32>
        %add3A_218 = arith.addi %and3A_29, %add3A_217 : vector<16xi32>
        %add3A_219 = arith.constant 0 : i32
        %add3A_220 = vector.broadcast %add3A_219 : i32 to vector<16xi32>
        %add3A_221 = arith.addi %and3A_35, %add3A_220 : vector<16xi32>
        %add3A_222 = arith.constant 0 : i32
        %add3A_223 = vector.broadcast %add3A_222 : i32 to vector<16xi32>
        %add3A_224 = arith.addi %and3A_41, %add3A_223 : vector<16xi32>
        %add3A_225 = arith.constant 0 : i32
        %add3A_226 = vector.broadcast %add3A_225 : i32 to vector<16xi32>
        %add3A_227 = arith.addi %and3A_47, %add3A_226 : vector<16xi32>
        %add3A_228 = arith.constant 0 : i32
        %add3A_229 = vector.broadcast %add3A_228 : i32 to vector<16xi32>
        %add3A_230 = arith.addi %and3A_53, %add3A_229 : vector<16xi32>
        %add3A_231 = arith.constant 0 : i32
        %add3A_232 = vector.broadcast %add3A_231 : i32 to vector<16xi32>
        %add3A_233 = arith.addi %and3A_59, %add3A_232 : vector<16xi32>
        %add3A_234 = arith.constant 0 : i32
        %add3A_235 = vector.broadcast %add3A_234 : i32 to vector<16xi32>
        %add3A_236 = arith.addi %and3A_65, %add3A_235 : vector<16xi32>
        %add3A_237 = arith.constant 0 : i32
        %add3A_238 = vector.broadcast %add3A_237 : i32 to vector<16xi32>
        %add3A_239 = arith.addi %and3A_71, %add3A_238 : vector<16xi32>
        %add3A_240 = arith.constant 0 : i32
        %add3A_241 = vector.broadcast %add3A_240 : i32 to vector<16xi32>
        %add3A_242 = arith.addi %and3A_77, %add3A_241 : vector<16xi32>
        %add3A_243 = arith.constant 0 : i32
        %add3A_244 = vector.broadcast %add3A_243 : i32 to vector<16xi32>
        %add3A_245 = arith.addi %and3A_83, %add3A_244 : vector<16xi32>
        %add3A_246 = arith.constant 0 : i32
        %add3A_247 = vector.broadcast %add3A_246 : i32 to vector<16xi32>
        %add3A_248 = arith.addi %and3A_89, %add3A_247 : vector<16xi32>
        %add3A_249 = arith.constant 0 : i32
        %add3A_250 = vector.broadcast %add3A_249 : i32 to vector<16xi32>
        %add3A_251 = arith.addi %and3A_95, %add3A_250 : vector<16xi32>
        %gather3A = tpu.vector_load_idx %arg5[%add3A_206, %add3A_203] : memref<64x256xf32, #tpu.memory_space<vmem>>[vector<16xi32>, vector<16xi32>], vector<16xf32>,
        %gather3A_252 = tpu.vector_load_idx %arg5[%add3A_209, %add3A_203] : memref<64x256xf32, #tpu.memory_space<vmem>>[vector<16xi32>, vector<16xi32>], vector<16xf32>,
        %gather3A_253 = tpu.vector_load_idx %arg5[%add3A_212, %add3A_203] : memref<64x256xf32, #tpu.memory_space<vmem>>[vector<16xi32>, vector<16xi32>], vector<16xf32>,
        %gather3A_254 = tpu.vector_load_idx %arg5[%add3A_215, %add3A_203] : memref<64x256xf32, #tpu.memory_space<vmem>>[vector<16xi32>, vector<16xi32>], vector<16xf32>,
        %gather3A_255 = tpu.vector_load_idx %arg5[%add3A_218, %add3A_203] : memref<64x256xf32, #tpu.memory_space<vmem>>[vector<16xi32>, vector<16xi32>], vector<16xf32>,
        %gather3A_256 = tpu.vector_load_idx %arg5[%add3A_221, %add3A_203] : memref<64x256xf32, #tpu.memory_space<vmem>>[vector<16xi32>, vector<16xi32>], vector<16xf32>,
        %gather3A_257 = tpu.vector_load_idx %arg5[%add3A_224, %add3A_203] : memref<64x256xf32, #tpu.memory_space<vmem>>[vector<16xi32>, vector<16xi32>], vector<16xf32>,
        %gather3A_258 = tpu.vector_load_idx %arg5[%add3A_227, %add3A_203] : memref<64x256xf32, #tpu.memory_space<vmem>>[vector<16xi32>, vector<16xi32>], vector<16xf32>,
        %gather3A_259 = tpu.vector_load_idx %arg5[%add3A_230, %add3A_203] : memref<64x256xf32, #tpu.memory_space<vmem>>[vector<16xi32>, vector<16xi32>], vector<16xf32>,
        %gather3A_260 = tpu.vector_load_idx %arg5[%add3A_233, %add3A_203] : memref<64x256xf32, #tpu.memory_space<vmem>>[vector<16xi32>, vector<16xi32>], vector<16xf32>,
        %gather3A_261 = tpu.vector_load_idx %arg5[%add3A_236, %add3A_203] : memref<64x256xf32, #tpu.memory_space<vmem>>[vector<16xi32>, vector<16xi32>], vector<16xf32>,
        %gather3A_262 = tpu.vector_load_idx %arg5[%add3A_239, %add3A_203] : memref<64x256xf32, #tpu.memory_space<vmem>>[vector<16xi32>, vector<16xi32>], vector<16xf32>,
        %gather3A_263 = tpu.vector_load_idx %arg5[%add3A_242, %add3A_203] : memref<64x256xf32, #tpu.memory_space<vmem>>[vector<16xi32>, vector<16xi32>], vector<16xf32>,
        %gather3A_264 = tpu.vector_load_idx %arg5[%add3A_245, %add3A_203] : memref<64x256xf32, #tpu.memory_space<vmem>>[vector<16xi32>, vector<16xi32>], vector<16xf32>,
        %gather3A_265 = tpu.vector_load_idx %arg5[%add3A_248, %add3A_203] : memref<64x256xf32, #tpu.memory_space<vmem>>[vector<16xi32>, vector<16xi32>], vector<16xf32>,
        %gather3A_266 = tpu.vector_load_idx %arg5[%add3A_251, %add3A_203] : memref<64x256xf32, #tpu.memory_space<vmem>>[vector<16xi32>, vector<16xi32>], vector<16xf32>,
        tpu.vector_store_idx %arg7[%add3A_203, %add3A_206], %gather3A : memref<256x128xf32, #tpu.memory_space<vmem>>[vector<16xi32>, vector<16xi32>], vector<16xf32>,
        tpu.vector_store_idx %arg7[%add3A_203, %add3A_209], %gather3A_252 : memref<256x128xf32, #tpu.memory_space<vmem>>[vector<16xi32>, vector<16xi32>], vector<16xf32>,
        tpu.vector_store_idx %arg7[%add3A_203, %add3A_212], %gather3A_253 : memref<256x128xf32, #tpu.memory_space<vmem>>[vector<16xi32>, vector<16xi32>], vector<16xf32>,
        tpu.vector_store_idx %arg7[%add3A_203, %add3A_215], %gather3A_254 : memref<256x128xf32, #tpu.memory_space<vmem>>[vector<16xi32>, vector<16xi32>], vector<16xf32>,
        tpu.vector_store_idx %arg7[%add3A_203, %add3A_218], %gather3A_255 : memref<256x128xf32, #tpu.memory_space<vmem>>[vector<16xi32>, vector<16xi32>], vector<16xf32>,
        tpu.vector_store_idx %arg7[%add3A_203, %add3A_221], %gather3A_256 : memref<256x128xf32, #tpu.memory_space<vmem>>[vector<16xi32>, vector<16xi32>], vector<16xf32>,
        tpu.vector_store_idx %arg7[%add3A_203, %add3A_224], %gather3A_257 : memref<256x128xf32, #tpu.memory_space<vmem>>[vector<16xi32>, vector<16xi32>], vector<16xf32>,
        tpu.vector_store_idx %arg7[%add3A_203, %add3A_227], %gather3A_258 : memref<256x128xf32, #tpu.memory_space<vmem>>[vector<16xi32>, vector<16xi32>], vector<16xf32>,
        tpu.vector_store_idx %arg7[%add3A_203, %add3A_230], %gather3A_259 : memref<256x128xf32, #tpu.memory_space<vmem>>[vector<16xi32>, vector<16xi32>], vector<16xf32>,
        tpu.vector_store_idx %arg7[%add3A_203, %add3A_233], %gather3A_260 : memref<256x128xf32, #tpu.memory_space<vmem>>[vector<16xi32>, vector<16xi32>], vector<16xf32>,
        tpu.vector_store_idx %arg7[%add3A_203, %add3A_236], %gather3A_261 : memref<256x128xf32, #tpu.memory_space<vmem>>[vector<16xi32>, vector<16xi32>], vector<16xf32>,
        tpu.vector_store_idx %arg7[%add3A_203, %add3A_239], %gather3A_262 : memref<256x128xf32, #tpu.memory_space<vmem>>[vector<16xi32>, vector<16xi32>], vector<16xf32>,
        tpu.vector_store_idx %arg7[%add3A_203, %add3A_242], %gather3A_263 : memref<256x128xf32, #tpu.memory_space<vmem>>[vector<16xi32>, vector<16xi32>], vector<16xf32>,
        tpu.vector_store_idx %arg7[%add3A_203, %add3A_245], %gather3A_264 : memref<256x128xf32, #tpu.memory_space<vmem>>[vector<16xi32>, vector<16xi32>], vector<16xf32>,
        tpu.vector_store_idx %arg7[%add3A_203, %add3A_248], %gather3A_265 : memref<256x128xf32, #tpu.memory_space<vmem>>[vector<16xi32>, vector<16xi32>], vector<16xf32>,
        tpu.vector_store_idx %arg7[%add3A_203, %add3A_251], %gather3A_266 : memref<256x128xf32, #tpu.memory_space<vmem>>[vector<16xi32>, vector<16xi32>], vector<16xf32>,
        %add3A_267 = arith.constant 16 : i32
        %add3A_268 = vector.broadcast %add3A_267 : i32 to vector<16xi32>
        %add3A_269 = arith.addi %and3A_5, %add3A_268 : vector<16xi32>
        %add3A_270 = arith.constant 16 : i32
        %add3A_271 = vector.broadcast %add3A_270 : i32 to vector<16xi32>
        %add3A_272 = arith.addi %and3A_11, %add3A_271 : vector<16xi32>
        %add3A_273 = arith.constant 16 : i32
        %add3A_274 = vector.broadcast %add3A_273 : i32 to vector<16xi32>
        %add3A_275 = arith.addi %and3A_17, %add3A_274 : vector<16xi32>
        %add3A_276 = arith.constant 16 : i32
        %add3A_277 = vector.broadcast %add3A_276 : i32 to vector<16xi32>
        %add3A_278 = arith.addi %and3A_23, %add3A_277 : vector<16xi32>
        %add3A_279 = arith.constant 16 : i32
        %add3A_280 = vector.broadcast %add3A_279 : i32 to vector<16xi32>
        %add3A_281 = arith.addi %and3A_29, %add3A_280 : vector<16xi32>
        %add3A_282 = arith.constant 16 : i32
        %add3A_283 = vector.broadcast %add3A_282 : i32 to vector<16xi32>
        %add3A_284 = arith.addi %and3A_35, %add3A_283 : vector<16xi32>
        %add3A_285 = arith.constant 16 : i32
        %add3A_286 = vector.broadcast %add3A_285 : i32 to vector<16xi32>
        %add3A_287 = arith.addi %and3A_41, %add3A_286 : vector<16xi32>
        %add3A_288 = arith.constant 16 : i32
        %add3A_289 = vector.broadcast %add3A_288 : i32 to vector<16xi32>
        %add3A_290 = arith.addi %and3A_47, %add3A_289 : vector<16xi32>
        %add3A_291 = arith.constant 16 : i32
        %add3A_292 = vector.broadcast %add3A_291 : i32 to vector<16xi32>
        %add3A_293 = arith.addi %and3A_53, %add3A_292 : vector<16xi32>
        %add3A_294 = arith.constant 16 : i32
        %add3A_295 = vector.broadcast %add3A_294 : i32 to vector<16xi32>
        %add3A_296 = arith.addi %and3A_59, %add3A_295 : vector<16xi32>
        %add3A_297 = arith.constant 16 : i32
        %add3A_298 = vector.broadcast %add3A_297 : i32 to vector<16xi32>
        %add3A_299 = arith.addi %and3A_65, %add3A_298 : vector<16xi32>
        %add3A_300 = arith.constant 16 : i32
        %add3A_301 = vector.broadcast %add3A_300 : i32 to vector<16xi32>
        %add3A_302 = arith.addi %and3A_71, %add3A_301 : vector<16xi32>
        %add3A_303 = arith.constant 16 : i32
        %add3A_304 = vector.broadcast %add3A_303 : i32 to vector<16xi32>
        %add3A_305 = arith.addi %and3A_77, %add3A_304 : vector<16xi32>
        %add3A_306 = arith.constant 16 : i32
        %add3A_307 = vector.broadcast %add3A_306 : i32 to vector<16xi32>
        %add3A_308 = arith.addi %and3A_83, %add3A_307 : vector<16xi32>
        %add3A_309 = arith.constant 16 : i32
        %add3A_310 = vector.broadcast %add3A_309 : i32 to vector<16xi32>
        %add3A_311 = arith.addi %and3A_89, %add3A_310 : vector<16xi32>
        %add3A_312 = arith.constant 16 : i32
        %add3A_313 = vector.broadcast %add3A_312 : i32 to vector<16xi32>
        %add3A_314 = arith.addi %and3A_95, %add3A_313 : vector<16xi32>
        %gather3A_315 = tpu.vector_load_idx %arg5[%add3A_269, %add3A_203] : memref<64x256xf32, #tpu.memory_space<vmem>>[vector<16xi32>, vector<16xi32>], vector<16xf32>,
        %gather3A_316 = tpu.vector_load_idx %arg5[%add3A_272, %add3A_203] : memref<64x256xf32, #tpu.memory_space<vmem>>[vector<16xi32>, vector<16xi32>], vector<16xf32>,
        %gather3A_317 = tpu.vector_load_idx %arg5[%add3A_275, %add3A_203] : memref<64x256xf32, #tpu.memory_space<vmem>>[vector<16xi32>, vector<16xi32>], vector<16xf32>,
        %gather3A_318 = tpu.vector_load_idx %arg5[%add3A_278, %add3A_203] : memref<64x256xf32, #tpu.memory_space<vmem>>[vector<16xi32>, vector<16xi32>], vector<16xf32>,
        %gather3A_319 = tpu.vector_load_idx %arg5[%add3A_281, %add3A_203] : memref<64x256xf32, #tpu.memory_space<vmem>>[vector<16xi32>, vector<16xi32>], vector<16xf32>,
        %gather3A_320 = tpu.vector_load_idx %arg5[%add3A_284, %add3A_203] : memref<64x256xf32, #tpu.memory_space<vmem>>[vector<16xi32>, vector<16xi32>], vector<16xf32>,
        %gather3A_321 = tpu.vector_load_idx %arg5[%add3A_287, %add3A_203] : memref<64x256xf32, #tpu.memory_space<vmem>>[vector<16xi32>, vector<16xi32>], vector<16xf32>,
        %gather3A_322 = tpu.vector_load_idx %arg5[%add3A_290, %add3A_203] : memref<64x256xf32, #tpu.memory_space<vmem>>[vector<16xi32>, vector<16xi32>], vector<16xf32>,
        %gather3A_323 = tpu.vector_load_idx %arg5[%add3A_293, %add3A_203] : memref<64x256xf32, #tpu.memory_space<vmem>>[vector<16xi32>, vector<16xi32>], vector<16xf32>,
        %gather3A_324 = tpu.vector_load_idx %arg5[%add3A_296, %add3A_203] : memref<64x256xf32, #tpu.memory_space<vmem>>[vector<16xi32>, vector<16xi32>], vector<16xf32>,
        %gather3A_325 = tpu.vector_load_idx %arg5[%add3A_299, %add3A_203] : memref<64x256xf32, #tpu.memory_space<vmem>>[vector<16xi32>, vector<16xi32>], vector<16xf32>,
        %gather3A_326 = tpu.vector_load_idx %arg5[%add3A_302, %add3A_203] : memref<64x256xf32, #tpu.memory_space<vmem>>[vector<16xi32>, vector<16xi32>], vector<16xf32>,
        %gather3A_327 = tpu.vector_load_idx %arg5[%add3A_305, %add3A_203] : memref<64x256xf32, #tpu.memory_space<vmem>>[vector<16xi32>, vector<16xi32>], vector<16xf32>,
        %gather3A_328 = tpu.vector_load_idx %arg5[%add3A_308, %add3A_203] : memref<64x256xf32, #tpu.memory_space<vmem>>[vector<16xi32>, vector<16xi32>], vector<16xf32>,
        %gather3A_329 = tpu.vector_load_idx %arg5[%add3A_311, %add3A_203] : memref<64x256xf32, #tpu.memory_space<vmem>>[vector<16xi32>, vector<16xi32>], vector<16xf32>,
        %gather3A_330 = tpu.vector_load_idx %arg5[%add3A_314, %add3A_203] : memref<64x256xf32, #tpu.memory_space<vmem>>[vector<16xi32>, vector<16xi32>], vector<16xf32>,
        tpu.vector_store_idx %arg7[%add3A_203, %add3A_269], %gather3A_315 : memref<256x128xf32, #tpu.memory_space<vmem>>[vector<16xi32>, vector<16xi32>], vector<16xf32>,
        tpu.vector_store_idx %arg7[%add3A_203, %add3A_272], %gather3A_316 : memref<256x128xf32, #tpu.memory_space<vmem>>[vector<16xi32>, vector<16xi32>], vector<16xf32>,
        tpu.vector_store_idx %arg7[%add3A_203, %add3A_275], %gather3A_317 : memref<256x128xf32, #tpu.memory_space<vmem>>[vector<16xi32>, vector<16xi32>], vector<16xf32>,
        tpu.vector_store_idx %arg7[%add3A_203, %add3A_278], %gather3A_318 : memref<256x128xf32, #tpu.memory_space<vmem>>[vector<16xi32>, vector<16xi32>], vector<16xf32>,
        tpu.vector_store_idx %arg7[%add3A_203, %add3A_281], %gather3A_319 : memref<256x128xf32, #tpu.memory_space<vmem>>[vector<16xi32>, vector<16xi32>], vector<16xf32>,
        tpu.vector_store_idx %arg7[%add3A_203, %add3A_284], %gather3A_320 : memref<256x128xf32, #tpu.memory_space<vmem>>[vector<16xi32>, vector<16xi32>], vector<16xf32>,
        tpu.vector_store_idx %arg7[%add3A_203, %add3A_287], %gather3A_321 : memref<256x128xf32, #tpu.memory_space<vmem>>[vector<16xi32>, vector<16xi32>], vector<16xf32>,
        tpu.vector_store_idx %arg7[%add3A_203, %add3A_290], %gather3A_322 : memref<256x128xf32, #tpu.memory_space<vmem>>[vector<16xi32>, vector<16xi32>], vector<16xf32>,
        tpu.vector_store_idx %arg7[%add3A_203, %add3A_293], %gather3A_323 : memref<256x128xf32, #tpu.memory_space<vmem>>[vector<16xi32>, vector<16xi32>], vector<16xf32>,
        tpu.vector_store_idx %arg7[%add3A_203, %add3A_296], %gather3A_324 : memref<256x128xf32, #tpu.memory_space<vmem>>[vector<16xi32>, vector<16xi32>], vector<16xf32>,
        tpu.vector_store_idx %arg7[%add3A_203, %add3A_299], %gather3A_325 : memref<256x128xf32, #tpu.memory_space<vmem>>[vector<16xi32>, vector<16xi32>], vector<16xf32>,
        tpu.vector_store_idx %arg7[%add3A_203, %add3A_302], %gather3A_326 : memref<256x128xf32, #tpu.memory_space<vmem>>[vector<16xi32>, vector<16xi32>], vector<16xf32>,
        tpu.vector_store_idx %arg7[%add3A_203, %add3A_305], %gather3A_327 : memref<256x128xf32, #tpu.memory_space<vmem>>[vector<16xi32>, vector<16xi32>], vector<16xf32>,
        tpu.vector_store_idx %arg7[%add3A_203, %add3A_308], %gather3A_328 : memref<256x128xf32, #tpu.memory_space<vmem>>[vector<16xi32>, vector<16xi32>], vector<16xf32>,
        tpu.vector_store_idx %arg7[%add3A_203, %add3A_311], %gather3A_329 : memref<256x128xf32, #tpu.memory_space<vmem>>[vector<16xi32>, vector<16xi32>], vector<16xf32>,
        tpu.vector_store_idx %arg7[%add3A_203, %add3A_314], %gather3A_330 : memref<256x128xf32, #tpu.memory_space<vmem>>[vector<16xi32>, vector<16xi32>], vector<16xf32>,
        %add3A_331 = arith.constant 32 : i32
        %add3A_332 = vector.broadcast %add3A_331 : i32 to vector<16xi32>
        %add3A_333 = arith.addi %and3A_5, %add3A_332 : vector<16xi32>
        %add3A_334 = arith.constant 32 : i32
        %add3A_335 = vector.broadcast %add3A_334 : i32 to vector<16xi32>
        %add3A_336 = arith.addi %and3A_11, %add3A_335 : vector<16xi32>
        %add3A_337 = arith.constant 32 : i32
        %add3A_338 = vector.broadcast %add3A_337 : i32 to vector<16xi32>
        %add3A_339 = arith.addi %and3A_17, %add3A_338 : vector<16xi32>
        %add3A_340 = arith.constant 32 : i32
        %add3A_341 = vector.broadcast %add3A_340 : i32 to vector<16xi32>
        %add3A_342 = arith.addi %and3A_23, %add3A_341 : vector<16xi32>
        %add3A_343 = arith.constant 32 : i32
        %add3A_344 = vector.broadcast %add3A_343 : i32 to vector<16xi32>
        %add3A_345 = arith.addi %and3A_29, %add3A_344 : vector<16xi32>
        %add3A_346 = arith.constant 32 : i32
        %add3A_347 = vector.broadcast %add3A_346 : i32 to vector<16xi32>
        %add3A_348 = arith.addi %and3A_35, %add3A_347 : vector<16xi32>
        %add3A_349 = arith.constant 32 : i32
        %add3A_350 = vector.broadcast %add3A_349 : i32 to vector<16xi32>
        %add3A_351 = arith.addi %and3A_41, %add3A_350 : vector<16xi32>
        %add3A_352 = arith.constant 32 : i32
        %add3A_353 = vector.broadcast %add3A_352 : i32 to vector<16xi32>
        %add3A_354 = arith.addi %and3A_47, %add3A_353 : vector<16xi32>
        %add3A_355 = arith.constant 32 : i32
        %add3A_356 = vector.broadcast %add3A_355 : i32 to vector<16xi32>
        %add3A_357 = arith.addi %and3A_53, %add3A_356 : vector<16xi32>
        %add3A_358 = arith.constant 32 : i32
        %add3A_359 = vector.broadcast %add3A_358 : i32 to vector<16xi32>
        %add3A_360 = arith.addi %and3A_59, %add3A_359 : vector<16xi32>
        %add3A_361 = arith.constant 32 : i32
        %add3A_362 = vector.broadcast %add3A_361 : i32 to vector<16xi32>
        %add3A_363 = arith.addi %and3A_65, %add3A_362 : vector<16xi32>
        %add3A_364 = arith.constant 32 : i32
        %add3A_365 = vector.broadcast %add3A_364 : i32 to vector<16xi32>
        %add3A_366 = arith.addi %and3A_71, %add3A_365 : vector<16xi32>
        %add3A_367 = arith.constant 32 : i32
        %add3A_368 = vector.broadcast %add3A_367 : i32 to vector<16xi32>
        %add3A_369 = arith.addi %and3A_77, %add3A_368 : vector<16xi32>
        %add3A_370 = arith.constant 32 : i32
        %add3A_371 = vector.broadcast %add3A_370 : i32 to vector<16xi32>
        %add3A_372 = arith.addi %and3A_83, %add3A_371 : vector<16xi32>
        %add3A_373 = arith.constant 32 : i32
        %add3A_374 = vector.broadcast %add3A_373 : i32 to vector<16xi32>
        %add3A_375 = arith.addi %and3A_89, %add3A_374 : vector<16xi32>
        %add3A_376 = arith.constant 32 : i32
        %add3A_377 = vector.broadcast %add3A_376 : i32 to vector<16xi32>
        %add3A_378 = arith.addi %and3A_95, %add3A_377 : vector<16xi32>
        %gather3A_379 = tpu.vector_load_idx %arg5[%add3A_333, %add3A_203] : memref<64x256xf32, #tpu.memory_space<vmem>>[vector<16xi32>, vector<16xi32>], vector<16xf32>,
        %gather3A_380 = tpu.vector_load_idx %arg5[%add3A_336, %add3A_203] : memref<64x256xf32, #tpu.memory_space<vmem>>[vector<16xi32>, vector<16xi32>], vector<16xf32>,
        %gather3A_381 = tpu.vector_load_idx %arg5[%add3A_339, %add3A_203] : memref<64x256xf32, #tpu.memory_space<vmem>>[vector<16xi32>, vector<16xi32>], vector<16xf32>,
        %gather3A_382 = tpu.vector_load_idx %arg5[%add3A_342, %add3A_203] : memref<64x256xf32, #tpu.memory_space<vmem>>[vector<16xi32>, vector<16xi32>], vector<16xf32>,
        %gather3A_383 = tpu.vector_load_idx %arg5[%add3A_345, %add3A_203] : memref<64x256xf32, #tpu.memory_space<vmem>>[vector<16xi32>, vector<16xi32>], vector<16xf32>,
        %gather3A_384 = tpu.vector_load_idx %arg5[%add3A_348, %add3A_203] : memref<64x256xf32, #tpu.memory_space<vmem>>[vector<16xi32>, vector<16xi32>], vector<16xf32>,
        %gather3A_385 = tpu.vector_load_idx %arg5[%add3A_351, %add3A_203] : memref<64x256xf32, #tpu.memory_space<vmem>>[vector<16xi32>, vector<16xi32>], vector<16xf32>,
        %gather3A_386 = tpu.vector_load_idx %arg5[%add3A_354, %add3A_203] : memref<64x256xf32, #tpu.memory_space<vmem>>[vector<16xi32>, vector<16xi32>], vector<16xf32>,
        %gather3A_387 = tpu.vector_load_idx %arg5[%add3A_357, %add3A_203] : memref<64x256xf32, #tpu.memory_space<vmem>>[vector<16xi32>, vector<16xi32>], vector<16xf32>,
        %gather3A_388 = tpu.vector_load_idx %arg5[%add3A_360, %add3A_203] : memref<64x256xf32, #tpu.memory_space<vmem>>[vector<16xi32>, vector<16xi32>], vector<16xf32>,
        %gather3A_389 = tpu.vector_load_idx %arg5[%add3A_363, %add3A_203] : memref<64x256xf32, #tpu.memory_space<vmem>>[vector<16xi32>, vector<16xi32>], vector<16xf32>,
        %gather3A_390 = tpu.vector_load_idx %arg5[%add3A_366, %add3A_203] : memref<64x256xf32, #tpu.memory_space<vmem>>[vector<16xi32>, vector<16xi32>], vector<16xf32>,
        %gather3A_391 = tpu.vector_load_idx %arg5[%add3A_369, %add3A_203] : memref<64x256xf32, #tpu.memory_space<vmem>>[vector<16xi32>, vector<16xi32>], vector<16xf32>,
        %gather3A_392 = tpu.vector_load_idx %arg5[%add3A_372, %add3A_203] : memref<64x256xf32, #tpu.memory_space<vmem>>[vector<16xi32>, vector<16xi32>], vector<16xf32>,
        %gather3A_393 = tpu.vector_load_idx %arg5[%add3A_375, %add3A_203] : memref<64x256xf32, #tpu.memory_space<vmem>>[vector<16xi32>, vector<16xi32>], vector<16xf32>,
        %gather3A_394 = tpu.vector_load_idx %arg5[%add3A_378, %add3A_203] : memref<64x256xf32, #tpu.memory_space<vmem>>[vector<16xi32>, vector<16xi32>], vector<16xf32>,
        tpu.vector_store_idx %arg7[%add3A_203, %add3A_333], %gather3A_379 : memref<256x128xf32, #tpu.memory_space<vmem>>[vector<16xi32>, vector<16xi32>], vector<16xf32>,
        tpu.vector_store_idx %arg7[%add3A_203, %add3A_336], %gather3A_380 : memref<256x128xf32, #tpu.memory_space<vmem>>[vector<16xi32>, vector<16xi32>], vector<16xf32>,
        tpu.vector_store_idx %arg7[%add3A_203, %add3A_339], %gather3A_381 : memref<256x128xf32, #tpu.memory_space<vmem>>[vector<16xi32>, vector<16xi32>], vector<16xf32>,
        tpu.vector_store_idx %arg7[%add3A_203, %add3A_342], %gather3A_382 : memref<256x128xf32, #tpu.memory_space<vmem>>[vector<16xi32>, vector<16xi32>], vector<16xf32>,
        tpu.vector_store_idx %arg7[%add3A_203, %add3A_345], %gather3A_383 : memref<256x128xf32, #tpu.memory_space<vmem>>[vector<16xi32>, vector<16xi32>], vector<16xf32>,
        tpu.vector_store_idx %arg7[%add3A_203, %add3A_348], %gather3A_384 : memref<256x128xf32, #tpu.memory_space<vmem>>[vector<16xi32>, vector<16xi32>], vector<16xf32>,
        tpu.vector_store_idx %arg7[%add3A_203, %add3A_351], %gather3A_385 : memref<256x128xf32, #tpu.memory_space<vmem>>[vector<16xi32>, vector<16xi32>], vector<16xf32>,
        tpu.vector_store_idx %arg7[%add3A_203, %add3A_354], %gather3A_386 : memref<256x128xf32, #tpu.memory_space<vmem>>[vector<16xi32>, vector<16xi32>], vector<16xf32>,
        tpu.vector_store_idx %arg7[%add3A_203, %add3A_357], %gather3A_387 : memref<256x128xf32, #tpu.memory_space<vmem>>[vector<16xi32>, vector<16xi32>], vector<16xf32>,
        tpu.vector_store_idx %arg7[%add3A_203, %add3A_360], %gather3A_388 : memref<256x128xf32, #tpu.memory_space<vmem>>[vector<16xi32>, vector<16xi32>], vector<16xf32>,
        tpu.vector_store_idx %arg7[%add3A_203, %add3A_363], %gather3A_389 : memref<256x128xf32, #tpu.memory_space<vmem>>[vector<16xi32>, vector<16xi32>], vector<16xf32>,
        tpu.vector_store_idx %arg7[%add3A_203, %add3A_366], %gather3A_390 : memref<256x128xf32, #tpu.memory_space<vmem>>[vector<16xi32>, vector<16xi32>], vector<16xf32>,
        tpu.vector_store_idx %arg7[%add3A_203, %add3A_369], %gather3A_391 : memref<256x128xf32, #tpu.memory_space<vmem>>[vector<16xi32>, vector<16xi32>], vector<16xf32>,
        tpu.vector_store_idx %arg7[%add3A_203, %add3A_372], %gather3A_392 : memref<256x128xf32, #tpu.memory_space<vmem>>[vector<16xi32>, vector<16xi32>], vector<16xf32>,
        tpu.vector_store_idx %arg7[%add3A_203, %add3A_375], %gather3A_393 : memref<256x128xf32, #tpu.memory_space<vmem>>[vector<16xi32>, vector<16xi32>], vector<16xf32>,
        tpu.vector_store_idx %arg7[%add3A_203, %add3A_378], %gather3A_394 : memref<256x128xf32, #tpu.memory_space<vmem>>[vector<16xi32>, vector<16xi32>], vector<16xf32>,
        %add3A_395 = arith.constant 48 : i32
        %add3A_396 = vector.broadcast %add3A_395 : i32 to vector<16xi32>
        %add3A_397 = arith.addi %and3A_5, %add3A_396 : vector<16xi32>
        %add3A_398 = arith.constant 48 : i32
        %add3A_399 = vector.broadcast %add3A_398 : i32 to vector<16xi32>
        %add3A_400 = arith.addi %and3A_11, %add3A_399 : vector<16xi32>
        %add3A_401 = arith.constant 48 : i32
        %add3A_402 = vector.broadcast %add3A_401 : i32 to vector<16xi32>
        %add3A_403 = arith.addi %and3A_17, %add3A_402 : vector<16xi32>
        %add3A_404 = arith.constant 48 : i32
        %add3A_405 = vector.broadcast %add3A_404 : i32 to vector<16xi32>
        %add3A_406 = arith.addi %and3A_23, %add3A_405 : vector<16xi32>
        %add3A_407 = arith.constant 48 : i32
        %add3A_408 = vector.broadcast %add3A_407 : i32 to vector<16xi32>
        %add3A_409 = arith.addi %and3A_29, %add3A_408 : vector<16xi32>
        %add3A_410 = arith.constant 48 : i32
        %add3A_411 = vector.broadcast %add3A_410 : i32 to vector<16xi32>
        %add3A_412 = arith.addi %and3A_35, %add3A_411 : vector<16xi32>
        %add3A_413 = arith.constant 48 : i32
        %add3A_414 = vector.broadcast %add3A_413 : i32 to vector<16xi32>
        %add3A_415 = arith.addi %and3A_41, %add3A_414 : vector<16xi32>
        %add3A_416 = arith.constant 48 : i32
        %add3A_417 = vector.broadcast %add3A_416 : i32 to vector<16xi32>
        %add3A_418 = arith.addi %and3A_47, %add3A_417 : vector<16xi32>
        %add3A_419 = arith.constant 48 : i32
        %add3A_420 = vector.broadcast %add3A_419 : i32 to vector<16xi32>
        %add3A_421 = arith.addi %and3A_53, %add3A_420 : vector<16xi32>
        %add3A_422 = arith.constant 48 : i32
        %add3A_423 = vector.broadcast %add3A_422 : i32 to vector<16xi32>
        %add3A_424 = arith.addi %and3A_59, %add3A_423 : vector<16xi32>
        %add3A_425 = arith.constant 48 : i32
        %add3A_426 = vector.broadcast %add3A_425 : i32 to vector<16xi32>
        %add3A_427 = arith.addi %and3A_65, %add3A_426 : vector<16xi32>
        %add3A_428 = arith.constant 48 : i32
        %add3A_429 = vector.broadcast %add3A_428 : i32 to vector<16xi32>
        %add3A_430 = arith.addi %and3A_71, %add3A_429 : vector<16xi32>
        %add3A_431 = arith.constant 48 : i32
        %add3A_432 = vector.broadcast %add3A_431 : i32 to vector<16xi32>
        %add3A_433 = arith.addi %and3A_77, %add3A_432 : vector<16xi32>
        %add3A_434 = arith.constant 48 : i32
        %add3A_435 = vector.broadcast %add3A_434 : i32 to vector<16xi32>
        %add3A_436 = arith.addi %and3A_83, %add3A_435 : vector<16xi32>
        %add3A_437 = arith.constant 48 : i32
        %add3A_438 = vector.broadcast %add3A_437 : i32 to vector<16xi32>
        %add3A_439 = arith.addi %and3A_89, %add3A_438 : vector<16xi32>
        %add3A_440 = arith.constant 48 : i32
        %add3A_441 = vector.broadcast %add3A_440 : i32 to vector<16xi32>
        %add3A_442 = arith.addi %and3A_95, %add3A_441 : vector<16xi32>
        %gather3A_443 = tpu.vector_load_idx %arg5[%add3A_397, %add3A_203] : memref<64x256xf32, #tpu.memory_space<vmem>>[vector<16xi32>, vector<16xi32>], vector<16xf32>,
        %gather3A_444 = tpu.vector_load_idx %arg5[%add3A_400, %add3A_203] : memref<64x256xf32, #tpu.memory_space<vmem>>[vector<16xi32>, vector<16xi32>], vector<16xf32>,
        %gather3A_445 = tpu.vector_load_idx %arg5[%add3A_403, %add3A_203] : memref<64x256xf32, #tpu.memory_space<vmem>>[vector<16xi32>, vector<16xi32>], vector<16xf32>,
        %gather3A_446 = tpu.vector_load_idx %arg5[%add3A_406, %add3A_203] : memref<64x256xf32, #tpu.memory_space<vmem>>[vector<16xi32>, vector<16xi32>], vector<16xf32>,
        %gather3A_447 = tpu.vector_load_idx %arg5[%add3A_409, %add3A_203] : memref<64x256xf32, #tpu.memory_space<vmem>>[vector<16xi32>, vector<16xi32>], vector<16xf32>,
        %gather3A_448 = tpu.vector_load_idx %arg5[%add3A_412, %add3A_203] : memref<64x256xf32, #tpu.memory_space<vmem>>[vector<16xi32>, vector<16xi32>], vector<16xf32>,
        %gather3A_449 = tpu.vector_load_idx %arg5[%add3A_415, %add3A_203] : memref<64x256xf32, #tpu.memory_space<vmem>>[vector<16xi32>, vector<16xi32>], vector<16xf32>,
        %gather3A_450 = tpu.vector_load_idx %arg5[%add3A_418, %add3A_203] : memref<64x256xf32, #tpu.memory_space<vmem>>[vector<16xi32>, vector<16xi32>], vector<16xf32>,
        %gather3A_451 = tpu.vector_load_idx %arg5[%add3A_421, %add3A_203] : memref<64x256xf32, #tpu.memory_space<vmem>>[vector<16xi32>, vector<16xi32>], vector<16xf32>,
        %gather3A_452 = tpu.vector_load_idx %arg5[%add3A_424, %add3A_203] : memref<64x256xf32, #tpu.memory_space<vmem>>[vector<16xi32>, vector<16xi32>], vector<16xf32>,
        %gather3A_453 = tpu.vector_load_idx %arg5[%add3A_427, %add3A_203] : memref<64x256xf32, #tpu.memory_space<vmem>>[vector<16xi32>, vector<16xi32>], vector<16xf32>,
        %gather3A_454 = tpu.vector_load_idx %arg5[%add3A_430, %add3A_203] : memref<64x256xf32, #tpu.memory_space<vmem>>[vector<16xi32>, vector<16xi32>], vector<16xf32>,
        %gather3A_455 = tpu.vector_load_idx %arg5[%add3A_433, %add3A_203] : memref<64x256xf32, #tpu.memory_space<vmem>>[vector<16xi32>, vector<16xi32>], vector<16xf32>,
        %gather3A_456 = tpu.vector_load_idx %arg5[%add3A_436, %add3A_203] : memref<64x256xf32, #tpu.memory_space<vmem>>[vector<16xi32>, vector<16xi32>], vector<16xf32>,
        %gather3A_457 = tpu.vector_load_idx %arg5[%add3A_439, %add3A_203] : memref<64x256xf32, #tpu.memory_space<vmem>>[vector<16xi32>, vector<16xi32>], vector<16xf32>,
        %gather3A_458 = tpu.vector_load_idx %arg5[%add3A_442, %add3A_203] : memref<64x256xf32, #tpu.memory_space<vmem>>[vector<16xi32>, vector<16xi32>], vector<16xf32>,
        tpu.vector_store_idx %arg7[%add3A_203, %add3A_397], %gather3A_443 : memref<256x128xf32, #tpu.memory_space<vmem>>[vector<16xi32>, vector<16xi32>], vector<16xf32>,
        tpu.vector_store_idx %arg7[%add3A_203, %add3A_400], %gather3A_444 : memref<256x128xf32, #tpu.memory_space<vmem>>[vector<16xi32>, vector<16xi32>], vector<16xf32>,
        tpu.vector_store_idx %arg7[%add3A_203, %add3A_403], %gather3A_445 : memref<256x128xf32, #tpu.memory_space<vmem>>[vector<16xi32>, vector<16xi32>], vector<16xf32>,
        tpu.vector_store_idx %arg7[%add3A_203, %add3A_406], %gather3A_446 : memref<256x128xf32, #tpu.memory_space<vmem>>[vector<16xi32>, vector<16xi32>], vector<16xf32>,
        tpu.vector_store_idx %arg7[%add3A_203, %add3A_409], %gather3A_447 : memref<256x128xf32, #tpu.memory_space<vmem>>[vector<16xi32>, vector<16xi32>], vector<16xf32>,
        tpu.vector_store_idx %arg7[%add3A_203, %add3A_412], %gather3A_448 : memref<256x128xf32, #tpu.memory_space<vmem>>[vector<16xi32>, vector<16xi32>], vector<16xf32>,
        tpu.vector_store_idx %arg7[%add3A_203, %add3A_415], %gather3A_449 : memref<256x128xf32, #tpu.memory_space<vmem>>[vector<16xi32>, vector<16xi32>], vector<16xf32>,
        tpu.vector_store_idx %arg7[%add3A_203, %add3A_418], %gather3A_450 : memref<256x128xf32, #tpu.memory_space<vmem>>[vector<16xi32>, vector<16xi32>], vector<16xf32>,
        tpu.vector_store_idx %arg7[%add3A_203, %add3A_421], %gather3A_451 : memref<256x128xf32, #tpu.memory_space<vmem>>[vector<16xi32>, vector<16xi32>], vector<16xf32>,
        tpu.vector_store_idx %arg7[%add3A_203, %add3A_424], %gather3A_452 : memref<256x128xf32, #tpu.memory_space<vmem>>[vector<16xi32>, vector<16xi32>], vector<16xf32>,
        tpu.vector_store_idx %arg7[%add3A_203, %add3A_427], %gather3A_453 : memref<256x128xf32, #tpu.memory_space<vmem>>[vector<16xi32>, vector<16xi32>], vector<16xf32>,
        tpu.vector_store_idx %arg7[%add3A_203, %add3A_430], %gather3A_454 : memref<256x128xf32, #tpu.memory_space<vmem>>[vector<16xi32>, vector<16xi32>], vector<16xf32>,
        tpu.vector_store_idx %arg7[%add3A_203, %add3A_433], %gather3A_455 : memref<256x128xf32, #tpu.memory_space<vmem>>[vector<16xi32>, vector<16xi32>], vector<16xf32>,
        tpu.vector_store_idx %arg7[%add3A_203, %add3A_436], %gather3A_456 : memref<256x128xf32, #tpu.memory_space<vmem>>[vector<16xi32>, vector<16xi32>], vector<16xf32>,
        tpu.vector_store_idx %arg7[%add3A_203, %add3A_439], %gather3A_457 : memref<256x128xf32, #tpu.memory_space<vmem>>[vector<16xi32>, vector<16xi32>], vector<16xf32>,
        tpu.vector_store_idx %arg7[%add3A_203, %add3A_442], %gather3A_458 : memref<256x128xf32, #tpu.memory_space<vmem>>[vector<16xi32>, vector<16xi32>], vector<16xf32>,
      }
      %scan3A_158 = arith.constant 16 : i32
      %add3A_159 = arith.addi %add3A_99, %add3A_133 : i32
      %mul3A_160 = arith.constant 256 : i32
      %mul3A_161 = arith.muli %add3A_159, %mul3A_160 : i32
      %dma_start3A_162 = arith.constant 0 : i32
      %dma_start3A_163 = tpu.memref_slice %arg4[%mul3A_161, %dma_start3A_162] : memref<1000064x128xf32, #tpu.memory_space<hbm>> -> memref<256x128xf32, #tpu.memory_space<hbm>>
      %dma_start3A_164 = arith.constant 0 : i32
      %dma_start3A_165 = tpu.memref_slice %arg4[%mul3A_161, %dma_start3A_164] : memref<1000064x128xf32, #tpu.memory_space<hbm>> -> memref<256x128xf32, #tpu.memory_space<hbm>>
      tpu.enqueue_dma source(%arg7 : memref<256x128xf32, #tpu.memory_space<vmem>>) target(%dma_start3A_165 : memref<256x128xf32, #tpu.memory_space<hbm>>) target_semaphore(%arg12 : memref<!tpu.dma_semaphore, #tpu.memory_space<semaphore_mem>>)
      %mul3A_166 = arith.constant 2 : i32
      %mul3A_167 = arith.muli %scan3A_129, %mul3A_166 : i32
      %add3A_168 = arith.constant 1 : i32
      %add3A_169 = arith.addi %mul3A_167, %add3A_168 : i32
      %dma_wait3A_170 = arith.constant 0 : i32
      %dma_wait3A_171 = arith.constant 0 : i32
      %dma_wait3A_172 = tpu.memref_slice %arg2[%dma_wait3A_170, %dma_wait3A_171] : memref<64x1000000xf32, #tpu.memory_space<hbm>> -> memref<64x256xf32, #tpu.memory_space<hbm>>
      %dma_wait3A_173 = arith.constant 0 : i32
      %dma_wait3A_174 = arith.constant 0 : i32
      %dma_wait3A_175 = tpu.memref_slice %arg2[%dma_wait3A_173, %dma_wait3A_174] : memref<64x1000000xf32, #tpu.memory_space<hbm>> -> memref<64x256xf32, #tpu.memory_space<hbm>>
      tpu.wait_dma2 semaphore(%arg11 : memref<!tpu.dma_semaphore, #tpu.memory_space<semaphore_mem>>) src(%dma_wait3A_175 : memref<64x256xf32, #tpu.memory_space<hbm>>) dst(%arg6 : memref<64x256xf32, #tpu.memory_space<vmem>>)
      %lt3A_176 = arith.constant 60 : i32
      %lt3A_177 = arith.cmpi slt, %scan3A_129, %lt3A_176 : i32
      %convert_element_type3A_178 = arith.extui %lt3A_177 : i1 to i32
      %cond3A_179 = arith.constant 0 : i32
      %cond3A_180 = arith.cmpi ne, %convert_element_type3A_178, %cond3A_179 : i32
      scf.if %cond3A_180 {
        %add3A_199 = arith.constant 1 : i32
        %add3A_200 = arith.addi %add3A_169, %add3A_199 : i32
        %add3A_201 = arith.addi %add3A_99, %add3A_200 : i32
        %mul3A_202 = arith.constant 256 : i32
        %mul3A_203 = arith.muli %add3A_201, %mul3A_202 : i32
        %dma_start3A_204 = arith.constant 0 : i32
        %dma_start3A_205 = tpu.memref_slice %arg2[%dma_start3A_204, %mul3A_203] : memref<64x1000000xf32, #tpu.memory_space<hbm>> -> memref<64x256xf32, #tpu.memory_space<hbm>>
        %dma_start3A_206 = arith.constant 0 : i32
        %dma_start3A_207 = tpu.memref_slice %arg2[%dma_start3A_206, %mul3A_203] : memref<64x1000000xf32, #tpu.memory_space<hbm>> -> memref<64x256xf32, #tpu.memory_space<hbm>>
        tpu.enqueue_dma source(%dma_start3A_207 : memref<64x256xf32, #tpu.memory_space<hbm>>) target(%arg5 : memref<64x256xf32, #tpu.memory_space<vmem>>) target_semaphore(%arg10 : memref<!tpu.dma_semaphore, #tpu.memory_space<semaphore_mem>>)
      } else {
      }
      %ge3A_181 = arith.constant 1 : i32
      %ge3A_182 = arith.cmpi sge, %scan3A_129, %ge3A_181 : i32
      %convert_element_type3A_183 = arith.extui %ge3A_182 : i1 to i32
      %cond3A_184 = arith.constant 0 : i32
      %cond3A_185 = arith.cmpi ne, %convert_element_type3A_183, %cond3A_184 : i32
      scf.if %cond3A_185 {
        %dma_wait3A_199 = arith.constant 0 : i32
        %dma_wait3A_200 = arith.constant 0 : i32
        %dma_wait3A_201 = tpu.memref_slice %arg4[%dma_wait3A_199, %dma_wait3A_200] : memref<1000064x128xf32, #tpu.memory_space<hbm>> -> memref<256x128xf32, #tpu.memory_space<hbm>>
        %dma_wait3A_202 = arith.constant 0 : i32
        %dma_wait3A_203 = arith.constant 0 : i32
        %dma_wait3A_204 = tpu.memref_slice %arg4[%dma_wait3A_202, %dma_wait3A_203] : memref<1000064x128xf32, #tpu.memory_space<hbm>> -> memref<256x128xf32, #tpu.memory_space<hbm>>
        tpu.wait_dma2 semaphore(%arg13 : memref<!tpu.dma_semaphore, #tpu.memory_space<semaphore_mem>>) src(%arg8 : memref<256x128xf32, #tpu.memory_space<vmem>>) dst(%dma_wait3A_204 : memref<256x128xf32, #tpu.memory_space<hbm>>)
      } else {
      }
      %scan3A_186 = arith.constant 0 : i32
      %scan3A_187 = arith.constant 0 : i32
      %scan3A_188 = arith.constant 16 : i32
      %scan3A_189 = arith.addi %scan3A_187, %scan3A_188 : i32
      %scan3A_190 = arith.constant 1 : i32
      scf.for %scan3A_199 = %scan3A_187 to %scan3A_189 step %scan3A_190  : i32 {
        %mul3A_200 = arith.constant 16 : i32
        %mul3A_201 = arith.muli %scan3A_199, %mul3A_200 : i32
        %add3A_202 = vector.broadcast %mul3A_201 : i32 to vector<16xi32>
        %add3A_203 = arith.addi %iota3A, %add3A_202 : vector<16xi32>
        %add3A_204 = arith.constant 0 : i32
        %add3A_205 = vector.broadcast %add3A_204 : i32 to vector<16xi32>
        %add3A_206 = arith.addi %and3A_5, %add3A_205 : vector<16xi32>
        %add3A_207 = arith.constant 0 : i32
        %add3A_208 = vector.broadcast %add3A_207 : i32 to vector<16xi32>
        %add3A_209 = arith.addi %and3A_11, %add3A_208 : vector<16xi32>
        %add3A_210 = arith.constant 0 : i32
        %add3A_211 = vector.broadcast %add3A_210 : i32 to vector<16xi32>
        %add3A_212 = arith.addi %and3A_17, %add3A_211 : vector<16xi32>
        %add3A_213 = arith.constant 0 : i32
        %add3A_214 = vector.broadcast %add3A_213 : i32 to vector<16xi32>
        %add3A_215 = arith.addi %and3A_23, %add3A_214 : vector<16xi32>
        %add3A_216 = arith.constant 0 : i32
        %add3A_217 = vector.broadcast %add3A_216 : i32 to vector<16xi32>
        %add3A_218 = arith.addi %and3A_29, %add3A_217 : vector<16xi32>
        %add3A_219 = arith.constant 0 : i32
        %add3A_220 = vector.broadcast %add3A_219 : i32 to vector<16xi32>
        %add3A_221 = arith.addi %and3A_35, %add3A_220 : vector<16xi32>
        %add3A_222 = arith.constant 0 : i32
        %add3A_223 = vector.broadcast %add3A_222 : i32 to vector<16xi32>
        %add3A_224 = arith.addi %and3A_41, %add3A_223 : vector<16xi32>
        %add3A_225 = arith.constant 0 : i32
        %add3A_226 = vector.broadcast %add3A_225 : i32 to vector<16xi32>
        %add3A_227 = arith.addi %and3A_47, %add3A_226 : vector<16xi32>
        %add3A_228 = arith.constant 0 : i32
        %add3A_229 = vector.broadcast %add3A_228 : i32 to vector<16xi32>
        %add3A_230 = arith.addi %and3A_53, %add3A_229 : vector<16xi32>
        %add3A_231 = arith.constant 0 : i32
        %add3A_232 = vector.broadcast %add3A_231 : i32 to vector<16xi32>
        %add3A_233 = arith.addi %and3A_59, %add3A_232 : vector<16xi32>
        %add3A_234 = arith.constant 0 : i32
        %add3A_235 = vector.broadcast %add3A_234 : i32 to vector<16xi32>
        %add3A_236 = arith.addi %and3A_65, %add3A_235 : vector<16xi32>
        %add3A_237 = arith.constant 0 : i32
        %add3A_238 = vector.broadcast %add3A_237 : i32 to vector<16xi32>
        %add3A_239 = arith.addi %and3A_71, %add3A_238 : vector<16xi32>
        %add3A_240 = arith.constant 0 : i32
        %add3A_241 = vector.broadcast %add3A_240 : i32 to vector<16xi32>
        %add3A_242 = arith.addi %and3A_77, %add3A_241 : vector<16xi32>
        %add3A_243 = arith.constant 0 : i32
        %add3A_244 = vector.broadcast %add3A_243 : i32 to vector<16xi32>
        %add3A_245 = arith.addi %and3A_83, %add3A_244 : vector<16xi32>
        %add3A_246 = arith.constant 0 : i32
        %add3A_247 = vector.broadcast %add3A_246 : i32 to vector<16xi32>
        %add3A_248 = arith.addi %and3A_89, %add3A_247 : vector<16xi32>
        %add3A_249 = arith.constant 0 : i32
        %add3A_250 = vector.broadcast %add3A_249 : i32 to vector<16xi32>
        %add3A_251 = arith.addi %and3A_95, %add3A_250 : vector<16xi32>
        %gather3A = tpu.vector_load_idx %arg6[%add3A_206, %add3A_203] : memref<64x256xf32, #tpu.memory_space<vmem>>[vector<16xi32>, vector<16xi32>], vector<16xf32>,
        %gather3A_252 = tpu.vector_load_idx %arg6[%add3A_209, %add3A_203] : memref<64x256xf32, #tpu.memory_space<vmem>>[vector<16xi32>, vector<16xi32>], vector<16xf32>,
        %gather3A_253 = tpu.vector_load_idx %arg6[%add3A_212, %add3A_203] : memref<64x256xf32, #tpu.memory_space<vmem>>[vector<16xi32>, vector<16xi32>], vector<16xf32>,
        %gather3A_254 = tpu.vector_load_idx %arg6[%add3A_215, %add3A_203] : memref<64x256xf32, #tpu.memory_space<vmem>>[vector<16xi32>, vector<16xi32>], vector<16xf32>,
        %gather3A_255 = tpu.vector_load_idx %arg6[%add3A_218, %add3A_203] : memref<64x256xf32, #tpu.memory_space<vmem>>[vector<16xi32>, vector<16xi32>], vector<16xf32>,
        %gather3A_256 = tpu.vector_load_idx %arg6[%add3A_221, %add3A_203] : memref<64x256xf32, #tpu.memory_space<vmem>>[vector<16xi32>, vector<16xi32>], vector<16xf32>,
        %gather3A_257 = tpu.vector_load_idx %arg6[%add3A_224, %add3A_203] : memref<64x256xf32, #tpu.memory_space<vmem>>[vector<16xi32>, vector<16xi32>], vector<16xf32>,
        %gather3A_258 = tpu.vector_load_idx %arg6[%add3A_227, %add3A_203] : memref<64x256xf32, #tpu.memory_space<vmem>>[vector<16xi32>, vector<16xi32>], vector<16xf32>,
        %gather3A_259 = tpu.vector_load_idx %arg6[%add3A_230, %add3A_203] : memref<64x256xf32, #tpu.memory_space<vmem>>[vector<16xi32>, vector<16xi32>], vector<16xf32>,
        %gather3A_260 = tpu.vector_load_idx %arg6[%add3A_233, %add3A_203] : memref<64x256xf32, #tpu.memory_space<vmem>>[vector<16xi32>, vector<16xi32>], vector<16xf32>,
        %gather3A_261 = tpu.vector_load_idx %arg6[%add3A_236, %add3A_203] : memref<64x256xf32, #tpu.memory_space<vmem>>[vector<16xi32>, vector<16xi32>], vector<16xf32>,
        %gather3A_262 = tpu.vector_load_idx %arg6[%add3A_239, %add3A_203] : memref<64x256xf32, #tpu.memory_space<vmem>>[vector<16xi32>, vector<16xi32>], vector<16xf32>,
        %gather3A_263 = tpu.vector_load_idx %arg6[%add3A_242, %add3A_203] : memref<64x256xf32, #tpu.memory_space<vmem>>[vector<16xi32>, vector<16xi32>], vector<16xf32>,
        %gather3A_264 = tpu.vector_load_idx %arg6[%add3A_245, %add3A_203] : memref<64x256xf32, #tpu.memory_space<vmem>>[vector<16xi32>, vector<16xi32>], vector<16xf32>,
        %gather3A_265 = tpu.vector_load_idx %arg6[%add3A_248, %add3A_203] : memref<64x256xf32, #tpu.memory_space<vmem>>[vector<16xi32>, vector<16xi32>], vector<16xf32>,
        %gather3A_266 = tpu.vector_load_idx %arg6[%add3A_251, %add3A_203] : memref<64x256xf32, #tpu.memory_space<vmem>>[vector<16xi32>, vector<16xi32>], vector<16xf32>,
        tpu.vector_store_idx %arg8[%add3A_203, %add3A_206], %gather3A : memref<256x128xf32, #tpu.memory_space<vmem>>[vector<16xi32>, vector<16xi32>], vector<16xf32>,
        tpu.vector_store_idx %arg8[%add3A_203, %add3A_209], %gather3A_252 : memref<256x128xf32, #tpu.memory_space<vmem>>[vector<16xi32>, vector<16xi32>], vector<16xf32>,
        tpu.vector_store_idx %arg8[%add3A_203, %add3A_212], %gather3A_253 : memref<256x128xf32, #tpu.memory_space<vmem>>[vector<16xi32>, vector<16xi32>], vector<16xf32>,
        tpu.vector_store_idx %arg8[%add3A_203, %add3A_215], %gather3A_254 : memref<256x128xf32, #tpu.memory_space<vmem>>[vector<16xi32>, vector<16xi32>], vector<16xf32>,
        tpu.vector_store_idx %arg8[%add3A_203, %add3A_218], %gather3A_255 : memref<256x128xf32, #tpu.memory_space<vmem>>[vector<16xi32>, vector<16xi32>], vector<16xf32>,
        tpu.vector_store_idx %arg8[%add3A_203, %add3A_221], %gather3A_256 : memref<256x128xf32, #tpu.memory_space<vmem>>[vector<16xi32>, vector<16xi32>], vector<16xf32>,
        tpu.vector_store_idx %arg8[%add3A_203, %add3A_224], %gather3A_257 : memref<256x128xf32, #tpu.memory_space<vmem>>[vector<16xi32>, vector<16xi32>], vector<16xf32>,
        tpu.vector_store_idx %arg8[%add3A_203, %add3A_227], %gather3A_258 : memref<256x128xf32, #tpu.memory_space<vmem>>[vector<16xi32>, vector<16xi32>], vector<16xf32>,
        tpu.vector_store_idx %arg8[%add3A_203, %add3A_230], %gather3A_259 : memref<256x128xf32, #tpu.memory_space<vmem>>[vector<16xi32>, vector<16xi32>], vector<16xf32>,
        tpu.vector_store_idx %arg8[%add3A_203, %add3A_233], %gather3A_260 : memref<256x128xf32, #tpu.memory_space<vmem>>[vector<16xi32>, vector<16xi32>], vector<16xf32>,
        tpu.vector_store_idx %arg8[%add3A_203, %add3A_236], %gather3A_261 : memref<256x128xf32, #tpu.memory_space<vmem>>[vector<16xi32>, vector<16xi32>], vector<16xf32>,
        tpu.vector_store_idx %arg8[%add3A_203, %add3A_239], %gather3A_262 : memref<256x128xf32, #tpu.memory_space<vmem>>[vector<16xi32>, vector<16xi32>], vector<16xf32>,
        tpu.vector_store_idx %arg8[%add3A_203, %add3A_242], %gather3A_263 : memref<256x128xf32, #tpu.memory_space<vmem>>[vector<16xi32>, vector<16xi32>], vector<16xf32>,
        tpu.vector_store_idx %arg8[%add3A_203, %add3A_245], %gather3A_264 : memref<256x128xf32, #tpu.memory_space<vmem>>[vector<16xi32>, vector<16xi32>], vector<16xf32>,
        tpu.vector_store_idx %arg8[%add3A_203, %add3A_248], %gather3A_265 : memref<256x128xf32, #tpu.memory_space<vmem>>[vector<16xi32>, vector<16xi32>], vector<16xf32>,
        tpu.vector_store_idx %arg8[%add3A_203, %add3A_251], %gather3A_266 : memref<256x128xf32, #tpu.memory_space<vmem>>[vector<16xi32>, vector<16xi32>], vector<16xf32>,
        %add3A_267 = arith.constant 16 : i32
        %add3A_268 = vector.broadcast %add3A_267 : i32 to vector<16xi32>
        %add3A_269 = arith.addi %and3A_5, %add3A_268 : vector<16xi32>
        %add3A_270 = arith.constant 16 : i32
        %add3A_271 = vector.broadcast %add3A_270 : i32 to vector<16xi32>
        %add3A_272 = arith.addi %and3A_11, %add3A_271 : vector<16xi32>
        %add3A_273 = arith.constant 16 : i32
        %add3A_274 = vector.broadcast %add3A_273 : i32 to vector<16xi32>
        %add3A_275 = arith.addi %and3A_17, %add3A_274 : vector<16xi32>
        %add3A_276 = arith.constant 16 : i32
        %add3A_277 = vector.broadcast %add3A_276 : i32 to vector<16xi32>
        %add3A_278 = arith.addi %and3A_23, %add3A_277 : vector<16xi32>
        %add3A_279 = arith.constant 16 : i32
        %add3A_280 = vector.broadcast %add3A_279 : i32 to vector<16xi32>
        %add3A_281 = arith.addi %and3A_29, %add3A_280 : vector<16xi32>
        %add3A_282 = arith.constant 16 : i32
        %add3A_283 = vector.broadcast %add3A_282 : i32 to vector<16xi32>
        %add3A_284 = arith.addi %and3A_35, %add3A_283 : vector<16xi32>
        %add3A_285 = arith.constant 16 : i32
        %add3A_286 = vector.broadcast %add3A_285 : i32 to vector<16xi32>
        %add3A_287 = arith.addi %and3A_41, %add3A_286 : vector<16xi32>
        %add3A_288 = arith.constant 16 : i32
        %add3A_289 = vector.broadcast %add3A_288 : i32 to vector<16xi32>
        %add3A_290 = arith.addi %and3A_47, %add3A_289 : vector<16xi32>
        %add3A_291 = arith.constant 16 : i32
        %add3A_292 = vector.broadcast %add3A_291 : i32 to vector<16xi32>
        %add3A_293 = arith.addi %and3A_53, %add3A_292 : vector<16xi32>
        %add3A_294 = arith.constant 16 : i32
        %add3A_295 = vector.broadcast %add3A_294 : i32 to vector<16xi32>
        %add3A_296 = arith.addi %and3A_59, %add3A_295 : vector<16xi32>
        %add3A_297 = arith.constant 16 : i32
        %add3A_298 = vector.broadcast %add3A_297 : i32 to vector<16xi32>
        %add3A_299 = arith.addi %and3A_65, %add3A_298 : vector<16xi32>
        %add3A_300 = arith.constant 16 : i32
        %add3A_301 = vector.broadcast %add3A_300 : i32 to vector<16xi32>
        %add3A_302 = arith.addi %and3A_71, %add3A_301 : vector<16xi32>
        %add3A_303 = arith.constant 16 : i32
        %add3A_304 = vector.broadcast %add3A_303 : i32 to vector<16xi32>
        %add3A_305 = arith.addi %and3A_77, %add3A_304 : vector<16xi32>
        %add3A_306 = arith.constant 16 : i32
        %add3A_307 = vector.broadcast %add3A_306 : i32 to vector<16xi32>
        %add3A_308 = arith.addi %and3A_83, %add3A_307 : vector<16xi32>
        %add3A_309 = arith.constant 16 : i32
        %add3A_310 = vector.broadcast %add3A_309 : i32 to vector<16xi32>
        %add3A_311 = arith.addi %and3A_89, %add3A_310 : vector<16xi32>
        %add3A_312 = arith.constant 16 : i32
        %add3A_313 = vector.broadcast %add3A_312 : i32 to vector<16xi32>
        %add3A_314 = arith.addi %and3A_95, %add3A_313 : vector<16xi32>
        %gather3A_315 = tpu.vector_load_idx %arg6[%add3A_269, %add3A_203] : memref<64x256xf32, #tpu.memory_space<vmem>>[vector<16xi32>, vector<16xi32>], vector<16xf32>,
        %gather3A_316 = tpu.vector_load_idx %arg6[%add3A_272, %add3A_203] : memref<64x256xf32, #tpu.memory_space<vmem>>[vector<16xi32>, vector<16xi32>], vector<16xf32>,
        %gather3A_317 = tpu.vector_load_idx %arg6[%add3A_275, %add3A_203] : memref<64x256xf32, #tpu.memory_space<vmem>>[vector<16xi32>, vector<16xi32>], vector<16xf32>,
        %gather3A_318 = tpu.vector_load_idx %arg6[%add3A_278, %add3A_203] : memref<64x256xf32, #tpu.memory_space<vmem>>[vector<16xi32>, vector<16xi32>], vector<16xf32>,
        %gather3A_319 = tpu.vector_load_idx %arg6[%add3A_281, %add3A_203] : memref<64x256xf32, #tpu.memory_space<vmem>>[vector<16xi32>, vector<16xi32>], vector<16xf32>,
        %gather3A_320 = tpu.vector_load_idx %arg6[%add3A_284, %add3A_203] : memref<64x256xf32, #tpu.memory_space<vmem>>[vector<16xi32>, vector<16xi32>], vector<16xf32>,
        %gather3A_321 = tpu.vector_load_idx %arg6[%add3A_287, %add3A_203] : memref<64x256xf32, #tpu.memory_space<vmem>>[vector<16xi32>, vector<16xi32>], vector<16xf32>,
        %gather3A_322 = tpu.vector_load_idx %arg6[%add3A_290, %add3A_203] : memref<64x256xf32, #tpu.memory_space<vmem>>[vector<16xi32>, vector<16xi32>], vector<16xf32>,
        %gather3A_323 = tpu.vector_load_idx %arg6[%add3A_293, %add3A_203] : memref<64x256xf32, #tpu.memory_space<vmem>>[vector<16xi32>, vector<16xi32>], vector<16xf32>,
        %gather3A_324 = tpu.vector_load_idx %arg6[%add3A_296, %add3A_203] : memref<64x256xf32, #tpu.memory_space<vmem>>[vector<16xi32>, vector<16xi32>], vector<16xf32>,
        %gather3A_325 = tpu.vector_load_idx %arg6[%add3A_299, %add3A_203] : memref<64x256xf32, #tpu.memory_space<vmem>>[vector<16xi32>, vector<16xi32>], vector<16xf32>,
        %gather3A_326 = tpu.vector_load_idx %arg6[%add3A_302, %add3A_203] : memref<64x256xf32, #tpu.memory_space<vmem>>[vector<16xi32>, vector<16xi32>], vector<16xf32>,
        %gather3A_327 = tpu.vector_load_idx %arg6[%add3A_305, %add3A_203] : memref<64x256xf32, #tpu.memory_space<vmem>>[vector<16xi32>, vector<16xi32>], vector<16xf32>,
        %gather3A_328 = tpu.vector_load_idx %arg6[%add3A_308, %add3A_203] : memref<64x256xf32, #tpu.memory_space<vmem>>[vector<16xi32>, vector<16xi32>], vector<16xf32>,
        %gather3A_329 = tpu.vector_load_idx %arg6[%add3A_311, %add3A_203] : memref<64x256xf32, #tpu.memory_space<vmem>>[vector<16xi32>, vector<16xi32>], vector<16xf32>,
        %gather3A_330 = tpu.vector_load_idx %arg6[%add3A_314, %add3A_203] : memref<64x256xf32, #tpu.memory_space<vmem>>[vector<16xi32>, vector<16xi32>], vector<16xf32>,
        tpu.vector_store_idx %arg8[%add3A_203, %add3A_269], %gather3A_315 : memref<256x128xf32, #tpu.memory_space<vmem>>[vector<16xi32>, vector<16xi32>], vector<16xf32>,
        tpu.vector_store_idx %arg8[%add3A_203, %add3A_272], %gather3A_316 : memref<256x128xf32, #tpu.memory_space<vmem>>[vector<16xi32>, vector<16xi32>], vector<16xf32>,
        tpu.vector_store_idx %arg8[%add3A_203, %add3A_275], %gather3A_317 : memref<256x128xf32, #tpu.memory_space<vmem>>[vector<16xi32>, vector<16xi32>], vector<16xf32>,
        tpu.vector_store_idx %arg8[%add3A_203, %add3A_278], %gather3A_318 : memref<256x128xf32, #tpu.memory_space<vmem>>[vector<16xi32>, vector<16xi32>], vector<16xf32>,
        tpu.vector_store_idx %arg8[%add3A_203, %add3A_281], %gather3A_319 : memref<256x128xf32, #tpu.memory_space<vmem>>[vector<16xi32>, vector<16xi32>], vector<16xf32>,
        tpu.vector_store_idx %arg8[%add3A_203, %add3A_284], %gather3A_320 : memref<256x128xf32, #tpu.memory_space<vmem>>[vector<16xi32>, vector<16xi32>], vector<16xf32>,
        tpu.vector_store_idx %arg8[%add3A_203, %add3A_287], %gather3A_321 : memref<256x128xf32, #tpu.memory_space<vmem>>[vector<16xi32>, vector<16xi32>], vector<16xf32>,
        tpu.vector_store_idx %arg8[%add3A_203, %add3A_290], %gather3A_322 : memref<256x128xf32, #tpu.memory_space<vmem>>[vector<16xi32>, vector<16xi32>], vector<16xf32>,
        tpu.vector_store_idx %arg8[%add3A_203, %add3A_293], %gather3A_323 : memref<256x128xf32, #tpu.memory_space<vmem>>[vector<16xi32>, vector<16xi32>], vector<16xf32>,
        tpu.vector_store_idx %arg8[%add3A_203, %add3A_296], %gather3A_324 : memref<256x128xf32, #tpu.memory_space<vmem>>[vector<16xi32>, vector<16xi32>], vector<16xf32>,
        tpu.vector_store_idx %arg8[%add3A_203, %add3A_299], %gather3A_325 : memref<256x128xf32, #tpu.memory_space<vmem>>[vector<16xi32>, vector<16xi32>], vector<16xf32>,
        tpu.vector_store_idx %arg8[%add3A_203, %add3A_302], %gather3A_326 : memref<256x128xf32, #tpu.memory_space<vmem>>[vector<16xi32>, vector<16xi32>], vector<16xf32>,
        tpu.vector_store_idx %arg8[%add3A_203, %add3A_305], %gather3A_327 : memref<256x128xf32, #tpu.memory_space<vmem>>[vector<16xi32>, vector<16xi32>], vector<16xf32>,
        tpu.vector_store_idx %arg8[%add3A_203, %add3A_308], %gather3A_328 : memref<256x128xf32, #tpu.memory_space<vmem>>[vector<16xi32>, vector<16xi32>], vector<16xf32>,
        tpu.vector_store_idx %arg8[%add3A_203, %add3A_311], %gather3A_329 : memref<256x128xf32, #tpu.memory_space<vmem>>[vector<16xi32>, vector<16xi32>], vector<16xf32>,
        tpu.vector_store_idx %arg8[%add3A_203, %add3A_314], %gather3A_330 : memref<256x128xf32, #tpu.memory_space<vmem>>[vector<16xi32>, vector<16xi32>], vector<16xf32>,
        %add3A_331 = arith.constant 32 : i32
        %add3A_332 = vector.broadcast %add3A_331 : i32 to vector<16xi32>
        %add3A_333 = arith.addi %and3A_5, %add3A_332 : vector<16xi32>
        %add3A_334 = arith.constant 32 : i32
        %add3A_335 = vector.broadcast %add3A_334 : i32 to vector<16xi32>
        %add3A_336 = arith.addi %and3A_11, %add3A_335 : vector<16xi32>
        %add3A_337 = arith.constant 32 : i32
        %add3A_338 = vector.broadcast %add3A_337 : i32 to vector<16xi32>
        %add3A_339 = arith.addi %and3A_17, %add3A_338 : vector<16xi32>
        %add3A_340 = arith.constant 32 : i32
        %add3A_341 = vector.broadcast %add3A_340 : i32 to vector<16xi32>
        %add3A_342 = arith.addi %and3A_23, %add3A_341 : vector<16xi32>
        %add3A_343 = arith.constant 32 : i32
        %add3A_344 = vector.broadcast %add3A_343 : i32 to vector<16xi32>
        %add3A_345 = arith.addi %and3A_29, %add3A_344 : vector<16xi32>
        %add3A_346 = arith.constant 32 : i32
        %add3A_347 = vector.broadcast %add3A_346 : i32 to vector<16xi32>
        %add3A_348 = arith.addi %and3A_35, %add3A_347 : vector<16xi32>
        %add3A_349 = arith.constant 32 : i32
        %add3A_350 = vector.broadcast %add3A_349 : i32 to vector<16xi32>
        %add3A_351 = arith.addi %and3A_41, %add3A_350 : vector<16xi32>
        %add3A_352 = arith.constant 32 : i32
        %add3A_353 = vector.broadcast %add3A_352 : i32 to vector<16xi32>
        %add3A_354 = arith.addi %and3A_47, %add3A_353 : vector<16xi32>
        %add3A_355 = arith.constant 32 : i32
        %add3A_356 = vector.broadcast %add3A_355 : i32 to vector<16xi32>
        %add3A_357 = arith.addi %and3A_53, %add3A_356 : vector<16xi32>
        %add3A_358 = arith.constant 32 : i32
        %add3A_359 = vector.broadcast %add3A_358 : i32 to vector<16xi32>
        %add3A_360 = arith.addi %and3A_59, %add3A_359 : vector<16xi32>
        %add3A_361 = arith.constant 32 : i32
        %add3A_362 = vector.broadcast %add3A_361 : i32 to vector<16xi32>
        %add3A_363 = arith.addi %and3A_65, %add3A_362 : vector<16xi32>
        %add3A_364 = arith.constant 32 : i32
        %add3A_365 = vector.broadcast %add3A_364 : i32 to vector<16xi32>
        %add3A_366 = arith.addi %and3A_71, %add3A_365 : vector<16xi32>
        %add3A_367 = arith.constant 32 : i32
        %add3A_368 = vector.broadcast %add3A_367 : i32 to vector<16xi32>
        %add3A_369 = arith.addi %and3A_77, %add3A_368 : vector<16xi32>
        %add3A_370 = arith.constant 32 : i32
        %add3A_371 = vector.broadcast %add3A_370 : i32 to vector<16xi32>
        %add3A_372 = arith.addi %and3A_83, %add3A_371 : vector<16xi32>
        %add3A_373 = arith.constant 32 : i32
        %add3A_374 = vector.broadcast %add3A_373 : i32 to vector<16xi32>
        %add3A_375 = arith.addi %and3A_89, %add3A_374 : vector<16xi32>
        %add3A_376 = arith.constant 32 : i32
        %add3A_377 = vector.broadcast %add3A_376 : i32 to vector<16xi32>
        %add3A_378 = arith.addi %and3A_95, %add3A_377 : vector<16xi32>
        %gather3A_379 = tpu.vector_load_idx %arg6[%add3A_333, %add3A_203] : memref<64x256xf32, #tpu.memory_space<vmem>>[vector<16xi32>, vector<16xi32>], vector<16xf32>,
        %gather3A_380 = tpu.vector_load_idx %arg6[%add3A_336, %add3A_203] : memref<64x256xf32, #tpu.memory_space<vmem>>[vector<16xi32>, vector<16xi32>], vector<16xf32>,
        %gather3A_381 = tpu.vector_load_idx %arg6[%add3A_339, %add3A_203] : memref<64x256xf32, #tpu.memory_space<vmem>>[vector<16xi32>, vector<16xi32>], vector<16xf32>,
        %gather3A_382 = tpu.vector_load_idx %arg6[%add3A_342, %add3A_203] : memref<64x256xf32, #tpu.memory_space<vmem>>[vector<16xi32>, vector<16xi32>], vector<16xf32>,
        %gather3A_383 = tpu.vector_load_idx %arg6[%add3A_345, %add3A_203] : memref<64x256xf32, #tpu.memory_space<vmem>>[vector<16xi32>, vector<16xi32>], vector<16xf32>,
        %gather3A_384 = tpu.vector_load_idx %arg6[%add3A_348, %add3A_203] : memref<64x256xf32, #tpu.memory_space<vmem>>[vector<16xi32>, vector<16xi32>], vector<16xf32>,
        %gather3A_385 = tpu.vector_load_idx %arg6[%add3A_351, %add3A_203] : memref<64x256xf32, #tpu.memory_space<vmem>>[vector<16xi32>, vector<16xi32>], vector<16xf32>,
        %gather3A_386 = tpu.vector_load_idx %arg6[%add3A_354, %add3A_203] : memref<64x256xf32, #tpu.memory_space<vmem>>[vector<16xi32>, vector<16xi32>], vector<16xf32>,
        %gather3A_387 = tpu.vector_load_idx %arg6[%add3A_357, %add3A_203] : memref<64x256xf32, #tpu.memory_space<vmem>>[vector<16xi32>, vector<16xi32>], vector<16xf32>,
        %gather3A_388 = tpu.vector_load_idx %arg6[%add3A_360, %add3A_203] : memref<64x256xf32, #tpu.memory_space<vmem>>[vector<16xi32>, vector<16xi32>], vector<16xf32>,
        %gather3A_389 = tpu.vector_load_idx %arg6[%add3A_363, %add3A_203] : memref<64x256xf32, #tpu.memory_space<vmem>>[vector<16xi32>, vector<16xi32>], vector<16xf32>,
        %gather3A_390 = tpu.vector_load_idx %arg6[%add3A_366, %add3A_203] : memref<64x256xf32, #tpu.memory_space<vmem>>[vector<16xi32>, vector<16xi32>], vector<16xf32>,
        %gather3A_391 = tpu.vector_load_idx %arg6[%add3A_369, %add3A_203] : memref<64x256xf32, #tpu.memory_space<vmem>>[vector<16xi32>, vector<16xi32>], vector<16xf32>,
        %gather3A_392 = tpu.vector_load_idx %arg6[%add3A_372, %add3A_203] : memref<64x256xf32, #tpu.memory_space<vmem>>[vector<16xi32>, vector<16xi32>], vector<16xf32>,
        %gather3A_393 = tpu.vector_load_idx %arg6[%add3A_375, %add3A_203] : memref<64x256xf32, #tpu.memory_space<vmem>>[vector<16xi32>, vector<16xi32>], vector<16xf32>,
        %gather3A_394 = tpu.vector_load_idx %arg6[%add3A_378, %add3A_203] : memref<64x256xf32, #tpu.memory_space<vmem>>[vector<16xi32>, vector<16xi32>], vector<16xf32>,
        tpu.vector_store_idx %arg8[%add3A_203, %add3A_333], %gather3A_379 : memref<256x128xf32, #tpu.memory_space<vmem>>[vector<16xi32>, vector<16xi32>], vector<16xf32>,
        tpu.vector_store_idx %arg8[%add3A_203, %add3A_336], %gather3A_380 : memref<256x128xf32, #tpu.memory_space<vmem>>[vector<16xi32>, vector<16xi32>], vector<16xf32>,
        tpu.vector_store_idx %arg8[%add3A_203, %add3A_339], %gather3A_381 : memref<256x128xf32, #tpu.memory_space<vmem>>[vector<16xi32>, vector<16xi32>], vector<16xf32>,
        tpu.vector_store_idx %arg8[%add3A_203, %add3A_342], %gather3A_382 : memref<256x128xf32, #tpu.memory_space<vmem>>[vector<16xi32>, vector<16xi32>], vector<16xf32>,
        tpu.vector_store_idx %arg8[%add3A_203, %add3A_345], %gather3A_383 : memref<256x128xf32, #tpu.memory_space<vmem>>[vector<16xi32>, vector<16xi32>], vector<16xf32>,
        tpu.vector_store_idx %arg8[%add3A_203, %add3A_348], %gather3A_384 : memref<256x128xf32, #tpu.memory_space<vmem>>[vector<16xi32>, vector<16xi32>], vector<16xf32>,
        tpu.vector_store_idx %arg8[%add3A_203, %add3A_351], %gather3A_385 : memref<256x128xf32, #tpu.memory_space<vmem>>[vector<16xi32>, vector<16xi32>], vector<16xf32>,
        tpu.vector_store_idx %arg8[%add3A_203, %add3A_354], %gather3A_386 : memref<256x128xf32, #tpu.memory_space<vmem>>[vector<16xi32>, vector<16xi32>], vector<16xf32>,
        tpu.vector_store_idx %arg8[%add3A_203, %add3A_357], %gather3A_387 : memref<256x128xf32, #tpu.memory_space<vmem>>[vector<16xi32>, vector<16xi32>], vector<16xf32>,
        tpu.vector_store_idx %arg8[%add3A_203, %add3A_360], %gather3A_388 : memref<256x128xf32, #tpu.memory_space<vmem>>[vector<16xi32>, vector<16xi32>], vector<16xf32>,
        tpu.vector_store_idx %arg8[%add3A_203, %add3A_363], %gather3A_389 : memref<256x128xf32, #tpu.memory_space<vmem>>[vector<16xi32>, vector<16xi32>], vector<16xf32>,
        tpu.vector_store_idx %arg8[%add3A_203, %add3A_366], %gather3A_390 : memref<256x128xf32, #tpu.memory_space<vmem>>[vector<16xi32>, vector<16xi32>], vector<16xf32>,
        tpu.vector_store_idx %arg8[%add3A_203, %add3A_369], %gather3A_391 : memref<256x128xf32, #tpu.memory_space<vmem>>[vector<16xi32>, vector<16xi32>], vector<16xf32>,
        tpu.vector_store_idx %arg8[%add3A_203, %add3A_372], %gather3A_392 : memref<256x128xf32, #tpu.memory_space<vmem>>[vector<16xi32>, vector<16xi32>], vector<16xf32>,
        tpu.vector_store_idx %arg8[%add3A_203, %add3A_375], %gather3A_393 : memref<256x128xf32, #tpu.memory_space<vmem>>[vector<16xi32>, vector<16xi32>], vector<16xf32>,
        tpu.vector_store_idx %arg8[%add3A_203, %add3A_378], %gather3A_394 : memref<256x128xf32, #tpu.memory_space<vmem>>[vector<16xi32>, vector<16xi32>], vector<16xf32>,
        %add3A_395 = arith.constant 48 : i32
        %add3A_396 = vector.broadcast %add3A_395 : i32 to vector<16xi32>
        %add3A_397 = arith.addi %and3A_5, %add3A_396 : vector<16xi32>
        %add3A_398 = arith.constant 48 : i32
        %add3A_399 = vector.broadcast %add3A_398 : i32 to vector<16xi32>
        %add3A_400 = arith.addi %and3A_11, %add3A_399 : vector<16xi32>
        %add3A_401 = arith.constant 48 : i32
        %add3A_402 = vector.broadcast %add3A_401 : i32 to vector<16xi32>
        %add3A_403 = arith.addi %and3A_17, %add3A_402 : vector<16xi32>
        %add3A_404 = arith.constant 48 : i32
        %add3A_405 = vector.broadcast %add3A_404 : i32 to vector<16xi32>
        %add3A_406 = arith.addi %and3A_23, %add3A_405 : vector<16xi32>
        %add3A_407 = arith.constant 48 : i32
        %add3A_408 = vector.broadcast %add3A_407 : i32 to vector<16xi32>
        %add3A_409 = arith.addi %and3A_29, %add3A_408 : vector<16xi32>
        %add3A_410 = arith.constant 48 : i32
        %add3A_411 = vector.broadcast %add3A_410 : i32 to vector<16xi32>
        %add3A_412 = arith.addi %and3A_35, %add3A_411 : vector<16xi32>
        %add3A_413 = arith.constant 48 : i32
        %add3A_414 = vector.broadcast %add3A_413 : i32 to vector<16xi32>
        %add3A_415 = arith.addi %and3A_41, %add3A_414 : vector<16xi32>
        %add3A_416 = arith.constant 48 : i32
        %add3A_417 = vector.broadcast %add3A_416 : i32 to vector<16xi32>
        %add3A_418 = arith.addi %and3A_47, %add3A_417 : vector<16xi32>
        %add3A_419 = arith.constant 48 : i32
        %add3A_420 = vector.broadcast %add3A_419 : i32 to vector<16xi32>
        %add3A_421 = arith.addi %and3A_53, %add3A_420 : vector<16xi32>
        %add3A_422 = arith.constant 48 : i32
        %add3A_423 = vector.broadcast %add3A_422 : i32 to vector<16xi32>
        %add3A_424 = arith.addi %and3A_59, %add3A_423 : vector<16xi32>
        %add3A_425 = arith.constant 48 : i32
        %add3A_426 = vector.broadcast %add3A_425 : i32 to vector<16xi32>
        %add3A_427 = arith.addi %and3A_65, %add3A_426 : vector<16xi32>
        %add3A_428 = arith.constant 48 : i32
        %add3A_429 = vector.broadcast %add3A_428 : i32 to vector<16xi32>
        %add3A_430 = arith.addi %and3A_71, %add3A_429 : vector<16xi32>
        %add3A_431 = arith.constant 48 : i32
        %add3A_432 = vector.broadcast %add3A_431 : i32 to vector<16xi32>
        %add3A_433 = arith.addi %and3A_77, %add3A_432 : vector<16xi32>
        %add3A_434 = arith.constant 48 : i32
        %add3A_435 = vector.broadcast %add3A_434 : i32 to vector<16xi32>
        %add3A_436 = arith.addi %and3A_83, %add3A_435 : vector<16xi32>
        %add3A_437 = arith.constant 48 : i32
        %add3A_438 = vector.broadcast %add3A_437 : i32 to vector<16xi32>
        %add3A_439 = arith.addi %and3A_89, %add3A_438 : vector<16xi32>
        %add3A_440 = arith.constant 48 : i32
        %add3A_441 = vector.broadcast %add3A_440 : i32 to vector<16xi32>
        %add3A_442 = arith.addi %and3A_95, %add3A_441 : vector<16xi32>
        %gather3A_443 = tpu.vector_load_idx %arg6[%add3A_397, %add3A_203] : memref<64x256xf32, #tpu.memory_space<vmem>>[vector<16xi32>, vector<16xi32>], vector<16xf32>,
        %gather3A_444 = tpu.vector_load_idx %arg6[%add3A_400, %add3A_203] : memref<64x256xf32, #tpu.memory_space<vmem>>[vector<16xi32>, vector<16xi32>], vector<16xf32>,
        %gather3A_445 = tpu.vector_load_idx %arg6[%add3A_403, %add3A_203] : memref<64x256xf32, #tpu.memory_space<vmem>>[vector<16xi32>, vector<16xi32>], vector<16xf32>,
        %gather3A_446 = tpu.vector_load_idx %arg6[%add3A_406, %add3A_203] : memref<64x256xf32, #tpu.memory_space<vmem>>[vector<16xi32>, vector<16xi32>], vector<16xf32>,
        %gather3A_447 = tpu.vector_load_idx %arg6[%add3A_409, %add3A_203] : memref<64x256xf32, #tpu.memory_space<vmem>>[vector<16xi32>, vector<16xi32>], vector<16xf32>,
        %gather3A_448 = tpu.vector_load_idx %arg6[%add3A_412, %add3A_203] : memref<64x256xf32, #tpu.memory_space<vmem>>[vector<16xi32>, vector<16xi32>], vector<16xf32>,
        %gather3A_449 = tpu.vector_load_idx %arg6[%add3A_415, %add3A_203] : memref<64x256xf32, #tpu.memory_space<vmem>>[vector<16xi32>, vector<16xi32>], vector<16xf32>,
        %gather3A_450 = tpu.vector_load_idx %arg6[%add3A_418, %add3A_203] : memref<64x256xf32, #tpu.memory_space<vmem>>[vector<16xi32>, vector<16xi32>], vector<16xf32>,
        %gather3A_451 = tpu.vector_load_idx %arg6[%add3A_421, %add3A_203] : memref<64x256xf32, #tpu.memory_space<vmem>>[vector<16xi32>, vector<16xi32>], vector<16xf32>,
        %gather3A_452 = tpu.vector_load_idx %arg6[%add3A_424, %add3A_203] : memref<64x256xf32, #tpu.memory_space<vmem>>[vector<16xi32>, vector<16xi32>], vector<16xf32>,
        %gather3A_453 = tpu.vector_load_idx %arg6[%add3A_427, %add3A_203] : memref<64x256xf32, #tpu.memory_space<vmem>>[vector<16xi32>, vector<16xi32>], vector<16xf32>,
        %gather3A_454 = tpu.vector_load_idx %arg6[%add3A_430, %add3A_203] : memref<64x256xf32, #tpu.memory_space<vmem>>[vector<16xi32>, vector<16xi32>], vector<16xf32>,
        %gather3A_455 = tpu.vector_load_idx %arg6[%add3A_433, %add3A_203] : memref<64x256xf32, #tpu.memory_space<vmem>>[vector<16xi32>, vector<16xi32>], vector<16xf32>,
        %gather3A_456 = tpu.vector_load_idx %arg6[%add3A_436, %add3A_203] : memref<64x256xf32, #tpu.memory_space<vmem>>[vector<16xi32>, vector<16xi32>], vector<16xf32>,
        %gather3A_457 = tpu.vector_load_idx %arg6[%add3A_439, %add3A_203] : memref<64x256xf32, #tpu.memory_space<vmem>>[vector<16xi32>, vector<16xi32>], vector<16xf32>,
        %gather3A_458 = tpu.vector_load_idx %arg6[%add3A_442, %add3A_203] : memref<64x256xf32, #tpu.memory_space<vmem>>[vector<16xi32>, vector<16xi32>], vector<16xf32>,
        tpu.vector_store_idx %arg8[%add3A_203, %add3A_397], %gather3A_443 : memref<256x128xf32, #tpu.memory_space<vmem>>[vector<16xi32>, vector<16xi32>], vector<16xf32>,
        tpu.vector_store_idx %arg8[%add3A_203, %add3A_400], %gather3A_444 : memref<256x128xf32, #tpu.memory_space<vmem>>[vector<16xi32>, vector<16xi32>], vector<16xf32>,
        tpu.vector_store_idx %arg8[%add3A_203, %add3A_403], %gather3A_445 : memref<256x128xf32, #tpu.memory_space<vmem>>[vector<16xi32>, vector<16xi32>], vector<16xf32>,
        tpu.vector_store_idx %arg8[%add3A_203, %add3A_406], %gather3A_446 : memref<256x128xf32, #tpu.memory_space<vmem>>[vector<16xi32>, vector<16xi32>], vector<16xf32>,
        tpu.vector_store_idx %arg8[%add3A_203, %add3A_409], %gather3A_447 : memref<256x128xf32, #tpu.memory_space<vmem>>[vector<16xi32>, vector<16xi32>], vector<16xf32>,
        tpu.vector_store_idx %arg8[%add3A_203, %add3A_412], %gather3A_448 : memref<256x128xf32, #tpu.memory_space<vmem>>[vector<16xi32>, vector<16xi32>], vector<16xf32>,
        tpu.vector_store_idx %arg8[%add3A_203, %add3A_415], %gather3A_449 : memref<256x128xf32, #tpu.memory_space<vmem>>[vector<16xi32>, vector<16xi32>], vector<16xf32>,
        tpu.vector_store_idx %arg8[%add3A_203, %add3A_418], %gather3A_450 : memref<256x128xf32, #tpu.memory_space<vmem>>[vector<16xi32>, vector<16xi32>], vector<16xf32>,
        tpu.vector_store_idx %arg8[%add3A_203, %add3A_421], %gather3A_451 : memref<256x128xf32, #tpu.memory_space<vmem>>[vector<16xi32>, vector<16xi32>], vector<16xf32>,
        tpu.vector_store_idx %arg8[%add3A_203, %add3A_424], %gather3A_452 : memref<256x128xf32, #tpu.memory_space<vmem>>[vector<16xi32>, vector<16xi32>], vector<16xf32>,
        tpu.vector_store_idx %arg8[%add3A_203, %add3A_427], %gather3A_453 : memref<256x128xf32, #tpu.memory_space<vmem>>[vector<16xi32>, vector<16xi32>], vector<16xf32>,
        tpu.vector_store_idx %arg8[%add3A_203, %add3A_430], %gather3A_454 : memref<256x128xf32, #tpu.memory_space<vmem>>[vector<16xi32>, vector<16xi32>], vector<16xf32>,
        tpu.vector_store_idx %arg8[%add3A_203, %add3A_433], %gather3A_455 : memref<256x128xf32, #tpu.memory_space<vmem>>[vector<16xi32>, vector<16xi32>], vector<16xf32>,
        tpu.vector_store_idx %arg8[%add3A_203, %add3A_436], %gather3A_456 : memref<256x128xf32, #tpu.memory_space<vmem>>[vector<16xi32>, vector<16xi32>], vector<16xf32>,
        tpu.vector_store_idx %arg8[%add3A_203, %add3A_439], %gather3A_457 : memref<256x128xf32, #tpu.memory_space<vmem>>[vector<16xi32>, vector<16xi32>], vector<16xf32>,
        tpu.vector_store_idx %arg8[%add3A_203, %add3A_442], %gather3A_458 : memref<256x128xf32, #tpu.memory_space<vmem>>[vector<16xi32>, vector<16xi32>], vector<16xf32>,
      }
      %scan3A_191 = arith.constant 16 : i32
      %add3A_192 = arith.addi %add3A_99, %add3A_169 : i32
      %mul3A_193 = arith.constant 256 : i32
      %mul3A_194 = arith.muli %add3A_192, %mul3A_193 : i32
      %dma_start3A_195 = arith.constant 0 : i32
      %dma_start3A_196 = tpu.memref_slice %arg4[%mul3A_194, %dma_start3A_195] : memref<1000064x128xf32, #tpu.memory_space<hbm>> -> memref<256x128xf32, #tpu.memory_space<hbm>>
      %dma_start3A_197 = arith.constant 0 : i32
      %dma_start3A_198 = tpu.memref_slice %arg4[%mul3A_194, %dma_start3A_197] : memref<1000064x128xf32, #tpu.memory_space<hbm>> -> memref<256x128xf32, #tpu.memory_space<hbm>>
      tpu.enqueue_dma source(%arg8 : memref<256x128xf32, #tpu.memory_space<vmem>>) target(%dma_start3A_198 : memref<256x128xf32, #tpu.memory_space<hbm>>) target_semaphore(%arg13 : memref<!tpu.dma_semaphore, #tpu.memory_space<semaphore_mem>>)
    }
    %scan3A_111 = arith.constant 61 : i32
    %dma_wait3A = arith.constant 0 : i32
    %dma_wait3A_112 = arith.constant 0 : i32
    %dma_wait3A_113 = tpu.memref_slice %arg4[%dma_wait3A, %dma_wait3A_112] : memref<1000064x128xf32, #tpu.memory_space<hbm>> -> memref<256x128xf32, #tpu.memory_space<hbm>>
    %dma_wait3A_114 = arith.constant 0 : i32
    %dma_wait3A_115 = arith.constant 0 : i32
    %dma_wait3A_116 = tpu.memref_slice %arg4[%dma_wait3A_114, %dma_wait3A_115] : memref<1000064x128xf32, #tpu.memory_space<hbm>> -> memref<256x128xf32, #tpu.memory_space<hbm>>
    tpu.wait_dma2 semaphore(%arg12 : memref<!tpu.dma_semaphore, #tpu.memory_space<semaphore_mem>>) src(%arg7 : memref<256x128xf32, #tpu.memory_space<vmem>>) dst(%dma_wait3A_116 : memref<256x128xf32, #tpu.memory_space<hbm>>)
    %dma_wait3A_117 = arith.constant 0 : i32
    %dma_wait3A_118 = arith.constant 0 : i32
    %dma_wait3A_119 = tpu.memref_slice %arg4[%dma_wait3A_117, %dma_wait3A_118] : memref<1000064x128xf32, #tpu.memory_space<hbm>> -> memref<256x128xf32, #tpu.memory_space<hbm>>
    %dma_wait3A_120 = arith.constant 0 : i32
    %dma_wait3A_121 = arith.constant 0 : i32
    %dma_wait3A_122 = tpu.memref_slice %arg4[%dma_wait3A_120, %dma_wait3A_121] : memref<1000064x128xf32, #tpu.memory_space<hbm>> -> memref<256x128xf32, #tpu.memory_space<hbm>>
    tpu.wait_dma2 semaphore(%arg13 : memref<!tpu.dma_semaphore, #tpu.memory_space<semaphore_mem>>) src(%arg8 : memref<256x128xf32, #tpu.memory_space<vmem>>) dst(%dma_wait3A_122 : memref<256x128xf32, #tpu.memory_space<hbm>>)
    %lt3A = arith.constant 2 : i32
    %lt3A_123 = arith.cmpi slt, %add3A, %lt3A : i32
    %convert_element_type3A = arith.extui %lt3A_123 : i1 to i32
    %cond3A = arith.constant 0 : i32
    %cond3A_124 = arith.cmpi ne, %convert_element_type3A, %cond3A : i32
    scf.if %cond3A_124 {
      %add3A_129 = arith.constant 122 : i32
      %add3A_130 = arith.addi %add3A_99, %add3A_129 : i32
      %mul3A_131 = arith.constant 256 : i32
      %mul3A_132 = arith.muli %add3A_130, %mul3A_131 : i32
      "tpu.region"() ({
        %run_scoped3A = tpu.sem_alloc : memref<!tpu.dma_semaphore, #tpu.memory_space<semaphore_mem>>
        %dma_start3A_143 = arith.constant 0 : i32
        %dma_start3A_144 = tpu.memref_slice %arg2[%dma_start3A_143, %mul3A_132] : memref<64x1000000xf32, #tpu.memory_space<hbm>> -> memref<64x256xf32, #tpu.memory_space<hbm>>
        %dma_start3A_145 = arith.constant 0 : i32
        %dma_start3A_146 = tpu.memref_slice %arg2[%dma_start3A_145, %mul3A_132] : memref<64x1000000xf32, #tpu.memory_space<hbm>> -> memref<64x256xf32, #tpu.memory_space<hbm>>
        tpu.enqueue_dma source(%dma_start3A_146 : memref<64x256xf32, #tpu.memory_space<hbm>>) target(%arg5 : memref<64x256xf32, #tpu.memory_space<vmem>>) target_semaphore(%run_scoped3A : memref<!tpu.dma_semaphore, #tpu.memory_space<semaphore_mem>>)
        %dma_wait3A_147 = arith.constant 0 : i32
        %dma_wait3A_148 = tpu.memref_slice %arg2[%dma_wait3A_147, %mul3A_132] : memref<64x1000000xf32, #tpu.memory_space<hbm>> -> memref<64x256xf32, #tpu.memory_space<hbm>>
        %dma_wait3A_149 = arith.constant 0 : i32
        %dma_wait3A_150 = tpu.memref_slice %arg2[%dma_wait3A_149, %mul3A_132] : memref<64x1000000xf32, #tpu.memory_space<hbm>> -> memref<64x256xf32, #tpu.memory_space<hbm>>
        tpu.wait_dma2 semaphore(%run_scoped3A : memref<!tpu.dma_semaphore, #tpu.memory_space<semaphore_mem>>) src(%dma_wait3A_150 : memref<64x256xf32, #tpu.memory_space<hbm>>) dst(%arg5 : memref<64x256xf32, #tpu.memory_space<vmem>>)
        tpu.yield
      }) : () -> ()
      %scan3A_133 = arith.constant 0 : i32
      %scan3A_134 = arith.constant 0 : i32
      %scan3A_135 = arith.constant 16 : i32
      %scan3A_136 = arith.addi %scan3A_134, %scan3A_135 : i32
      %scan3A_137 = arith.constant 1 : i32
      scf.for %scan3A_143 = %scan3A_134 to %scan3A_136 step %scan3A_137  : i32 {
        %mul3A_144 = arith.constant 16 : i32
        %mul3A_145 = arith.muli %scan3A_143, %mul3A_144 : i32
        %add3A_146 = vector.broadcast %mul3A_145 : i32 to vector<16xi32>
        %add3A_147 = arith.addi %iota3A, %add3A_146 : vector<16xi32>
        %add3A_148 = arith.constant 0 : i32
        %add3A_149 = vector.broadcast %add3A_148 : i32 to vector<16xi32>
        %add3A_150 = arith.addi %and3A_5, %add3A_149 : vector<16xi32>
        %add3A_151 = arith.constant 0 : i32
        %add3A_152 = vector.broadcast %add3A_151 : i32 to vector<16xi32>
        %add3A_153 = arith.addi %and3A_11, %add3A_152 : vector<16xi32>
        %add3A_154 = arith.constant 0 : i32
        %add3A_155 = vector.broadcast %add3A_154 : i32 to vector<16xi32>
        %add3A_156 = arith.addi %and3A_17, %add3A_155 : vector<16xi32>
        %add3A_157 = arith.constant 0 : i32
        %add3A_158 = vector.broadcast %add3A_157 : i32 to vector<16xi32>
        %add3A_159 = arith.addi %and3A_23, %add3A_158 : vector<16xi32>
        %add3A_160 = arith.constant 0 : i32
        %add3A_161 = vector.broadcast %add3A_160 : i32 to vector<16xi32>
        %add3A_162 = arith.addi %and3A_29, %add3A_161 : vector<16xi32>
        %add3A_163 = arith.constant 0 : i32
        %add3A_164 = vector.broadcast %add3A_163 : i32 to vector<16xi32>
        %add3A_165 = arith.addi %and3A_35, %add3A_164 : vector<16xi32>
        %add3A_166 = arith.constant 0 : i32
        %add3A_167 = vector.broadcast %add3A_166 : i32 to vector<16xi32>
        %add3A_168 = arith.addi %and3A_41, %add3A_167 : vector<16xi32>
        %add3A_169 = arith.constant 0 : i32
        %add3A_170 = vector.broadcast %add3A_169 : i32 to vector<16xi32>
        %add3A_171 = arith.addi %and3A_47, %add3A_170 : vector<16xi32>
        %add3A_172 = arith.constant 0 : i32
        %add3A_173 = vector.broadcast %add3A_172 : i32 to vector<16xi32>
        %add3A_174 = arith.addi %and3A_53, %add3A_173 : vector<16xi32>
        %add3A_175 = arith.constant 0 : i32
        %add3A_176 = vector.broadcast %add3A_175 : i32 to vector<16xi32>
        %add3A_177 = arith.addi %and3A_59, %add3A_176 : vector<16xi32>
        %add3A_178 = arith.constant 0 : i32
        %add3A_179 = vector.broadcast %add3A_178 : i32 to vector<16xi32>
        %add3A_180 = arith.addi %and3A_65, %add3A_179 : vector<16xi32>
        %add3A_181 = arith.constant 0 : i32
        %add3A_182 = vector.broadcast %add3A_181 : i32 to vector<16xi32>
        %add3A_183 = arith.addi %and3A_71, %add3A_182 : vector<16xi32>
        %add3A_184 = arith.constant 0 : i32
        %add3A_185 = vector.broadcast %add3A_184 : i32 to vector<16xi32>
        %add3A_186 = arith.addi %and3A_77, %add3A_185 : vector<16xi32>
        %add3A_187 = arith.constant 0 : i32
        %add3A_188 = vector.broadcast %add3A_187 : i32 to vector<16xi32>
        %add3A_189 = arith.addi %and3A_83, %add3A_188 : vector<16xi32>
        %add3A_190 = arith.constant 0 : i32
        %add3A_191 = vector.broadcast %add3A_190 : i32 to vector<16xi32>
        %add3A_192 = arith.addi %and3A_89, %add3A_191 : vector<16xi32>
        %add3A_193 = arith.constant 0 : i32
        %add3A_194 = vector.broadcast %add3A_193 : i32 to vector<16xi32>
        %add3A_195 = arith.addi %and3A_95, %add3A_194 : vector<16xi32>
        %gather3A = tpu.vector_load_idx %arg5[%add3A_150, %add3A_147] : memref<64x256xf32, #tpu.memory_space<vmem>>[vector<16xi32>, vector<16xi32>], vector<16xf32>,
        %gather3A_196 = tpu.vector_load_idx %arg5[%add3A_153, %add3A_147] : memref<64x256xf32, #tpu.memory_space<vmem>>[vector<16xi32>, vector<16xi32>], vector<16xf32>,
        %gather3A_197 = tpu.vector_load_idx %arg5[%add3A_156, %add3A_147] : memref<64x256xf32, #tpu.memory_space<vmem>>[vector<16xi32>, vector<16xi32>], vector<16xf32>,
        %gather3A_198 = tpu.vector_load_idx %arg5[%add3A_159, %add3A_147] : memref<64x256xf32, #tpu.memory_space<vmem>>[vector<16xi32>, vector<16xi32>], vector<16xf32>,
        %gather3A_199 = tpu.vector_load_idx %arg5[%add3A_162, %add3A_147] : memref<64x256xf32, #tpu.memory_space<vmem>>[vector<16xi32>, vector<16xi32>], vector<16xf32>,
        %gather3A_200 = tpu.vector_load_idx %arg5[%add3A_165, %add3A_147] : memref<64x256xf32, #tpu.memory_space<vmem>>[vector<16xi32>, vector<16xi32>], vector<16xf32>,
        %gather3A_201 = tpu.vector_load_idx %arg5[%add3A_168, %add3A_147] : memref<64x256xf32, #tpu.memory_space<vmem>>[vector<16xi32>, vector<16xi32>], vector<16xf32>,
        %gather3A_202 = tpu.vector_load_idx %arg5[%add3A_171, %add3A_147] : memref<64x256xf32, #tpu.memory_space<vmem>>[vector<16xi32>, vector<16xi32>], vector<16xf32>,
        %gather3A_203 = tpu.vector_load_idx %arg5[%add3A_174, %add3A_147] : memref<64x256xf32, #tpu.memory_space<vmem>>[vector<16xi32>, vector<16xi32>], vector<16xf32>,
        %gather3A_204 = tpu.vector_load_idx %arg5[%add3A_177, %add3A_147] : memref<64x256xf32, #tpu.memory_space<vmem>>[vector<16xi32>, vector<16xi32>], vector<16xf32>,
        %gather3A_205 = tpu.vector_load_idx %arg5[%add3A_180, %add3A_147] : memref<64x256xf32, #tpu.memory_space<vmem>>[vector<16xi32>, vector<16xi32>], vector<16xf32>,
        %gather3A_206 = tpu.vector_load_idx %arg5[%add3A_183, %add3A_147] : memref<64x256xf32, #tpu.memory_space<vmem>>[vector<16xi32>, vector<16xi32>], vector<16xf32>,
        %gather3A_207 = tpu.vector_load_idx %arg5[%add3A_186, %add3A_147] : memref<64x256xf32, #tpu.memory_space<vmem>>[vector<16xi32>, vector<16xi32>], vector<16xf32>,
        %gather3A_208 = tpu.vector_load_idx %arg5[%add3A_189, %add3A_147] : memref<64x256xf32, #tpu.memory_space<vmem>>[vector<16xi32>, vector<16xi32>], vector<16xf32>,
        %gather3A_209 = tpu.vector_load_idx %arg5[%add3A_192, %add3A_147] : memref<64x256xf32, #tpu.memory_space<vmem>>[vector<16xi32>, vector<16xi32>], vector<16xf32>,
        %gather3A_210 = tpu.vector_load_idx %arg5[%add3A_195, %add3A_147] : memref<64x256xf32, #tpu.memory_space<vmem>>[vector<16xi32>, vector<16xi32>], vector<16xf32>,
        tpu.vector_store_idx %arg7[%add3A_147, %add3A_150], %gather3A : memref<256x128xf32, #tpu.memory_space<vmem>>[vector<16xi32>, vector<16xi32>], vector<16xf32>,
        tpu.vector_store_idx %arg7[%add3A_147, %add3A_153], %gather3A_196 : memref<256x128xf32, #tpu.memory_space<vmem>>[vector<16xi32>, vector<16xi32>], vector<16xf32>,
        tpu.vector_store_idx %arg7[%add3A_147, %add3A_156], %gather3A_197 : memref<256x128xf32, #tpu.memory_space<vmem>>[vector<16xi32>, vector<16xi32>], vector<16xf32>,
        tpu.vector_store_idx %arg7[%add3A_147, %add3A_159], %gather3A_198 : memref<256x128xf32, #tpu.memory_space<vmem>>[vector<16xi32>, vector<16xi32>], vector<16xf32>,
        tpu.vector_store_idx %arg7[%add3A_147, %add3A_162], %gather3A_199 : memref<256x128xf32, #tpu.memory_space<vmem>>[vector<16xi32>, vector<16xi32>], vector<16xf32>,
        tpu.vector_store_idx %arg7[%add3A_147, %add3A_165], %gather3A_200 : memref<256x128xf32, #tpu.memory_space<vmem>>[vector<16xi32>, vector<16xi32>], vector<16xf32>,
        tpu.vector_store_idx %arg7[%add3A_147, %add3A_168], %gather3A_201 : memref<256x128xf32, #tpu.memory_space<vmem>>[vector<16xi32>, vector<16xi32>], vector<16xf32>,
        tpu.vector_store_idx %arg7[%add3A_147, %add3A_171], %gather3A_202 : memref<256x128xf32, #tpu.memory_space<vmem>>[vector<16xi32>, vector<16xi32>], vector<16xf32>,
        tpu.vector_store_idx %arg7[%add3A_147, %add3A_174], %gather3A_203 : memref<256x128xf32, #tpu.memory_space<vmem>>[vector<16xi32>, vector<16xi32>], vector<16xf32>,
        tpu.vector_store_idx %arg7[%add3A_147, %add3A_177], %gather3A_204 : memref<256x128xf32, #tpu.memory_space<vmem>>[vector<16xi32>, vector<16xi32>], vector<16xf32>,
        tpu.vector_store_idx %arg7[%add3A_147, %add3A_180], %gather3A_205 : memref<256x128xf32, #tpu.memory_space<vmem>>[vector<16xi32>, vector<16xi32>], vector<16xf32>,
        tpu.vector_store_idx %arg7[%add3A_147, %add3A_183], %gather3A_206 : memref<256x128xf32, #tpu.memory_space<vmem>>[vector<16xi32>, vector<16xi32>], vector<16xf32>,
        tpu.vector_store_idx %arg7[%add3A_147, %add3A_186], %gather3A_207 : memref<256x128xf32, #tpu.memory_space<vmem>>[vector<16xi32>, vector<16xi32>], vector<16xf32>,
        tpu.vector_store_idx %arg7[%add3A_147, %add3A_189], %gather3A_208 : memref<256x128xf32, #tpu.memory_space<vmem>>[vector<16xi32>, vector<16xi32>], vector<16xf32>,
        tpu.vector_store_idx %arg7[%add3A_147, %add3A_192], %gather3A_209 : memref<256x128xf32, #tpu.memory_space<vmem>>[vector<16xi32>, vector<16xi32>], vector<16xf32>,
        tpu.vector_store_idx %arg7[%add3A_147, %add3A_195], %gather3A_210 : memref<256x128xf32, #tpu.memory_space<vmem>>[vector<16xi32>, vector<16xi32>], vector<16xf32>,
        %add3A_211 = arith.constant 16 : i32
        %add3A_212 = vector.broadcast %add3A_211 : i32 to vector<16xi32>
        %add3A_213 = arith.addi %and3A_5, %add3A_212 : vector<16xi32>
        %add3A_214 = arith.constant 16 : i32
        %add3A_215 = vector.broadcast %add3A_214 : i32 to vector<16xi32>
        %add3A_216 = arith.addi %and3A_11, %add3A_215 : vector<16xi32>
        %add3A_217 = arith.constant 16 : i32
        %add3A_218 = vector.broadcast %add3A_217 : i32 to vector<16xi32>
        %add3A_219 = arith.addi %and3A_17, %add3A_218 : vector<16xi32>
        %add3A_220 = arith.constant 16 : i32
        %add3A_221 = vector.broadcast %add3A_220 : i32 to vector<16xi32>
        %add3A_222 = arith.addi %and3A_23, %add3A_221 : vector<16xi32>
        %add3A_223 = arith.constant 16 : i32
        %add3A_224 = vector.broadcast %add3A_223 : i32 to vector<16xi32>
        %add3A_225 = arith.addi %and3A_29, %add3A_224 : vector<16xi32>
        %add3A_226 = arith.constant 16 : i32
        %add3A_227 = vector.broadcast %add3A_226 : i32 to vector<16xi32>
        %add3A_228 = arith.addi %and3A_35, %add3A_227 : vector<16xi32>
        %add3A_229 = arith.constant 16 : i32
        %add3A_230 = vector.broadcast %add3A_229 : i32 to vector<16xi32>
        %add3A_231 = arith.addi %and3A_41, %add3A_230 : vector<16xi32>
        %add3A_232 = arith.constant 16 : i32
        %add3A_233 = vector.broadcast %add3A_232 : i32 to vector<16xi32>
        %add3A_234 = arith.addi %and3A_47, %add3A_233 : vector<16xi32>
        %add3A_235 = arith.constant 16 : i32
        %add3A_236 = vector.broadcast %add3A_235 : i32 to vector<16xi32>
        %add3A_237 = arith.addi %and3A_53, %add3A_236 : vector<16xi32>
        %add3A_238 = arith.constant 16 : i32
        %add3A_239 = vector.broadcast %add3A_238 : i32 to vector<16xi32>
        %add3A_240 = arith.addi %and3A_59, %add3A_239 : vector<16xi32>
        %add3A_241 = arith.constant 16 : i32
        %add3A_242 = vector.broadcast %add3A_241 : i32 to vector<16xi32>
        %add3A_243 = arith.addi %and3A_65, %add3A_242 : vector<16xi32>
        %add3A_244 = arith.constant 16 : i32
        %add3A_245 = vector.broadcast %add3A_244 : i32 to vector<16xi32>
        %add3A_246 = arith.addi %and3A_71, %add3A_245 : vector<16xi32>
        %add3A_247 = arith.constant 16 : i32
        %add3A_248 = vector.broadcast %add3A_247 : i32 to vector<16xi32>
        %add3A_249 = arith.addi %and3A_77, %add3A_248 : vector<16xi32>
        %add3A_250 = arith.constant 16 : i32
        %add3A_251 = vector.broadcast %add3A_250 : i32 to vector<16xi32>
        %add3A_252 = arith.addi %and3A_83, %add3A_251 : vector<16xi32>
        %add3A_253 = arith.constant 16 : i32
        %add3A_254 = vector.broadcast %add3A_253 : i32 to vector<16xi32>
        %add3A_255 = arith.addi %and3A_89, %add3A_254 : vector<16xi32>
        %add3A_256 = arith.constant 16 : i32
        %add3A_257 = vector.broadcast %add3A_256 : i32 to vector<16xi32>
        %add3A_258 = arith.addi %and3A_95, %add3A_257 : vector<16xi32>
        %gather3A_259 = tpu.vector_load_idx %arg5[%add3A_213, %add3A_147] : memref<64x256xf32, #tpu.memory_space<vmem>>[vector<16xi32>, vector<16xi32>], vector<16xf32>,
        %gather3A_260 = tpu.vector_load_idx %arg5[%add3A_216, %add3A_147] : memref<64x256xf32, #tpu.memory_space<vmem>>[vector<16xi32>, vector<16xi32>], vector<16xf32>,
        %gather3A_261 = tpu.vector_load_idx %arg5[%add3A_219, %add3A_147] : memref<64x256xf32, #tpu.memory_space<vmem>>[vector<16xi32>, vector<16xi32>], vector<16xf32>,
        %gather3A_262 = tpu.vector_load_idx %arg5[%add3A_222, %add3A_147] : memref<64x256xf32, #tpu.memory_space<vmem>>[vector<16xi32>, vector<16xi32>], vector<16xf32>,
        %gather3A_263 = tpu.vector_load_idx %arg5[%add3A_225, %add3A_147] : memref<64x256xf32, #tpu.memory_space<vmem>>[vector<16xi32>, vector<16xi32>], vector<16xf32>,
        %gather3A_264 = tpu.vector_load_idx %arg5[%add3A_228, %add3A_147] : memref<64x256xf32, #tpu.memory_space<vmem>>[vector<16xi32>, vector<16xi32>], vector<16xf32>,
        %gather3A_265 = tpu.vector_load_idx %arg5[%add3A_231, %add3A_147] : memref<64x256xf32, #tpu.memory_space<vmem>>[vector<16xi32>, vector<16xi32>], vector<16xf32>,
        %gather3A_266 = tpu.vector_load_idx %arg5[%add3A_234, %add3A_147] : memref<64x256xf32, #tpu.memory_space<vmem>>[vector<16xi32>, vector<16xi32>], vector<16xf32>,
        %gather3A_267 = tpu.vector_load_idx %arg5[%add3A_237, %add3A_147] : memref<64x256xf32, #tpu.memory_space<vmem>>[vector<16xi32>, vector<16xi32>], vector<16xf32>,
        %gather3A_268 = tpu.vector_load_idx %arg5[%add3A_240, %add3A_147] : memref<64x256xf32, #tpu.memory_space<vmem>>[vector<16xi32>, vector<16xi32>], vector<16xf32>,
        %gather3A_269 = tpu.vector_load_idx %arg5[%add3A_243, %add3A_147] : memref<64x256xf32, #tpu.memory_space<vmem>>[vector<16xi32>, vector<16xi32>], vector<16xf32>,
        %gather3A_270 = tpu.vector_load_idx %arg5[%add3A_246, %add3A_147] : memref<64x256xf32, #tpu.memory_space<vmem>>[vector<16xi32>, vector<16xi32>], vector<16xf32>,
        %gather3A_271 = tpu.vector_load_idx %arg5[%add3A_249, %add3A_147] : memref<64x256xf32, #tpu.memory_space<vmem>>[vector<16xi32>, vector<16xi32>], vector<16xf32>,
        %gather3A_272 = tpu.vector_load_idx %arg5[%add3A_252, %add3A_147] : memref<64x256xf32, #tpu.memory_space<vmem>>[vector<16xi32>, vector<16xi32>], vector<16xf32>,
        %gather3A_273 = tpu.vector_load_idx %arg5[%add3A_255, %add3A_147] : memref<64x256xf32, #tpu.memory_space<vmem>>[vector<16xi32>, vector<16xi32>], vector<16xf32>,
        %gather3A_274 = tpu.vector_load_idx %arg5[%add3A_258, %add3A_147] : memref<64x256xf32, #tpu.memory_space<vmem>>[vector<16xi32>, vector<16xi32>], vector<16xf32>,
        tpu.vector_store_idx %arg7[%add3A_147, %add3A_213], %gather3A_259 : memref<256x128xf32, #tpu.memory_space<vmem>>[vector<16xi32>, vector<16xi32>], vector<16xf32>,
        tpu.vector_store_idx %arg7[%add3A_147, %add3A_216], %gather3A_260 : memref<256x128xf32, #tpu.memory_space<vmem>>[vector<16xi32>, vector<16xi32>], vector<16xf32>,
        tpu.vector_store_idx %arg7[%add3A_147, %add3A_219], %gather3A_261 : memref<256x128xf32, #tpu.memory_space<vmem>>[vector<16xi32>, vector<16xi32>], vector<16xf32>,
        tpu.vector_store_idx %arg7[%add3A_147, %add3A_222], %gather3A_262 : memref<256x128xf32, #tpu.memory_space<vmem>>[vector<16xi32>, vector<16xi32>], vector<16xf32>,
        tpu.vector_store_idx %arg7[%add3A_147, %add3A_225], %gather3A_263 : memref<256x128xf32, #tpu.memory_space<vmem>>[vector<16xi32>, vector<16xi32>], vector<16xf32>,
        tpu.vector_store_idx %arg7[%add3A_147, %add3A_228], %gather3A_264 : memref<256x128xf32, #tpu.memory_space<vmem>>[vector<16xi32>, vector<16xi32>], vector<16xf32>,
        tpu.vector_store_idx %arg7[%add3A_147, %add3A_231], %gather3A_265 : memref<256x128xf32, #tpu.memory_space<vmem>>[vector<16xi32>, vector<16xi32>], vector<16xf32>,
        tpu.vector_store_idx %arg7[%add3A_147, %add3A_234], %gather3A_266 : memref<256x128xf32, #tpu.memory_space<vmem>>[vector<16xi32>, vector<16xi32>], vector<16xf32>,
        tpu.vector_store_idx %arg7[%add3A_147, %add3A_237], %gather3A_267 : memref<256x128xf32, #tpu.memory_space<vmem>>[vector<16xi32>, vector<16xi32>], vector<16xf32>,
        tpu.vector_store_idx %arg7[%add3A_147, %add3A_240], %gather3A_268 : memref<256x128xf32, #tpu.memory_space<vmem>>[vector<16xi32>, vector<16xi32>], vector<16xf32>,
        tpu.vector_store_idx %arg7[%add3A_147, %add3A_243], %gather3A_269 : memref<256x128xf32, #tpu.memory_space<vmem>>[vector<16xi32>, vector<16xi32>], vector<16xf32>,
        tpu.vector_store_idx %arg7[%add3A_147, %add3A_246], %gather3A_270 : memref<256x128xf32, #tpu.memory_space<vmem>>[vector<16xi32>, vector<16xi32>], vector<16xf32>,
        tpu.vector_store_idx %arg7[%add3A_147, %add3A_249], %gather3A_271 : memref<256x128xf32, #tpu.memory_space<vmem>>[vector<16xi32>, vector<16xi32>], vector<16xf32>,
        tpu.vector_store_idx %arg7[%add3A_147, %add3A_252], %gather3A_272 : memref<256x128xf32, #tpu.memory_space<vmem>>[vector<16xi32>, vector<16xi32>], vector<16xf32>,
        tpu.vector_store_idx %arg7[%add3A_147, %add3A_255], %gather3A_273 : memref<256x128xf32, #tpu.memory_space<vmem>>[vector<16xi32>, vector<16xi32>], vector<16xf32>,
        tpu.vector_store_idx %arg7[%add3A_147, %add3A_258], %gather3A_274 : memref<256x128xf32, #tpu.memory_space<vmem>>[vector<16xi32>, vector<16xi32>], vector<16xf32>,
        %add3A_275 = arith.constant 32 : i32
        %add3A_276 = vector.broadcast %add3A_275 : i32 to vector<16xi32>
        %add3A_277 = arith.addi %and3A_5, %add3A_276 : vector<16xi32>
        %add3A_278 = arith.constant 32 : i32
        %add3A_279 = vector.broadcast %add3A_278 : i32 to vector<16xi32>
        %add3A_280 = arith.addi %and3A_11, %add3A_279 : vector<16xi32>
        %add3A_281 = arith.constant 32 : i32
        %add3A_282 = vector.broadcast %add3A_281 : i32 to vector<16xi32>
        %add3A_283 = arith.addi %and3A_17, %add3A_282 : vector<16xi32>
        %add3A_284 = arith.constant 32 : i32
        %add3A_285 = vector.broadcast %add3A_284 : i32 to vector<16xi32>
        %add3A_286 = arith.addi %and3A_23, %add3A_285 : vector<16xi32>
        %add3A_287 = arith.constant 32 : i32
        %add3A_288 = vector.broadcast %add3A_287 : i32 to vector<16xi32>
        %add3A_289 = arith.addi %and3A_29, %add3A_288 : vector<16xi32>
        %add3A_290 = arith.constant 32 : i32
        %add3A_291 = vector.broadcast %add3A_290 : i32 to vector<16xi32>
        %add3A_292 = arith.addi %and3A_35, %add3A_291 : vector<16xi32>
        %add3A_293 = arith.constant 32 : i32
        %add3A_294 = vector.broadcast %add3A_293 : i32 to vector<16xi32>
        %add3A_295 = arith.addi %and3A_41, %add3A_294 : vector<16xi32>
        %add3A_296 = arith.constant 32 : i32
        %add3A_297 = vector.broadcast %add3A_296 : i32 to vector<16xi32>
        %add3A_298 = arith.addi %and3A_47, %add3A_297 : vector<16xi32>
        %add3A_299 = arith.constant 32 : i32
        %add3A_300 = vector.broadcast %add3A_299 : i32 to vector<16xi32>
        %add3A_301 = arith.addi %and3A_53, %add3A_300 : vector<16xi32>
        %add3A_302 = arith.constant 32 : i32
        %add3A_303 = vector.broadcast %add3A_302 : i32 to vector<16xi32>
        %add3A_304 = arith.addi %and3A_59, %add3A_303 : vector<16xi32>
        %add3A_305 = arith.constant 32 : i32
        %add3A_306 = vector.broadcast %add3A_305 : i32 to vector<16xi32>
        %add3A_307 = arith.addi %and3A_65, %add3A_306 : vector<16xi32>
        %add3A_308 = arith.constant 32 : i32
        %add3A_309 = vector.broadcast %add3A_308 : i32 to vector<16xi32>
        %add3A_310 = arith.addi %and3A_71, %add3A_309 : vector<16xi32>
        %add3A_311 = arith.constant 32 : i32
        %add3A_312 = vector.broadcast %add3A_311 : i32 to vector<16xi32>
        %add3A_313 = arith.addi %and3A_77, %add3A_312 : vector<16xi32>
        %add3A_314 = arith.constant 32 : i32
        %add3A_315 = vector.broadcast %add3A_314 : i32 to vector<16xi32>
        %add3A_316 = arith.addi %and3A_83, %add3A_315 : vector<16xi32>
        %add3A_317 = arith.constant 32 : i32
        %add3A_318 = vector.broadcast %add3A_317 : i32 to vector<16xi32>
        %add3A_319 = arith.addi %and3A_89, %add3A_318 : vector<16xi32>
        %add3A_320 = arith.constant 32 : i32
        %add3A_321 = vector.broadcast %add3A_320 : i32 to vector<16xi32>
        %add3A_322 = arith.addi %and3A_95, %add3A_321 : vector<16xi32>
        %gather3A_323 = tpu.vector_load_idx %arg5[%add3A_277, %add3A_147] : memref<64x256xf32, #tpu.memory_space<vmem>>[vector<16xi32>, vector<16xi32>], vector<16xf32>,
        %gather3A_324 = tpu.vector_load_idx %arg5[%add3A_280, %add3A_147] : memref<64x256xf32, #tpu.memory_space<vmem>>[vector<16xi32>, vector<16xi32>], vector<16xf32>,
        %gather3A_325 = tpu.vector_load_idx %arg5[%add3A_283, %add3A_147] : memref<64x256xf32, #tpu.memory_space<vmem>>[vector<16xi32>, vector<16xi32>], vector<16xf32>,
        %gather3A_326 = tpu.vector_load_idx %arg5[%add3A_286, %add3A_147] : memref<64x256xf32, #tpu.memory_space<vmem>>[vector<16xi32>, vector<16xi32>], vector<16xf32>,
        %gather3A_327 = tpu.vector_load_idx %arg5[%add3A_289, %add3A_147] : memref<64x256xf32, #tpu.memory_space<vmem>>[vector<16xi32>, vector<16xi32>], vector<16xf32>,
        %gather3A_328 = tpu.vector_load_idx %arg5[%add3A_292, %add3A_147] : memref<64x256xf32, #tpu.memory_space<vmem>>[vector<16xi32>, vector<16xi32>], vector<16xf32>,
        %gather3A_329 = tpu.vector_load_idx %arg5[%add3A_295, %add3A_147] : memref<64x256xf32, #tpu.memory_space<vmem>>[vector<16xi32>, vector<16xi32>], vector<16xf32>,
        %gather3A_330 = tpu.vector_load_idx %arg5[%add3A_298, %add3A_147] : memref<64x256xf32, #tpu.memory_space<vmem>>[vector<16xi32>, vector<16xi32>], vector<16xf32>,
        %gather3A_331 = tpu.vector_load_idx %arg5[%add3A_301, %add3A_147] : memref<64x256xf32, #tpu.memory_space<vmem>>[vector<16xi32>, vector<16xi32>], vector<16xf32>,
        %gather3A_332 = tpu.vector_load_idx %arg5[%add3A_304, %add3A_147] : memref<64x256xf32, #tpu.memory_space<vmem>>[vector<16xi32>, vector<16xi32>], vector<16xf32>,
        %gather3A_333 = tpu.vector_load_idx %arg5[%add3A_307, %add3A_147] : memref<64x256xf32, #tpu.memory_space<vmem>>[vector<16xi32>, vector<16xi32>], vector<16xf32>,
        %gather3A_334 = tpu.vector_load_idx %arg5[%add3A_310, %add3A_147] : memref<64x256xf32, #tpu.memory_space<vmem>>[vector<16xi32>, vector<16xi32>], vector<16xf32>,
        %gather3A_335 = tpu.vector_load_idx %arg5[%add3A_313, %add3A_147] : memref<64x256xf32, #tpu.memory_space<vmem>>[vector<16xi32>, vector<16xi32>], vector<16xf32>,
        %gather3A_336 = tpu.vector_load_idx %arg5[%add3A_316, %add3A_147] : memref<64x256xf32, #tpu.memory_space<vmem>>[vector<16xi32>, vector<16xi32>], vector<16xf32>,
        %gather3A_337 = tpu.vector_load_idx %arg5[%add3A_319, %add3A_147] : memref<64x256xf32, #tpu.memory_space<vmem>>[vector<16xi32>, vector<16xi32>], vector<16xf32>,
        %gather3A_338 = tpu.vector_load_idx %arg5[%add3A_322, %add3A_147] : memref<64x256xf32, #tpu.memory_space<vmem>>[vector<16xi32>, vector<16xi32>], vector<16xf32>,
        tpu.vector_store_idx %arg7[%add3A_147, %add3A_277], %gather3A_323 : memref<256x128xf32, #tpu.memory_space<vmem>>[vector<16xi32>, vector<16xi32>], vector<16xf32>,
        tpu.vector_store_idx %arg7[%add3A_147, %add3A_280], %gather3A_324 : memref<256x128xf32, #tpu.memory_space<vmem>>[vector<16xi32>, vector<16xi32>], vector<16xf32>,
        tpu.vector_store_idx %arg7[%add3A_147, %add3A_283], %gather3A_325 : memref<256x128xf32, #tpu.memory_space<vmem>>[vector<16xi32>, vector<16xi32>], vector<16xf32>,
        tpu.vector_store_idx %arg7[%add3A_147, %add3A_286], %gather3A_326 : memref<256x128xf32, #tpu.memory_space<vmem>>[vector<16xi32>, vector<16xi32>], vector<16xf32>,
        tpu.vector_store_idx %arg7[%add3A_147, %add3A_289], %gather3A_327 : memref<256x128xf32, #tpu.memory_space<vmem>>[vector<16xi32>, vector<16xi32>], vector<16xf32>,
        tpu.vector_store_idx %arg7[%add3A_147, %add3A_292], %gather3A_328 : memref<256x128xf32, #tpu.memory_space<vmem>>[vector<16xi32>, vector<16xi32>], vector<16xf32>,
        tpu.vector_store_idx %arg7[%add3A_147, %add3A_295], %gather3A_329 : memref<256x128xf32, #tpu.memory_space<vmem>>[vector<16xi32>, vector<16xi32>], vector<16xf32>,
        tpu.vector_store_idx %arg7[%add3A_147, %add3A_298], %gather3A_330 : memref<256x128xf32, #tpu.memory_space<vmem>>[vector<16xi32>, vector<16xi32>], vector<16xf32>,
        tpu.vector_store_idx %arg7[%add3A_147, %add3A_301], %gather3A_331 : memref<256x128xf32, #tpu.memory_space<vmem>>[vector<16xi32>, vector<16xi32>], vector<16xf32>,
        tpu.vector_store_idx %arg7[%add3A_147, %add3A_304], %gather3A_332 : memref<256x128xf32, #tpu.memory_space<vmem>>[vector<16xi32>, vector<16xi32>], vector<16xf32>,
        tpu.vector_store_idx %arg7[%add3A_147, %add3A_307], %gather3A_333 : memref<256x128xf32, #tpu.memory_space<vmem>>[vector<16xi32>, vector<16xi32>], vector<16xf32>,
        tpu.vector_store_idx %arg7[%add3A_147, %add3A_310], %gather3A_334 : memref<256x128xf32, #tpu.memory_space<vmem>>[vector<16xi32>, vector<16xi32>], vector<16xf32>,
        tpu.vector_store_idx %arg7[%add3A_147, %add3A_313], %gather3A_335 : memref<256x128xf32, #tpu.memory_space<vmem>>[vector<16xi32>, vector<16xi32>], vector<16xf32>,
        tpu.vector_store_idx %arg7[%add3A_147, %add3A_316], %gather3A_336 : memref<256x128xf32, #tpu.memory_space<vmem>>[vector<16xi32>, vector<16xi32>], vector<16xf32>,
        tpu.vector_store_idx %arg7[%add3A_147, %add3A_319], %gather3A_337 : memref<256x128xf32, #tpu.memory_space<vmem>>[vector<16xi32>, vector<16xi32>], vector<16xf32>,
        tpu.vector_store_idx %arg7[%add3A_147, %add3A_322], %gather3A_338 : memref<256x128xf32, #tpu.memory_space<vmem>>[vector<16xi32>, vector<16xi32>], vector<16xf32>,
        %add3A_339 = arith.constant 48 : i32
        %add3A_340 = vector.broadcast %add3A_339 : i32 to vector<16xi32>
        %add3A_341 = arith.addi %and3A_5, %add3A_340 : vector<16xi32>
        %add3A_342 = arith.constant 48 : i32
        %add3A_343 = vector.broadcast %add3A_342 : i32 to vector<16xi32>
        %add3A_344 = arith.addi %and3A_11, %add3A_343 : vector<16xi32>
        %add3A_345 = arith.constant 48 : i32
        %add3A_346 = vector.broadcast %add3A_345 : i32 to vector<16xi32>
        %add3A_347 = arith.addi %and3A_17, %add3A_346 : vector<16xi32>
        %add3A_348 = arith.constant 48 : i32
        %add3A_349 = vector.broadcast %add3A_348 : i32 to vector<16xi32>
        %add3A_350 = arith.addi %and3A_23, %add3A_349 : vector<16xi32>
        %add3A_351 = arith.constant 48 : i32
        %add3A_352 = vector.broadcast %add3A_351 : i32 to vector<16xi32>
        %add3A_353 = arith.addi %and3A_29, %add3A_352 : vector<16xi32>
        %add3A_354 = arith.constant 48 : i32
        %add3A_355 = vector.broadcast %add3A_354 : i32 to vector<16xi32>
        %add3A_356 = arith.addi %and3A_35, %add3A_355 : vector<16xi32>
        %add3A_357 = arith.constant 48 : i32
        %add3A_358 = vector.broadcast %add3A_357 : i32 to vector<16xi32>
        %add3A_359 = arith.addi %and3A_41, %add3A_358 : vector<16xi32>
        %add3A_360 = arith.constant 48 : i32
        %add3A_361 = vector.broadcast %add3A_360 : i32 to vector<16xi32>
        %add3A_362 = arith.addi %and3A_47, %add3A_361 : vector<16xi32>
        %add3A_363 = arith.constant 48 : i32
        %add3A_364 = vector.broadcast %add3A_363 : i32 to vector<16xi32>
        %add3A_365 = arith.addi %and3A_53, %add3A_364 : vector<16xi32>
        %add3A_366 = arith.constant 48 : i32
        %add3A_367 = vector.broadcast %add3A_366 : i32 to vector<16xi32>
        %add3A_368 = arith.addi %and3A_59, %add3A_367 : vector<16xi32>
        %add3A_369 = arith.constant 48 : i32
        %add3A_370 = vector.broadcast %add3A_369 : i32 to vector<16xi32>
        %add3A_371 = arith.addi %and3A_65, %add3A_370 : vector<16xi32>
        %add3A_372 = arith.constant 48 : i32
        %add3A_373 = vector.broadcast %add3A_372 : i32 to vector<16xi32>
        %add3A_374 = arith.addi %and3A_71, %add3A_373 : vector<16xi32>
        %add3A_375 = arith.constant 48 : i32
        %add3A_376 = vector.broadcast %add3A_375 : i32 to vector<16xi32>
        %add3A_377 = arith.addi %and3A_77, %add3A_376 : vector<16xi32>
        %add3A_378 = arith.constant 48 : i32
        %add3A_379 = vector.broadcast %add3A_378 : i32 to vector<16xi32>
        %add3A_380 = arith.addi %and3A_83, %add3A_379 : vector<16xi32>
        %add3A_381 = arith.constant 48 : i32
        %add3A_382 = vector.broadcast %add3A_381 : i32 to vector<16xi32>
        %add3A_383 = arith.addi %and3A_89, %add3A_382 : vector<16xi32>
        %add3A_384 = arith.constant 48 : i32
        %add3A_385 = vector.broadcast %add3A_384 : i32 to vector<16xi32>
        %add3A_386 = arith.addi %and3A_95, %add3A_385 : vector<16xi32>
        %gather3A_387 = tpu.vector_load_idx %arg5[%add3A_341, %add3A_147] : memref<64x256xf32, #tpu.memory_space<vmem>>[vector<16xi32>, vector<16xi32>], vector<16xf32>,
        %gather3A_388 = tpu.vector_load_idx %arg5[%add3A_344, %add3A_147] : memref<64x256xf32, #tpu.memory_space<vmem>>[vector<16xi32>, vector<16xi32>], vector<16xf32>,
        %gather3A_389 = tpu.vector_load_idx %arg5[%add3A_347, %add3A_147] : memref<64x256xf32, #tpu.memory_space<vmem>>[vector<16xi32>, vector<16xi32>], vector<16xf32>,
        %gather3A_390 = tpu.vector_load_idx %arg5[%add3A_350, %add3A_147] : memref<64x256xf32, #tpu.memory_space<vmem>>[vector<16xi32>, vector<16xi32>], vector<16xf32>,
        %gather3A_391 = tpu.vector_load_idx %arg5[%add3A_353, %add3A_147] : memref<64x256xf32, #tpu.memory_space<vmem>>[vector<16xi32>, vector<16xi32>], vector<16xf32>,
        %gather3A_392 = tpu.vector_load_idx %arg5[%add3A_356, %add3A_147] : memref<64x256xf32, #tpu.memory_space<vmem>>[vector<16xi32>, vector<16xi32>], vector<16xf32>,
        %gather3A_393 = tpu.vector_load_idx %arg5[%add3A_359, %add3A_147] : memref<64x256xf32, #tpu.memory_space<vmem>>[vector<16xi32>, vector<16xi32>], vector<16xf32>,
        %gather3A_394 = tpu.vector_load_idx %arg5[%add3A_362, %add3A_147] : memref<64x256xf32, #tpu.memory_space<vmem>>[vector<16xi32>, vector<16xi32>], vector<16xf32>,
        %gather3A_395 = tpu.vector_load_idx %arg5[%add3A_365, %add3A_147] : memref<64x256xf32, #tpu.memory_space<vmem>>[vector<16xi32>, vector<16xi32>], vector<16xf32>,
        %gather3A_396 = tpu.vector_load_idx %arg5[%add3A_368, %add3A_147] : memref<64x256xf32, #tpu.memory_space<vmem>>[vector<16xi32>, vector<16xi32>], vector<16xf32>,
        %gather3A_397 = tpu.vector_load_idx %arg5[%add3A_371, %add3A_147] : memref<64x256xf32, #tpu.memory_space<vmem>>[vector<16xi32>, vector<16xi32>], vector<16xf32>,
        %gather3A_398 = tpu.vector_load_idx %arg5[%add3A_374, %add3A_147] : memref<64x256xf32, #tpu.memory_space<vmem>>[vector<16xi32>, vector<16xi32>], vector<16xf32>,
        %gather3A_399 = tpu.vector_load_idx %arg5[%add3A_377, %add3A_147] : memref<64x256xf32, #tpu.memory_space<vmem>>[vector<16xi32>, vector<16xi32>], vector<16xf32>,
        %gather3A_400 = tpu.vector_load_idx %arg5[%add3A_380, %add3A_147] : memref<64x256xf32, #tpu.memory_space<vmem>>[vector<16xi32>, vector<16xi32>], vector<16xf32>,
        %gather3A_401 = tpu.vector_load_idx %arg5[%add3A_383, %add3A_147] : memref<64x256xf32, #tpu.memory_space<vmem>>[vector<16xi32>, vector<16xi32>], vector<16xf32>,
        %gather3A_402 = tpu.vector_load_idx %arg5[%add3A_386, %add3A_147] : memref<64x256xf32, #tpu.memory_space<vmem>>[vector<16xi32>, vector<16xi32>], vector<16xf32>,
        tpu.vector_store_idx %arg7[%add3A_147, %add3A_341], %gather3A_387 : memref<256x128xf32, #tpu.memory_space<vmem>>[vector<16xi32>, vector<16xi32>], vector<16xf32>,
        tpu.vector_store_idx %arg7[%add3A_147, %add3A_344], %gather3A_388 : memref<256x128xf32, #tpu.memory_space<vmem>>[vector<16xi32>, vector<16xi32>], vector<16xf32>,
        tpu.vector_store_idx %arg7[%add3A_147, %add3A_347], %gather3A_389 : memref<256x128xf32, #tpu.memory_space<vmem>>[vector<16xi32>, vector<16xi32>], vector<16xf32>,
        tpu.vector_store_idx %arg7[%add3A_147, %add3A_350], %gather3A_390 : memref<256x128xf32, #tpu.memory_space<vmem>>[vector<16xi32>, vector<16xi32>], vector<16xf32>,
        tpu.vector_store_idx %arg7[%add3A_147, %add3A_353], %gather3A_391 : memref<256x128xf32, #tpu.memory_space<vmem>>[vector<16xi32>, vector<16xi32>], vector<16xf32>,
        tpu.vector_store_idx %arg7[%add3A_147, %add3A_356], %gather3A_392 : memref<256x128xf32, #tpu.memory_space<vmem>>[vector<16xi32>, vector<16xi32>], vector<16xf32>,
        tpu.vector_store_idx %arg7[%add3A_147, %add3A_359], %gather3A_393 : memref<256x128xf32, #tpu.memory_space<vmem>>[vector<16xi32>, vector<16xi32>], vector<16xf32>,
        tpu.vector_store_idx %arg7[%add3A_147, %add3A_362], %gather3A_394 : memref<256x128xf32, #tpu.memory_space<vmem>>[vector<16xi32>, vector<16xi32>], vector<16xf32>,
        tpu.vector_store_idx %arg7[%add3A_147, %add3A_365], %gather3A_395 : memref<256x128xf32, #tpu.memory_space<vmem>>[vector<16xi32>, vector<16xi32>], vector<16xf32>,
        tpu.vector_store_idx %arg7[%add3A_147, %add3A_368], %gather3A_396 : memref<256x128xf32, #tpu.memory_space<vmem>>[vector<16xi32>, vector<16xi32>], vector<16xf32>,
        tpu.vector_store_idx %arg7[%add3A_147, %add3A_371], %gather3A_397 : memref<256x128xf32, #tpu.memory_space<vmem>>[vector<16xi32>, vector<16xi32>], vector<16xf32>,
        tpu.vector_store_idx %arg7[%add3A_147, %add3A_374], %gather3A_398 : memref<256x128xf32, #tpu.memory_space<vmem>>[vector<16xi32>, vector<16xi32>], vector<16xf32>,
        tpu.vector_store_idx %arg7[%add3A_147, %add3A_377], %gather3A_399 : memref<256x128xf32, #tpu.memory_space<vmem>>[vector<16xi32>, vector<16xi32>], vector<16xf32>,
        tpu.vector_store_idx %arg7[%add3A_147, %add3A_380], %gather3A_400 : memref<256x128xf32, #tpu.memory_space<vmem>>[vector<16xi32>, vector<16xi32>], vector<16xf32>,
        tpu.vector_store_idx %arg7[%add3A_147, %add3A_383], %gather3A_401 : memref<256x128xf32, #tpu.memory_space<vmem>>[vector<16xi32>, vector<16xi32>], vector<16xf32>,
        tpu.vector_store_idx %arg7[%add3A_147, %add3A_386], %gather3A_402 : memref<256x128xf32, #tpu.memory_space<vmem>>[vector<16xi32>, vector<16xi32>], vector<16xf32>,
      }
      %scan3A_138 = arith.constant 16 : i32
      %add3A_139 = arith.constant 122 : i32
      %add3A_140 = arith.addi %add3A_99, %add3A_139 : i32
      %mul3A_141 = arith.constant 256 : i32
      %mul3A_142 = arith.muli %add3A_140, %mul3A_141 : i32
      "tpu.region"() ({
        %run_scoped3A = tpu.sem_alloc : memref<!tpu.dma_semaphore, #tpu.memory_space<semaphore_mem>>
        %dma_start3A_143 = arith.constant 0 : i32
        %dma_start3A_144 = tpu.memref_slice %arg4[%mul3A_142, %dma_start3A_143] : memref<1000064x128xf32, #tpu.memory_space<hbm>> -> memref<256x128xf32, #tpu.memory_space<hbm>>
        %dma_start3A_145 = arith.constant 0 : i32
        %dma_start3A_146 = tpu.memref_slice %arg4[%mul3A_142, %dma_start3A_145] : memref<1000064x128xf32, #tpu.memory_space<hbm>> -> memref<256x128xf32, #tpu.memory_space<hbm>>
        tpu.enqueue_dma source(%arg7 : memref<256x128xf32, #tpu.memory_space<vmem>>) target(%dma_start3A_146 : memref<256x128xf32, #tpu.memory_space<hbm>>) target_semaphore(%run_scoped3A : memref<!tpu.dma_semaphore, #tpu.memory_space<semaphore_mem>>)
        %dma_wait3A_147 = arith.constant 0 : i32
        %dma_wait3A_148 = tpu.memref_slice %arg4[%mul3A_142, %dma_wait3A_147] : memref<1000064x128xf32, #tpu.memory_space<hbm>> -> memref<256x128xf32, #tpu.memory_space<hbm>>
        %dma_wait3A_149 = arith.constant 0 : i32
        %dma_wait3A_150 = tpu.memref_slice %arg4[%mul3A_142, %dma_wait3A_149] : memref<1000064x128xf32, #tpu.memory_space<hbm>> -> memref<256x128xf32, #tpu.memory_space<hbm>>
        tpu.wait_dma2 semaphore(%run_scoped3A : memref<!tpu.dma_semaphore, #tpu.memory_space<semaphore_mem>>) src(%arg7 : memref<256x128xf32, #tpu.memory_space<vmem>>) dst(%dma_wait3A_150 : memref<256x128xf32, #tpu.memory_space<hbm>>)
        tpu.yield
      }) : () -> ()
    } else {
    }
    %eq3A = arith.constant 31 : i32
    %eq3A_125 = arith.cmpi eq, %add3A, %eq3A : i32
    %convert_element_type3A_126 = arith.extui %eq3A_125 : i1 to i32
    %cond3A_127 = arith.constant 0 : i32
    %cond3A_128 = arith.cmpi ne, %convert_element_type3A_126, %cond3A_127 : i32
    scf.if %cond3A_128 {
      "tpu.region"() ({
        %run_scoped3A = tpu.sem_alloc : memref<!tpu.dma_semaphore, #tpu.memory_space<semaphore_mem>>
        tpu.enqueue_dma source(%arg3 : memref<64x64xf32, #tpu.memory_space<hbm>>) target(%arg9 : memref<64x64xf32, #tpu.memory_space<vmem>>) target_semaphore(%run_scoped3A : memref<!tpu.dma_semaphore, #tpu.memory_space<semaphore_mem>>)
        tpu.wait_dma2 semaphore(%run_scoped3A : memref<!tpu.dma_semaphore, #tpu.memory_space<semaphore_mem>>) src(%arg3 : memref<64x64xf32, #tpu.memory_space<hbm>>) dst(%arg9 : memref<64x64xf32, #tpu.memory_space<vmem>>)
        tpu.yield
      }) : () -> ()
      %scan3A_129 = arith.constant 0 : i32
      %scan3A_130 = arith.constant 0 : i32
      %scan3A_131 = arith.constant 64 : i32
      %scan3A_132 = arith.addi %scan3A_130, %scan3A_131 : i32
      %scan3A_133 = arith.constant 1 : i32
      scf.for %scan3A_135 = %scan3A_130 to %scan3A_132 step %scan3A_133  : i32 {
        %broadcast_in_dim3A = vector.broadcast %scan3A_135 : i32 to vector<16xi32>
        %add3A_136 = arith.constant 0 : i32
        %add3A_137 = vector.broadcast %add3A_136 : i32 to vector<16xi32>
        %add3A_138 = arith.addi %iota3A, %add3A_137 : vector<16xi32>
        %gather3A = tpu.vector_load_idx %arg9[%add3A_138, %broadcast_in_dim3A] : memref<64x64xf32, #tpu.memory_space<vmem>>[vector<16xi32>, vector<16xi32>], vector<16xf32>,
        %swap3A = arith.index_cast %scan3A_135 : i32 to index
        %swap3A_139 = arith.constant 0 : index
        %swap3A_140 = tpu.vector_load %arg8[%swap3A, %swap3A_139] {strides = array<i32>} : memref<256x128xf32, #tpu.memory_space<vmem>>, vector<16xf32>,
        tpu.vector_store %arg8[%swap3A, %swap3A_139], %gather3A {strides = array<i32>} : memref<256x128xf32, #tpu.memory_space<vmem>>, vector<16xf32>,
        %add3A_141 = arith.constant 16 : i32
        %add3A_142 = vector.broadcast %add3A_141 : i32 to vector<16xi32>
        %add3A_143 = arith.addi %iota3A, %add3A_142 : vector<16xi32>
        %gather3A_144 = tpu.vector_load_idx %arg9[%add3A_143, %broadcast_in_dim3A] : memref<64x64xf32, #tpu.memory_space<vmem>>[vector<16xi32>, vector<16xi32>], vector<16xf32>,
        %swap3A_145 = arith.index_cast %scan3A_135 : i32 to index
        %swap3A_146 = arith.constant 16 : index
        %swap3A_147 = tpu.vector_load %arg8[%swap3A_145, %swap3A_146] {strides = array<i32>} : memref<256x128xf32, #tpu.memory_space<vmem>>, vector<16xf32>,
        tpu.vector_store %arg8[%swap3A_145, %swap3A_146], %gather3A_144 {strides = array<i32>} : memref<256x128xf32, #tpu.memory_space<vmem>>, vector<16xf32>,
        %add3A_148 = arith.constant 32 : i32
        %add3A_149 = vector.broadcast %add3A_148 : i32 to vector<16xi32>
        %add3A_150 = arith.addi %iota3A, %add3A_149 : vector<16xi32>
        %gather3A_151 = tpu.vector_load_idx %arg9[%add3A_150, %broadcast_in_dim3A] : memref<64x64xf32, #tpu.memory_space<vmem>>[vector<16xi32>, vector<16xi32>], vector<16xf32>,
        %swap3A_152 = arith.index_cast %scan3A_135 : i32 to index
        %swap3A_153 = arith.constant 32 : index
        %swap3A_154 = tpu.vector_load %arg8[%swap3A_152, %swap3A_153] {strides = array<i32>} : memref<256x128xf32, #tpu.memory_space<vmem>>, vector<16xf32>,
        tpu.vector_store %arg8[%swap3A_152, %swap3A_153], %gather3A_151 {strides = array<i32>} : memref<256x128xf32, #tpu.memory_space<vmem>>, vector<16xf32>,
        %add3A_155 = arith.constant 48 : i32
        %add3A_156 = vector.broadcast %add3A_155 : i32 to vector<16xi32>
        %add3A_157 = arith.addi %iota3A, %add3A_156 : vector<16xi32>
        %gather3A_158 = tpu.vector_load_idx %arg9[%add3A_157, %broadcast_in_dim3A] : memref<64x64xf32, #tpu.memory_space<vmem>>[vector<16xi32>, vector<16xi32>], vector<16xf32>,
        %swap3A_159 = arith.index_cast %scan3A_135 : i32 to index
        %swap3A_160 = arith.constant 48 : index
        %swap3A_161 = tpu.vector_load %arg8[%swap3A_159, %swap3A_160] {strides = array<i32>} : memref<256x128xf32, #tpu.memory_space<vmem>>, vector<16xf32>,
        tpu.vector_store %arg8[%swap3A_159, %swap3A_160], %gather3A_158 {strides = array<i32>} : memref<256x128xf32, #tpu.memory_space<vmem>>, vector<16xf32>,
      }
      %scan3A_134 = arith.constant 64 : i32
      "tpu.region"() ({
        %run_scoped3A = tpu.sem_alloc : memref<!tpu.dma_semaphore, #tpu.memory_space<semaphore_mem>>
        %dma_start3A_135 = arith.constant 0 : i32
        %dma_start3A_136 = arith.constant 0 : i32
        %dma_start3A_137 = tpu.memref_slice %arg8[%dma_start3A_135, %dma_start3A_136] : memref<256x128xf32, #tpu.memory_space<vmem>> -> memref<64x128xf32, #tpu.memory_space<vmem>>
        %dma_start3A_138 = arith.constant 1000000 : i32
        %dma_start3A_139 = arith.constant 0 : i32
        %dma_start3A_140 = tpu.memref_slice %arg4[%dma_start3A_138, %dma_start3A_139] : memref<1000064x128xf32, #tpu.memory_space<hbm>> -> memref<64x128xf32, #tpu.memory_space<hbm>>
        %dma_start3A_141 = arith.constant 1000000 : i32
        %dma_start3A_142 = arith.constant 0 : i32
        %dma_start3A_143 = tpu.memref_slice %arg4[%dma_start3A_141, %dma_start3A_142] : memref<1000064x128xf32, #tpu.memory_space<hbm>> -> memref<64x128xf32, #tpu.memory_space<hbm>>
        %dma_start3A_144 = arith.constant 0 : i32
        %dma_start3A_145 = arith.constant 0 : i32
        %dma_start3A_146 = tpu.memref_slice %arg8[%dma_start3A_144, %dma_start3A_145] : memref<256x128xf32, #tpu.memory_space<vmem>> -> memref<64x128xf32, #tpu.memory_space<vmem>>
        tpu.enqueue_dma source(%dma_start3A_146 : memref<64x128xf32, #tpu.memory_space<vmem>>) target(%dma_start3A_143 : memref<64x128xf32, #tpu.memory_space<hbm>>) target_semaphore(%run_scoped3A : memref<!tpu.dma_semaphore, #tpu.memory_space<semaphore_mem>>)
        %dma_wait3A_147 = arith.constant 0 : i32
        %dma_wait3A_148 = arith.constant 0 : i32
        %dma_wait3A_149 = tpu.memref_slice %arg8[%dma_wait3A_147, %dma_wait3A_148] : memref<256x128xf32, #tpu.memory_space<vmem>> -> memref<64x128xf32, #tpu.memory_space<vmem>>
        %dma_wait3A_150 = arith.constant 1000000 : i32
        %dma_wait3A_151 = arith.constant 0 : i32
        %dma_wait3A_152 = tpu.memref_slice %arg4[%dma_wait3A_150, %dma_wait3A_151] : memref<1000064x128xf32, #tpu.memory_space<hbm>> -> memref<64x128xf32, #tpu.memory_space<hbm>>
        %dma_wait3A_153 = arith.constant 1000000 : i32
        %dma_wait3A_154 = arith.constant 0 : i32
        %dma_wait3A_155 = tpu.memref_slice %arg4[%dma_wait3A_153, %dma_wait3A_154] : memref<1000064x128xf32, #tpu.memory_space<hbm>> -> memref<64x128xf32, #tpu.memory_space<hbm>>
        %dma_wait3A_156 = arith.constant 0 : i32
        %dma_wait3A_157 = arith.constant 0 : i32
        %dma_wait3A_158 = tpu.memref_slice %arg8[%dma_wait3A_156, %dma_wait3A_157] : memref<256x128xf32, #tpu.memory_space<vmem>> -> memref<64x128xf32, #tpu.memory_space<vmem>>
        tpu.wait_dma2 semaphore(%run_scoped3A : memref<!tpu.dma_semaphore, #tpu.memory_space<semaphore_mem>>) src(%dma_wait3A_158 : memref<64x128xf32, #tpu.memory_space<vmem>>) dst(%dma_wait3A_155 : memref<64x128xf32, #tpu.memory_space<hbm>>)
        tpu.yield
      }) : () -> ()
    } else {
    }
    return
  }
}

#map = affine_map<(d0, d1) -> (0, 0)>
module attributes {stable_mosaic.version = 14 : i64} {
  func.func @_gather(%arg0: i32, %arg1: i32, %arg2: memref<1000064x128xf32, #tpu.memory_space<hbm>>, %arg3: memref<32x6400xi32, #tpu.memory_space<hbm>>, %arg4: memref<204800x128xf32, #tpu.memory_space<hbm>>, %arg5: memref<6400xi32, #tpu.memory_space<vmem>>, %arg6: memref<320x128xf32, #tpu.memory_space<vmem>>, %arg7: memref<320x128xf32, #tpu.memory_space<vmem>>, %arg8: memref<!tpu.dma_semaphore, #tpu.memory_space<semaphore_mem>>, %arg9: memref<!tpu.dma_semaphore, #tpu.memory_space<semaphore_mem>>) attributes {dimension_semantics = [#tpu.dimension_semantics<core_parallel>, #tpu.dimension_semantics<subcore_parallel>], iteration_bounds = array<i64: 2, 16>, scalar_prefetch = 0 : i64, scratch_operands = 5 : i64, tpu.core_type = #tpu.core_type<sc_vector_subcore>, window_params = [{transform_indices = #map}, {transform_indices = #map}, {transform_indices = #map}]} {
    %mul3A = arith.constant 2 : i32
    %mul3A_0 = arith.muli %arg1, %mul3A : i32
    %add3A = arith.addi %mul3A_0, %arg0 : i32
    %mul3A_1 = arith.constant 6400 : i32
    %mul3A_2 = arith.muli %add3A, %mul3A_1 : i32
    "tpu.region"() ({
      %run_scoped3A = tpu.sem_alloc : memref<!tpu.dma_semaphore, #tpu.memory_space<semaphore_mem>>
      %dma_start3A_241 = arith.constant 0 : i32
      %dma_start3A_242 = tpu.memref_slice %arg3[%add3A, %dma_start3A_241] : memref<32x6400xi32, #tpu.memory_space<hbm>> -> memref<1x6400xi32, #tpu.memory_space<hbm>>
      %dma_start3A_243 = tpu.memref_squeeze %dma_start3A_242 : memref<1x6400xi32, #tpu.memory_space<hbm>> -> memref<6400xi32, #tpu.memory_space<hbm>>
      %dma_start3A_244 = arith.constant 0 : i32
      %dma_start3A_245 = tpu.memref_slice %arg3[%add3A, %dma_start3A_244] : memref<32x6400xi32, #tpu.memory_space<hbm>> -> memref<1x6400xi32, #tpu.memory_space<hbm>>
      %dma_start3A_246 = tpu.memref_squeeze %dma_start3A_245 : memref<1x6400xi32, #tpu.memory_space<hbm>> -> memref<6400xi32, #tpu.memory_space<hbm>>
      tpu.enqueue_dma source(%dma_start3A_246 : memref<6400xi32, #tpu.memory_space<hbm>>) target(%arg5 : memref<6400xi32, #tpu.memory_space<vmem>>) target_semaphore(%run_scoped3A : memref<!tpu.dma_semaphore, #tpu.memory_space<semaphore_mem>>)
      %dma_wait3A_247 = arith.constant 0 : i32
      %dma_wait3A_248 = tpu.memref_slice %arg3[%add3A, %dma_wait3A_247] : memref<32x6400xi32, #tpu.memory_space<hbm>> -> memref<1x6400xi32, #tpu.memory_space<hbm>>
      %dma_wait3A_249 = tpu.memref_squeeze %dma_wait3A_248 : memref<1x6400xi32, #tpu.memory_space<hbm>> -> memref<6400xi32, #tpu.memory_space<hbm>>
      %dma_wait3A_250 = arith.constant 0 : i32
      %dma_wait3A_251 = tpu.memref_slice %arg3[%add3A, %dma_wait3A_250] : memref<32x6400xi32, #tpu.memory_space<hbm>> -> memref<1x6400xi32, #tpu.memory_space<hbm>>
      %dma_wait3A_252 = tpu.memref_squeeze %dma_wait3A_251 : memref<1x6400xi32, #tpu.memory_space<hbm>> -> memref<6400xi32, #tpu.memory_space<hbm>>
      tpu.wait_dma2 semaphore(%run_scoped3A : memref<!tpu.dma_semaphore, #tpu.memory_space<semaphore_mem>>) src(%dma_wait3A_252 : memref<6400xi32, #tpu.memory_space<hbm>>) dst(%arg5 : memref<6400xi32, #tpu.memory_space<vmem>>)
      tpu.yield
    }) : () -> ()
    %dma_start3A = arith.constant 0 : i32
    %dma_start3A_3 = tpu.memref_slice %arg5[%dma_start3A] : memref<6400xi32, #tpu.memory_space<vmem>> -> memref<320xi32, #tpu.memory_space<vmem>>
    %dma_start3A_4 = arith.constant 0 : i32
    %dma_start3A_5 = arith.constant 0 : i32
    %dma_start3A_6 = tpu.memref_slice %arg2[%dma_start3A_4, %dma_start3A_5] : memref<1000064x128xf32, #tpu.memory_space<hbm>> -> memref<1000064x128xf32, #tpu.memory_space<hbm>>
    tpu.enqueue_indirect_dma source(%dma_start3A_6 : memref<1000064x128xf32, #tpu.memory_space<hbm>>) target(%arg6 : memref<320x128xf32, #tpu.memory_space<vmem>>) offsets(%dma_start3A_3 : memref<320xi32, #tpu.memory_space<vmem>>) semaphore(%arg8 : memref<!tpu.dma_semaphore, #tpu.memory_space<semaphore_mem>>)
    %dma_start3A_7 = arith.constant 320 : i32
    %dma_start3A_8 = tpu.memref_slice %arg5[%dma_start3A_7] : memref<6400xi32, #tpu.memory_space<vmem>> -> memref<320xi32, #tpu.memory_space<vmem>>
    %dma_start3A_9 = arith.constant 0 : i32
    %dma_start3A_10 = arith.constant 0 : i32
    %dma_start3A_11 = tpu.memref_slice %arg2[%dma_start3A_9, %dma_start3A_10] : memref<1000064x128xf32, #tpu.memory_space<hbm>> -> memref<1000064x128xf32, #tpu.memory_space<hbm>>
    tpu.enqueue_indirect_dma source(%dma_start3A_11 : memref<1000064x128xf32, #tpu.memory_space<hbm>>) target(%arg7 : memref<320x128xf32, #tpu.memory_space<vmem>>) offsets(%dma_start3A_8 : memref<320xi32, #tpu.memory_space<vmem>>) semaphore(%arg9 : memref<!tpu.dma_semaphore, #tpu.memory_space<semaphore_mem>>)
    %dma_wait3A = arith.constant 0 : i32
    %dma_wait3A_12 = tpu.memref_slice %arg5[%dma_wait3A] : memref<6400xi32, #tpu.memory_space<vmem>> -> memref<320xi32, #tpu.memory_space<vmem>>
    %dma_wait3A_13 = arith.constant 0 : i32
    %dma_wait3A_14 = arith.constant 0 : i32
    %dma_wait3A_15 = tpu.memref_slice %arg2[%dma_wait3A_13, %dma_wait3A_14] : memref<1000064x128xf32, #tpu.memory_space<hbm>> -> memref<1000064x128xf32, #tpu.memory_space<hbm>>
    tpu.wait_indirect_dma semaphore(%arg8 : memref<!tpu.dma_semaphore, #tpu.memory_space<semaphore_mem>>) src(%dma_wait3A_15 : memref<1000064x128xf32, #tpu.memory_space<hbm>>) dst(%arg6 : memref<320x128xf32, #tpu.memory_space<vmem>>)
    %add3A_16 = arith.constant 0 : i32
    %add3A_17 = arith.addi %mul3A_2, %add3A_16 : i32
    "tpu.region"() ({
      %run_scoped3A = tpu.sem_alloc : memref<!tpu.dma_semaphore, #tpu.memory_space<semaphore_mem>>
      %dma_start3A_241 = arith.constant 0 : i32
      %dma_start3A_242 = tpu.memref_slice %arg4[%add3A_17, %dma_start3A_241] : memref<204800x128xf32, #tpu.memory_space<hbm>> -> memref<320x128xf32, #tpu.memory_space<hbm>>
      %dma_start3A_243 = arith.constant 0 : i32
      %dma_start3A_244 = tpu.memref_slice %arg4[%add3A_17, %dma_start3A_243] : memref<204800x128xf32, #tpu.memory_space<hbm>> -> memref<320x128xf32, #tpu.memory_space<hbm>>
      tpu.enqueue_dma source(%arg6 : memref<320x128xf32, #tpu.memory_space<vmem>>) target(%dma_start3A_244 : memref<320x128xf32, #tpu.memory_space<hbm>>) target_semaphore(%run_scoped3A : memref<!tpu.dma_semaphore, #tpu.memory_space<semaphore_mem>>)
      %dma_wait3A_245 = arith.constant 0 : i32
      %dma_wait3A_246 = tpu.memref_slice %arg4[%add3A_17, %dma_wait3A_245] : memref<204800x128xf32, #tpu.memory_space<hbm>> -> memref<320x128xf32, #tpu.memory_space<hbm>>
      %dma_wait3A_247 = arith.constant 0 : i32
      %dma_wait3A_248 = tpu.memref_slice %arg4[%add3A_17, %dma_wait3A_247] : memref<204800x128xf32, #tpu.memory_space<hbm>> -> memref<320x128xf32, #tpu.memory_space<hbm>>
      tpu.wait_dma2 semaphore(%run_scoped3A : memref<!tpu.dma_semaphore, #tpu.memory_space<semaphore_mem>>) src(%arg6 : memref<320x128xf32, #tpu.memory_space<vmem>>) dst(%dma_wait3A_248 : memref<320x128xf32, #tpu.memory_space<hbm>>)
      tpu.yield
    }) : () -> ()
    %dma_start3A_18 = arith.constant 640 : i32
    %dma_start3A_19 = tpu.memref_slice %arg5[%dma_start3A_18] : memref<6400xi32, #tpu.memory_space<vmem>> -> memref<320xi32, #tpu.memory_space<vmem>>
    %dma_start3A_20 = arith.constant 0 : i32
    %dma_start3A_21 = arith.constant 0 : i32
    %dma_start3A_22 = tpu.memref_slice %arg2[%dma_start3A_20, %dma_start3A_21] : memref<1000064x128xf32, #tpu.memory_space<hbm>> -> memref<1000064x128xf32, #tpu.memory_space<hbm>>
    tpu.enqueue_indirect_dma source(%dma_start3A_22 : memref<1000064x128xf32, #tpu.memory_space<hbm>>) target(%arg6 : memref<320x128xf32, #tpu.memory_space<vmem>>) offsets(%dma_start3A_19 : memref<320xi32, #tpu.memory_space<vmem>>) semaphore(%arg8 : memref<!tpu.dma_semaphore, #tpu.memory_space<semaphore_mem>>)
    %dma_wait3A_23 = arith.constant 320 : i32
    %dma_wait3A_24 = tpu.memref_slice %arg5[%dma_wait3A_23] : memref<6400xi32, #tpu.memory_space<vmem>> -> memref<320xi32, #tpu.memory_space<vmem>>
    %dma_wait3A_25 = arith.constant 0 : i32
    %dma_wait3A_26 = arith.constant 0 : i32
    %dma_wait3A_27 = tpu.memref_slice %arg2[%dma_wait3A_25, %dma_wait3A_26] : memref<1000064x128xf32, #tpu.memory_space<hbm>> -> memref<1000064x128xf32, #tpu.memory_space<hbm>>
    tpu.wait_indirect_dma semaphore(%arg9 : memref<!tpu.dma_semaphore, #tpu.memory_space<semaphore_mem>>) src(%dma_wait3A_27 : memref<1000064x128xf32, #tpu.memory_space<hbm>>) dst(%arg7 : memref<320x128xf32, #tpu.memory_space<vmem>>)
    %add3A_28 = arith.constant 320 : i32
    %add3A_29 = arith.addi %mul3A_2, %add3A_28 : i32
    "tpu.region"() ({
      %run_scoped3A = tpu.sem_alloc : memref<!tpu.dma_semaphore, #tpu.memory_space<semaphore_mem>>
      %dma_start3A_241 = arith.constant 0 : i32
      %dma_start3A_242 = tpu.memref_slice %arg4[%add3A_29, %dma_start3A_241] : memref<204800x128xf32, #tpu.memory_space<hbm>> -> memref<320x128xf32, #tpu.memory_space<hbm>>
      %dma_start3A_243 = arith.constant 0 : i32
      %dma_start3A_244 = tpu.memref_slice %arg4[%add3A_29, %dma_start3A_243] : memref<204800x128xf32, #tpu.memory_space<hbm>> -> memref<320x128xf32, #tpu.memory_space<hbm>>
      tpu.enqueue_dma source(%arg7 : memref<320x128xf32, #tpu.memory_space<vmem>>) target(%dma_start3A_244 : memref<320x128xf32, #tpu.memory_space<hbm>>) target_semaphore(%run_scoped3A : memref<!tpu.dma_semaphore, #tpu.memory_space<semaphore_mem>>)
      %dma_wait3A_245 = arith.constant 0 : i32
      %dma_wait3A_246 = tpu.memref_slice %arg4[%add3A_29, %dma_wait3A_245] : memref<204800x128xf32, #tpu.memory_space<hbm>> -> memref<320x128xf32, #tpu.memory_space<hbm>>
      %dma_wait3A_247 = arith.constant 0 : i32
      %dma_wait3A_248 = tpu.memref_slice %arg4[%add3A_29, %dma_wait3A_247] : memref<204800x128xf32, #tpu.memory_space<hbm>> -> memref<320x128xf32, #tpu.memory_space<hbm>>
      tpu.wait_dma2 semaphore(%run_scoped3A : memref<!tpu.dma_semaphore, #tpu.memory_space<semaphore_mem>>) src(%arg7 : memref<320x128xf32, #tpu.memory_space<vmem>>) dst(%dma_wait3A_248 : memref<320x128xf32, #tpu.memory_space<hbm>>)
      tpu.yield
    }) : () -> ()
    %dma_start3A_30 = arith.constant 960 : i32
    %dma_start3A_31 = tpu.memref_slice %arg5[%dma_start3A_30] : memref<6400xi32, #tpu.memory_space<vmem>> -> memref<320xi32, #tpu.memory_space<vmem>>
    %dma_start3A_32 = arith.constant 0 : i32
    %dma_start3A_33 = arith.constant 0 : i32
    %dma_start3A_34 = tpu.memref_slice %arg2[%dma_start3A_32, %dma_start3A_33] : memref<1000064x128xf32, #tpu.memory_space<hbm>> -> memref<1000064x128xf32, #tpu.memory_space<hbm>>
    tpu.enqueue_indirect_dma source(%dma_start3A_34 : memref<1000064x128xf32, #tpu.memory_space<hbm>>) target(%arg7 : memref<320x128xf32, #tpu.memory_space<vmem>>) offsets(%dma_start3A_31 : memref<320xi32, #tpu.memory_space<vmem>>) semaphore(%arg9 : memref<!tpu.dma_semaphore, #tpu.memory_space<semaphore_mem>>)
    %dma_wait3A_35 = arith.constant 640 : i32
    %dma_wait3A_36 = tpu.memref_slice %arg5[%dma_wait3A_35] : memref<6400xi32, #tpu.memory_space<vmem>> -> memref<320xi32, #tpu.memory_space<vmem>>
    %dma_wait3A_37 = arith.constant 0 : i32
    %dma_wait3A_38 = arith.constant 0 : i32
    %dma_wait3A_39 = tpu.memref_slice %arg2[%dma_wait3A_37, %dma_wait3A_38] : memref<1000064x128xf32, #tpu.memory_space<hbm>> -> memref<1000064x128xf32, #tpu.memory_space<hbm>>
    tpu.wait_indirect_dma semaphore(%arg8 : memref<!tpu.dma_semaphore, #tpu.memory_space<semaphore_mem>>) src(%dma_wait3A_39 : memref<1000064x128xf32, #tpu.memory_space<hbm>>) dst(%arg6 : memref<320x128xf32, #tpu.memory_space<vmem>>)
    %add3A_40 = arith.constant 640 : i32
    %add3A_41 = arith.addi %mul3A_2, %add3A_40 : i32
    "tpu.region"() ({
      %run_scoped3A = tpu.sem_alloc : memref<!tpu.dma_semaphore, #tpu.memory_space<semaphore_mem>>
      %dma_start3A_241 = arith.constant 0 : i32
      %dma_start3A_242 = tpu.memref_slice %arg4[%add3A_41, %dma_start3A_241] : memref<204800x128xf32, #tpu.memory_space<hbm>> -> memref<320x128xf32, #tpu.memory_space<hbm>>
      %dma_start3A_243 = arith.constant 0 : i32
      %dma_start3A_244 = tpu.memref_slice %arg4[%add3A_41, %dma_start3A_243] : memref<204800x128xf32, #tpu.memory_space<hbm>> -> memref<320x128xf32, #tpu.memory_space<hbm>>
      tpu.enqueue_dma source(%arg6 : memref<320x128xf32, #tpu.memory_space<vmem>>) target(%dma_start3A_244 : memref<320x128xf32, #tpu.memory_space<hbm>>) target_semaphore(%run_scoped3A : memref<!tpu.dma_semaphore, #tpu.memory_space<semaphore_mem>>)
      %dma_wait3A_245 = arith.constant 0 : i32
      %dma_wait3A_246 = tpu.memref_slice %arg4[%add3A_41, %dma_wait3A_245] : memref<204800x128xf32, #tpu.memory_space<hbm>> -> memref<320x128xf32, #tpu.memory_space<hbm>>
      %dma_wait3A_247 = arith.constant 0 : i32
      %dma_wait3A_248 = tpu.memref_slice %arg4[%add3A_41, %dma_wait3A_247] : memref<204800x128xf32, #tpu.memory_space<hbm>> -> memref<320x128xf32, #tpu.memory_space<hbm>>
      tpu.wait_dma2 semaphore(%run_scoped3A : memref<!tpu.dma_semaphore, #tpu.memory_space<semaphore_mem>>) src(%arg6 : memref<320x128xf32, #tpu.memory_space<vmem>>) dst(%dma_wait3A_248 : memref<320x128xf32, #tpu.memory_space<hbm>>)
      tpu.yield
    }) : () -> ()
    %dma_start3A_42 = arith.constant 1280 : i32
    %dma_start3A_43 = tpu.memref_slice %arg5[%dma_start3A_42] : memref<6400xi32, #tpu.memory_space<vmem>> -> memref<320xi32, #tpu.memory_space<vmem>>
    %dma_start3A_44 = arith.constant 0 : i32
    %dma_start3A_45 = arith.constant 0 : i32
    %dma_start3A_46 = tpu.memref_slice %arg2[%dma_start3A_44, %dma_start3A_45] : memref<1000064x128xf32, #tpu.memory_space<hbm>> -> memref<1000064x128xf32, #tpu.memory_space<hbm>>
    tpu.enqueue_indirect_dma source(%dma_start3A_46 : memref<1000064x128xf32, #tpu.memory_space<hbm>>) target(%arg6 : memref<320x128xf32, #tpu.memory_space<vmem>>) offsets(%dma_start3A_43 : memref<320xi32, #tpu.memory_space<vmem>>) semaphore(%arg8 : memref<!tpu.dma_semaphore, #tpu.memory_space<semaphore_mem>>)
    %dma_wait3A_47 = arith.constant 960 : i32
    %dma_wait3A_48 = tpu.memref_slice %arg5[%dma_wait3A_47] : memref<6400xi32, #tpu.memory_space<vmem>> -> memref<320xi32, #tpu.memory_space<vmem>>
    %dma_wait3A_49 = arith.constant 0 : i32
    %dma_wait3A_50 = arith.constant 0 : i32
    %dma_wait3A_51 = tpu.memref_slice %arg2[%dma_wait3A_49, %dma_wait3A_50] : memref<1000064x128xf32, #tpu.memory_space<hbm>> -> memref<1000064x128xf32, #tpu.memory_space<hbm>>
    tpu.wait_indirect_dma semaphore(%arg9 : memref<!tpu.dma_semaphore, #tpu.memory_space<semaphore_mem>>) src(%dma_wait3A_51 : memref<1000064x128xf32, #tpu.memory_space<hbm>>) dst(%arg7 : memref<320x128xf32, #tpu.memory_space<vmem>>)
    %add3A_52 = arith.constant 960 : i32
    %add3A_53 = arith.addi %mul3A_2, %add3A_52 : i32
    "tpu.region"() ({
      %run_scoped3A = tpu.sem_alloc : memref<!tpu.dma_semaphore, #tpu.memory_space<semaphore_mem>>
      %dma_start3A_241 = arith.constant 0 : i32
      %dma_start3A_242 = tpu.memref_slice %arg4[%add3A_53, %dma_start3A_241] : memref<204800x128xf32, #tpu.memory_space<hbm>> -> memref<320x128xf32, #tpu.memory_space<hbm>>
      %dma_start3A_243 = arith.constant 0 : i32
      %dma_start3A_244 = tpu.memref_slice %arg4[%add3A_53, %dma_start3A_243] : memref<204800x128xf32, #tpu.memory_space<hbm>> -> memref<320x128xf32, #tpu.memory_space<hbm>>
      tpu.enqueue_dma source(%arg7 : memref<320x128xf32, #tpu.memory_space<vmem>>) target(%dma_start3A_244 : memref<320x128xf32, #tpu.memory_space<hbm>>) target_semaphore(%run_scoped3A : memref<!tpu.dma_semaphore, #tpu.memory_space<semaphore_mem>>)
      %dma_wait3A_245 = arith.constant 0 : i32
      %dma_wait3A_246 = tpu.memref_slice %arg4[%add3A_53, %dma_wait3A_245] : memref<204800x128xf32, #tpu.memory_space<hbm>> -> memref<320x128xf32, #tpu.memory_space<hbm>>
      %dma_wait3A_247 = arith.constant 0 : i32
      %dma_wait3A_248 = tpu.memref_slice %arg4[%add3A_53, %dma_wait3A_247] : memref<204800x128xf32, #tpu.memory_space<hbm>> -> memref<320x128xf32, #tpu.memory_space<hbm>>
      tpu.wait_dma2 semaphore(%run_scoped3A : memref<!tpu.dma_semaphore, #tpu.memory_space<semaphore_mem>>) src(%arg7 : memref<320x128xf32, #tpu.memory_space<vmem>>) dst(%dma_wait3A_248 : memref<320x128xf32, #tpu.memory_space<hbm>>)
      tpu.yield
    }) : () -> ()
    %dma_start3A_54 = arith.constant 1600 : i32
    %dma_start3A_55 = tpu.memref_slice %arg5[%dma_start3A_54] : memref<6400xi32, #tpu.memory_space<vmem>> -> memref<320xi32, #tpu.memory_space<vmem>>
    %dma_start3A_56 = arith.constant 0 : i32
    %dma_start3A_57 = arith.constant 0 : i32
    %dma_start3A_58 = tpu.memref_slice %arg2[%dma_start3A_56, %dma_start3A_57] : memref<1000064x128xf32, #tpu.memory_space<hbm>> -> memref<1000064x128xf32, #tpu.memory_space<hbm>>
    tpu.enqueue_indirect_dma source(%dma_start3A_58 : memref<1000064x128xf32, #tpu.memory_space<hbm>>) target(%arg7 : memref<320x128xf32, #tpu.memory_space<vmem>>) offsets(%dma_start3A_55 : memref<320xi32, #tpu.memory_space<vmem>>) semaphore(%arg9 : memref<!tpu.dma_semaphore, #tpu.memory_space<semaphore_mem>>)
    %dma_wait3A_59 = arith.constant 1280 : i32
    %dma_wait3A_60 = tpu.memref_slice %arg5[%dma_wait3A_59] : memref<6400xi32, #tpu.memory_space<vmem>> -> memref<320xi32, #tpu.memory_space<vmem>>
    %dma_wait3A_61 = arith.constant 0 : i32
    %dma_wait3A_62 = arith.constant 0 : i32
    %dma_wait3A_63 = tpu.memref_slice %arg2[%dma_wait3A_61, %dma_wait3A_62] : memref<1000064x128xf32, #tpu.memory_space<hbm>> -> memref<1000064x128xf32, #tpu.memory_space<hbm>>
    tpu.wait_indirect_dma semaphore(%arg8 : memref<!tpu.dma_semaphore, #tpu.memory_space<semaphore_mem>>) src(%dma_wait3A_63 : memref<1000064x128xf32, #tpu.memory_space<hbm>>) dst(%arg6 : memref<320x128xf32, #tpu.memory_space<vmem>>)
    %add3A_64 = arith.constant 1280 : i32
    %add3A_65 = arith.addi %mul3A_2, %add3A_64 : i32
    "tpu.region"() ({
      %run_scoped3A = tpu.sem_alloc : memref<!tpu.dma_semaphore, #tpu.memory_space<semaphore_mem>>
      %dma_start3A_241 = arith.constant 0 : i32
      %dma_start3A_242 = tpu.memref_slice %arg4[%add3A_65, %dma_start3A_241] : memref<204800x128xf32, #tpu.memory_space<hbm>> -> memref<320x128xf32, #tpu.memory_space<hbm>>
      %dma_start3A_243 = arith.constant 0 : i32
      %dma_start3A_244 = tpu.memref_slice %arg4[%add3A_65, %dma_start3A_243] : memref<204800x128xf32, #tpu.memory_space<hbm>> -> memref<320x128xf32, #tpu.memory_space<hbm>>
      tpu.enqueue_dma source(%arg6 : memref<320x128xf32, #tpu.memory_space<vmem>>) target(%dma_start3A_244 : memref<320x128xf32, #tpu.memory_space<hbm>>) target_semaphore(%run_scoped3A : memref<!tpu.dma_semaphore, #tpu.memory_space<semaphore_mem>>)
      %dma_wait3A_245 = arith.constant 0 : i32
      %dma_wait3A_246 = tpu.memref_slice %arg4[%add3A_65, %dma_wait3A_245] : memref<204800x128xf32, #tpu.memory_space<hbm>> -> memref<320x128xf32, #tpu.memory_space<hbm>>
      %dma_wait3A_247 = arith.constant 0 : i32
      %dma_wait3A_248 = tpu.memref_slice %arg4[%add3A_65, %dma_wait3A_247] : memref<204800x128xf32, #tpu.memory_space<hbm>> -> memref<320x128xf32, #tpu.memory_space<hbm>>
      tpu.wait_dma2 semaphore(%run_scoped3A : memref<!tpu.dma_semaphore, #tpu.memory_space<semaphore_mem>>) src(%arg6 : memref<320x128xf32, #tpu.memory_space<vmem>>) dst(%dma_wait3A_248 : memref<320x128xf32, #tpu.memory_space<hbm>>)
      tpu.yield
    }) : () -> ()
    %dma_start3A_66 = arith.constant 1920 : i32
    %dma_start3A_67 = tpu.memref_slice %arg5[%dma_start3A_66] : memref<6400xi32, #tpu.memory_space<vmem>> -> memref<320xi32, #tpu.memory_space<vmem>>
    %dma_start3A_68 = arith.constant 0 : i32
    %dma_start3A_69 = arith.constant 0 : i32
    %dma_start3A_70 = tpu.memref_slice %arg2[%dma_start3A_68, %dma_start3A_69] : memref<1000064x128xf32, #tpu.memory_space<hbm>> -> memref<1000064x128xf32, #tpu.memory_space<hbm>>
    tpu.enqueue_indirect_dma source(%dma_start3A_70 : memref<1000064x128xf32, #tpu.memory_space<hbm>>) target(%arg6 : memref<320x128xf32, #tpu.memory_space<vmem>>) offsets(%dma_start3A_67 : memref<320xi32, #tpu.memory_space<vmem>>) semaphore(%arg8 : memref<!tpu.dma_semaphore, #tpu.memory_space<semaphore_mem>>)
    %dma_wait3A_71 = arith.constant 1600 : i32
    %dma_wait3A_72 = tpu.memref_slice %arg5[%dma_wait3A_71] : memref<6400xi32, #tpu.memory_space<vmem>> -> memref<320xi32, #tpu.memory_space<vmem>>
    %dma_wait3A_73 = arith.constant 0 : i32
    %dma_wait3A_74 = arith.constant 0 : i32
    %dma_wait3A_75 = tpu.memref_slice %arg2[%dma_wait3A_73, %dma_wait3A_74] : memref<1000064x128xf32, #tpu.memory_space<hbm>> -> memref<1000064x128xf32, #tpu.memory_space<hbm>>
    tpu.wait_indirect_dma semaphore(%arg9 : memref<!tpu.dma_semaphore, #tpu.memory_space<semaphore_mem>>) src(%dma_wait3A_75 : memref<1000064x128xf32, #tpu.memory_space<hbm>>) dst(%arg7 : memref<320x128xf32, #tpu.memory_space<vmem>>)
    %add3A_76 = arith.constant 1600 : i32
    %add3A_77 = arith.addi %mul3A_2, %add3A_76 : i32
    "tpu.region"() ({
      %run_scoped3A = tpu.sem_alloc : memref<!tpu.dma_semaphore, #tpu.memory_space<semaphore_mem>>
      %dma_start3A_241 = arith.constant 0 : i32
      %dma_start3A_242 = tpu.memref_slice %arg4[%add3A_77, %dma_start3A_241] : memref<204800x128xf32, #tpu.memory_space<hbm>> -> memref<320x128xf32, #tpu.memory_space<hbm>>
      %dma_start3A_243 = arith.constant 0 : i32
      %dma_start3A_244 = tpu.memref_slice %arg4[%add3A_77, %dma_start3A_243] : memref<204800x128xf32, #tpu.memory_space<hbm>> -> memref<320x128xf32, #tpu.memory_space<hbm>>
      tpu.enqueue_dma source(%arg7 : memref<320x128xf32, #tpu.memory_space<vmem>>) target(%dma_start3A_244 : memref<320x128xf32, #tpu.memory_space<hbm>>) target_semaphore(%run_scoped3A : memref<!tpu.dma_semaphore, #tpu.memory_space<semaphore_mem>>)
      %dma_wait3A_245 = arith.constant 0 : i32
      %dma_wait3A_246 = tpu.memref_slice %arg4[%add3A_77, %dma_wait3A_245] : memref<204800x128xf32, #tpu.memory_space<hbm>> -> memref<320x128xf32, #tpu.memory_space<hbm>>
      %dma_wait3A_247 = arith.constant 0 : i32
      %dma_wait3A_248 = tpu.memref_slice %arg4[%add3A_77, %dma_wait3A_247] : memref<204800x128xf32, #tpu.memory_space<hbm>> -> memref<320x128xf32, #tpu.memory_space<hbm>>
      tpu.wait_dma2 semaphore(%run_scoped3A : memref<!tpu.dma_semaphore, #tpu.memory_space<semaphore_mem>>) src(%arg7 : memref<320x128xf32, #tpu.memory_space<vmem>>) dst(%dma_wait3A_248 : memref<320x128xf32, #tpu.memory_space<hbm>>)
      tpu.yield
    }) : () -> ()
    %dma_start3A_78 = arith.constant 2240 : i32
    %dma_start3A_79 = tpu.memref_slice %arg5[%dma_start3A_78] : memref<6400xi32, #tpu.memory_space<vmem>> -> memref<320xi32, #tpu.memory_space<vmem>>
    %dma_start3A_80 = arith.constant 0 : i32
    %dma_start3A_81 = arith.constant 0 : i32
    %dma_start3A_82 = tpu.memref_slice %arg2[%dma_start3A_80, %dma_start3A_81] : memref<1000064x128xf32, #tpu.memory_space<hbm>> -> memref<1000064x128xf32, #tpu.memory_space<hbm>>
    tpu.enqueue_indirect_dma source(%dma_start3A_82 : memref<1000064x128xf32, #tpu.memory_space<hbm>>) target(%arg7 : memref<320x128xf32, #tpu.memory_space<vmem>>) offsets(%dma_start3A_79 : memref<320xi32, #tpu.memory_space<vmem>>) semaphore(%arg9 : memref<!tpu.dma_semaphore, #tpu.memory_space<semaphore_mem>>)
    %dma_wait3A_83 = arith.constant 1920 : i32
    %dma_wait3A_84 = tpu.memref_slice %arg5[%dma_wait3A_83] : memref<6400xi32, #tpu.memory_space<vmem>> -> memref<320xi32, #tpu.memory_space<vmem>>
    %dma_wait3A_85 = arith.constant 0 : i32
    %dma_wait3A_86 = arith.constant 0 : i32
    %dma_wait3A_87 = tpu.memref_slice %arg2[%dma_wait3A_85, %dma_wait3A_86] : memref<1000064x128xf32, #tpu.memory_space<hbm>> -> memref<1000064x128xf32, #tpu.memory_space<hbm>>
    tpu.wait_indirect_dma semaphore(%arg8 : memref<!tpu.dma_semaphore, #tpu.memory_space<semaphore_mem>>) src(%dma_wait3A_87 : memref<1000064x128xf32, #tpu.memory_space<hbm>>) dst(%arg6 : memref<320x128xf32, #tpu.memory_space<vmem>>)
    %add3A_88 = arith.constant 1920 : i32
    %add3A_89 = arith.addi %mul3A_2, %add3A_88 : i32
    "tpu.region"() ({
      %run_scoped3A = tpu.sem_alloc : memref<!tpu.dma_semaphore, #tpu.memory_space<semaphore_mem>>
      %dma_start3A_241 = arith.constant 0 : i32
      %dma_start3A_242 = tpu.memref_slice %arg4[%add3A_89, %dma_start3A_241] : memref<204800x128xf32, #tpu.memory_space<hbm>> -> memref<320x128xf32, #tpu.memory_space<hbm>>
      %dma_start3A_243 = arith.constant 0 : i32
      %dma_start3A_244 = tpu.memref_slice %arg4[%add3A_89, %dma_start3A_243] : memref<204800x128xf32, #tpu.memory_space<hbm>> -> memref<320x128xf32, #tpu.memory_space<hbm>>
      tpu.enqueue_dma source(%arg6 : memref<320x128xf32, #tpu.memory_space<vmem>>) target(%dma_start3A_244 : memref<320x128xf32, #tpu.memory_space<hbm>>) target_semaphore(%run_scoped3A : memref<!tpu.dma_semaphore, #tpu.memory_space<semaphore_mem>>)
      %dma_wait3A_245 = arith.constant 0 : i32
      %dma_wait3A_246 = tpu.memref_slice %arg4[%add3A_89, %dma_wait3A_245] : memref<204800x128xf32, #tpu.memory_space<hbm>> -> memref<320x128xf32, #tpu.memory_space<hbm>>
      %dma_wait3A_247 = arith.constant 0 : i32
      %dma_wait3A_248 = tpu.memref_slice %arg4[%add3A_89, %dma_wait3A_247] : memref<204800x128xf32, #tpu.memory_space<hbm>> -> memref<320x128xf32, #tpu.memory_space<hbm>>
      tpu.wait_dma2 semaphore(%run_scoped3A : memref<!tpu.dma_semaphore, #tpu.memory_space<semaphore_mem>>) src(%arg6 : memref<320x128xf32, #tpu.memory_space<vmem>>) dst(%dma_wait3A_248 : memref<320x128xf32, #tpu.memory_space<hbm>>)
      tpu.yield
    }) : () -> ()
    %dma_start3A_90 = arith.constant 2560 : i32
    %dma_start3A_91 = tpu.memref_slice %arg5[%dma_start3A_90] : memref<6400xi32, #tpu.memory_space<vmem>> -> memref<320xi32, #tpu.memory_space<vmem>>
    %dma_start3A_92 = arith.constant 0 : i32
    %dma_start3A_93 = arith.constant 0 : i32
    %dma_start3A_94 = tpu.memref_slice %arg2[%dma_start3A_92, %dma_start3A_93] : memref<1000064x128xf32, #tpu.memory_space<hbm>> -> memref<1000064x128xf32, #tpu.memory_space<hbm>>
    tpu.enqueue_indirect_dma source(%dma_start3A_94 : memref<1000064x128xf32, #tpu.memory_space<hbm>>) target(%arg6 : memref<320x128xf32, #tpu.memory_space<vmem>>) offsets(%dma_start3A_91 : memref<320xi32, #tpu.memory_space<vmem>>) semaphore(%arg8 : memref<!tpu.dma_semaphore, #tpu.memory_space<semaphore_mem>>)
    %dma_wait3A_95 = arith.constant 2240 : i32
    %dma_wait3A_96 = tpu.memref_slice %arg5[%dma_wait3A_95] : memref<6400xi32, #tpu.memory_space<vmem>> -> memref<320xi32, #tpu.memory_space<vmem>>
    %dma_wait3A_97 = arith.constant 0 : i32
    %dma_wait3A_98 = arith.constant 0 : i32
    %dma_wait3A_99 = tpu.memref_slice %arg2[%dma_wait3A_97, %dma_wait3A_98] : memref<1000064x128xf32, #tpu.memory_space<hbm>> -> memref<1000064x128xf32, #tpu.memory_space<hbm>>
    tpu.wait_indirect_dma semaphore(%arg9 : memref<!tpu.dma_semaphore, #tpu.memory_space<semaphore_mem>>) src(%dma_wait3A_99 : memref<1000064x128xf32, #tpu.memory_space<hbm>>) dst(%arg7 : memref<320x128xf32, #tpu.memory_space<vmem>>)
    %add3A_100 = arith.constant 2240 : i32
    %add3A_101 = arith.addi %mul3A_2, %add3A_100 : i32
    "tpu.region"() ({
      %run_scoped3A = tpu.sem_alloc : memref<!tpu.dma_semaphore, #tpu.memory_space<semaphore_mem>>
      %dma_start3A_241 = arith.constant 0 : i32
      %dma_start3A_242 = tpu.memref_slice %arg4[%add3A_101, %dma_start3A_241] : memref<204800x128xf32, #tpu.memory_space<hbm>> -> memref<320x128xf32, #tpu.memory_space<hbm>>
      %dma_start3A_243 = arith.constant 0 : i32
      %dma_start3A_244 = tpu.memref_slice %arg4[%add3A_101, %dma_start3A_243] : memref<204800x128xf32, #tpu.memory_space<hbm>> -> memref<320x128xf32, #tpu.memory_space<hbm>>
      tpu.enqueue_dma source(%arg7 : memref<320x128xf32, #tpu.memory_space<vmem>>) target(%dma_start3A_244 : memref<320x128xf32, #tpu.memory_space<hbm>>) target_semaphore(%run_scoped3A : memref<!tpu.dma_semaphore, #tpu.memory_space<semaphore_mem>>)
      %dma_wait3A_245 = arith.constant 0 : i32
      %dma_wait3A_246 = tpu.memref_slice %arg4[%add3A_101, %dma_wait3A_245] : memref<204800x128xf32, #tpu.memory_space<hbm>> -> memref<320x128xf32, #tpu.memory_space<hbm>>
      %dma_wait3A_247 = arith.constant 0 : i32
      %dma_wait3A_248 = tpu.memref_slice %arg4[%add3A_101, %dma_wait3A_247] : memref<204800x128xf32, #tpu.memory_space<hbm>> -> memref<320x128xf32, #tpu.memory_space<hbm>>
      tpu.wait_dma2 semaphore(%run_scoped3A : memref<!tpu.dma_semaphore, #tpu.memory_space<semaphore_mem>>) src(%arg7 : memref<320x128xf32, #tpu.memory_space<vmem>>) dst(%dma_wait3A_248 : memref<320x128xf32, #tpu.memory_space<hbm>>)
      tpu.yield
    }) : () -> ()
    %dma_start3A_102 = arith.constant 2880 : i32
    %dma_start3A_103 = tpu.memref_slice %arg5[%dma_start3A_102] : memref<6400xi32, #tpu.memory_space<vmem>> -> memref<320xi32, #tpu.memory_space<vmem>>
    %dma_start3A_104 = arith.constant 0 : i32
    %dma_start3A_105 = arith.constant 0 : i32
    %dma_start3A_106 = tpu.memref_slice %arg2[%dma_start3A_104, %dma_start3A_105] : memref<1000064x128xf32, #tpu.memory_space<hbm>> -> memref<1000064x128xf32, #tpu.memory_space<hbm>>
    tpu.enqueue_indirect_dma source(%dma_start3A_106 : memref<1000064x128xf32, #tpu.memory_space<hbm>>) target(%arg7 : memref<320x128xf32, #tpu.memory_space<vmem>>) offsets(%dma_start3A_103 : memref<320xi32, #tpu.memory_space<vmem>>) semaphore(%arg9 : memref<!tpu.dma_semaphore, #tpu.memory_space<semaphore_mem>>)
    %dma_wait3A_107 = arith.constant 2560 : i32
    %dma_wait3A_108 = tpu.memref_slice %arg5[%dma_wait3A_107] : memref<6400xi32, #tpu.memory_space<vmem>> -> memref<320xi32, #tpu.memory_space<vmem>>
    %dma_wait3A_109 = arith.constant 0 : i32
    %dma_wait3A_110 = arith.constant 0 : i32
    %dma_wait3A_111 = tpu.memref_slice %arg2[%dma_wait3A_109, %dma_wait3A_110] : memref<1000064x128xf32, #tpu.memory_space<hbm>> -> memref<1000064x128xf32, #tpu.memory_space<hbm>>
    tpu.wait_indirect_dma semaphore(%arg8 : memref<!tpu.dma_semaphore, #tpu.memory_space<semaphore_mem>>) src(%dma_wait3A_111 : memref<1000064x128xf32, #tpu.memory_space<hbm>>) dst(%arg6 : memref<320x128xf32, #tpu.memory_space<vmem>>)
    %add3A_112 = arith.constant 2560 : i32
    %add3A_113 = arith.addi %mul3A_2, %add3A_112 : i32
    "tpu.region"() ({
      %run_scoped3A = tpu.sem_alloc : memref<!tpu.dma_semaphore, #tpu.memory_space<semaphore_mem>>
      %dma_start3A_241 = arith.constant 0 : i32
      %dma_start3A_242 = tpu.memref_slice %arg4[%add3A_113, %dma_start3A_241] : memref<204800x128xf32, #tpu.memory_space<hbm>> -> memref<320x128xf32, #tpu.memory_space<hbm>>
      %dma_start3A_243 = arith.constant 0 : i32
      %dma_start3A_244 = tpu.memref_slice %arg4[%add3A_113, %dma_start3A_243] : memref<204800x128xf32, #tpu.memory_space<hbm>> -> memref<320x128xf32, #tpu.memory_space<hbm>>
      tpu.enqueue_dma source(%arg6 : memref<320x128xf32, #tpu.memory_space<vmem>>) target(%dma_start3A_244 : memref<320x128xf32, #tpu.memory_space<hbm>>) target_semaphore(%run_scoped3A : memref<!tpu.dma_semaphore, #tpu.memory_space<semaphore_mem>>)
      %dma_wait3A_245 = arith.constant 0 : i32
      %dma_wait3A_246 = tpu.memref_slice %arg4[%add3A_113, %dma_wait3A_245] : memref<204800x128xf32, #tpu.memory_space<hbm>> -> memref<320x128xf32, #tpu.memory_space<hbm>>
      %dma_wait3A_247 = arith.constant 0 : i32
      %dma_wait3A_248 = tpu.memref_slice %arg4[%add3A_113, %dma_wait3A_247] : memref<204800x128xf32, #tpu.memory_space<hbm>> -> memref<320x128xf32, #tpu.memory_space<hbm>>
      tpu.wait_dma2 semaphore(%run_scoped3A : memref<!tpu.dma_semaphore, #tpu.memory_space<semaphore_mem>>) src(%arg6 : memref<320x128xf32, #tpu.memory_space<vmem>>) dst(%dma_wait3A_248 : memref<320x128xf32, #tpu.memory_space<hbm>>)
      tpu.yield
    }) : () -> ()
    %dma_start3A_114 = arith.constant 3200 : i32
    %dma_start3A_115 = tpu.memref_slice %arg5[%dma_start3A_114] : memref<6400xi32, #tpu.memory_space<vmem>> -> memref<320xi32, #tpu.memory_space<vmem>>
    %dma_start3A_116 = arith.constant 0 : i32
    %dma_start3A_117 = arith.constant 0 : i32
    %dma_start3A_118 = tpu.memref_slice %arg2[%dma_start3A_116, %dma_start3A_117] : memref<1000064x128xf32, #tpu.memory_space<hbm>> -> memref<1000064x128xf32, #tpu.memory_space<hbm>>
    tpu.enqueue_indirect_dma source(%dma_start3A_118 : memref<1000064x128xf32, #tpu.memory_space<hbm>>) target(%arg6 : memref<320x128xf32, #tpu.memory_space<vmem>>) offsets(%dma_start3A_115 : memref<320xi32, #tpu.memory_space<vmem>>) semaphore(%arg8 : memref<!tpu.dma_semaphore, #tpu.memory_space<semaphore_mem>>)
    %dma_wait3A_119 = arith.constant 2880 : i32
    %dma_wait3A_120 = tpu.memref_slice %arg5[%dma_wait3A_119] : memref<6400xi32, #tpu.memory_space<vmem>> -> memref<320xi32, #tpu.memory_space<vmem>>
    %dma_wait3A_121 = arith.constant 0 : i32
    %dma_wait3A_122 = arith.constant 0 : i32
    %dma_wait3A_123 = tpu.memref_slice %arg2[%dma_wait3A_121, %dma_wait3A_122] : memref<1000064x128xf32, #tpu.memory_space<hbm>> -> memref<1000064x128xf32, #tpu.memory_space<hbm>>
    tpu.wait_indirect_dma semaphore(%arg9 : memref<!tpu.dma_semaphore, #tpu.memory_space<semaphore_mem>>) src(%dma_wait3A_123 : memref<1000064x128xf32, #tpu.memory_space<hbm>>) dst(%arg7 : memref<320x128xf32, #tpu.memory_space<vmem>>)
    %add3A_124 = arith.constant 2880 : i32
    %add3A_125 = arith.addi %mul3A_2, %add3A_124 : i32
    "tpu.region"() ({
      %run_scoped3A = tpu.sem_alloc : memref<!tpu.dma_semaphore, #tpu.memory_space<semaphore_mem>>
      %dma_start3A_241 = arith.constant 0 : i32
      %dma_start3A_242 = tpu.memref_slice %arg4[%add3A_125, %dma_start3A_241] : memref<204800x128xf32, #tpu.memory_space<hbm>> -> memref<320x128xf32, #tpu.memory_space<hbm>>
      %dma_start3A_243 = arith.constant 0 : i32
      %dma_start3A_244 = tpu.memref_slice %arg4[%add3A_125, %dma_start3A_243] : memref<204800x128xf32, #tpu.memory_space<hbm>> -> memref<320x128xf32, #tpu.memory_space<hbm>>
      tpu.enqueue_dma source(%arg7 : memref<320x128xf32, #tpu.memory_space<vmem>>) target(%dma_start3A_244 : memref<320x128xf32, #tpu.memory_space<hbm>>) target_semaphore(%run_scoped3A : memref<!tpu.dma_semaphore, #tpu.memory_space<semaphore_mem>>)
      %dma_wait3A_245 = arith.constant 0 : i32
      %dma_wait3A_246 = tpu.memref_slice %arg4[%add3A_125, %dma_wait3A_245] : memref<204800x128xf32, #tpu.memory_space<hbm>> -> memref<320x128xf32, #tpu.memory_space<hbm>>
      %dma_wait3A_247 = arith.constant 0 : i32
      %dma_wait3A_248 = tpu.memref_slice %arg4[%add3A_125, %dma_wait3A_247] : memref<204800x128xf32, #tpu.memory_space<hbm>> -> memref<320x128xf32, #tpu.memory_space<hbm>>
      tpu.wait_dma2 semaphore(%run_scoped3A : memref<!tpu.dma_semaphore, #tpu.memory_space<semaphore_mem>>) src(%arg7 : memref<320x128xf32, #tpu.memory_space<vmem>>) dst(%dma_wait3A_248 : memref<320x128xf32, #tpu.memory_space<hbm>>)
      tpu.yield
    }) : () -> ()
    %dma_start3A_126 = arith.constant 3520 : i32
    %dma_start3A_127 = tpu.memref_slice %arg5[%dma_start3A_126] : memref<6400xi32, #tpu.memory_space<vmem>> -> memref<320xi32, #tpu.memory_space<vmem>>
    %dma_start3A_128 = arith.constant 0 : i32
    %dma_start3A_129 = arith.constant 0 : i32
    %dma_start3A_130 = tpu.memref_slice %arg2[%dma_start3A_128, %dma_start3A_129] : memref<1000064x128xf32, #tpu.memory_space<hbm>> -> memref<1000064x128xf32, #tpu.memory_space<hbm>>
    tpu.enqueue_indirect_dma source(%dma_start3A_130 : memref<1000064x128xf32, #tpu.memory_space<hbm>>) target(%arg7 : memref<320x128xf32, #tpu.memory_space<vmem>>) offsets(%dma_start3A_127 : memref<320xi32, #tpu.memory_space<vmem>>) semaphore(%arg9 : memref<!tpu.dma_semaphore, #tpu.memory_space<semaphore_mem>>)
    %dma_wait3A_131 = arith.constant 3200 : i32
    %dma_wait3A_132 = tpu.memref_slice %arg5[%dma_wait3A_131] : memref<6400xi32, #tpu.memory_space<vmem>> -> memref<320xi32, #tpu.memory_space<vmem>>
    %dma_wait3A_133 = arith.constant 0 : i32
    %dma_wait3A_134 = arith.constant 0 : i32
    %dma_wait3A_135 = tpu.memref_slice %arg2[%dma_wait3A_133, %dma_wait3A_134] : memref<1000064x128xf32, #tpu.memory_space<hbm>> -> memref<1000064x128xf32, #tpu.memory_space<hbm>>
    tpu.wait_indirect_dma semaphore(%arg8 : memref<!tpu.dma_semaphore, #tpu.memory_space<semaphore_mem>>) src(%dma_wait3A_135 : memref<1000064x128xf32, #tpu.memory_space<hbm>>) dst(%arg6 : memref<320x128xf32, #tpu.memory_space<vmem>>)
    %add3A_136 = arith.constant 3200 : i32
    %add3A_137 = arith.addi %mul3A_2, %add3A_136 : i32
    "tpu.region"() ({
      %run_scoped3A = tpu.sem_alloc : memref<!tpu.dma_semaphore, #tpu.memory_space<semaphore_mem>>
      %dma_start3A_241 = arith.constant 0 : i32
      %dma_start3A_242 = tpu.memref_slice %arg4[%add3A_137, %dma_start3A_241] : memref<204800x128xf32, #tpu.memory_space<hbm>> -> memref<320x128xf32, #tpu.memory_space<hbm>>
      %dma_start3A_243 = arith.constant 0 : i32
      %dma_start3A_244 = tpu.memref_slice %arg4[%add3A_137, %dma_start3A_243] : memref<204800x128xf32, #tpu.memory_space<hbm>> -> memref<320x128xf32, #tpu.memory_space<hbm>>
      tpu.enqueue_dma source(%arg6 : memref<320x128xf32, #tpu.memory_space<vmem>>) target(%dma_start3A_244 : memref<320x128xf32, #tpu.memory_space<hbm>>) target_semaphore(%run_scoped3A : memref<!tpu.dma_semaphore, #tpu.memory_space<semaphore_mem>>)
      %dma_wait3A_245 = arith.constant 0 : i32
      %dma_wait3A_246 = tpu.memref_slice %arg4[%add3A_137, %dma_wait3A_245] : memref<204800x128xf32, #tpu.memory_space<hbm>> -> memref<320x128xf32, #tpu.memory_space<hbm>>
      %dma_wait3A_247 = arith.constant 0 : i32
      %dma_wait3A_248 = tpu.memref_slice %arg4[%add3A_137, %dma_wait3A_247] : memref<204800x128xf32, #tpu.memory_space<hbm>> -> memref<320x128xf32, #tpu.memory_space<hbm>>
      tpu.wait_dma2 semaphore(%run_scoped3A : memref<!tpu.dma_semaphore, #tpu.memory_space<semaphore_mem>>) src(%arg6 : memref<320x128xf32, #tpu.memory_space<vmem>>) dst(%dma_wait3A_248 : memref<320x128xf32, #tpu.memory_space<hbm>>)
      tpu.yield
    }) : () -> ()
    %dma_start3A_138 = arith.constant 3840 : i32
    %dma_start3A_139 = tpu.memref_slice %arg5[%dma_start3A_138] : memref<6400xi32, #tpu.memory_space<vmem>> -> memref<320xi32, #tpu.memory_space<vmem>>
    %dma_start3A_140 = arith.constant 0 : i32
    %dma_start3A_141 = arith.constant 0 : i32
    %dma_start3A_142 = tpu.memref_slice %arg2[%dma_start3A_140, %dma_start3A_141] : memref<1000064x128xf32, #tpu.memory_space<hbm>> -> memref<1000064x128xf32, #tpu.memory_space<hbm>>
    tpu.enqueue_indirect_dma source(%dma_start3A_142 : memref<1000064x128xf32, #tpu.memory_space<hbm>>) target(%arg6 : memref<320x128xf32, #tpu.memory_space<vmem>>) offsets(%dma_start3A_139 : memref<320xi32, #tpu.memory_space<vmem>>) semaphore(%arg8 : memref<!tpu.dma_semaphore, #tpu.memory_space<semaphore_mem>>)
    %dma_wait3A_143 = arith.constant 3520 : i32
    %dma_wait3A_144 = tpu.memref_slice %arg5[%dma_wait3A_143] : memref<6400xi32, #tpu.memory_space<vmem>> -> memref<320xi32, #tpu.memory_space<vmem>>
    %dma_wait3A_145 = arith.constant 0 : i32
    %dma_wait3A_146 = arith.constant 0 : i32
    %dma_wait3A_147 = tpu.memref_slice %arg2[%dma_wait3A_145, %dma_wait3A_146] : memref<1000064x128xf32, #tpu.memory_space<hbm>> -> memref<1000064x128xf32, #tpu.memory_space<hbm>>
    tpu.wait_indirect_dma semaphore(%arg9 : memref<!tpu.dma_semaphore, #tpu.memory_space<semaphore_mem>>) src(%dma_wait3A_147 : memref<1000064x128xf32, #tpu.memory_space<hbm>>) dst(%arg7 : memref<320x128xf32, #tpu.memory_space<vmem>>)
    %add3A_148 = arith.constant 3520 : i32
    %add3A_149 = arith.addi %mul3A_2, %add3A_148 : i32
    "tpu.region"() ({
      %run_scoped3A = tpu.sem_alloc : memref<!tpu.dma_semaphore, #tpu.memory_space<semaphore_mem>>
      %dma_start3A_241 = arith.constant 0 : i32
      %dma_start3A_242 = tpu.memref_slice %arg4[%add3A_149, %dma_start3A_241] : memref<204800x128xf32, #tpu.memory_space<hbm>> -> memref<320x128xf32, #tpu.memory_space<hbm>>
      %dma_start3A_243 = arith.constant 0 : i32
      %dma_start3A_244 = tpu.memref_slice %arg4[%add3A_149, %dma_start3A_243] : memref<204800x128xf32, #tpu.memory_space<hbm>> -> memref<320x128xf32, #tpu.memory_space<hbm>>
      tpu.enqueue_dma source(%arg7 : memref<320x128xf32, #tpu.memory_space<vmem>>) target(%dma_start3A_244 : memref<320x128xf32, #tpu.memory_space<hbm>>) target_semaphore(%run_scoped3A : memref<!tpu.dma_semaphore, #tpu.memory_space<semaphore_mem>>)
      %dma_wait3A_245 = arith.constant 0 : i32
      %dma_wait3A_246 = tpu.memref_slice %arg4[%add3A_149, %dma_wait3A_245] : memref<204800x128xf32, #tpu.memory_space<hbm>> -> memref<320x128xf32, #tpu.memory_space<hbm>>
      %dma_wait3A_247 = arith.constant 0 : i32
      %dma_wait3A_248 = tpu.memref_slice %arg4[%add3A_149, %dma_wait3A_247] : memref<204800x128xf32, #tpu.memory_space<hbm>> -> memref<320x128xf32, #tpu.memory_space<hbm>>
      tpu.wait_dma2 semaphore(%run_scoped3A : memref<!tpu.dma_semaphore, #tpu.memory_space<semaphore_mem>>) src(%arg7 : memref<320x128xf32, #tpu.memory_space<vmem>>) dst(%dma_wait3A_248 : memref<320x128xf32, #tpu.memory_space<hbm>>)
      tpu.yield
    }) : () -> ()
    %dma_start3A_150 = arith.constant 4160 : i32
    %dma_start3A_151 = tpu.memref_slice %arg5[%dma_start3A_150] : memref<6400xi32, #tpu.memory_space<vmem>> -> memref<320xi32, #tpu.memory_space<vmem>>
    %dma_start3A_152 = arith.constant 0 : i32
    %dma_start3A_153 = arith.constant 0 : i32
    %dma_start3A_154 = tpu.memref_slice %arg2[%dma_start3A_152, %dma_start3A_153] : memref<1000064x128xf32, #tpu.memory_space<hbm>> -> memref<1000064x128xf32, #tpu.memory_space<hbm>>
    tpu.enqueue_indirect_dma source(%dma_start3A_154 : memref<1000064x128xf32, #tpu.memory_space<hbm>>) target(%arg7 : memref<320x128xf32, #tpu.memory_space<vmem>>) offsets(%dma_start3A_151 : memref<320xi32, #tpu.memory_space<vmem>>) semaphore(%arg9 : memref<!tpu.dma_semaphore, #tpu.memory_space<semaphore_mem>>)
    %dma_wait3A_155 = arith.constant 3840 : i32
    %dma_wait3A_156 = tpu.memref_slice %arg5[%dma_wait3A_155] : memref<6400xi32, #tpu.memory_space<vmem>> -> memref<320xi32, #tpu.memory_space<vmem>>
    %dma_wait3A_157 = arith.constant 0 : i32
    %dma_wait3A_158 = arith.constant 0 : i32
    %dma_wait3A_159 = tpu.memref_slice %arg2[%dma_wait3A_157, %dma_wait3A_158] : memref<1000064x128xf32, #tpu.memory_space<hbm>> -> memref<1000064x128xf32, #tpu.memory_space<hbm>>
    tpu.wait_indirect_dma semaphore(%arg8 : memref<!tpu.dma_semaphore, #tpu.memory_space<semaphore_mem>>) src(%dma_wait3A_159 : memref<1000064x128xf32, #tpu.memory_space<hbm>>) dst(%arg6 : memref<320x128xf32, #tpu.memory_space<vmem>>)
    %add3A_160 = arith.constant 3840 : i32
    %add3A_161 = arith.addi %mul3A_2, %add3A_160 : i32
    "tpu.region"() ({
      %run_scoped3A = tpu.sem_alloc : memref<!tpu.dma_semaphore, #tpu.memory_space<semaphore_mem>>
      %dma_start3A_241 = arith.constant 0 : i32
      %dma_start3A_242 = tpu.memref_slice %arg4[%add3A_161, %dma_start3A_241] : memref<204800x128xf32, #tpu.memory_space<hbm>> -> memref<320x128xf32, #tpu.memory_space<hbm>>
      %dma_start3A_243 = arith.constant 0 : i32
      %dma_start3A_244 = tpu.memref_slice %arg4[%add3A_161, %dma_start3A_243] : memref<204800x128xf32, #tpu.memory_space<hbm>> -> memref<320x128xf32, #tpu.memory_space<hbm>>
      tpu.enqueue_dma source(%arg6 : memref<320x128xf32, #tpu.memory_space<vmem>>) target(%dma_start3A_244 : memref<320x128xf32, #tpu.memory_space<hbm>>) target_semaphore(%run_scoped3A : memref<!tpu.dma_semaphore, #tpu.memory_space<semaphore_mem>>)
      %dma_wait3A_245 = arith.constant 0 : i32
      %dma_wait3A_246 = tpu.memref_slice %arg4[%add3A_161, %dma_wait3A_245] : memref<204800x128xf32, #tpu.memory_space<hbm>> -> memref<320x128xf32, #tpu.memory_space<hbm>>
      %dma_wait3A_247 = arith.constant 0 : i32
      %dma_wait3A_248 = tpu.memref_slice %arg4[%add3A_161, %dma_wait3A_247] : memref<204800x128xf32, #tpu.memory_space<hbm>> -> memref<320x128xf32, #tpu.memory_space<hbm>>
      tpu.wait_dma2 semaphore(%run_scoped3A : memref<!tpu.dma_semaphore, #tpu.memory_space<semaphore_mem>>) src(%arg6 : memref<320x128xf32, #tpu.memory_space<vmem>>) dst(%dma_wait3A_248 : memref<320x128xf32, #tpu.memory_space<hbm>>)
      tpu.yield
    }) : () -> ()
    %dma_start3A_162 = arith.constant 4480 : i32
    %dma_start3A_163 = tpu.memref_slice %arg5[%dma_start3A_162] : memref<6400xi32, #tpu.memory_space<vmem>> -> memref<320xi32, #tpu.memory_space<vmem>>
    %dma_start3A_164 = arith.constant 0 : i32
    %dma_start3A_165 = arith.constant 0 : i32
    %dma_start3A_166 = tpu.memref_slice %arg2[%dma_start3A_164, %dma_start3A_165] : memref<1000064x128xf32, #tpu.memory_space<hbm>> -> memref<1000064x128xf32, #tpu.memory_space<hbm>>
    tpu.enqueue_indirect_dma source(%dma_start3A_166 : memref<1000064x128xf32, #tpu.memory_space<hbm>>) target(%arg6 : memref<320x128xf32, #tpu.memory_space<vmem>>) offsets(%dma_start3A_163 : memref<320xi32, #tpu.memory_space<vmem>>) semaphore(%arg8 : memref<!tpu.dma_semaphore, #tpu.memory_space<semaphore_mem>>)
    %dma_wait3A_167 = arith.constant 4160 : i32
    %dma_wait3A_168 = tpu.memref_slice %arg5[%dma_wait3A_167] : memref<6400xi32, #tpu.memory_space<vmem>> -> memref<320xi32, #tpu.memory_space<vmem>>
    %dma_wait3A_169 = arith.constant 0 : i32
    %dma_wait3A_170 = arith.constant 0 : i32
    %dma_wait3A_171 = tpu.memref_slice %arg2[%dma_wait3A_169, %dma_wait3A_170] : memref<1000064x128xf32, #tpu.memory_space<hbm>> -> memref<1000064x128xf32, #tpu.memory_space<hbm>>
    tpu.wait_indirect_dma semaphore(%arg9 : memref<!tpu.dma_semaphore, #tpu.memory_space<semaphore_mem>>) src(%dma_wait3A_171 : memref<1000064x128xf32, #tpu.memory_space<hbm>>) dst(%arg7 : memref<320x128xf32, #tpu.memory_space<vmem>>)
    %add3A_172 = arith.constant 4160 : i32
    %add3A_173 = arith.addi %mul3A_2, %add3A_172 : i32
    "tpu.region"() ({
      %run_scoped3A = tpu.sem_alloc : memref<!tpu.dma_semaphore, #tpu.memory_space<semaphore_mem>>
      %dma_start3A_241 = arith.constant 0 : i32
      %dma_start3A_242 = tpu.memref_slice %arg4[%add3A_173, %dma_start3A_241] : memref<204800x128xf32, #tpu.memory_space<hbm>> -> memref<320x128xf32, #tpu.memory_space<hbm>>
      %dma_start3A_243 = arith.constant 0 : i32
      %dma_start3A_244 = tpu.memref_slice %arg4[%add3A_173, %dma_start3A_243] : memref<204800x128xf32, #tpu.memory_space<hbm>> -> memref<320x128xf32, #tpu.memory_space<hbm>>
      tpu.enqueue_dma source(%arg7 : memref<320x128xf32, #tpu.memory_space<vmem>>) target(%dma_start3A_244 : memref<320x128xf32, #tpu.memory_space<hbm>>) target_semaphore(%run_scoped3A : memref<!tpu.dma_semaphore, #tpu.memory_space<semaphore_mem>>)
      %dma_wait3A_245 = arith.constant 0 : i32
      %dma_wait3A_246 = tpu.memref_slice %arg4[%add3A_173, %dma_wait3A_245] : memref<204800x128xf32, #tpu.memory_space<hbm>> -> memref<320x128xf32, #tpu.memory_space<hbm>>
      %dma_wait3A_247 = arith.constant 0 : i32
      %dma_wait3A_248 = tpu.memref_slice %arg4[%add3A_173, %dma_wait3A_247] : memref<204800x128xf32, #tpu.memory_space<hbm>> -> memref<320x128xf32, #tpu.memory_space<hbm>>
      tpu.wait_dma2 semaphore(%run_scoped3A : memref<!tpu.dma_semaphore, #tpu.memory_space<semaphore_mem>>) src(%arg7 : memref<320x128xf32, #tpu.memory_space<vmem>>) dst(%dma_wait3A_248 : memref<320x128xf32, #tpu.memory_space<hbm>>)
      tpu.yield
    }) : () -> ()
    %dma_start3A_174 = arith.constant 4800 : i32
    %dma_start3A_175 = tpu.memref_slice %arg5[%dma_start3A_174] : memref<6400xi32, #tpu.memory_space<vmem>> -> memref<320xi32, #tpu.memory_space<vmem>>
    %dma_start3A_176 = arith.constant 0 : i32
    %dma_start3A_177 = arith.constant 0 : i32
    %dma_start3A_178 = tpu.memref_slice %arg2[%dma_start3A_176, %dma_start3A_177] : memref<1000064x128xf32, #tpu.memory_space<hbm>> -> memref<1000064x128xf32, #tpu.memory_space<hbm>>
    tpu.enqueue_indirect_dma source(%dma_start3A_178 : memref<1000064x128xf32, #tpu.memory_space<hbm>>) target(%arg7 : memref<320x128xf32, #tpu.memory_space<vmem>>) offsets(%dma_start3A_175 : memref<320xi32, #tpu.memory_space<vmem>>) semaphore(%arg9 : memref<!tpu.dma_semaphore, #tpu.memory_space<semaphore_mem>>)
    %dma_wait3A_179 = arith.constant 4480 : i32
    %dma_wait3A_180 = tpu.memref_slice %arg5[%dma_wait3A_179] : memref<6400xi32, #tpu.memory_space<vmem>> -> memref<320xi32, #tpu.memory_space<vmem>>
    %dma_wait3A_181 = arith.constant 0 : i32
    %dma_wait3A_182 = arith.constant 0 : i32
    %dma_wait3A_183 = tpu.memref_slice %arg2[%dma_wait3A_181, %dma_wait3A_182] : memref<1000064x128xf32, #tpu.memory_space<hbm>> -> memref<1000064x128xf32, #tpu.memory_space<hbm>>
    tpu.wait_indirect_dma semaphore(%arg8 : memref<!tpu.dma_semaphore, #tpu.memory_space<semaphore_mem>>) src(%dma_wait3A_183 : memref<1000064x128xf32, #tpu.memory_space<hbm>>) dst(%arg6 : memref<320x128xf32, #tpu.memory_space<vmem>>)
    %add3A_184 = arith.constant 4480 : i32
    %add3A_185 = arith.addi %mul3A_2, %add3A_184 : i32
    "tpu.region"() ({
      %run_scoped3A = tpu.sem_alloc : memref<!tpu.dma_semaphore, #tpu.memory_space<semaphore_mem>>
      %dma_start3A_241 = arith.constant 0 : i32
      %dma_start3A_242 = tpu.memref_slice %arg4[%add3A_185, %dma_start3A_241] : memref<204800x128xf32, #tpu.memory_space<hbm>> -> memref<320x128xf32, #tpu.memory_space<hbm>>
      %dma_start3A_243 = arith.constant 0 : i32
      %dma_start3A_244 = tpu.memref_slice %arg4[%add3A_185, %dma_start3A_243] : memref<204800x128xf32, #tpu.memory_space<hbm>> -> memref<320x128xf32, #tpu.memory_space<hbm>>
      tpu.enqueue_dma source(%arg6 : memref<320x128xf32, #tpu.memory_space<vmem>>) target(%dma_start3A_244 : memref<320x128xf32, #tpu.memory_space<hbm>>) target_semaphore(%run_scoped3A : memref<!tpu.dma_semaphore, #tpu.memory_space<semaphore_mem>>)
      %dma_wait3A_245 = arith.constant 0 : i32
      %dma_wait3A_246 = tpu.memref_slice %arg4[%add3A_185, %dma_wait3A_245] : memref<204800x128xf32, #tpu.memory_space<hbm>> -> memref<320x128xf32, #tpu.memory_space<hbm>>
      %dma_wait3A_247 = arith.constant 0 : i32
      %dma_wait3A_248 = tpu.memref_slice %arg4[%add3A_185, %dma_wait3A_247] : memref<204800x128xf32, #tpu.memory_space<hbm>> -> memref<320x128xf32, #tpu.memory_space<hbm>>
      tpu.wait_dma2 semaphore(%run_scoped3A : memref<!tpu.dma_semaphore, #tpu.memory_space<semaphore_mem>>) src(%arg6 : memref<320x128xf32, #tpu.memory_space<vmem>>) dst(%dma_wait3A_248 : memref<320x128xf32, #tpu.memory_space<hbm>>)
      tpu.yield
    }) : () -> ()
    %dma_start3A_186 = arith.constant 5120 : i32
    %dma_start3A_187 = tpu.memref_slice %arg5[%dma_start3A_186] : memref<6400xi32, #tpu.memory_space<vmem>> -> memref<320xi32, #tpu.memory_space<vmem>>
    %dma_start3A_188 = arith.constant 0 : i32
    %dma_start3A_189 = arith.constant 0 : i32
    %dma_start3A_190 = tpu.memref_slice %arg2[%dma_start3A_188, %dma_start3A_189] : memref<1000064x128xf32, #tpu.memory_space<hbm>> -> memref<1000064x128xf32, #tpu.memory_space<hbm>>
    tpu.enqueue_indirect_dma source(%dma_start3A_190 : memref<1000064x128xf32, #tpu.memory_space<hbm>>) target(%arg6 : memref<320x128xf32, #tpu.memory_space<vmem>>) offsets(%dma_start3A_187 : memref<320xi32, #tpu.memory_space<vmem>>) semaphore(%arg8 : memref<!tpu.dma_semaphore, #tpu.memory_space<semaphore_mem>>)
    %dma_wait3A_191 = arith.constant 4800 : i32
    %dma_wait3A_192 = tpu.memref_slice %arg5[%dma_wait3A_191] : memref<6400xi32, #tpu.memory_space<vmem>> -> memref<320xi32, #tpu.memory_space<vmem>>
    %dma_wait3A_193 = arith.constant 0 : i32
    %dma_wait3A_194 = arith.constant 0 : i32
    %dma_wait3A_195 = tpu.memref_slice %arg2[%dma_wait3A_193, %dma_wait3A_194] : memref<1000064x128xf32, #tpu.memory_space<hbm>> -> memref<1000064x128xf32, #tpu.memory_space<hbm>>
    tpu.wait_indirect_dma semaphore(%arg9 : memref<!tpu.dma_semaphore, #tpu.memory_space<semaphore_mem>>) src(%dma_wait3A_195 : memref<1000064x128xf32, #tpu.memory_space<hbm>>) dst(%arg7 : memref<320x128xf32, #tpu.memory_space<vmem>>)
    %add3A_196 = arith.constant 4800 : i32
    %add3A_197 = arith.addi %mul3A_2, %add3A_196 : i32
    "tpu.region"() ({
      %run_scoped3A = tpu.sem_alloc : memref<!tpu.dma_semaphore, #tpu.memory_space<semaphore_mem>>
      %dma_start3A_241 = arith.constant 0 : i32
      %dma_start3A_242 = tpu.memref_slice %arg4[%add3A_197, %dma_start3A_241] : memref<204800x128xf32, #tpu.memory_space<hbm>> -> memref<320x128xf32, #tpu.memory_space<hbm>>
      %dma_start3A_243 = arith.constant 0 : i32
      %dma_start3A_244 = tpu.memref_slice %arg4[%add3A_197, %dma_start3A_243] : memref<204800x128xf32, #tpu.memory_space<hbm>> -> memref<320x128xf32, #tpu.memory_space<hbm>>
      tpu.enqueue_dma source(%arg7 : memref<320x128xf32, #tpu.memory_space<vmem>>) target(%dma_start3A_244 : memref<320x128xf32, #tpu.memory_space<hbm>>) target_semaphore(%run_scoped3A : memref<!tpu.dma_semaphore, #tpu.memory_space<semaphore_mem>>)
      %dma_wait3A_245 = arith.constant 0 : i32
      %dma_wait3A_246 = tpu.memref_slice %arg4[%add3A_197, %dma_wait3A_245] : memref<204800x128xf32, #tpu.memory_space<hbm>> -> memref<320x128xf32, #tpu.memory_space<hbm>>
      %dma_wait3A_247 = arith.constant 0 : i32
      %dma_wait3A_248 = tpu.memref_slice %arg4[%add3A_197, %dma_wait3A_247] : memref<204800x128xf32, #tpu.memory_space<hbm>> -> memref<320x128xf32, #tpu.memory_space<hbm>>
      tpu.wait_dma2 semaphore(%run_scoped3A : memref<!tpu.dma_semaphore, #tpu.memory_space<semaphore_mem>>) src(%arg7 : memref<320x128xf32, #tpu.memory_space<vmem>>) dst(%dma_wait3A_248 : memref<320x128xf32, #tpu.memory_space<hbm>>)
      tpu.yield
    }) : () -> ()
    %dma_start3A_198 = arith.constant 5440 : i32
    %dma_start3A_199 = tpu.memref_slice %arg5[%dma_start3A_198] : memref<6400xi32, #tpu.memory_space<vmem>> -> memref<320xi32, #tpu.memory_space<vmem>>
    %dma_start3A_200 = arith.constant 0 : i32
    %dma_start3A_201 = arith.constant 0 : i32
    %dma_start3A_202 = tpu.memref_slice %arg2[%dma_start3A_200, %dma_start3A_201] : memref<1000064x128xf32, #tpu.memory_space<hbm>> -> memref<1000064x128xf32, #tpu.memory_space<hbm>>
    tpu.enqueue_indirect_dma source(%dma_start3A_202 : memref<1000064x128xf32, #tpu.memory_space<hbm>>) target(%arg7 : memref<320x128xf32, #tpu.memory_space<vmem>>) offsets(%dma_start3A_199 : memref<320xi32, #tpu.memory_space<vmem>>) semaphore(%arg9 : memref<!tpu.dma_semaphore, #tpu.memory_space<semaphore_mem>>)
    %dma_wait3A_203 = arith.constant 5120 : i32
    %dma_wait3A_204 = tpu.memref_slice %arg5[%dma_wait3A_203] : memref<6400xi32, #tpu.memory_space<vmem>> -> memref<320xi32, #tpu.memory_space<vmem>>
    %dma_wait3A_205 = arith.constant 0 : i32
    %dma_wait3A_206 = arith.constant 0 : i32
    %dma_wait3A_207 = tpu.memref_slice %arg2[%dma_wait3A_205, %dma_wait3A_206] : memref<1000064x128xf32, #tpu.memory_space<hbm>> -> memref<1000064x128xf32, #tpu.memory_space<hbm>>
    tpu.wait_indirect_dma semaphore(%arg8 : memref<!tpu.dma_semaphore, #tpu.memory_space<semaphore_mem>>) src(%dma_wait3A_207 : memref<1000064x128xf32, #tpu.memory_space<hbm>>) dst(%arg6 : memref<320x128xf32, #tpu.memory_space<vmem>>)
    %add3A_208 = arith.constant 5120 : i32
    %add3A_209 = arith.addi %mul3A_2, %add3A_208 : i32
    "tpu.region"() ({
      %run_scoped3A = tpu.sem_alloc : memref<!tpu.dma_semaphore, #tpu.memory_space<semaphore_mem>>
      %dma_start3A_241 = arith.constant 0 : i32
      %dma_start3A_242 = tpu.memref_slice %arg4[%add3A_209, %dma_start3A_241] : memref<204800x128xf32, #tpu.memory_space<hbm>> -> memref<320x128xf32, #tpu.memory_space<hbm>>
      %dma_start3A_243 = arith.constant 0 : i32
      %dma_start3A_244 = tpu.memref_slice %arg4[%add3A_209, %dma_start3A_243] : memref<204800x128xf32, #tpu.memory_space<hbm>> -> memref<320x128xf32, #tpu.memory_space<hbm>>
      tpu.enqueue_dma source(%arg6 : memref<320x128xf32, #tpu.memory_space<vmem>>) target(%dma_start3A_244 : memref<320x128xf32, #tpu.memory_space<hbm>>) target_semaphore(%run_scoped3A : memref<!tpu.dma_semaphore, #tpu.memory_space<semaphore_mem>>)
      %dma_wait3A_245 = arith.constant 0 : i32
      %dma_wait3A_246 = tpu.memref_slice %arg4[%add3A_209, %dma_wait3A_245] : memref<204800x128xf32, #tpu.memory_space<hbm>> -> memref<320x128xf32, #tpu.memory_space<hbm>>
      %dma_wait3A_247 = arith.constant 0 : i32
      %dma_wait3A_248 = tpu.memref_slice %arg4[%add3A_209, %dma_wait3A_247] : memref<204800x128xf32, #tpu.memory_space<hbm>> -> memref<320x128xf32, #tpu.memory_space<hbm>>
      tpu.wait_dma2 semaphore(%run_scoped3A : memref<!tpu.dma_semaphore, #tpu.memory_space<semaphore_mem>>) src(%arg6 : memref<320x128xf32, #tpu.memory_space<vmem>>) dst(%dma_wait3A_248 : memref<320x128xf32, #tpu.memory_space<hbm>>)
      tpu.yield
    }) : () -> ()
    %dma_start3A_210 = arith.constant 5760 : i32
    %dma_start3A_211 = tpu.memref_slice %arg5[%dma_start3A_210] : memref<6400xi32, #tpu.memory_space<vmem>> -> memref<320xi32, #tpu.memory_space<vmem>>
    %dma_start3A_212 = arith.constant 0 : i32
    %dma_start3A_213 = arith.constant 0 : i32
    %dma_start3A_214 = tpu.memref_slice %arg2[%dma_start3A_212, %dma_start3A_213] : memref<1000064x128xf32, #tpu.memory_space<hbm>> -> memref<1000064x128xf32, #tpu.memory_space<hbm>>
    tpu.enqueue_indirect_dma source(%dma_start3A_214 : memref<1000064x128xf32, #tpu.memory_space<hbm>>) target(%arg6 : memref<320x128xf32, #tpu.memory_space<vmem>>) offsets(%dma_start3A_211 : memref<320xi32, #tpu.memory_space<vmem>>) semaphore(%arg8 : memref<!tpu.dma_semaphore, #tpu.memory_space<semaphore_mem>>)
    %dma_wait3A_215 = arith.constant 5440 : i32
    %dma_wait3A_216 = tpu.memref_slice %arg5[%dma_wait3A_215] : memref<6400xi32, #tpu.memory_space<vmem>> -> memref<320xi32, #tpu.memory_space<vmem>>
    %dma_wait3A_217 = arith.constant 0 : i32
    %dma_wait3A_218 = arith.constant 0 : i32
    %dma_wait3A_219 = tpu.memref_slice %arg2[%dma_wait3A_217, %dma_wait3A_218] : memref<1000064x128xf32, #tpu.memory_space<hbm>> -> memref<1000064x128xf32, #tpu.memory_space<hbm>>
    tpu.wait_indirect_dma semaphore(%arg9 : memref<!tpu.dma_semaphore, #tpu.memory_space<semaphore_mem>>) src(%dma_wait3A_219 : memref<1000064x128xf32, #tpu.memory_space<hbm>>) dst(%arg7 : memref<320x128xf32, #tpu.memory_space<vmem>>)
    %add3A_220 = arith.constant 5440 : i32
    %add3A_221 = arith.addi %mul3A_2, %add3A_220 : i32
    "tpu.region"() ({
      %run_scoped3A = tpu.sem_alloc : memref<!tpu.dma_semaphore, #tpu.memory_space<semaphore_mem>>
      %dma_start3A_241 = arith.constant 0 : i32
      %dma_start3A_242 = tpu.memref_slice %arg4[%add3A_221, %dma_start3A_241] : memref<204800x128xf32, #tpu.memory_space<hbm>> -> memref<320x128xf32, #tpu.memory_space<hbm>>
      %dma_start3A_243 = arith.constant 0 : i32
      %dma_start3A_244 = tpu.memref_slice %arg4[%add3A_221, %dma_start3A_243] : memref<204800x128xf32, #tpu.memory_space<hbm>> -> memref<320x128xf32, #tpu.memory_space<hbm>>
      tpu.enqueue_dma source(%arg7 : memref<320x128xf32, #tpu.memory_space<vmem>>) target(%dma_start3A_244 : memref<320x128xf32, #tpu.memory_space<hbm>>) target_semaphore(%run_scoped3A : memref<!tpu.dma_semaphore, #tpu.memory_space<semaphore_mem>>)
      %dma_wait3A_245 = arith.constant 0 : i32
      %dma_wait3A_246 = tpu.memref_slice %arg4[%add3A_221, %dma_wait3A_245] : memref<204800x128xf32, #tpu.memory_space<hbm>> -> memref<320x128xf32, #tpu.memory_space<hbm>>
      %dma_wait3A_247 = arith.constant 0 : i32
      %dma_wait3A_248 = tpu.memref_slice %arg4[%add3A_221, %dma_wait3A_247] : memref<204800x128xf32, #tpu.memory_space<hbm>> -> memref<320x128xf32, #tpu.memory_space<hbm>>
      tpu.wait_dma2 semaphore(%run_scoped3A : memref<!tpu.dma_semaphore, #tpu.memory_space<semaphore_mem>>) src(%arg7 : memref<320x128xf32, #tpu.memory_space<vmem>>) dst(%dma_wait3A_248 : memref<320x128xf32, #tpu.memory_space<hbm>>)
      tpu.yield
    }) : () -> ()
    %dma_start3A_222 = arith.constant 6080 : i32
    %dma_start3A_223 = tpu.memref_slice %arg5[%dma_start3A_222] : memref<6400xi32, #tpu.memory_space<vmem>> -> memref<320xi32, #tpu.memory_space<vmem>>
    %dma_start3A_224 = arith.constant 0 : i32
    %dma_start3A_225 = arith.constant 0 : i32
    %dma_start3A_226 = tpu.memref_slice %arg2[%dma_start3A_224, %dma_start3A_225] : memref<1000064x128xf32, #tpu.memory_space<hbm>> -> memref<1000064x128xf32, #tpu.memory_space<hbm>>
    tpu.enqueue_indirect_dma source(%dma_start3A_226 : memref<1000064x128xf32, #tpu.memory_space<hbm>>) target(%arg7 : memref<320x128xf32, #tpu.memory_space<vmem>>) offsets(%dma_start3A_223 : memref<320xi32, #tpu.memory_space<vmem>>) semaphore(%arg9 : memref<!tpu.dma_semaphore, #tpu.memory_space<semaphore_mem>>)
    %dma_wait3A_227 = arith.constant 5760 : i32
    %dma_wait3A_228 = tpu.memref_slice %arg5[%dma_wait3A_227] : memref<6400xi32, #tpu.memory_space<vmem>> -> memref<320xi32, #tpu.memory_space<vmem>>
    %dma_wait3A_229 = arith.constant 0 : i32
    %dma_wait3A_230 = arith.constant 0 : i32
    %dma_wait3A_231 = tpu.memref_slice %arg2[%dma_wait3A_229, %dma_wait3A_230] : memref<1000064x128xf32, #tpu.memory_space<hbm>> -> memref<1000064x128xf32, #tpu.memory_space<hbm>>
    tpu.wait_indirect_dma semaphore(%arg8 : memref<!tpu.dma_semaphore, #tpu.memory_space<semaphore_mem>>) src(%dma_wait3A_231 : memref<1000064x128xf32, #tpu.memory_space<hbm>>) dst(%arg6 : memref<320x128xf32, #tpu.memory_space<vmem>>)
    %add3A_232 = arith.constant 5760 : i32
    %add3A_233 = arith.addi %mul3A_2, %add3A_232 : i32
    "tpu.region"() ({
      %run_scoped3A = tpu.sem_alloc : memref<!tpu.dma_semaphore, #tpu.memory_space<semaphore_mem>>
      %dma_start3A_241 = arith.constant 0 : i32
      %dma_start3A_242 = tpu.memref_slice %arg4[%add3A_233, %dma_start3A_241] : memref<204800x128xf32, #tpu.memory_space<hbm>> -> memref<320x128xf32, #tpu.memory_space<hbm>>
      %dma_start3A_243 = arith.constant 0 : i32
      %dma_start3A_244 = tpu.memref_slice %arg4[%add3A_233, %dma_start3A_243] : memref<204800x128xf32, #tpu.memory_space<hbm>> -> memref<320x128xf32, #tpu.memory_space<hbm>>
      tpu.enqueue_dma source(%arg6 : memref<320x128xf32, #tpu.memory_space<vmem>>) target(%dma_start3A_244 : memref<320x128xf32, #tpu.memory_space<hbm>>) target_semaphore(%run_scoped3A : memref<!tpu.dma_semaphore, #tpu.memory_space<semaphore_mem>>)
      %dma_wait3A_245 = arith.constant 0 : i32
      %dma_wait3A_246 = tpu.memref_slice %arg4[%add3A_233, %dma_wait3A_245] : memref<204800x128xf32, #tpu.memory_space<hbm>> -> memref<320x128xf32, #tpu.memory_space<hbm>>
      %dma_wait3A_247 = arith.constant 0 : i32
      %dma_wait3A_248 = tpu.memref_slice %arg4[%add3A_233, %dma_wait3A_247] : memref<204800x128xf32, #tpu.memory_space<hbm>> -> memref<320x128xf32, #tpu.memory_space<hbm>>
      tpu.wait_dma2 semaphore(%run_scoped3A : memref<!tpu.dma_semaphore, #tpu.memory_space<semaphore_mem>>) src(%arg6 : memref<320x128xf32, #tpu.memory_space<vmem>>) dst(%dma_wait3A_248 : memref<320x128xf32, #tpu.memory_space<hbm>>)
      tpu.yield
    }) : () -> ()
    %dma_wait3A_234 = arith.constant 6080 : i32
    %dma_wait3A_235 = tpu.memref_slice %arg5[%dma_wait3A_234] : memref<6400xi32, #tpu.memory_space<vmem>> -> memref<320xi32, #tpu.memory_space<vmem>>
    %dma_wait3A_236 = arith.constant 0 : i32
    %dma_wait3A_237 = arith.constant 0 : i32
    %dma_wait3A_238 = tpu.memref_slice %arg2[%dma_wait3A_236, %dma_wait3A_237] : memref<1000064x128xf32, #tpu.memory_space<hbm>> -> memref<1000064x128xf32, #tpu.memory_space<hbm>>
    tpu.wait_indirect_dma semaphore(%arg9 : memref<!tpu.dma_semaphore, #tpu.memory_space<semaphore_mem>>) src(%dma_wait3A_238 : memref<1000064x128xf32, #tpu.memory_space<hbm>>) dst(%arg7 : memref<320x128xf32, #tpu.memory_space<vmem>>)
    %add3A_239 = arith.constant 6080 : i32
    %add3A_240 = arith.addi %mul3A_2, %add3A_239 : i32
    "tpu.region"() ({
      %run_scoped3A = tpu.sem_alloc : memref<!tpu.dma_semaphore, #tpu.memory_space<semaphore_mem>>
      %dma_start3A_241 = arith.constant 0 : i32
      %dma_start3A_242 = tpu.memref_slice %arg4[%add3A_240, %dma_start3A_241] : memref<204800x128xf32, #tpu.memory_space<hbm>> -> memref<320x128xf32, #tpu.memory_space<hbm>>
      %dma_start3A_243 = arith.constant 0 : i32
      %dma_start3A_244 = tpu.memref_slice %arg4[%add3A_240, %dma_start3A_243] : memref<204800x128xf32, #tpu.memory_space<hbm>> -> memref<320x128xf32, #tpu.memory_space<hbm>>
      tpu.enqueue_dma source(%arg7 : memref<320x128xf32, #tpu.memory_space<vmem>>) target(%dma_start3A_244 : memref<320x128xf32, #tpu.memory_space<hbm>>) target_semaphore(%run_scoped3A : memref<!tpu.dma_semaphore, #tpu.memory_space<semaphore_mem>>)
      %dma_wait3A_245 = arith.constant 0 : i32
      %dma_wait3A_246 = tpu.memref_slice %arg4[%add3A_240, %dma_wait3A_245] : memref<204800x128xf32, #tpu.memory_space<hbm>> -> memref<320x128xf32, #tpu.memory_space<hbm>>
      %dma_wait3A_247 = arith.constant 0 : i32
      %dma_wait3A_248 = tpu.memref_slice %arg4[%add3A_240, %dma_wait3A_247] : memref<204800x128xf32, #tpu.memory_space<hbm>> -> memref<320x128xf32, #tpu.memory_space<hbm>>
      tpu.wait_dma2 semaphore(%run_scoped3A : memref<!tpu.dma_semaphore, #tpu.memory_space<semaphore_mem>>) src(%arg7 : memref<320x128xf32, #tpu.memory_space<vmem>>) dst(%dma_wait3A_248 : memref<320x128xf32, #tpu.memory_space<hbm>>)
      tpu.yield
    }) : () -> ()
    return
  }
}

</mosaic_0001>

<sc_bundles>
// kernel: kernel.4.cloned.1.call-start
scs
__scs_entry_jumppad:
0x0: {  	(pc) =	sbr.rel $0x88, $3  }
0x1: {  	(tag) =	ssettag $0x0;
	lr =	simm.s32 $0x1  }
0x2: {  	[smem:$0x3F9F] =	sst lr;
	_ =	strace $0xD0000000  }
0x3: {  	_ = 	snop  }
0x4: {  	_ = 	snop  }
0x5: {  	_ = 	snop  }
0x6: {  	_ = 	snop  }
0x7: {  	_ = 	snop  }
__scs_overlays_trampoline_lowered:
0x8: {  	[smem:$0x3FAE] =	sst s0  }
0x9: {  	[smem:$0x3FAF] =	sst s1  }
0xa: {  	[smem:$0x3FB0] =	sst s2  }
0xb: {  	[smem:$0x3FB1] =	sst s3  }
0xc: {  	[smem:$0x3FB2] =	sst s4  }
0xd: {  	[smem:$0x3FB3] =	sst s5  }
0xe: {  	[smem:$0x3FB4] =	sst s6  }
0xf: {  	[smem:$0x3FB5] =	sst s7  }
0x10: {  	[smem:$0x3FB6] =	sst s8  }
0x11: {  	[smem:$0x3FB7] =	sst s9;
	s0 =	simm.s32 @!p0 $0x0  }
0x12: {  	s1 =	sld [smem:$0x3F9D];
	s0 =	simm.s32 @p0 $0x1  }
0x13: {  	[smem:$0x3FB8] =	sst s0;
	s0 =	simm.s32 @!p1 $0x0  }
0x14: {  	s2 =	sld [smem:$0x3F9C];
	s0 =	simm.s32 @p1 $0x1  }
0x15: {  	[smem:$0x3FB9] =	sst s0;
	s0 =	simm.s32 @!p2 $0x0  }
0x16: {  	s3 =	sld [smem:$0x3FDB];
	s0 =	simm.s32 @p2 $0x1  }
0x17: {  	s4 =	simm.s32 $0x1BF5;
	[smem:$0x3FBB] =	sst s0  }
0x18: {  	s0 =	sld [smem:$0x3F9E];
	_ =	swait.ge [sflag:s4], $0x0  }
0x19: {  	s7 =	sld [smem:$0x3F9F]  }
0x1a: {  	s8 =	sadd.s32 $0xFFFFE003, lr  }
0x1b: {  	s9 =	sadd.s32 $0xFFFFFEF7, lr;
	s5 =	simm.s32 $0xFFFFFFFF;
	p2 =	slt.u32 s8, $0xFFFFF086  }
0x1c: {  	p1 =	slt.u32 s9, $0xF7A;
	s5 =	simm.s32 @!p2 $0x0  }
0x1d: {  	s5 =	simm.s32 @p1 $0x1;
	p0 =	seq.s32 s7, s2  }
0x1e: {  	s7 =	smul.u32 @!p0 $0xF7A, s2;
	p2 =	seq.s32 @!p0 s5, $0x0  }
0x1f: {  	s9 =	smul.u32 $0xF7A, s1;
	s8 =	simm.s32 @!p0 $0x1BF5;
	p2 =	por !p2, p0  }
0x20: {  	[sflag:s8] =	ssyncset.s32 @!p0 $0xFFFFF086;
	s6 =	sadd.s32 @!p0 s3, s7;
	s7 =	simm.s32 @!p0 $0x108  }
0x21: {  	s3 =	sadd.s32 s3, s9;
	s6 =	sadd.s32 @!p0 $0x88, s6;
	s7 =	simm.s32 @p2 $0x1082  }
0x22: {  	[simem:s7], [sflag:s8] =	dma.local @!p0 [hbm:s6], $0xF7A  }
0x23: {  	s9 =	sor.u32 $0xD0000000, s2;
	s6 =	simm.s32 $0x108;
	_ =	swait.ge @!p0 [sflag:s8], $0x0  }
0x24: {  	s3 =	sadd.s32 $0x88, s3;
	s6 =	simm.s32 @!p1 $0x1082;
	[sflag:s4] =	ssyncset.s32 $0xFFFFF086  }
0x25: {  	[simem:s6], [sflag:s4] =	dma.local [hbm:s3], $0xF7A  }
0x26: {  	[smem:$0x3F9F] =	sst s1;
	(tag) =	ssettag s2;
	_ =	strace s9  }
0x27: {  	s1 =	sld [smem:$0x3FAF]  }
0x28: {  	s2 =	sld [smem:$0x3FB0]  }
0x29: {  	s4 =	sld [smem:$0x3FB2]  }
0x2a: {  	p0 =	seq.s32 s5, $0x0;
	s5 =	sld [smem:$0x3FB3]  }
0x2b: {  	s6 =	sld [smem:$0x3FB4]  }
0x2c: {  	s7 =	sld [smem:$0x3FB5]  }
0x2d: {  	s3 =	simm.s32 $0x108;
	s8 =	sld [smem:$0x3FB6]  }
0x2e: {  	s3 =	simm.s32 @!p0 $0x1082;
	s9 =	sld [smem:$0x3FB7]  }
0x2f: {  	lr =	sadd.s32 s0, s3;
	s0 =	sld [smem:$0x3FAE]  }
0x30: {  	s3 =	sld [smem:$0x3FB1]  }
0x31: {  	[smem:$0x3FBA] =	sst s10  }
0x32: {  	s10 =	sld [smem:$0x3FB8];
	_ =	sdelay $0x3  }
0x33: {  	p0 =	seq.s32 s10, $0x1;
	s10 =	sld [smem:$0x3FBA];
	_ =	sdelay $0x3  }
0x34: {  	[smem:$0x3FBA] =	sst s10  }
0x35: {  	s10 =	sld [smem:$0x3FB9];
	_ =	sdelay $0x3  }
0x36: {  	p1 =	seq.s32 s10, $0x1;
	s10 =	sld [smem:$0x3FBA];
	_ =	sdelay $0x3  }
0x37: {  	[smem:$0x3FBA] =	sst s10  }
0x38: {  	s10 =	sld [smem:$0x3FBB]  }
0x39: {  	_ = 	snop;
	(pc) =	sbr.ind lr, $3  }
0x3a: {  	_ = 	snop  }
0x3b: {  	_ = 	snop  }
0x3c: {  	p2 =	seq.s32 s10, $0x1;
	s10 =	sld [smem:$0x3FBA]  }
0x3d: {  	_ =	shalt  }
0x3e: {  	_ =	shalt  }
0x3f: {  	_ =	shalt  }
0x40: {  	_ =	shalt  }
0x41: {  	_ =	shalt  }
0x42: {  	_ =	shalt  }
0x43: {  	_ =	shalt  }
0x44: {  	_ =	shalt  }
0x45: {  	_ =	shalt  }
0x46: {  	_ =	shalt  }
0x47: {  	_ =	shalt  }
0x48: {  	_ =	shalt  }
0x49: {  	_ =	shalt  }
0x4a: {  	_ =	shalt  }
0x4b: {  	_ =	shalt  }
0x4c: {  	_ =	shalt  }
0x4d: {  	_ =	shalt  }
0x4e: {  	_ =	shalt  }
0x4f: {  	_ =	shalt  }
0x50: {  	_ =	shalt  }
0x51: {  	_ =	shalt  }
0x52: {  	_ =	shalt  }
0x53: {  	_ =	shalt  }
0x54: {  	_ =	shalt  }
0x55: {  	_ =	shalt  }
0x56: {  	_ =	shalt  }
0x57: {  	_ =	shalt  }
0x58: {  	_ =	shalt  }
0x59: {  	_ =	shalt  }
0x5a: {  	_ =	shalt  }
0x5b: {  	_ =	shalt  }
0x5c: {  	_ =	shalt  }
0x5d: {  	_ =	shalt  }
0x5e: {  	_ =	shalt  }
0x5f: {  	_ =	shalt  }
0x60: {  	_ =	shalt  }
0x61: {  	_ =	shalt  }
0x62: {  	_ =	shalt  }
0x63: {  	_ =	shalt  }
0x64: {  	_ =	shalt  }
0x65: {  	_ =	shalt  }
0x66: {  	_ =	shalt  }
0x67: {  	_ =	shalt  }
0x68: {  	_ =	shalt  }
0x69: {  	_ =	shalt  }
0x6a: {  	_ =	shalt  }
0x6b: {  	_ =	shalt  }
0x6c: {  	_ =	shalt  }
0x6d: {  	_ =	shalt  }
0x6e: {  	_ =	shalt  }
0x6f: {  	_ =	shalt  }
0x70: {  	_ =	shalt  }
0x71: {  	_ =	shalt  }
0x72: {  	_ =	shalt  }
0x73: {  	_ =	shalt  }
0x74: {  	_ =	shalt  }
0x75: {  	_ =	shalt  }
0x76: {  	_ =	shalt  }
0x77: {  	_ =	shalt  }
0x78: {  	_ =	shalt  }
0x79: {  	_ =	shalt  }
0x7a: {  	_ =	shalt  }
0x7b: {  	_ =	shalt  }
0x7c: {  	_ =	shalt  }
0x7d: {  	_ =	shalt  }
0x7e: {  	_ =	shalt  }
0x7f: {  	_ =	shalt  }
0x80: {  	_ =	shalt  }
0x81: {  	_ =	shalt  }
0x82: {  	_ =	shalt  }
0x83: {  	_ =	shalt  }
0x84: {  	_ =	shalt  }
0x85: {  	_ =	shalt  }
0x86: {  	_ =	shalt  }
0x87: {  	_ =	shalt  }
.Lfunc_end0:
.L_simem_size_0:
called_computation.1_lowered:
.L_overlay_start_0:
0x88: {  	s2 =	sld [smem:$0x3FD9]  }
0x89: {  	s3 =	sld [smem:$0x3FFE];
	_ =	sdelay $0x1  }
0x8a: {  	s1 =	srdreg.scid  }
0x8b: {  	s0 =	sand.u32 $0x1, s1  }
0x8c: {  	s17 =	sshll.u32 s0, $0xA;
	s2 =	sadd.s32 s3, s2  }
0x8d: {  	s2 =	sadd.s32 s2, s17  }
0x8e: {  	[smem:$0x3FC6] =	sst s2  }
0x8f: {  	_ = 	snop  }
0x90: {  	s2 =	sld [smem:$0x3FC8];
	(tm) =	ssettm $0x1  }
0x91: {  	s18 =	sld [smem:$0x3FFB];
	_ =	sdelay $0x3  }
0x92: {  	_ =	strace s18  }
0x93: {  	s3 =	sld [smem:$0x3FFC];
	_ =	sdelay $0x3  }
0x94: {  	_ =	strace s3  }
0x95: {  	s3 =	sld [smem:$0x3FFD];
	_ =	sdelay $0x3  }
0x96: {  	_ =	strace s3  }
0x97: {  	_ =	strace $0x8FFFFFFF  }
0x98: {  	s19 =	sld [smem:$0x3FDB];
	_ =	sdelay $0x1  }
0x99: {  	s4 =	simm.s32 $_scs_section_size  }
0x9a: {  	s5 =	simm.s32 $_size__tile_overlayer_lowered;
	s6 =	simm.s32 $_tile_overlayer_lowered  }
0x9b: {  	s22 =	simm.s32 $0x1BFF;
	s21 =	sshll.u32 s6, $0x1;
	s3 =	sadd.s32 s4, s19  }
0x9c: {  	s7 =	simm.s32 $0x0;
	s20 =	sshll.u32 s5, $0x1;
	s5 =	sadd.s32 s21, s3  }
0x9d: {  	[timem:s7], [sflag:s22] =	dma.local [hbm:s5], s20  }
0x9e: {  	_ =	swait.ge [sflag:s22], s20  }
0x9f: {  	s4 =	ssub.s32 $0x0, s20;
	[sflag:s22] =	ssyncset.done $0x0  }
0xa0: {  	[sflag:s22] =	ssyncadd.s32 s4;
	_ =	sdelay $0x1  }
0xa1: {  	s23 =	simm.s32 $0x1B8B  }
0xa2: {  	_ =	swait.ge [sflag:s23], $0x1  }
0xa3: {  	[sflag:s23] =	ssyncset.done $0x0  }
0xa4: {  	s25 =	simm.s32 $0x1B8E;
	s24 =	sld [smem:$0x3FFE];
	[sflag:s23] =	ssyncadd.s32 $0xFFFFFFFF  }
0xa5: {  	s26 =	simm.s32 $execute0_lowered;
	[smem:$0x3FD2] =	sst s25  }
0xa6: {  	s5 =	sshll.u32 s26, $0x1;
	_ =	strace $0x80000046;
	[dreg:$0x1] =	wrdreg $0xFFFFFFFF  }
0xa7: {  	s28 =	simm.s32 $_size_execute0_lowered;
	s3 =	sadd.s32 s3, s5;
	[dreg:$0x0] =	wrdreg $0x0  }
0xa8: {  	s5 =	sshll.u32 s28, $0x1;
	[dreg:$0x2] =	wrdreg s3  }
0xa9: {  	[dreg:$0x3] =	wrdreg s5  }
0xaa: {  	[dreg:$0x4] =	wrdreg $0xC0  }
0xab: {  	_ =	task [dreg:s7], $0x5FFFF  }
0xac: {  	[dreg:$0x1] =	wrdreg $0xFFFFFFFF  }
0xad: {  	[dreg:$0x0] =	wrdreg $0x60  }
0xae: {  	[dreg:$0x2] =	wrdreg s2  }
0xaf: {  	[dreg:$0x3] =	wrdreg s24  }
0xb0: {  	[dreg:$0x4] =	wrdreg $0x9  }
0xb1: {  	_ =	task.clear_ibuf [dreg:s7], $0x5FFFF;
	_ =	strace $0x90000046  }
0xb2: {  	s29 =	simm.s32 $0x9;
	_ =	strace $0x80000048  }
0xb3: {  	_ =	swait.ge [sflag:s29], $0x1  }
0xb4: {  	[sflag:s29] =	ssyncadd.s32 $0xFFFFFFFF  }
0xb5: {  	_ =	strace $0x90000048  }
0xb6: {  	_ =	sfence  }
0xb7: {  	s30 =	sld [smem:$0x0];
	_ =	sdelay $0x2  }
0xb8: {  	s31 =	sshll.u32 s1, $0xD;
	s1 =	sshrl.u32 s1, $0x2  }
0xb9: {  	s3 =	sand.u32 $0x4000, s31;
	s1 =	sadd.s32 s1, s30  }
0xba: {  	s0 =	sor.u32 s3, s0;
	s1 =	sshll.u32 s1, $0x11  }
0xbb: {  	s0 =	sor.u32 s1, s0  }
0xbc: {  	s0 =	sadd.s32 $0x8F2B, s0  }
0xbd: {  	[sflag:s0] =	ssyncadd.remote.s32 $0x1  }
0xbe: {  	_ =	sfence.sel $0xFFFF  }
0xbf: {  	[dreg:$0x0] =	wrdreg $0xFFFFFFFF;
	(pc) =	sbr.abs _section_cstart, $3  }
0xc0: {  	[dreg:$0x1] =	wrdreg $0xFFFFFFFF  }
0xc1: {  	_ =	task.clear_ibuf [dreg:s7], $0x2FFFF;
	_ =	strace $0x9FFFFFFF  }
0xc2: {  	(tm) =	ssettm $0x7FFFFFFF  }
0xc3: {  	_ =	shalt  }
tec
execute0_lowered:
.L_overlay_start_1:
0x0: {  	(tag) =	ssettag $0x1  }
0x1: {  	vm13 =	vcmask $0x300;
	v0 =	vimm.s32 $0xB80  }
0x2: {  	vm14 =	vcmask $0x704;
	vm12 =	vcmask $0xB08;
	vm11 =	vcmask $0xF0C  }
0x3: {  	vm10 =	vcmask $0x1310;
	vm9 =	vcmask $0x1714;
	vm8 =	vcmask $0x1B18  }
0x4: {  	vm7 =	vcmask $0x1F1C;
	vm6 =	vcmask $0x2320;
	vm5 =	vcmask $0x2724  }
0x5: {  	vm4 =	vcmask $0x2B28;
	vm3 =	vcmask $0x2F2C;
	vm1 =	vcmask $0x3330  }
0x6: {  	v1 =	vimm.s32 $0x0;
	vm2 =	vcmask $0x3734;
	v2 =	vimm.s32 $0x80  }
0x7: {  	vm0 =	vcmask $0x3B38;
	v62 =	vimm.s32 $0x100;
	v6 =	vimm.s32 $0x180  }
0x8: {  	v7 =	vimm.s32 $0x200;
	v18 =	vimm.s32 $0x280;
	v22 =	vimm.s32 $0x300  }
0x9: {  	v23 =	vimm.s32 $0x380;
	v26 =	vimm.s32 $0x800;
	v30 =	vimm.s32 $0x880  }
0xa: {  	v31 =	vimm.s32 $0x900;
	v34 =	vimm.s32 $0x980;
	v40 =	vimm.s32 $0xA00  }
0xb: {  	v41 =	vimm.s32 $0xA80;
	v44 =	vimm.s32 $0xB00;
	v3 =	vimm.s32 $0xFEDCBA9  }
0xc: {  	v57 =	vimm.s32 $0x210FEDCB;
	v58 =	vimm.s32 $0xA9876543;
	v9 =	vimm.s32 $0x43210FED  }
0xd: {  	v10 =	vimm.s32 $0xCBA98765;
	v12 =	vimm.s32 $0x543210FE;
	v13 =	vimm.s32 $0xDCBA9876  }
0xe: {  	v14 =	vimm.s32 $0xEDCBA987;
	v0 =	vsel vm13, $0x0, v0;
	v1 =	vsel vm13, $0x80, v1  }
0xf: {  	v2 =	vsel vm13, $0x100, v2;
	v3 =	vunpack.c.l.s4.s8 v3;
	v9 =	vunpack.c.l.s4.s8 v9  }
0x10: {  	v10 =	vunpack.c.l.s4.s8 v10;
	v12 =	vunpack.c.l.s4.s8 v12;
	v0 =	vsel vm14, $0x80, v0  }
0x11: {  	v1 =	vsel vm14, $0x100, v1;
	v2 =	vsel vm14, $0x180, v2;
	v0 =	vsel vm12, $0x100, v0  }
0x12: {  	v1 =	vsel vm12, $0x180, v1;
	v61 =	vsel vm12, $0x200, v2;
	v2 =	vsel vm13, $0x180, v62  }
0x13: {  	v3 =	vunpack.c.0.s8.s32 v3;
	v9 =	vunpack.c.0.s8.s32 v9;
	v10 =	vunpack.c.0.s8.s32 v10  }
0x14: {  	v12 =	vunpack.c.0.s8.s32 v12;
	v0 =	vsel vm11, $0x180, v0;
	v60 =	vsel vm11, $0x200, v1  }
0x15: {  	v1 =	vsel vm11, $0x280, v61;
	v2 =	vsel vm14, $0x200, v2;
	v0 =	vsel vm10, $0x200, v0  }
0x16: {  	v1 =	vsel vm10, $0x300, v1;
	v2 =	vsel vm12, $0x280, v2;
	v0 =	vsel vm9, $0x280, v0  }
0x17: {  	v1 =	vsel vm9, $0x380, v1;
	v2 =	vsel vm11, $0x300, v2;
	v0 =	vsel vm8, $0x300, v0  }
0x18: {  	v1 =	vsel vm8, $0x800, v1;
	v2 =	vsel vm10, $0x380, v2;
	v0 =	vsel vm7, $0x380, v0  }
0x19: {  	v1 =	vsel vm7, $0x880, v1;
	v2 =	vsel vm9, $0x800, v2;
	v0 =	vsel vm6, $0x800, v0  }
0x1a: {  	v1 =	vsel vm6, $0x900, v1;
	v2 =	vsel vm8, $0x880, v2;
	v0 =	vsel vm5, $0x880, v0  }
0x1b: {  	v1 =	vsel vm5, $0x980, v1;
	v2 =	vsel vm7, $0x900, v2;
	v0 =	vsel vm4, $0x900, v0  }
0x1c: {  	v1 =	vsel vm4, $0xA00, v1;
	v2 =	vsel vm6, $0x980, v2;
	v0 =	vsel vm3, $0x980, v0  }
0x1d: {  	v1 =	vsel vm3, $0xA80, v1;
	v4 =	vsel vm5, $0xA00, v2;
	v2 =	vsel vm13, $0x280, v7  }
0x1e: {  	v7 =	vimm.s32 $0xBA987654;
	v0 =	vsel vm1, $0xA00, v0;
	v1 =	vsel vm1, $0xB00, v1  }
0x1f: {  	v5 =	vsel vm4, $0xA80, v4;
	v2 =	vsel vm14, $0x300, v2;
	v4 =	vimm.s32 $0x87654321  }
0x20: {  	v7 =	vunpack.c.l.s4.s8 v7;
	v0 =	vsel vm2, $0xA80, v0;
	v63 =	vsel vm2, $0xB80, v1  }
0x21: {  	v1 =	vsel vm13, $0x200, v6;
	v17 =	vsel vm12, $0x380, v2;
	v2 =	vsel vm13, $0x300, v18  }
0x22: {  	v4 =	vunpack.c.l.s4.s8 v4;
	v6 =	vimm.s32 $0x98765432;
	v0 =	vsel vm0, $0xB00, v0  }
0x23: {  	v1 =	vsel vm14, $0x280, v1;
	v2 =	vsel vm14, $0x380, v2;
	v6 =	vunpack.c.l.s4.s8 v6  }
0x24: {  	v7 =	vunpack.c.0.s8.s32 v7;
	[tilespmem:$0x1F800] =	vst v0;
	v0 =	vsel vm10, $0x280, v60;
	v1 =	vsel vm12, $0x300, v1  }
0x25: {  	v2 =	vsel vm12, $0x800, v2;
	v4 =	vunpack.c.0.s8.s32 v4;
	v60 =	vimm.s32 $0x3210FEDC  }
0x26: {  	v0 =	vsel vm9, $0x300, v0;
	v16 =	vsel vm11, $0x380, v1;
	v1 =	vsel vm11, $0x800, v17  }
0x27: {  	v2 =	vsel vm11, $0x880, v2;
	v51 =	vunpack.c.0.s8.s32 v6;
	v6 =	vunpack.c.l.s4.s8 v60  }
0x28: {  	v17 =	vimm.s32 $0x76543210;
	v0 =	vsel vm8, $0x380, v0;
	v1 =	vsel vm10, $0x880, v1  }
0x29: {  	v2 =	vsel vm10, $0x900, v2;
	v47 =	vcombine.low v4, v3;
	v17 =	vunpack.c.l.s4.s8 v17  }
0x2a: {  	v3 =	vcombine.low v3, v4;
	v4 =	vimm.s32 $0x1380;
	v0 =	vsel vm7, $0x800, v0  }
0x2b: {  	v1 =	vsel vm9, $0x900, v1;
	v2 =	vsel vm9, $0x980, v2;
	v6 =	vunpack.c.0.s8.s32 v6  }
0x2c: {  	v0 =	vsel vm6, $0x880, v0;
	v1 =	vsel vm8, $0x980, v1;
	v2 =	vsel vm8, $0xA00, v2  }
0x2d: {  	v54 =	vand.u32 $0xF, v47;
	v61 =	vunpack.c.0.s8.s32 v17;
	v17 =	vimm.s32 $0x1900  }
0x2e: {  	v0 =	vsel vm5, $0x900, v0;
	v1 =	vsel vm7, $0xA00, v1;
	v2 =	vsel vm7, $0xA80, v2  }
0x2f: {  	v11 =	vcombine.low v7, v6;
	v0 =	vsel vm4, $0x980, v0;
	v1 =	vsel vm6, $0xA80, v1  }
0x30: {  	v2 =	vsel vm6, $0xB00, v2;
	v0 =	vsel vm3, $0xA00, v0;
	v1 =	vsel vm5, $0xB00, v1  }
0x31: {  	v20 =	vsel vm5, $0xB80, v2;
	v2 =	vsel vm13, $0x800, v23;
	v23 =	vcombine.low v6, v7  }
0x32: {  	v0 =	vsel vm1, $0xA80, v0;
	v1 =	vsel vm4, $0xB80, v1;
	v21 =	vsel vm4, $0x0, v20  }
0x33: {  	v2 =	vsel vm14, $0x880, v2;
	v0 =	vsel vm2, $0xB00, v0;
	v1 =	vsel vm3, $0x0, v1  }
0x34: {  	v25 =	vsel vm12, $0x900, v2;
	v2 =	vsel vm13, $0x880, v26;
	v0 =	vsel vm0, $0xB80, v0  }
0x35: {  	v1 =	vsel vm1, $0x80, v1;
	v2 =	vsel vm14, $0x900, v2;
	[tilespmem:$0x1F810] =	vst v0;
	v0 =	vsel vm0, $0x0, v63  }
0x36: {  	v19 =	vsel vm2, $0x100, v1;
	v1 =	vsel vm13, $0x380, v22;
	v2 =	vsel vm12, $0x980, v2  }
0x37: {  	[tilespmem:$0x1F820] =	vst v0;
	v0 =	vsel vm3, $0xB00, v5;
	v1 =	vsel vm14, $0x800, v1;
	v2 =	vsel vm11, $0xA00, v2  }
0x38: {  	v5 =	vimm.s32 $0x10FEDCBA;
	v0 =	vsel vm1, $0xB80, v0;
	v1 =	vsel vm12, $0x880, v1  }
0x39: {  	v2 =	vsel vm10, $0xA80, v2;
	v5 =	vunpack.c.l.s4.s8 v5;
	v0 =	vsel vm2, $0x0, v0  }
0x3a: {  	v24 =	vsel vm11, $0x900, v1;
	v1 =	vsel vm11, $0x980, v25;
	v2 =	vsel vm9, $0xB00, v2  }
0x3b: {  	v0 =	vsel vm0, $0x80, v0;
	v1 =	vsel vm10, $0xA00, v1;
	v2 =	vsel vm8, $0xB80, v2  }
0x3c: {  	v49 =	vunpack.c.0.s8.s32 v5;
	v5 =	vunpack.c.l.s4.s8 v58;
	[tilespmem:$0x1F830] =	vst v0;
	v0 =	vsel vm10, $0x800, v16  }
0x3d: {  	v1 =	vsel vm9, $0xA80, v1;
	v2 =	vsel vm7, $0x0, v2;
	v16 =	vimm.s32 $0xFEDCBA98  }
0x3e: {  	v0 =	vsel vm9, $0x880, v0;
	v1 =	vsel vm8, $0xB00, v1;
	v2 =	vsel vm6, $0x80, v2  }
0x3f: {  	v8 =	vcombine.low v51, v49;
	v5 =	vunpack.c.0.s8.s32 v5;
	v16 =	vunpack.c.l.s4.s8 v16  }
0x40: {  	v0 =	vsel vm8, $0x900, v0;
	v1 =	vsel vm7, $0xB80, v1;
	v28 =	vsel vm5, $0x100, v2  }
0x41: {  	v2 =	vsel vm13, $0x980, v31;
	v31 =	vimm.s32 $0x1100;
	v0 =	vsel vm7, $0x980, v0  }
0x42: {  	v1 =	vsel vm6, $0x0, v1;
	v29 =	vsel vm4, $0x180, v28;
	v2 =	vsel vm14, $0xA00, v2  }
0x43: {  	v55 =	vand.u32 $0xF, v8;
	v0 =	vsel vm6, $0xA00, v0;
	v1 =	vsel vm5, $0x80, v1  }
0x44: {  	v33 =	vsel vm12, $0xA80, v2;
	v2 =	vsel vm13, $0xA00, v34;
	v34 =	vimm.s32 $0x1200  }
0x45: {  	v0 =	vsel vm5, $0xA80, v0;
	v1 =	vsel vm4, $0x100, v1;
	v2 =	vsel vm14, $0xA80, v2  }
0x46: {  	v0 =	vsel vm4, $0xB00, v0;
	v1 =	vsel vm3, $0x180, v1;
	v2 =	vsel vm12, $0xB00, v2  }
0x47: {  	v0 =	vsel vm3, $0xB80, v0;
	v1 =	vsel vm1, $0x200, v1;
	v2 =	vsel vm11, $0xB80, v2  }
0x48: {  	v0 =	vsel vm1, $0x0, v0;
	v27 =	vsel vm2, $0x280, v1;
	v1 =	vsel vm13, $0x900, v30  }
0x49: {  	v2 =	vsel vm10, $0x0, v2;
	v30 =	vimm.s32 $0x1080;
	v0 =	vsel vm2, $0x80, v0  }
0x4a: {  	v62 =	vsel vm0, $0x300, v27;
	v1 =	vsel vm14, $0x980, v1;
	v2 =	vsel vm9, $0x80, v2  }
0x4b: {  	v0 =	vsel vm0, $0x100, v0;
	v1 =	vsel vm12, $0xA00, v1;
	v2 =	vsel vm8, $0x100, v2  }
0x4c: {  	[tilespmem:$0x1F840] =	vst v0;
	v0 =	vsel vm0, $0x180, v19;
	v32 =	vsel vm11, $0xA80, v1;
	v1 =	vsel vm11, $0xB00, v33  }
0x4d: {  	v2 =	vsel vm7, $0x180, v2;
	v33 =	vimm.s32 $0x1180;
	[tilespmem:$0x1F850] =	vst v0;
	v0 =	vsel vm3, $0x80, v21  }
0x4e: {  	v1 =	vsel vm10, $0xB80, v1;
	v2 =	vsel vm6, $0x200, v2;
	v0 =	vsel vm1, $0x100, v0  }
0x4f: {  	v1 =	vsel vm9, $0x0, v1;
	v37 =	vsel vm5, $0x280, v2;
	v2 =	vsel vm13, $0xB00, v41  }
0x50: {  	v0 =	vsel vm2, $0x180, v0;
	v1 =	vsel vm8, $0x80, v1;
	v39 =	vsel vm4, $0x300, v37  }
0x51: {  	v2 =	vsel vm14, $0xB80, v2;
	v59 =	vsel vm0, $0x200, v0;
	v0 =	vsel vm10, $0x980, v24  }
0x52: {  	v1 =	vsel vm7, $0x100, v1;
	v43 =	vsel vm12, $0x0, v2;
	v2 =	vsel vm13, $0xB80, v44  }
0x53: {  	v24 =	vcombine.low v9, v10;
	v0 =	vsel vm9, $0xA00, v0;
	v1 =	vsel vm6, $0x180, v1  }
0x54: {  	v2 =	vsel vm14, $0x0, v2;
	v0 =	vsel vm8, $0xA80, v0;
	v1 =	vsel vm5, $0x200, v1  }
0x55: {  	v2 =	vsel vm12, $0x80, v2;
	v27 =	vand.u32 $0xF, v24;
	v0 =	vsel vm7, $0xB00, v0  }
0x56: {  	v1 =	vsel vm4, $0x280, v1;
	v2 =	vsel vm11, $0x100, v2;
	[tilespmem:$0x1F870] =	vst v27;
	v27 =	vimm.s32 $0x2000  }
0x57: {  	v0 =	vsel vm6, $0xB80, v0;
	v1 =	vsel vm3, $0x300, v1;
	v2 =	vsel vm10, $0x180, v2  }
0x58: {  	v0 =	vsel vm5, $0x0, v0;
	v1 =	vsel vm1, $0x380, v1;
	v2 =	vsel vm9, $0x200, v2  }
0x59: {  	v0 =	vsel vm4, $0x80, v0;
	v35 =	vsel vm2, $0x800, v1;
	v1 =	vsel vm13, $0xA80, v40  }
0x5a: {  	v2 =	vsel vm8, $0x280, v2;
	v0 =	vsel vm3, $0x100, v0;
	v1 =	vsel vm14, $0xB00, v1  }
0x5b: {  	v2 =	vsel vm7, $0x300, v2;
	v0 =	vsel vm1, $0x180, v0;
	v1 =	vsel vm12, $0xB80, v1  }
0x5c: {  	v2 =	vsel vm6, $0x380, v2;
	v0 =	vsel vm2, $0x200, v0;
	v42 =	vsel vm11, $0x0, v1  }
0x5d: {  	v1 =	vsel vm11, $0x80, v43;
	v2 =	vsel vm5, $0x800, v2;
	v36 =	vsel vm0, $0x280, v0  }
0x5e: {  	v0 =	vsel vm3, $0x200, v29;
	v1 =	vsel vm10, $0x100, v1;
	v2 =	vsel vm4, $0x880, v2  }
0x5f: {  	v29 =	vimm.s32 $0x1000;
	v0 =	vsel vm1, $0x280, v0;
	v1 =	vsel vm9, $0x180, v1  }
0x60: {  	v2 =	vsel vm3, $0x900, v2;
	v0 =	vsel vm2, $0x300, v0;
	v1 =	vsel vm8, $0x200, v1  }
0x61: {  	v46 =	vsel vm1, $0x980, v2;
	v2 =	vunpack.c.l.s4.s8 v57;
	v57 =	vand.u32 $0xF, v11  }
0x62: {  	v11 =	vcombine.low v10, v9;
	v9 =	vimm.s32 $0x2800;
	v10 =	vimm.s32 $0x2880  }
0x63: {  	v38 =	vsel vm0, $0x380, v0;
	v0 =	vsel vm10, $0xB00, v32;
	v1 =	vsel vm7, $0x280, v1  }
0x64: {  	v9 =	vsel vm13, $0x2880, v9;
	v10 =	vsel vm13, $0x2900, v10;
	v0 =	vsel vm9, $0xB80, v0  }
0x65: {  	v1 =	vsel vm6, $0x300, v1;
	v2 =	vunpack.c.0.s8.s32 v2;
	v41 =	vand.u32 $0xF, v11  }
0x66: {  	v11 =	vunpack.c.l.s4.s8 v14;
	v14 =	vimm.s32 $0x1B80;
	v9 =	vsel vm14, $0x2900, v9  }
0x67: {  	v10 =	vsel vm14, $0x2980, v10;
	v0 =	vsel vm8, $0x0, v0;
	v1 =	vsel vm5, $0x380, v1  }
0x68: {  	v14 =	vsel vm13, $0x1000, v14;
	v9 =	vsel vm12, $0x2980, v9;
	v10 =	vsel vm12, $0x2A00, v10  }
0x69: {  	v0 =	vsel vm7, $0x80, v0;
	v1 =	vsel vm4, $0x800, v1;
	v8 =	vcombine.low v5, v2  }
0x6a: {  	v11 =	vunpack.c.0.s8.s32 v11;
	v14 =	vsel vm14, $0x1080, v14;
	v20 =	vcombine.low v2, v5  }
0x6b: {  	v5 =	vimm.s32 $0x1800;
	v9 =	vsel vm11, $0x2A00, v9;
	v10 =	vsel vm11, $0x2A80, v10  }
0x6c: {  	v0 =	vsel vm6, $0x100, v0;
	v1 =	vsel vm3, $0x880, v1;
	v14 =	vsel vm12, $0x1100, v14  }
0x6d: {  	v9 =	vsel vm10, $0x2A80, v9;
	v10 =	vsel vm10, $0x2B00, v10;
	v0 =	vsel vm5, $0x180, v0  }
0x6e: {  	v1 =	vsel vm1, $0x900, v1;
	v56 =	vand.u32 $0xF, v8;
	v8 =	vunpack.c.l.s4.s8 v13  }
0x6f: {  	v13 =	vimm.s32 $0x6543210F;
	v14 =	vsel vm11, $0x1180, v14;
	v47 =	vand.u32 $0xF, v20  }
0x70: {  	v9 =	vsel vm9, $0x2B00, v9;
	v10 =	vsel vm9, $0x2B80, v10;
	v0 =	vsel vm4, $0x200, v0  }
0x71: {  	v45 =	vsel vm2, $0x980, v1;
	v1 =	vsel vm2, $0xA00, v46;
	v13 =	vunpack.c.l.s4.s8 v13  }
0x72: {  	v14 =	vsel vm10, $0x1200, v14;
	v9 =	vsel vm8, $0x2B80, v9;
	v10 =	vsel vm8, $0x2000, v10  }
0x73: {  	v0 =	vsel vm3, $0x280, v0;
	v52 =	vsel vm0, $0xA00, v45;
	v53 =	vsel vm0, $0xA80, v1  }
0x74: {  	v8 =	vunpack.c.0.s8.s32 v8;
	v14 =	vsel vm9, $0x1280, v14;
	v45 =	vand.u32 $0xF, v3  }
0x75: {  	v1 =	vsel vm13, $0x1100, v30;
	v30 =	vimm.s32 $0x2100;
	v9 =	vsel vm7, $0x2000, v9  }
0x76: {  	v10 =	vsel vm7, $0x2080, v10;
	v0 =	vsel vm1, $0x300, v0;
	v13 =	vunpack.c.0.s8.s32 v13  }
0x77: {  	v19 =	vsel vm8, $0x1300, v14;
	v1 =	vsel vm14, $0x1180, v1;
	v3 =	vsel vm13, $0x2180, v30  }
0x78: {  	v14 =	vimm.s32 $0x2A80;
	v30 =	vimm.s32 $0x3A80;
	v9 =	vsel vm6, $0x2080, v9  }
0x79: {  	v10 =	vsel vm6, $0x2100, v10;
	v0 =	vsel vm2, $0x380, v0;
	v15 =	vcombine.low v8, v12  }
0x7a: {  	v21 =	vsel vm7, $0x1380, v19;
	v25 =	vcombine.low v12, v8;
	v1 =	vsel vm12, $0x1200, v1  }
0x7b: {  	v3 =	vsel vm14, $0x2200, v3;
	v8 =	vimm.s32 $0x2380;
	v12 =	vimm.s32 $0x2980  }
0x7c: {  	v14 =	vsel vm13, $0x2B00, v14;
	v30 =	vsel vm13, $0x3B00, v30;
	v9 =	vsel vm5, $0x2100, v9  }
0x7d: {  	v10 =	vsel vm5, $0x2180, v10;
	v63 =	vsel vm0, $0x800, v0;
	v0 =	vsel vm0, $0x880, v35  }
0x7e: {  	v18 =	vcombine.low v11, v13;
	v2 =	vsel vm6, $0x1800, v21;
	v26 =	vcombine.low v13, v11  }
0x7f: {  	v1 =	vsel vm11, $0x1280, v1;
	v35 =	vimm.s32 $0x1280;
	v21 =	vimm.s32 $0x1A00  }
0x80: {  	v8 =	vsel vm13, $0x2800, v8;
	v11 =	vimm.s32 $0x2900;
	v13 =	vimm.s32 $0x2A00  }
0x81: {  	v12 =	vsel vm13, $0x2A00, v12;
	v14 =	vsel vm14, $0x2B80, v14;
	v30 =	vsel vm14, $0x3B80, v30  }
0x82: {  	v3 =	vsel vm12, $0x2280, v3;
	v9 =	vsel vm4, $0x2180, v9;
	v10 =	vsel vm4, $0x2200, v10  }
0x83: {  	[tilespmem:$0x1F860] =	vst v0;
	v0 =	vsel vm3, $0x380, v39;
	v22 =	vsel vm5, $0x1880, v2;
	v2 =	vsel vm13, $0x1180, v31  }
0x84: {  	v1 =	vsel vm10, $0x1300, v1;
	v31 =	vimm.s32 $0x2180;
	v8 =	vsel vm14, $0x2880, v8  }
0x85: {  	v11 =	vsel vm13, $0x2980, v11;
	v13 =	vsel vm13, $0x2A80, v13;
	v12 =	vsel vm14, $0x2A80, v12  }
0x86: {  	v14 =	vsel vm12, $0x2000, v14;
	v30 =	vsel vm12, $0x3000, v30;
	v3 =	vsel vm11, $0x2300, v3  }
0x87: {  	v9 =	vsel vm3, $0x2200, v9;
	v10 =	vsel vm3, $0x2280, v10;
	v0 =	vsel vm1, $0x800, v0  }
0x88: {  	v43 =	vand.u32 $0xF, v18;
	v28 =	vand.u32 $0xF, v26;
	v2 =	vsel vm14, $0x1200, v2  }
0x89: {  	v1 =	vsel vm9, $0x1380, v1;
	v18 =	vimm.s32 $0x1980;
	v26 =	vimm.s32 $0x2B80  }
0x8a: {  	v11 =	vsel vm14, $0x2A00, v11;
	v13 =	vsel vm14, $0x2B00, v13;
	v8 =	vsel vm12, $0x2900, v8  }
0x8b: {  	v12 =	vsel vm12, $0x2B00, v12;
	v14 =	vsel vm11, $0x2080, v14;
	v30 =	vsel vm11, $0x3080, v30  }
0x8c: {  	v3 =	vsel vm10, $0x2380, v3;
	v9 =	vsel vm1, $0x2280, v9;
	v10 =	vsel vm1, $0x2300, v10  }
0x8d: {  	v0 =	vsel vm2, $0x880, v0;
	v2 =	vsel vm12, $0x1280, v2;
	v1 =	vsel vm8, $0x1800, v1  }
0x8e: {  	[tilespmem:$0x1F880] =	vst v28;
	v28 =	vimm.s32 $0x1C1B1A19;
	v11 =	vsel vm12, $0x2A80, v11;
	v13 =	vsel vm12, $0x2B80, v13  }
0x8f: {  	v8 =	vsel vm11, $0x2980, v8;
	v12 =	vsel vm11, $0x2B80, v12;
	v14 =	vsel vm10, $0x2100, v14  }
0x90: {  	v30 =	vsel vm10, $0x3100, v30;
	v3 =	vsel vm9, $0x2800, v3;
	v9 =	vsel vm2, $0x2300, v9  }
0x91: {  	v10 =	vsel vm2, $0x2380, v10;
	v48 =	vsel vm0, $0x900, v0;
	v0 =	vsel vm10, $0x80, v42  }
0x92: {  	v42 =	vand.u32 $0xF, v15;
	v15 =	vunpack.c.0.s8.s32 v16;
	v2 =	vsel vm11, $0x1300, v2  }
0x93: {  	v1 =	vsel vm7, $0x1880, v1;
	v16 =	vimm.s32 $0x1880;
	v11 =	vsel vm11, $0x2B00, v11  }
0x94: {  	v13 =	vsel vm11, $0x2000, v13;
	v8 =	vsel vm10, $0x2A00, v8;
	v12 =	vsel vm10, $0x2000, v12  }
0x95: {  	v3 =	vsel vm8, $0x2880, v3;
	v14 =	vsel vm9, $0x2180, v14;
	v30 =	vsel vm9, $0x3180, v30  }
0x96: {  	v9 =	vsel vm0, $0x2380, v9;
	v10 =	vsel vm0, $0x2800, v10;
	v0 =	vsel vm9, $0x100, v0  }
0x97: {  	v2 =	vsel vm10, $0x1380, v2;
	v1 =	vsel vm6, $0x1900, v1;
	v11 =	vsel vm10, $0x2B80, v11  }
0x98: {  	v13 =	vsel vm10, $0x2080, v13;
	v3 =	vsel vm7, $0x2900, v3;
	v8 =	vsel vm9, $0x2A80, v8  }
0x99: {  	v12 =	vsel vm9, $0x2080, v12;
	v14 =	vsel vm8, $0x2200, v14;
	v30 =	vsel vm8, $0x3200, v30  }
0x9a: {  	v0 =	vsel vm8, $0x180, v0;
	v15 =	vand.u32 $0xF, v15;
	v2 =	vsel vm9, $0x1800, v2  }
0x9b: {  	v1 =	vsel vm5, $0x1980, v1;
	v8 =	vsel vm8, $0x2B00, v8;
	v11 =	vsel vm9, $0x2000, v11  }
0x9c: {  	v13 =	vsel vm9, $0x2100, v13;
	v12 =	vsel vm8, $0x2100, v12;
	v14 =	vsel vm7, $0x2280, v14  }
0x9d: {  	v30 =	vsel vm7, $0x3280, v30;
	v3 =	vsel vm6, $0x2980, v3;
	v0 =	vsel vm7, $0x200, v0  }
0x9e: {  	v44 =	vcombine.low v15, v61;
	v2 =	vsel vm8, $0x1880, v2;
	v1 =	vsel vm4, $0x1A00, v1  }
0x9f: {  	v61 =	vimm.s32 $0x1300;
	v15 =	vimm.s32 $0x2B00;
	v8 =	vsel vm7, $0x2B80, v8  }
0xa0: {  	v11 =	vsel vm8, $0x2080, v11;
	v13 =	vsel vm8, $0x2180, v13;
	v12 =	vsel vm7, $0x2180, v12  }
0xa1: {  	v14 =	vsel vm6, $0x2300, v14;
	v30 =	vsel vm6, $0x3300, v30;
	v3 =	vsel vm5, $0x2A00, v3  }
0xa2: {  	v0 =	vsel vm6, $0x280, v0;
	v2 =	vsel vm7, $0x1900, v2;
	v1 =	vsel vm3, $0x1A80, v1  }
0xa3: {  	v15 =	vsel vm13, $0x2B80, v15;
	v11 =	vsel vm7, $0x2100, v11;
	v13 =	vsel vm7, $0x2200, v13  }
0xa4: {  	v8 =	vsel vm6, $0x2000, v8;
	v12 =	vsel vm6, $0x2200, v12;
	v14 =	vsel vm5, $0x2380, v14  }
0xa5: {  	v30 =	vsel vm5, $0x3380, v30;
	v3 =	vsel vm4, $0x2A80, v3;
	v0 =	vsel vm5, $0x300, v0  }
0xa6: {  	v2 =	vsel vm6, $0x1980, v2;
	v1 =	vsel vm1, $0x1B00, v1;
	v15 =	vsel vm14, $0x2000, v15  }
0xa7: {  	v11 =	vsel vm6, $0x2180, v11;
	v13 =	vsel vm6, $0x2280, v13;
	v8 =	vsel vm5, $0x2080, v8  }
0xa8: {  	v12 =	vsel vm5, $0x2280, v12;
	v14 =	vsel vm4, $0x2800, v14;
	v30 =	vsel vm4, $0x3800, v30  }
0xa9: {  	v3 =	vsel vm3, $0x2B00, v3;
	v0 =	vsel vm4, $0x380, v0;
	v2 =	vsel vm5, $0x1A00, v2  }
0xaa: {  	v1 =	vsel vm2, $0x1B80, v1;
	v15 =	vsel vm12, $0x2080, v15;
	v11 =	vsel vm5, $0x2200, v11  }
0xab: {  	v13 =	vsel vm5, $0x2300, v13;
	v8 =	vsel vm4, $0x2100, v8;
	v12 =	vsel vm4, $0x2300, v12  }
0xac: {  	v3 =	vsel vm1, $0x2B80, v3;
	v14 =	vsel vm3, $0x2880, v14;
	v30 =	vsel vm3, $0x3880, v30  }
0xad: {  	v0 =	vsel vm3, $0x800, v0;
	v2 =	vsel vm4, $0x1A80, v2;
	v58 =	vsel vm0, $0x1000, v1  }
0xae: {  	v1 =	vsel vm13, $0x1280, v34;
	v34 =	vimm.s32 $0x2300;
	v15 =	vsel vm11, $0x2100, v15  }
0xaf: {  	v11 =	vsel vm4, $0x2280, v11;
	v13 =	vsel vm4, $0x2380, v13;
	v3 =	vsel vm2, $0x2000, v3  }
0xb0: {  	v8 =	vsel vm3, $0x2180, v8;
	v12 =	vsel vm3, $0x2380, v12;
	v14 =	vsel vm1, $0x2900, v14  }
0xb1: {  	v30 =	vsel vm1, $0x3900, v30;
	v0 =	vsel vm1, $0x880, v0;
	v2 =	vsel vm3, $0x1B00, v2  }
0xb2: {  	v1 =	vsel vm14, $0x1300, v1;
	v15 =	vsel vm10, $0x2180, v15;
	v8 =	vsel vm1, $0x2200, v8  }
0xb3: {  	v11 =	vsel vm3, $0x2300, v11;
	v13 =	vsel vm3, $0x2800, v13;
	v12 =	vsel vm1, $0x2800, v12  }
0xb4: {  	v14 =	vsel vm2, $0x2980, v14;
	v0 =	vsel vm2, $0x900, v0;
	v2 =	vsel vm1, $0x1B80, v2  }
0xb5: {  	v1 =	vsel vm12, $0x1380, v1;
	v15 =	vsel vm9, $0x2200, v15;
	v8 =	vsel vm2, $0x2280, v8  }
0xb6: {  	v11 =	vsel vm1, $0x2380, v11;
	v13 =	vsel vm1, $0x2880, v13;
	v12 =	vsel vm2, $0x2880, v12  }
0xb7: {  	v14 =	vsel vm0, $0x2A00, v14;
	v50 =	vsel vm0, $0x980, v0;
	v0 =	vcombine.low v49, v51  }
0xb8: {  	v49 =	vand.u32 $0xF, v23;
	v51 =	vand.u32 $0xF, v25;
	v32 =	vsel vm2, $0x1000, v2  }
0xb9: {  	v2 =	vsel vm13, $0x1300, v35;
	v1 =	vsel vm11, $0x1800, v1;
	v23 =	vimm.s32 $0x1B00  }
0xba: {  	v35 =	vimm.s32 $0x3B80;
	v15 =	vsel vm8, $0x2280, v15;
	v11 =	vsel vm2, $0x2800, v11  }
0xbb: {  	v13 =	vsel vm2, $0x2900, v13;
	v8 =	vsel vm0, $0x2300, v8;
	v40 =	vsel vm0, $0x1080, v32  }
0xbc: {  	v2 =	vsel vm14, $0x1380, v2;
	v1 =	vsel vm10, $0x1880, v1;
	v32 =	vimm.s32 $0x2200  }
0xbd: {  	v15 =	vsel vm7, $0x2300, v15;
	v13 =	vsel vm0, $0x2980, v13;
	v46 =	vand.u32 $0xF, v0  }
0xbe: {  	v0 =	vsel vm4, $0x1900, v22;
	v2 =	vsel vm12, $0x1800, v2;
	v1 =	vsel vm9, $0x1900, v1  }
0xbf: {  	v22 =	vimm.s32 $0x1A80;
	v15 =	vsel vm6, $0x2380, v15;
	v0 =	vsel vm3, $0x1980, v0  }
0xc0: {  	v2 =	vsel vm11, $0x1880, v2;
	v1 =	vsel vm8, $0x1980, v1;
	v15 =	vsel vm5, $0x2800, v15  }
0xc1: {  	v0 =	vsel vm1, $0x1A00, v0;
	v2 =	vsel vm10, $0x1900, v2;
	v1 =	vsel vm7, $0x1A00, v1  }
0xc2: {  	v15 =	vsel vm4, $0x2880, v15;
	v0 =	vsel vm2, $0x1A80, v0;
	v2 =	vsel vm9, $0x1980, v2  }
0xc3: {  	v1 =	vsel vm6, $0x1A80, v1;
	v15 =	vsel vm3, $0x2900, v15;
	v60 =	vsel vm0, $0x1B00, v0  }
0xc4: {  	v0 =	vsel vm13, $0x1080, v29;
	v2 =	vsel vm8, $0x1A00, v2;
	v1 =	vsel vm5, $0x1B00, v1  }
0xc5: {  	v29 =	vimm.s32 $0x2080;
	v15 =	vsel vm1, $0x2980, v15;
	v0 =	vsel vm14, $0x1100, v0  }
0xc6: {  	v2 =	vsel vm7, $0x1A80, v2;
	v1 =	vsel vm4, $0x1B80, v1;
	v0 =	vsel vm12, $0x1180, v0  }
0xc7: {  	v2 =	vsel vm6, $0x1B00, v2;
	v1 =	vsel vm3, $0x1000, v1;
	v0 =	vsel vm11, $0x1200, v0  }
0xc8: {  	v2 =	vsel vm5, $0x1B80, v2;
	v1 =	vsel vm1, $0x1080, v1;
	v0 =	vsel vm10, $0x1280, v0  }
0xc9: {  	v2 =	vsel vm4, $0x1000, v2;
	v1 =	vsel vm2, $0x1100, v1;
	v0 =	vsel vm9, $0x1300, v0  }
0xca: {  	v2 =	vsel vm3, $0x1080, v2;
	v37 =	vsel vm0, $0x1180, v1;
	v1 =	vsel vm13, $0x1800, v4  }
0xcb: {  	v4 =	vsel vm13, $0x2200, v31;
	v31 =	vimm.s32 $0x3B00;
	v0 =	vsel vm8, $0x1380, v0  }
0xcc: {  	v2 =	vsel vm1, $0x1100, v2;
	v1 =	vsel vm14, $0x1880, v1;
	v4 =	vsel vm14, $0x2280, v4  }
0xcd: {  	[tilespmem:$0x1F8B0] =	vst v37;
	v37 =	vimm.s32 $0x3000;
	v31 =	vsel vm13, $0x3B80, v31;
	v0 =	vsel vm7, $0x1800, v0  }
0xce: {  	v39 =	vsel vm2, $0x1180, v2;
	v2 =	vsel vm13, $0x1880, v5;
	v1 =	vsel vm12, $0x1900, v1  }
0xcf: {  	v5 =	vsel vm13, $0x2280, v32;
	v31 =	vsel vm14, $0x3000, v31;
	v32 =	vimm.s32 $0x101F1E1D  }
0xd0: {  	v4 =	vsel vm12, $0x2300, v4;
	v0 =	vsel vm6, $0x1880, v0;
	v2 =	vsel vm14, $0x1900, v2  }
0xd1: {  	v1 =	vsel vm11, $0x1980, v1;
	v5 =	vsel vm14, $0x2300, v5;
	v32 =	vunpack.c.0.s8.s32 v32  }
0xd2: {  	v31 =	vsel vm12, $0x3080, v31;
	v4 =	vsel vm11, $0x2380, v4;
	v0 =	vsel vm5, $0x1900, v0  }
0xd3: {  	v2 =	vsel vm12, $0x1980, v2;
	v1 =	vsel vm10, $0x1A00, v1;
	v5 =	vsel vm12, $0x2380, v5  }
0xd4: {  	v31 =	vsel vm11, $0x3100, v31;
	v4 =	vsel vm10, $0x2800, v4;
	v0 =	vsel vm4, $0x1980, v0  }
0xd5: {  	v2 =	vsel vm11, $0x1A00, v2;
	v1 =	vsel vm9, $0x1A80, v1;
	v5 =	vsel vm11, $0x2800, v5  }
0xd6: {  	v31 =	vsel vm10, $0x3180, v31;
	v4 =	vsel vm9, $0x2880, v4;
	v0 =	vsel vm3, $0x1A00, v0  }
0xd7: {  	v2 =	vsel vm10, $0x1A80, v2;
	v1 =	vsel vm8, $0x1B00, v1;
	v5 =	vsel vm10, $0x2880, v5  }
0xd8: {  	v4 =	vsel vm8, $0x2900, v4;
	v31 =	vsel vm9, $0x3200, v31;
	v0 =	vsel vm1, $0x1A80, v0  }
0xd9: {  	v2 =	vsel vm9, $0x1B00, v2;
	v1 =	vsel vm7, $0x1B80, v1;
	v4 =	vsel vm7, $0x2980, v4  }
0xda: {  	v5 =	vsel vm9, $0x2900, v5;
	v31 =	vsel vm8, $0x3280, v31;
	v0 =	vsel vm2, $0x1B00, v0  }
0xdb: {  	v2 =	vsel vm8, $0x1B80, v2;
	v1 =	vsel vm6, $0x1000, v1;
	v5 =	vsel vm8, $0x2980, v5  }
0xdc: {  	v31 =	vsel vm7, $0x3300, v31;
	v4 =	vsel vm6, $0x2A00, v4;
	v0 =	vsel vm0, $0x1B80, v0  }
0xdd: {  	v2 =	vsel vm7, $0x1000, v2;
	v1 =	vsel vm5, $0x1080, v1;
	v5 =	vsel vm7, $0x2A00, v5  }
0xde: {  	v31 =	vsel vm6, $0x3380, v31;
	v4 =	vsel vm5, $0x2A80, v4;
	[tilespmem:$0x1F890] =	vst v0;
	v0 =	vsel vm13, $0x1200, v33  }
0xdf: {  	v2 =	vsel vm6, $0x1080, v2;
	v1 =	vsel vm4, $0x1100, v1;
	v33 =	vimm.s32 $0x2280  }
0xe0: {  	v5 =	vsel vm6, $0x2A80, v5;
	v31 =	vsel vm5, $0x3800, v31;
	v4 =	vsel vm4, $0x2B00, v4  }
0xe1: {  	v0 =	vsel vm14, $0x1280, v0;
	v2 =	vsel vm5, $0x1100, v2;
	v1 =	vsel vm3, $0x1180, v1  }
0xe2: {  	v5 =	vsel vm5, $0x2B00, v5;
	v31 =	vsel vm4, $0x3880, v31;
	v4 =	vsel vm3, $0x2B80, v4  }
0xe3: {  	v0 =	vsel vm12, $0x1300, v0;
	v2 =	vsel vm4, $0x1180, v2;
	v1 =	vsel vm1, $0x1200, v1  }
0xe4: {  	v5 =	vsel vm4, $0x2B80, v5;
	v4 =	vsel vm1, $0x2000, v4;
	v0 =	vsel vm11, $0x1380, v0  }
0xe5: {  	v2 =	vsel vm3, $0x1200, v2;
	v1 =	vsel vm2, $0x1280, v1;
	v4 =	vsel vm2, $0x2080, v4  }
0xe6: {  	v5 =	vsel vm3, $0x2000, v5;
	v0 =	vsel vm10, $0x1800, v0;
	v2 =	vsel vm1, $0x1280, v2  }
0xe7: {  	v6 =	vsel vm0, $0x1300, v1;
	v1 =	vsel vm13, $0x1980, v17;
	v17 =	vsel vm13, $0x3080, v37  }
0xe8: {  	v5 =	vsel vm1, $0x2080, v5;
	v4 =	vsel vm0, $0x2100, v4;
	v0 =	vsel vm9, $0x1880, v0  }
0xe9: {  	v7 =	vsel vm2, $0x1300, v2;
	v1 =	vsel vm14, $0x1A00, v1;
	v2 =	vsel vm13, $0x1A00, v18  }
0xea: {  	[tilespmem:$0x1F8E0] =	vst v6;
	v6 =	vsel vm13, $0x2300, v33;
	v17 =	vsel vm14, $0x3100, v17;
	v33 =	vimm.s32 $0x14131211  }
0xeb: {  	v5 =	vsel vm2, $0x2100, v5;
	[tilespmem:$0x1FA60] =	vst v4;
	v4 =	vsel vm0, $0x2880, v11;
	v11 =	vmovc v40;
	v40 =	vsel vm0, $0x2900, v12  }
0xec: {  	v0 =	vsel vm8, $0x1900, v0;
	v1 =	vsel vm12, $0x1A80, v1;
	v2 =	vsel vm14, $0x1A80, v2  }
0xed: {  	v6 =	vsel vm14, $0x2380, v6;
	v17 =	vsel vm12, $0x3180, v17;
	[tilespmem:$0x1FAA0] =	vst v4;
	v4 =	vimm.s32 $0x28272625  }
0xee: {  	v0 =	vsel vm7, $0x1980, v0;
	v1 =	vsel vm11, $0x1B00, v1;
	v2 =	vsel vm12, $0x1B00, v2  }
0xef: {  	v6 =	vsel vm12, $0x2800, v6;
	v17 =	vsel vm11, $0x3200, v17;
	v0 =	vsel vm6, $0x1A00, v0  }
0xf0: {  	v1 =	vsel vm10, $0x1B80, v1;
	v2 =	vsel vm11, $0x1B80, v2;
	v6 =	vsel vm11, $0x2880, v6  }
0xf1: {  	v17 =	vsel vm10, $0x3280, v17;
	v0 =	vsel vm5, $0x1A80, v0;
	v1 =	vsel vm9, $0x1000, v1  }
0xf2: {  	v2 =	vsel vm10, $0x1000, v2;
	v6 =	vsel vm10, $0x2900, v6;
	v17 =	vsel vm9, $0x3300, v17  }
0xf3: {  	v0 =	vsel vm4, $0x1B00, v0;
	v1 =	vsel vm8, $0x1080, v1;
	v2 =	vsel vm9, $0x1080, v2  }
0xf4: {  	v6 =	vsel vm9, $0x2980, v6;
	v17 =	vsel vm8, $0x3380, v17;
	v0 =	vsel vm3, $0x1B80, v0  }
0xf5: {  	v1 =	vsel vm7, $0x1100, v1;
	v2 =	vsel vm8, $0x1100, v2;
	v6 =	vsel vm8, $0x2A00, v6  }
0xf6: {  	v17 =	vsel vm7, $0x3800, v17;
	v0 =	vsel vm1, $0x1000, v0;
	v1 =	vsel vm6, $0x1180, v1  }
0xf7: {  	v2 =	vsel vm7, $0x1180, v2;
	v6 =	vsel vm7, $0x2A80, v6;
	v17 =	vsel vm6, $0x3880, v17  }
0xf8: {  	v0 =	vsel vm2, $0x1080, v0;
	v1 =	vsel vm5, $0x1200, v1;
	v2 =	vsel vm6, $0x1200, v2  }
0xf9: {  	v6 =	vsel vm6, $0x2B00, v6;
	v17 =	vsel vm5, $0x3900, v17;
	v0 =	vsel vm0, $0x1100, v0  }
0xfa: {  	v1 =	vsel vm4, $0x1280, v1;
	v2 =	vsel vm5, $0x1280, v2;
	v6 =	vsel vm5, $0x2B80, v6  }
0xfb: {  	v17 =	vsel vm4, $0x3980, v17;
	[tilespmem:$0x1F8A0] =	vst v0;
	v0 =	vsel vm0, $0x1200, v39;
	v1 =	vsel vm3, $0x1300, v1  }
0xfc: {  	v2 =	vsel vm4, $0x1300, v2;
	v39 =	vimm.s32 $0x3080;
	v6 =	vsel vm4, $0x2000, v6  }
0xfd: {  	v17 =	vsel vm3, $0x3A00, v17;
	[tilespmem:$0x1F8C0] =	vst v0;
	v0 =	vsel vm13, $0x1380, v61;
	v1 =	vsel vm1, $0x1380, v1  }
0xfe: {  	v2 =	vsel vm3, $0x1380, v2;
	v18 =	vsel vm13, $0x3100, v39;
	v61 =	vunpack.c.0.s8.s32 v33  }
0xff: {  	v39 =	vimm.s32 $0x1D1C1B1A;
	v6 =	vsel vm3, $0x2080, v6;
	v17 =	vsel vm1, $0x3A80, v17  }
0x100: {  	v0 =	vsel vm14, $0x1800, v0;
	v1 =	vsel vm2, $0x1800, v1;
	v2 =	vsel vm1, $0x1800, v2  }
0x101: {  	[tilespmem:$0x1F970] =	vst v32;
	v18 =	vsel vm14, $0x3180, v18;
	v32 =	vunpack.c.0.s8.s32 v39;
	v39 =	vimm.s32 $0x19181716  }
0x102: {  	v6 =	vsel vm1, $0x2100, v6;
	v17 =	vsel vm2, $0x3B00, v17;
	v0 =	vsel vm12, $0x1880, v0  }
0x103: {  	v19 =	vsel vm0, $0x1880, v1;
	v20 =	vsel vm2, $0x1880, v2;
	v1 =	vsel vm13, $0x1B00, v22  }
0x104: {  	v2 =	vsel vm13, $0x1B80, v23;
	v22 =	vimm.s32 $0x3280;
	v23 =	vimm.s32 $0x3300  }
0x105: {  	[tilespmem:$0x1F980] =	vst v61;
	v18 =	vsel vm12, $0x3200, v18;
	v61 =	vimm.s32 $0x11101F1E;
	v6 =	vsel vm2, $0x2180, v6  }
0x106: {  	v17 =	vsel vm0, $0x3B80, v17;
	v0 =	vsel vm11, $0x1900, v0;
	v1 =	vsel vm14, $0x1B80, v1  }
0x107: {  	[tilespmem:$0x1F910] =	vst v19;
	v2 =	vsel vm14, $0x1000, v2;
	v19 =	vimm.s32 $0x3100;
	v22 =	vsel vm13, $0x3300, v22  }
0x108: {  	v23 =	vsel vm13, $0x3380, v23;
	[tilespmem:$0x1F9A0] =	vst v32;
	v18 =	vsel vm11, $0x3280, v18;
	v32 =	vunpack.c.0.s8.s32 v61  }
0x109: {  	v61 =	vimm.s32 $0x1E1D1C1B;
	v0 =	vsel vm10, $0x1980, v0;
	v1 =	vsel vm12, $0x1000, v1  }
0x10a: {  	v2 =	vsel vm12, $0x1080, v2;
	v19 =	vsel vm13, $0x3180, v19;
	v22 =	vsel vm14, $0x3380, v22  }
0x10b: {  	v23 =	vsel vm14, $0x3800, v23;
	v18 =	vsel vm10, $0x3300, v18;
	v0 =	vsel vm9, $0x1A00, v0  }
0x10c: {  	v1 =	vsel vm11, $0x1080, v1;
	v2 =	vsel vm11, $0x1100, v2;
	v19 =	vsel vm14, $0x3200, v19  }
0x10d: {  	v22 =	vsel vm12, $0x3800, v22;
	v23 =	vsel vm12, $0x3880, v23;
	v18 =	vsel vm9, $0x3380, v18  }
0x10e: {  	v0 =	vsel vm8, $0x1A80, v0;
	v1 =	vsel vm10, $0x1100, v1;
	v2 =	vsel vm10, $0x1180, v2  }
0x10f: {  	v19 =	vsel vm12, $0x3280, v19;
	v22 =	vsel vm11, $0x3880, v22;
	v23 =	vsel vm11, $0x3900, v23  }
0x110: {  	v18 =	vsel vm8, $0x3800, v18;
	v0 =	vsel vm7, $0x1B00, v0;
	v1 =	vsel vm9, $0x1180, v1  }
0x111: {  	v2 =	vsel vm9, $0x1200, v2;
	v19 =	vsel vm11, $0x3300, v19;
	v22 =	vsel vm10, $0x3900, v22  }
0x112: {  	v23 =	vsel vm10, $0x3980, v23;
	v18 =	vsel vm7, $0x3880, v18;
	v0 =	vsel vm6, $0x1B80, v0  }
0x113: {  	v1 =	vsel vm8, $0x1200, v1;
	v2 =	vsel vm8, $0x1280, v2;
	v19 =	vsel vm10, $0x3380, v19  }
0x114: {  	v22 =	vsel vm9, $0x3980, v22;
	v23 =	vsel vm9, $0x3A00, v23;
	v18 =	vsel vm6, $0x3900, v18  }
0x115: {  	v0 =	vsel vm5, $0x1000, v0;
	v1 =	vsel vm7, $0x1280, v1;
	v2 =	vsel vm7, $0x1300, v2  }
0x116: {  	v19 =	vsel vm9, $0x3800, v19;
	v22 =	vsel vm8, $0x3A00, v22;
	v23 =	vsel vm8, $0x3A80, v23  }
0x117: {  	v18 =	vsel vm5, $0x3980, v18;
	v0 =	vsel vm4, $0x1080, v0;
	v1 =	vsel vm6, $0x1300, v1  }
0x118: {  	v2 =	vsel vm6, $0x1380, v2;
	v19 =	vsel vm8, $0x3880, v19;
	v22 =	vsel vm7, $0x3A80, v22  }
0x119: {  	v23 =	vsel vm7, $0x3B00, v23;
	v18 =	vsel vm4, $0x3A00, v18;
	v0 =	vsel vm3, $0x1100, v0  }
0x11a: {  	v1 =	vsel vm5, $0x1380, v1;
	v2 =	vsel vm5, $0x1800, v2;
	v19 =	vsel vm7, $0x3900, v19  }
0x11b: {  	v22 =	vsel vm6, $0x3B00, v22;
	v23 =	vsel vm6, $0x3B80, v23;
	v18 =	vsel vm3, $0x3A80, v18  }
0x11c: {  	v0 =	vsel vm1, $0x1180, v0;
	v1 =	vsel vm4, $0x1800, v1;
	v2 =	vsel vm4, $0x1880, v2  }
0x11d: {  	v19 =	vsel vm6, $0x3980, v19;
	v22 =	vsel vm5, $0x3B80, v22;
	v23 =	vsel vm5, $0x3000, v23  }
0x11e: {  	v18 =	vsel vm1, $0x3B00, v18;
	v0 =	vsel vm2, $0x1200, v0;
	v1 =	vsel vm3, $0x1880, v1  }
0x11f: {  	v2 =	vsel vm3, $0x1900, v2;
	v19 =	vsel vm5, $0x3A00, v19;
	v22 =	vsel vm4, $0x3000, v22  }
0x120: {  	v23 =	vsel vm4, $0x3080, v23;
	v18 =	vsel vm2, $0x3B80, v18;
	v0 =	vsel vm0, $0x1280, v0  }
0x121: {  	v1 =	vsel vm1, $0x1900, v1;
	v2 =	vsel vm1, $0x1980, v2;
	v19 =	vsel vm4, $0x3A80, v19  }
0x122: {  	v22 =	vsel vm3, $0x3080, v22;
	v23 =	vsel vm3, $0x3100, v23;
	[tilespmem:$0x1F8D0] =	vst v0;
	v0 =	vsel vm0, $0x1380, v7  }
0x123: {  	v18 =	vsel vm0, $0x3000, v18;
	v1 =	vsel vm2, $0x1980, v1;
	[tilespmem:$0x1F8F0] =	vst v0;
	v0 =	vsel vm13, $0x1900, v16  }
0x124: {  	v25 =	vsel vm2, $0x1A00, v2;
	v2 =	vunpack.c.0.s8.s32 v28;
	v0 =	vsel vm14, $0x1980, v0  }
0x125: {  	v7 =	vsel vm13, $0x2380, v34;
	v28 =	vimm.s32 $0x3980;
	v0 =	vsel vm12, $0x1A00, v0  }
0x126: {  	v34 =	vimm.s32 $0x18171615;
	v19 =	vsel vm3, $0x3B00, v19;
	v0 =	vsel vm11, $0x1A80, v0  }
0x127: {  	v22 =	vsel vm1, $0x3100, v22;
	v23 =	vsel vm1, $0x3180, v23;
	v0 =	vsel vm10, $0x1B00, v0  }
0x128: {  	v24 =	vsel vm0, $0x1A00, v1;
	v1 =	vsel vm13, $0x2080, v27;
	v0 =	vsel vm9, $0x1B80, v0  }
0x129: {  	v7 =	vsel vm14, $0x2800, v7;
	v16 =	vsel vm13, $0x3000, v35;
	v0 =	vsel vm8, $0x1000, v0  }
0x12a: {  	v27 =	vimm.s32 $0x3900;
	v28 =	vsel vm13, $0x3A00, v28;
	v0 =	vsel vm7, $0x1080, v0  }
0x12b: {  	v37 =	vunpack.c.0.s8.s32 v34;
	v19 =	vsel vm1, $0x3B80, v19;
	v0 =	vsel vm6, $0x1100, v0  }
0x12c: {  	v22 =	vsel vm2, $0x3180, v22;
	v23 =	vsel vm2, $0x3200, v23;
	v0 =	vsel vm5, $0x1180, v0  }
0x12d: {  	v35 =	vsel vm0, $0x2180, v5;
	v5 =	vimm.s32 $0x2C2B2A29;
	v0 =	vsel vm4, $0x1200, v0  }
0x12e: {  	[tilespmem:$0x1F960] =	vst v2;
	v1 =	vsel vm14, $0x2100, v1;
	v2 =	vsel vm13, $0x2100, v29;
	v0 =	vsel vm3, $0x1280, v0  }
0x12f: {  	[tilespmem:$0x1F940] =	vst v24;
	v16 =	vsel vm14, $0x3080, v16;
	v24 =	vimm.s32 $0x3380;
	v0 =	vsel vm1, $0x1300, v0  }
0x130: {  	v27 =	vsel vm13, $0x3980, v27;
	v28 =	vsel vm14, $0x3A80, v28;
	v0 =	vsel vm2, $0x1380, v0  }
0x131: {  	v29 =	vimm.s32 $0x3A00;
	v7 =	vsel vm12, $0x2880, v7;
	v0 =	vsel vm0, $0x1800, v0  }
0x132: {  	v19 =	vsel vm2, $0x3000, v19;
	v22 =	vsel vm0, $0x3200, v22;
	[tilespmem:$0x1F900] =	vst v0;
	v0 =	vsel vm0, $0x1900, v20  }
0x133: {  	v12 =	vmovc v58;
	v58 =	vmovc v36;
	v23 =	vsel vm0, $0x3280, v23;
	v36 =	vunpack.c.0.s8.s32 v5;
	[tilespmem:$0x1F920] =	vst v0;
	v0 =	vsel vm13, $0x1A80, v21  }
0x134: {  	v5 =	vimm.s32 $0x2D2C2B2A;
	v2 =	vsel vm14, $0x2180, v2;
	v0 =	vsel vm14, $0x1B00, v0  }
0x135: {  	v24 =	vsel vm13, $0x3800, v24;
	v27 =	vsel vm14, $0x3A00, v27;
	v0 =	vsel vm12, $0x1B80, v0  }
0x136: {  	v29 =	vsel vm13, $0x3A80, v29;
	v1 =	vsel vm12, $0x2180, v1;
	v0 =	vsel vm11, $0x1000, v0  }
0x137: {  	v16 =	vsel vm12, $0x3100, v16;
	v7 =	vsel vm11, $0x2900, v7;
	v0 =	vsel vm10, $0x1080, v0  }
0x138: {  	[tilespmem:$0x1F990] =	vst v37;
	v37 =	vimm.s32 $0x15141312;
	v2 =	vsel vm12, $0x2200, v2;
	v0 =	vsel vm9, $0x1100, v0  }
0x139: {  	v1 =	vsel vm11, $0x2200, v1;
	v7 =	vsel vm10, $0x2980, v7;
	v0 =	vsel vm8, $0x1180, v0  }
0x13a: {  	[tilespmem:$0x1F9B0] =	vst v32;
	v32 =	vunpack.c.0.s8.s32 v37;
	v37 =	vimm.s32 $0x1211101F;
	v0 =	vsel vm7, $0x1200, v0  }
0x13b: {  	v1 =	vsel vm10, $0x2280, v1;
	v2 =	vsel vm11, $0x2280, v2;
	v0 =	vsel vm6, $0x1280, v0  }
0x13c: {  	v7 =	vsel vm9, $0x2A00, v7;
	v1 =	vsel vm9, $0x2300, v1;
	v0 =	vsel vm5, $0x1300, v0  }
0x13d: {  	v2 =	vsel vm10, $0x2300, v2;
	v7 =	vsel vm8, $0x2A80, v7;
	v0 =	vsel vm4, $0x1380, v0  }
0x13e: {  	[tilespmem:$0x1F9C0] =	vst v32;
	v32 =	vunpack.c.0.s8.s32 v39;
	v39 =	vunpack.c.0.s8.s32 v61;
	v0 =	vsel vm3, $0x1800, v0  }
0x13f: {  	v61 =	vunpack.c.0.s8.s32 v37;
	v37 =	vimm.s32 $0x16151413;
	v0 =	vsel vm1, $0x1880, v0  }
0x140: {  	v1 =	vsel vm8, $0x2380, v1;
	v2 =	vsel vm9, $0x2380, v2;
	[tilespmem:$0x1F9D0] =	vst v32;
	v0 =	vsel vm2, $0x1900, v0  }
0x141: {  	v7 =	vsel vm7, $0x2B00, v7;
	v1 =	vsel vm7, $0x2800, v1;
	[tilespmem:$0x1F9E0] =	vst v39;
	v0 =	vsel vm0, $0x1980, v0  }
0x142: {  	v2 =	vsel vm8, $0x2800, v2;
	v7 =	vsel vm6, $0x2B80, v7;
	[tilespmem:$0x1F930] =	vst v0;
	v0 =	vsel vm0, $0x1A80, v25  }
0x143: {  	v32 =	vunpack.c.0.s8.s32 v37;
	v39 =	vimm.s32 $0x1A191817;
	[tilespmem:$0x1F950] =	vst v0;
	v0 =	vsel vm13, $0x2000, v26  }
0x144: {  	[tilespmem:$0x1F9F0] =	vst v61;
	v61 =	vimm.s32 $0x1F1E1D1C;
	v37 =	vimm.s32 $0x17161514;
	v0 =	vsel vm14, $0x2080, v0  }
0x145: {  	v2 =	vsel vm7, $0x2880, v2;
	v1 =	vsel vm6, $0x2880, v1;
	v0 =	vsel vm12, $0x2100, v0  }
0x146: {  	v7 =	vsel vm5, $0x2000, v7;
	v2 =	vsel vm6, $0x2900, v2;
	v0 =	vsel vm11, $0x2180, v0  }
0x147: {  	[tilespmem:$0x1FA00] =	vst v32;
	v1 =	vsel vm5, $0x2900, v1;
	v32 =	vunpack.c.0.s8.s32 v39;
	v0 =	vsel vm10, $0x2200, v0  }
0x148: {  	v7 =	vsel vm4, $0x2080, v7;
	v39 =	vimm.s32 $0x1B1A1918;
	v0 =	vsel vm9, $0x2280, v0  }
0x149: {  	v1 =	vsel vm4, $0x2980, v1;
	v2 =	vsel vm5, $0x2980, v2;
	v0 =	vsel vm8, $0x2300, v0  }
0x14a: {  	v7 =	vsel vm3, $0x2100, v7;
	v33 =	vunpack.c.0.s8.s32 v39;
	v0 =	vsel vm7, $0x2380, v0  }
0x14b: {  	[tilespmem:$0x1FA10] =	vst v32;
	v1 =	vsel vm3, $0x2A00, v1;
	v32 =	vunpack.c.0.s8.s32 v61;
	v0 =	vsel vm6, $0x2800, v0  }
0x14c: {  	v2 =	vsel vm4, $0x2A00, v2;
	v7 =	vsel vm1, $0x2180, v7;
	v0 =	vsel vm5, $0x2880, v0  }
0x14d: {  	v2 =	vsel vm3, $0x2A80, v2;
	[tilespmem:$0x1FA20] =	vst v32;
	v32 =	vimm.s32 $0x13121110;
	v0 =	vsel vm4, $0x2900, v0  }
0x14e: {  	v2 =	vsel vm1, $0x2B00, v2;
	v32 =	vunpack.c.0.s8.s32 v32;
	v0 =	vsel vm3, $0x2980, v0  }
0x14f: {  	[tilespmem:$0x1FA70] =	vst v35;
	v1 =	vsel vm1, $0x2A80, v1;
	v2 =	vsel vm2, $0x2B80, v2;
	v0 =	vsel vm1, $0x2A00, v0  }
0x150: {  	v7 =	vsel vm2, $0x2200, v7;
	v39 =	vsel vm0, $0x2000, v2;
	[tilespmem:$0x1FA30] =	vst v32;
	v0 =	vsel vm2, $0x2A80, v0  }
0x151: {  	[tilespmem:$0x1FA50] =	vst v39;
	v39 =	vsel vm0, $0x2280, v7;
	v34 =	vsel vm0, $0x2B00, v0;
	v0 =	vunpack.c.0.s8.s32 v5  }
0x152: {  	v1 =	vsel vm2, $0x2B00, v1;
	[tilespmem:$0x1FA90] =	vst v39;
	v39 =	vunpack.c.0.s8.s32 v4;
	v4 =	vimm.s32 $0x25242322  }
0x153: {  	v32 =	vunpack.c.0.s8.s32 v37;
	v37 =	vsel vm0, $0x2B80, v1;
	[tilespmem:$0x1FAB0] =	vst v0;
	v0 =	vunpack.c.0.s8.s32 v4  }
0x154: {  	v28 =	vsel vm12, $0x3B00, v28;
	v61 =	vsel vm2, $0x2A00, v15;
	[tilespmem:$0x1FA40] =	vst v37;
	v5 =	vimm.s32 $0x29282726  }
0x155: {  	v7 =	vimm.s32 $0x24232221;
	v37 =	vsel vm0, $0x2200, v6;
	[tilespmem:$0x1FAD0] =	vst v0;
	v0 =	vunpack.c.0.s8.s32 v5  }
0x156: {  	v35 =	vsel vm0, $0x2A80, v61;
	v6 =	vimm.s32 $0x202F2E2D;
	[tilespmem:$0x1FA80] =	vst v37;
	v4 =	vimm.s32 $0x2221202F  }
0x157: {  	v37 =	vunpack.c.0.s8.s32 v6;
	v6 =	vimm.s32 $0x21202F2E;
	[tilespmem:$0x1FAE0] =	vst v0;
	v0 =	vunpack.c.0.s8.s32 v4  }
0x158: {  	v61 =	vmovc v38;
	v38 =	vunpack.c.0.s8.s32 v7;
	v7 =	vunpack.c.0.s8.s32 v6;
	v5 =	vimm.s32 $0x26252423  }
0x159: {  	v19 =	vsel vm0, $0x3080, v19;
	v6 =	vimm.s32 $0x2E2D2C2B;
	[tilespmem:$0x1FB00] =	vst v0;
	v0 =	vunpack.c.0.s8.s32 v5  }
0x15a: {  	v24 =	vsel vm14, $0x3880, v24;
	[tilespmem:$0x1FAC0] =	vst v7;
	v7 =	vunpack.c.0.s8.s32 v6;
	v4 =	vimm.s32 $0x2F2E2D2C  }
0x15b: {  	v29 =	vsel vm14, $0x3B00, v29;
	v6 =	vimm.s32 $0x2A292827;
	[tilespmem:$0x1FB10] =	vst v0;
	v0 =	vunpack.c.0.s8.s32 v4  }
0x15c: {  	v27 =	vsel vm12, $0x3A80, v27;
	[tilespmem:$0x1FAF0] =	vst v7;
	v7 =	vunpack.c.0.s8.s32 v6;
	v5 =	vimm.s32 $0x23222120  }
0x15d: {  	v16 =	vsel vm11, $0x3180, v16;
	v6 =	vimm.s32 $0x27262524;
	[tilespmem:$0x1FB30] =	vst v0;
	v0 =	vunpack.c.0.s8.s32 v5  }
0x15e: {  	v28 =	vsel vm11, $0x3B80, v28;
	[tilespmem:$0x1FB20] =	vst v7;
	v7 =	vunpack.c.0.s8.s32 v6;
	v4 =	vimm.s32 $0x2B2A2928  }
0x15f: {  	v24 =	vsel vm12, $0x3900, v24;
	v6 =	vimm.s32 $0x303F3E3D;
	[tilespmem:$0x1FB40] =	vst v0;
	v0 =	vunpack.c.0.s8.s32 v4  }
0x160: {  	v29 =	vsel vm12, $0x3B80, v29;
	[tilespmem:$0x1FB50] =	vst v7;
	v7 =	vunpack.c.0.s8.s32 v6;
	v5 =	vimm.s32 $0x3C3B3A39  }
0x161: {  	s0 =	rddreg [dreg:$0x0];
	v27 =	vsel vm11, $0x3B00, v27;
	v6 =	vimm.s32 $0x3D3C3B3A;
	[tilespmem:$0x1FB60] =	vst v0;
	v0 =	vunpack.c.0.s8.s32 v5  }
0x162: {  	s10 =	rddreg [dreg:$0x1];
	s2 =	simm.s32 $0x0;
	v16 =	vsel vm10, $0x3200, v16;
	v28 =	vsel vm10, $0x3000, v28;
	[tilespmem:$0x1FB80] =	vst v7;
	v7 =	vunpack.c.0.s8.s32 v6  }
0x163: {  	s1 =	srdreg.scid;
	[smem:$0x7FF] =	sst s2;
	v24 =	vsel vm11, $0x3980, v24;
	v29 =	vsel vm11, $0x3000, v29;
	v27 =	vsel vm10, $0x3B80, v27;
	[tilespmem:$0x1FB70] =	vst v0  }
0x164: {  	s3 =	sand.u32 $0x1, s1;
	s1 =	rddreg [dreg:$0x2];
	v16 =	vsel vm9, $0x3280, v16;
	v28 =	vsel vm9, $0x3080, v28;
	v24 =	vsel vm10, $0x3A00, v24;
	_ =	strace $0x80000047;
	[tilespmem:$0x1FBB0] =	vst v7  }
0x165: {  	v29 =	vsel vm10, $0x3080, v29;
	v16 =	vsel vm8, $0x3300, v16;
	v27 =	vsel vm9, $0x3000, v27;
	[tilespmem:$0x1FC80] =	vst v59  }
0x166: {  	v28 =	vsel vm8, $0x3100, v28;
	v16 =	vsel vm7, $0x3380, v16;
	v24 =	vsel vm9, $0x3A80, v24;
	[tilespmem:$0x1FC90] =	vst v58  }
0x167: {  	v27 =	vsel vm8, $0x3080, v27;
	v28 =	vsel vm7, $0x3180, v28;
	v29 =	vsel vm9, $0x3100, v29;
	[tilespmem:$0x1FCA0] =	vst v62  }
0x168: {  	v24 =	vsel vm8, $0x3B00, v24;
	v27 =	vsel vm7, $0x3100, v27;
	v29 =	vsel vm8, $0x3180, v29;
	[tilespmem:$0x1FCB0] =	vst v61  }
0x169: {  	v16 =	vsel vm6, $0x3800, v16;
	v28 =	vsel vm6, $0x3200, v28;
	v24 =	vsel vm7, $0x3B80, v24;
	[tilespmem:$0x1FCC0] =	vst v63  }
0x16a: {  	v29 =	vsel vm7, $0x3200, v29;
	v27 =	vsel vm6, $0x3180, v27;
	v16 =	vsel vm5, $0x3880, v16;
	[tilespmem:$0x1FCD0] =	vst v48  }
0x16b: {  	v28 =	vsel vm5, $0x3280, v28;
	v24 =	vsel vm6, $0x3000, v24;
	v29 =	vsel vm6, $0x3280, v29;
	[tilespmem:$0x1FCE0] =	vst v50  }
0x16c: {  	v27 =	vsel vm5, $0x3200, v27;
	v16 =	vsel vm4, $0x3900, v16;
	v28 =	vsel vm4, $0x3300, v28;
	[tilespmem:$0x1FCF0] =	vst v52  }
0x16d: {  	v24 =	vsel vm5, $0x3080, v24;
	v29 =	vsel vm5, $0x3300, v29;
	v27 =	vsel vm4, $0x3280, v27;
	[tilespmem:$0x1FD00] =	vst v41  }
0x16e: {  	v16 =	vsel vm3, $0x3980, v16;
	v28 =	vsel vm3, $0x3380, v28;
	v20 =	vimm.s32 $0x3180;
	[tilespmem:$0x1FD10] =	vst v42  }
0x16f: {  	v15 =	vsel vm0, $0x2080, v3;
	v21 =	vimm.s32 $0x3200;
	v20 =	vsel vm13, $0x3200, v20;
	[tilespmem:$0x1FD20] =	vst v43  }
0x170: {  	v24 =	vsel vm4, $0x3100, v24;
	v21 =	vsel vm13, $0x3280, v21;
	v20 =	vsel vm14, $0x3280, v20;
	[tilespmem:$0x1FD30] =	vst v44  }
0x171: {  	v29 =	vsel vm4, $0x3380, v29;
	v21 =	vsel vm14, $0x3300, v21;
	v20 =	vsel vm12, $0x3300, v20;
	[tilespmem:$0x1FD40] =	vst v45  }
0x172: {  	v16 =	vsel vm1, $0x3A00, v16;
	v21 =	vsel vm12, $0x3380, v21;
	v20 =	vsel vm11, $0x3380, v20;
	[tilespmem:$0x1FD50] =	vst v46  }
0x173: {  	v27 =	vsel vm3, $0x3300, v27;
	v21 =	vsel vm11, $0x3800, v21;
	v20 =	vsel vm10, $0x3800, v20;
	[tilespmem:$0x1FD60] =	vst v47  }
0x174: {  	v28 =	vsel vm1, $0x3800, v28;
	v21 =	vsel vm10, $0x3880, v21;
	v20 =	vsel vm9, $0x3880, v20;
	[tilespmem:$0x1FD70] =	vst v32  }
0x175: {  	v16 =	vsel vm2, $0x3A80, v16;
	v21 =	vsel vm9, $0x3900, v21;
	v20 =	vsel vm8, $0x3900, v20;
	[tilespmem:$0x1FD80] =	vst v33  }
0x176: {  	v24 =	vsel vm3, $0x3180, v24;
	v21 =	vsel vm8, $0x3980, v21;
	v20 =	vsel vm7, $0x3980, v20;
	[tilespmem:$0x1FD90] =	vst v34  }
0x177: {  	v16 =	vsel vm0, $0x3B00, v16;
	v21 =	vsel vm7, $0x3A00, v21;
	v20 =	vsel vm6, $0x3A00, v20;
	[tilespmem:$0x1FDA0] =	vst v15  }
0x178: {  	v21 =	vsel vm6, $0x3A80, v21;
	v20 =	vsel vm5, $0x3A80, v20;
	v25 =	vimm.s32 $0x3800;
	[tilespmem:$0x1FDB0] =	vst v8  }
0x179: {  	v21 =	vsel vm5, $0x3B00, v21;
	v25 =	vsel vm13, $0x3880, v25;
	v26 =	vimm.s32 $0x3880;
	[tilespmem:$0x1FDC0] =	vst v9  }
0x17a: {  	v20 =	vsel vm4, $0x3B00, v20;
	v25 =	vsel vm14, $0x3900, v25;
	v26 =	vsel vm13, $0x3900, v26;
	[tilespmem:$0x1FDD0] =	vst v10  }
0x17b: {  	v21 =	vsel vm4, $0x3B80, v21;
	v26 =	vsel vm14, $0x3980, v26;
	v25 =	vsel vm12, $0x3980, v25;
	[tilespmem:$0x1FDE0] =	vst v40  }
0x17c: {  	v20 =	vsel vm3, $0x3B80, v20;
	v26 =	vsel vm12, $0x3A00, v26;
	v25 =	vsel vm11, $0x3A00, v25;
	[tilespmem:$0x1FDF0] =	vst v13  }
0x17d: {  	v21 =	vsel vm3, $0x3000, v21;
	v26 =	vsel vm11, $0x3A80, v26;
	v25 =	vsel vm10, $0x3A80, v25;
	[tilespmem:$0x1FE00] =	vst v14  }
0x17e: {  	v20 =	vsel vm1, $0x3000, v20;
	v26 =	vsel vm10, $0x3B00, v26;
	v25 =	vsel vm9, $0x3B00, v25;
	[tilespmem:$0x1FE10] =	vst v35  }
0x17f: {  	v21 =	vsel vm1, $0x3080, v21;
	v25 =	vsel vm8, $0x3B80, v25;
	v26 =	vsel vm9, $0x3B80, v26;
	[tilespmem:$0x1FE20] =	vst v16  }
0x180: {  	v20 =	vsel vm2, $0x3080, v20;
	v25 =	vsel vm7, $0x3000, v25;
	v26 =	vsel vm8, $0x3000, v26;
	[tilespmem:$0x1FE30] =	vst v17  }
0x181: {  	v21 =	vsel vm2, $0x3100, v21;
	v26 =	vsel vm7, $0x3080, v26;
	v25 =	vsel vm6, $0x3080, v25;
	[tilespmem:$0x1FE40] =	vst v18  }
0x182: {  	v20 =	vsel vm0, $0x3100, v20;
	v26 =	vsel vm6, $0x3100, v26;
	v25 =	vsel vm5, $0x3100, v25;
	[tilespmem:$0x1FE50] =	vst v19  }
0x183: {  	v21 =	vsel vm0, $0x3180, v21;
	v26 =	vsel vm5, $0x3180, v26;
	v25 =	vsel vm4, $0x3180, v25;
	[tilespmem:$0x1FE60] =	vst v20  }
0x184: {  	v24 =	vsel vm1, $0x3200, v24;
	v26 =	vsel vm4, $0x3200, v26;
	v25 =	vsel vm3, $0x3200, v25;
	[tilespmem:$0x1FE70] =	vst v21  }
0x185: {  	v24 =	vsel vm2, $0x3280, v24;
	v25 =	vsel vm1, $0x3280, v25;
	v26 =	vsel vm3, $0x3280, v26;
	[tilespmem:$0x1FE80] =	vst v22  }
0x186: {  	v24 =	vsel vm0, $0x3300, v24;
	v25 =	vsel vm2, $0x3300, v25;
	v26 =	vsel vm1, $0x3300, v26;
	[tilespmem:$0x1FE90] =	vst v23  }
0x187: {  	v27 =	vsel vm1, $0x3380, v27;
	v26 =	vsel vm2, $0x3380, v26;
	v25 =	vsel vm0, $0x3380, v25;
	[tilespmem:$0x1FEA0] =	vst v24  }
0x188: {  	v29 =	vsel vm3, $0x3800, v29;
	v27 =	vsel vm2, $0x3800, v27;
	v26 =	vsel vm0, $0x3800, v26;
	[tilespmem:$0x1FEB0] =	vst v25  }
0x189: {  	v28 =	vsel vm2, $0x3880, v28;
	v29 =	vsel vm1, $0x3880, v29;
	v27 =	vsel vm0, $0x3880, v27;
	[tilespmem:$0x1FEC0] =	vst v26  }
0x18a: {  	v31 =	vsel vm3, $0x3900, v31;
	v28 =	vsel vm0, $0x3900, v28;
	v29 =	vsel vm2, $0x3900, v29;
	[tilespmem:$0x1FED0] =	vst v27  }
0x18b: {  	v30 =	vsel vm2, $0x3980, v30;
	v31 =	vsel vm1, $0x3980, v31;
	v29 =	vsel vm0, $0x3980, v29;
	[tilespmem:$0x1FEE0] =	vst v28  }
0x18c: {  	v30 =	vsel vm0, $0x3A00, v30;
	v31 =	vsel vm2, $0x3A00, v31;
	[tilespmem:$0x1FEF0] =	vst v29  }
0x18d: {  	v31 =	vsel vm0, $0x3A80, v31;
	[tilespmem:$0x1FF00] =	vst v30  }
0x18e: {  	[tilespmem:$0x1FF10] =	vst v31  }
0x18f: {  	[tilespmem:$0x1FF20] =	vst v36  }
0x190: {  	[tilespmem:$0x1FF30] =	vst v37  }
0x191: {  	[tilespmem:$0x1FF40] =	vst v38  }
0x192: {  	[tilespmem:$0x1FF50] =	vst v39  }
0x193: {  	[tilespmem:$0x1FF60] =	vst v53  }
0x194: {  	[tilespmem:$0x1FF70] =	vst v54  }
0x195: {  	v4 =	vimm.s32 $0x34333231;
	[tilespmem:$0x1FF80] =	vst v55  }
0x196: {  	v0 =	vunpack.c.0.s8.s32 v4;
	[tilespmem:$0x1FF90] =	vst v56  }
0x197: {  	v5 =	vimm.s32 $0x38373635;
	[tilespmem:$0x1FFA0] =	vst v57  }
0x198: {  	[tilespmem:$0x1FB90] =	vst v0;
	v0 =	vunpack.c.0.s8.s32 v5  }
0x199: {  	v4 =	vimm.s32 $0x31303F3E;
	[tilespmem:$0x1FFB0] =	vst v49  }
0x19a: {  	[tilespmem:$0x1FBA0] =	vst v0;
	v0 =	vunpack.c.0.s8.s32 v4  }
0x19b: {  	[tilespmem:$0x1FFC0] =	vst v51;
	v5 =	vimm.s32 $0x35343332  }
0x19c: {  	[tilespmem:$0x1FBC0] =	vst v0;
	v0 =	vunpack.c.0.s8.s32 v5  }
0x19d: {  	[tilespmem:$0x1FFD0] =	vst v60;
	v4 =	vimm.s32 $0x3E3D3C3B  }
0x19e: {  	[tilespmem:$0x1FBD0] =	vst v0;
	v0 =	vunpack.c.0.s8.s32 v4  }
0x19f: {  	s19 =	stileid.u32;
	s13 =	simm.s32 $0x7A1400;
	[tilespmem:$0x1FFE0] =	vst v12;
	v5 =	vimm.s32 $0x3231303F  }
0x1a0: {  	s14 =	simm.s32 $0x1;
	s15 =	simm.s32 $0x4000;
	s16 =	simm.s32 $0x8000;
	v6 =	vimm.s32 $0x39383736;
	[tilespmem:$0x1FBF0] =	vst v0;
	v0 =	vunpack.c.0.s8.s32 v5  }
0x1a1: {  	s17 =	simm.s32 $0x2;
	s18 =	simm.s32 $0x10000;
	s20 =	simm.s32 $0x4;
	v7 =	vunpack.c.0.s8.s32 v6;
	[tilespmem:$0x1FFF0] =	vst v11;
	v4 =	vimm.s32 $0x3A393837  }
0x1a2: {  	s21 =	simm.s32 $0x5;
	s23 =	simm.s32 $0x0;
	s31 =	sshll.u32 s19, $0x1;
	v6 =	vimm.s32 $0x36353433;
	[tilespmem:$0x1FC00] =	vst v0;
	v0 =	vunpack.c.0.s8.s32 v4  }
0x1a3: {  	p0 =	sne.s32 s19, $0x0;
	s19 =	simm.s32 $0x3;
	s22 =	sor.u32 s3, s31;
	[tilespmem:$0x1FBE0] =	vst v7;
	v7 =	vunpack.c.0.s8.s32 v6;
	v5 =	vimm.s32 $0x3F3E3D3C  }
0x1a4: {  	s6 =	ssub.s32 $0x2, s3;
	s4 =	smul.u32 $0x7A, s22;
	s5 =	smin.u32 s22, $0x2;
	v6 =	vimm.s32 $0x33323130;
	[tilespmem:$0x1FC20] =	vst v0;
	v0 =	vunpack.c.0.s8.s32 v5  }
0x1a5: {  	s7 =	sshrl.u32 s6, $0x1;
	p1 =	sne.s32 s22, $0x1F;
	s22 =	simm.s32 $0x18000;
	[tilespmem:$0x1FC10] =	vst v7;
	v7 =	vunpack.c.0.s8.s32 v6;
	v4 =	vimm.s32 $0x37363534  }
.Ltmp0:
0x1a6: {  	s11 =	ssub.s32 s6, s7;
	s3 =	sadd.s32 s5, s4;
	[tilespmem:$0x1FC30] =	vst v0;
	v0 =	vunpack.c.0.s8.s32 v4;
	(pc) =	sbr.rel .LBB2_1-.Ltmp0, $4  }
0x1a7: {  	s4 =	sadd.s32 $0xE00, s10;
	s5 =	sadd.s32 $0x1200, s10;
	s8 =	sshll.u32 s3, $0x8;
	v6 =	vimm.s32 $0x3B3A3938;
	[tilespmem:$0x1FC40] =	vst v7;
	v5 =	vlaneseq.u32  }
0x1a8: {  	s10 =	sadd.s32 $0xF43600, s10;
	s11 =	smax.u32 s11, $0x1;
	s9 =	sadd.s32 $0x7A00, s8;
	v7 =	vor.u32 $0x10, v5;
	[tilespmem:$0x1FC50] =	vst v0;
	v0 =	vunpack.c.0.s8.s32 v6  }
0x1a9: {  	s7 =	sadd.s32 $0x2, s3;
	s6 =	sadd.s32 s0, s8;
	s12 =	sshll.u32 s9, $0x4;
	[tilespmem:$0x1FC70] =	vst v7  }
0x1aa: {  	s8 =	sadd.s32 s0, s9;
	s9 =	sadd.s32 s5, s12;
	s12 =	simm.s32 $0x800;
	vm0 =	vcmask $0x1F10;
	[tilespmem:$0x1FC60] =	vst v0  }
.LBB2_14:
0x1ab: {  	_ =	sdelay $0x1  }
0x1ac: {  	v0 =	vand.u32 $0x7F, v7  }
0x1ad: {  	[tilespmem:s24+$0x0] =	vst v6;
	v0 =	vbroadcast v0, $0x0  }
0x1ae: {  	v5 =	vld.idx.msk [tilespmem:v5+s22+$0x0], $0xffff  }
0x1af: {  	v1 =	vor.u32 v1, v0;
	_ =	sdelay $0x3  }
0x1b0: {  	[tilespmem:s24+$0x10] =	vst v5  }
0x1b1: {  	v1 =	vld.idx.msk [tilespmem:v1+s22+$0x0], $0xffff  }
0x1b2: {  	v2 =	vor.u32 v2, v0;
	_ =	sdelay $0x2  }
0x1b3: {  	s31 =	sadd.s32 $0x80, s24  }
0x1b4: {  	[tilespmem:s31+$0xFFFFFFE0] =	vst v1  }
0x1b5: {  	v1 =	vld.idx.msk [tilespmem:v2+s22+$0x0], $0xffff  }
0x1b6: {  	v47 =	vor.u32 v3, v0;
	_ =	sdelay $0x3  }
0x1b7: {  	[tilespmem:s31+$0xFFFFFFF0] =	vst v1  }
0x1b8: {  	v1 =	vld.idx.msk [tilespmem:v47+s22+$0x0], $0xffff  }
0x1b9: {  	v0 =	vor.u32 v4, v0;
	_ =	sdelay $0x3  }
0x1ba: {  	[tilespmem:s31+$0x0] =	vst v1  }
0x1bb: {  	v0 =	vld.idx.msk [tilespmem:v0+s22+$0x0], $0xffff;
	_ =	sdelay $0x4  }
0x1bc: {  	[tilespmem:s31+$0x10] =	vst v0  }
0x1bd: {  	[hbm4b:s10+s2] =	stream.linear.scatter [tilespmem:s18], [sflag:$0x5], $0x2000, $0x38;
	[tilespmem:$0x1A000] =	vst v63  }
0x1be: {  	_ =	swait.ge [sflag:s21], $0x2000  }
0x1bf: {  	[sflag:s21] =	ssyncset.done $0x0  }
0x1c0: {  	[sflag:s21] =	ssyncadd.s32 $0xFFFFE000  }
.LBB2_15:
0x1c1: {  	s23 =	sadd.s32 $0x1, s23  }
0x1c2: {  	p2 =	sne.s32 s23, s11  }
.Ltmp1:
0x1c3: {  	_ = 	snop;
	(pc) =	sbr.rel @!p2 .LBB2_16-.Ltmp1, $1  }
0x1c4: {  	_ =	sdelay $0x3  }
.LBB2_1:
0x1c5: {  	[tilespmem:s2], [sflag:$0x1] =	stream.strided.gather [hbm4b:s6+s12], $0x4000, s13, s12, $0x38;
	[tilespmem:$0x1A000] =	vst v63  }
0x1c6: {  	s24 =	simm.s32 $0x0  }
.LBB2_2:
0x1c7: {  	s26 =	sshll.u32 s24, $0x1  }
0x1c8: {  	s25 =	sadd.s32 s26, s3  }
0x1c9: {  	s25 =	sadd.s32 $0x1, s25  }
0x1ca: {  	_ =	swait.ge [sflag:s14], $0x4000;
	s28 =	sshll.u32 s25, $0x8  }
0x1cb: {  	[sflag:s14] =	ssyncset.done $0x0;
	s28 =	sand.u32 $0x1FFFFF00, s28  }
0x1cc: {  	p2 =	seq.s32 s24, $0x0;
	[sflag:s14] =	ssyncadd.s32 $0xFFFFC000;
	s28 =	sadd.s32 s0, s28  }
0x1cd: {  	[tilespmem:s15], [sflag:$0x2] =	stream.strided.gather [hbm4b:s28+s12], $0x4000, s13, s12, $0x38;
	[tilespmem:$0x1A000] =	vst v63  }
0x1ce: {  	s28 =	simm.s32 @!p2 $0x3  }
0x1cf: {  	_ =	swait.ge @!p2 [sflag:s28], $0x8000  }
0x1d0: {  	[sflag:s28] =	ssyncset.done @!p2 $0x0  }
0x1d1: {  	v24 =	vmov v49;
	[sflag:s28] =	ssyncadd.s32 @!p2 $0xFFFF8000;
	s28 =	simm.s32 $0x0  }
.LBB2_3:
0x1d2: {  	v13 =	vld [tilespmem:$0x1F860]  }
0x1d3: {  	v41 =	vld [tilespmem:$0x1F800]  }
0x1d4: {  	v42 =	vld [tilespmem:$0x1F810]  }
0x1d5: {  	v43 =	vld [tilespmem:$0x1F820]  }
0x1d6: {  	v44 =	vld [tilespmem:$0x1F830]  }
0x1d7: {  	v45 =	vld [tilespmem:$0x1F840]  }
0x1d8: {  	v46 =	vld [tilespmem:$0x1F850]  }
0x1d9: {  	v32 =	vld [tilespmem:$0x1FD40]  }
0x1da: {  	v33 =	vld [tilespmem:$0x1FD50]  }
0x1db: {  	v1 =	vmov s28;
	v0 =	vlaneseq.u32;
	v34 =	vld [tilespmem:$0x1FD60]  }
0x1dc: {  	v36 =	vld [tilespmem:$0x1F870];
	v2 =	vor.u32 s28, v0;
	v1 =	vshll.u32 v1, $0x3  }
0x1dd: {  	v38 =	vld [tilespmem:$0x1F880];
	v3 =	vand.u32 $0x7F, v2;
	v1 =	vand.u32 $0x400, v1  }
0x1de: {  	v40 =	vld [tilespmem:$0x1F890];
	v29 =	vor.u32 v1, v3  }
0x1df: {  	v9 =	vor.u32 v58, v29;
	v58 =	vld [tilespmem:$0x1FD00]  }
0x1e0: {  	v8 =	vor.u32 v59, v29;
	v59 =	vld [tilespmem:$0x1FD10]  }
0x1e1: {  	v10 =	vor.u32 v62, v29;
	v62 =	vmov v11;
	v11 =	vor.u32 v61, v29;
	v61 =	vld [tilespmem:$0x1FD20]  }
0x1e2: {  	v47 =	vmov v12;
	v12 =	vor.u32 v63, v29;
	v63 =	vld [tilespmem:$0x1FD30]  }
0x1e3: {  	v15 =	vor.u32 v50, v29;
	v50 =	vld [tilespmem:$0x1F8F0]  }
0x1e4: {  	v16 =	vor.u32 v52, v29;
	v52 =	vld [tilespmem:$0x1F910]  }
0x1e5: {  	v39 =	vor.u32 v60, v29;
	v60 =	vld [tilespmem:$0x1F970]  }
0x1e6: {  	v4 =	vor.u32 v43, v29;
	v43 =	vld [tilespmem:$0x1F8A0]  }
0x1e7: {  	v5 =	vor.u32 v44, v29;
	v44 =	vld [tilespmem:$0x1F8B0]  }
0x1e8: {  	v6 =	vor.u32 v45, v29;
	v45 =	vld [tilespmem:$0x1F8C0]  }
0x1e9: {  	v7 =	vor.u32 v46, v29;
	v46 =	vld [tilespmem:$0x1F8D0]  }
0x1ea: {  	v14 =	vor.u32 v48, v29;
	v8 =	vld.idx.msk [tilespmem:v8+s2+$0x0], $0xffff  }
0x1eb: {  	v9 =	vld.idx.msk [tilespmem:v9+s2+$0x0], $0xffff  }
0x1ec: {  	v10 =	vld.idx.msk [tilespmem:v10+s2+$0x0], $0xffff  }
0x1ed: {  	v17 =	vor.u32 v53, v29;
	v11 =	vld.idx.msk [tilespmem:v11+s2+$0x0], $0xffff  }
0x1ee: {  	v1 =	vor.u32 v41, v29;
	v12 =	vld.idx.msk [tilespmem:v12+s2+$0x0], $0xffff  }
0x1ef: {  	v13 =	vor.u32 v13, v29;
	v14 =	vld.idx.msk [tilespmem:v14+s2+$0x0], $0xffff  }
0x1f0: {  	v3 =	vor.u32 v42, v29;
	v15 =	vld.idx.msk [tilespmem:v15+s2+$0x0], $0xffff  }
0x1f1: {  	v16 =	vld.idx.msk [tilespmem:v16+s2+$0x0], $0xffff  }
0x1f2: {  	v17 =	vld.idx.msk [tilespmem:v17+s2+$0x0], $0xffff  }
0x1f3: {  	v18 =	vlaneseq.u32;
	v48 =	vshll.u32 v2, $0x7;
	v1 =	vld.idx.msk [tilespmem:v1+s2+$0x0], $0xffff  }
0x1f4: {  	v53 =	vld.idx.msk [tilespmem:v13+s2+$0x0], $0xffff;
	v13 =	vor.u32 v18, v48  }
0x1f5: {  	v3 =	vld.idx.msk [tilespmem:v3+s2+$0x0], $0xffff;
	v18 =	vor.u32 v54, v48  }
0x1f6: {  	v19 =	vor.u32 v55, v48;
	v4 =	vld.idx.msk [tilespmem:v4+s2+$0x0], $0xffff  }
0x1f7: {  	v20 =	vor.u32 v56, v48;
	v5 =	vld.idx.msk [tilespmem:v5+s2+$0x0], $0xffff  }
0x1f8: {  	v21 =	vor.u32 v57, v48;
	v6 =	vld.idx.msk [tilespmem:v6+s2+$0x0], $0xffff  }
0x1f9: {  	v7 =	vld.idx.msk [tilespmem:v7+s2+$0x0], $0xffff;
	[tilespmem:v13+s16+$0x0] =	vst.idx.msk $0xffff, v1;
	v1 =	vor.u32 v58, v48  }
0x1fa: {  	v41 =	vor.u32 v47, v29;
	v47 =	vld [tilespmem:$0x1F8E0];
	[tilespmem:v18+s16+$0x0] =	vst.idx.msk $0xffff, v3;
	v3 =	vor.u32 v59, v48  }
0x1fb: {  	v37 =	vor.u32 v51, v48;
	v51 =	vld [tilespmem:$0x1F900];
	[tilespmem:v19+s16+$0x0] =	vst.idx.msk $0xffff, v4;
	v4 =	vor.u32 v61, v48  }
0x1fc: {  	v55 =	vld [tilespmem:$0x1F940];
	[tilespmem:v20+s16+$0x0] =	vst.idx.msk $0xffff, v5;
	v5 =	vor.u32 v63, v48  }
0x1fd: {  	v57 =	vld [tilespmem:$0x1F950];
	[tilespmem:v21+s16+$0x0] =	vst.idx.msk $0xffff, v6;
	v6 =	vor.u32 v32, v48  }
0x1fe: {  	v54 =	vld [tilespmem:$0x1F930];
	[tilespmem:v1+s16+$0x0] =	vst.idx.msk $0xffff, v7;
	v1 =	vor.u32 v33, v48  }
0x1ff: {  	v2 =	vor.u32 v44, v29;
	v44 =	vld [tilespmem:$0x1FA10];
	[tilespmem:v3+s16+$0x0] =	vst.idx.msk $0xffff, v8;
	v3 =	vor.u32 v34, v48  }
0x200: {  	v35 =	vor.u32 v24, v48;
	v58 =	vld [tilespmem:$0x1FC70];
	[tilespmem:v4+s16+$0x0] =	vst.idx.msk $0xffff, v9  }
0x201: {  	v59 =	vld [tilespmem:$0x1F960];
	[tilespmem:v5+s16+$0x0] =	vst.idx.msk $0xffff, v10;
	v5 =	vor.u32 v36, v48  }
0x202: {  	v61 =	vld [tilespmem:$0x1F980];
	[tilespmem:v6+s16+$0x0] =	vst.idx.msk $0xffff, v11  }
0x203: {  	v34 =	vld [tilespmem:$0x1F990];
	[tilespmem:v1+s16+$0x0] =	vst.idx.msk $0xffff, v12;
	v1 =	vor.u32 v38, v48  }
0x204: {  	v4 =	vor.u32 v46, v29;
	v46 =	vld [tilespmem:$0x1FD70];
	[tilespmem:v3+s16+$0x0] =	vst.idx.msk $0xffff, v53  }
0x205: {  	v3 =	vor.u32 v40, v29;
	v53 =	vld [tilespmem:$0x1F920];
	[tilespmem:v35+s16+$0x0] =	vst.idx.msk $0xffff, v14  }
0x206: {  	v40 =	vld [tilespmem:$0x1F9C0];
	[tilespmem:v5+s16+$0x0] =	vst.idx.msk $0xffff, v15  }
0x207: {  	v42 =	vor.u32 v62, v29;
	v5 =	vor.u32 v47, v29;
	v47 =	vld [tilespmem:$0x1FD80];
	[tilespmem:v37+s16+$0x0] =	vst.idx.msk $0xffff, v16  }
0x208: {  	[tilespmem:v1+s16+$0x0] =	vst.idx.msk $0xffff, v17;
	v1 =	vor.u32 v43, v29;
	v43 =	vld [tilespmem:$0x1FA00]  }
0x209: {  	v6 =	vld.idx.msk [tilespmem:v39+s2+$0x0], $0xffff  }
0x20a: {  	v8 =	vld.idx.msk [tilespmem:v3+s2+$0x0], $0xffff  }
0x20b: {  	v9 =	vld.idx.msk [tilespmem:v41+s2+$0x0], $0xffff  }
0x20c: {  	v10 =	vld.idx.msk [tilespmem:v42+s2+$0x0], $0xffff  }
0x20d: {  	v12 =	vld.idx.msk [tilespmem:v2+s2+$0x0], $0xffff  }
0x20e: {  	v56 =	vor.u32 v55, v29;
	v14 =	vld.idx.msk [tilespmem:v4+s2+$0x0], $0xffff  }
0x20f: {  	v39 =	vld [tilespmem:$0x1F9B0]  }
0x210: {  	v18 =	vor.u32 v57, v29;
	v41 =	vld [tilespmem:$0x1F9D0]  }
0x211: {  	v2 =	vor.u32 v51, v29;
	v51 =	vld [tilespmem:$0x1F9E0]  }
0x212: {  	v42 =	vld [tilespmem:$0x1F9F0]  }
0x213: {  	v30 =	vld.idx.msk [tilespmem:v56+s2+$0x0], $0xffff  }
0x214: {  	v3 =	vor.u32 v45, v29;
	v45 =	vld [tilespmem:$0x1FA20]  }
0x215: {  	v18 =	vld.idx.msk [tilespmem:v18+s2+$0x0], $0xffff  }
0x216: {  	v4 =	vor.u32 v53, v29;
	v15 =	vld.idx.msk [tilespmem:v5+s2+$0x0], $0xffff  }
0x217: {  	v11 =	vld.idx.msk [tilespmem:v1+s2+$0x0], $0xffff  }
0x218: {  	v1 =	vor.u32 v50, v29;
	v50 =	vld [tilespmem:$0x1F9A0]  }
0x219: {  	v13 =	vld.idx.msk [tilespmem:v3+s2+$0x0], $0xffff  }
0x21a: {  	v17 =	vld.idx.msk [tilespmem:v2+s2+$0x0], $0xffff  }
0x21b: {  	v23 =	vld.idx.msk [tilespmem:v4+s2+$0x0], $0xffff  }
0x21c: {  	v3 =	vor.u32 v52, v29;
	v52 =	vld [tilespmem:$0x1FA30]  }
0x21d: {  	v5 =	vor.u32 v54, v29;
	v27 =	vsel vm0, v42, v51;
	v56 =	vsel vm0, v43, v42;
	v42 =	vld [tilespmem:$0x1FA90]  }
0x21e: {  	v28 =	vsel vm0, v44, v43;
	v43 =	vld [tilespmem:$0x1FDB0]  }
0x21f: {  	v21 =	vsel vm0, v60, v59;
	v57 =	vsel vm0, v51, v44;
	v44 =	vld [tilespmem:$0x1FDC0]  }
0x220: {  	v33 =	vsel vm0, v61, v60;
	v32 =	vsel vm0, v47, v46;
	v60 =	vsel vm0, v45, v47;
	v47 =	vld [tilespmem:$0x1FDE0]  }
0x221: {  	v51 =	vld [tilespmem:$0x1FE00]  }
0x222: {  	v26 =	vld.idx.msk [tilespmem:v5+s2+$0x0], $0xffff  }
0x223: {  	v20 =	vor.u32 v58, v48;
	v22 =	vsel vm0, v34, v61;
	v16 =	vld.idx.msk [tilespmem:v1+s2+$0x0], $0xffff  }
0x224: {  	v25 =	vsel vm0, v41, v40;
	v24 =	vsel vm0, v39, v50;
	v39 =	vsel vm0, v40, v39;
	v40 =	vld [tilespmem:$0x1FA70]  }
0x225: {  	v34 =	vsel vm0, v59, v34;
	v63 =	vcombine.low v22, v21;
	v54 =	vsel vm0, v50, v41;
	v41 =	vld [tilespmem:$0x1FA80]  }
0x226: {  	v53 =	vcombine.low v34, v33;
	v50 =	vld [tilespmem:$0x1FDF0]  }
0x227: {  	[tilespmem:$0x1F6D0] =	vst v63;
	v4 =	vcombine.low v21, v22;
	v1 =	vld [tilespmem:$0x1FF20]  }
0x228: {  	[tilespmem:$0x1F710] =	vst v53;
	v19 =	vld.idx.msk [tilespmem:v3+s2+$0x0], $0xffff  }
0x229: {  	v36 =	vcombine.low v28, v27;
	v58 =	vcombine.low v57, v56;
	[tilespmem:$0x1F750] =	vst v4;
	v31 =	vsel vm0, v52, v45;
	v45 =	vld [tilespmem:$0x1FDD0]  }
0x22a: {  	v35 =	vcombine.low v25, v24;
	[tilespmem:v20+s16+$0x0] =	vst.idx.msk $0xffff, v6;
	v59 =	vsel vm0, v46, v52;
	v46 =	vld [tilespmem:$0x1FAA0]  }
0x22b: {  	[tilespmem:$0x1F6F0] =	vst v36;
	v20 =	vor.u32 v63, v48;
	v55 =	vcombine.low v54, v39;
	v5 =	vcombine.low v24, v25;
	v52 =	vld [tilespmem:$0x1FE10]  }
0x22c: {  	[tilespmem:$0x1F730] =	vst v58;
	v63 =	vor.u32 v58, v48;
	v58 =	vld [tilespmem:$0x1FAD0];
	v37 =	vcombine.low v32, v31;
	v7 =	vcombine.low v31, v32  }
0x22d: {  	v32 =	vcombine.low v33, v34;
	v33 =	vcombine.low v39, v54;
	v39 =	vld [tilespmem:$0x1FA60];
	[tilespmem:$0x1F6E0] =	vst v35  }
0x22e: {  	v54 =	vld [tilespmem:$0x1FF30];
	v35 =	vor.u32 v35, v48;
	[tilespmem:$0x1F720] =	vst v55  }
0x22f: {  	v36 =	vor.u32 v36, v48;
	v61 =	vcombine.low v60, v59;
	v34 =	vcombine.low v56, v57;
	v56 =	vld [tilespmem:$0x1FF50];
	[tilespmem:$0x1F760] =	vst v5  }
0x230: {  	v57 =	vld [tilespmem:$0x1FAC0];
	[tilespmem:$0x1F700] =	vst v37;
	v37 =	vor.u32 v37, v48  }
0x231: {  	v38 =	vor.u32 v53, v48;
	v60 =	vld [tilespmem:$0x1FE50];
	[tilespmem:$0x1F740] =	vst v61  }
0x232: {  	v24 =	vor.u32 v5, v48;
	v5 =	vld [tilespmem:$0x1FAB0];
	[tilespmem:v20+s16+$0x0] =	vst.idx.msk $0xffff, v8;
	v20 =	vor.u32 v55, v48  }
0x233: {  	v21 =	vor.u32 v61, v48;
	v61 =	vld [tilespmem:$0x1FB50];
	[tilespmem:v35+s16+$0x0] =	vst.idx.msk $0xffff, v9  }
0x234: {  	v55 =	vld [tilespmem:$0x1FF40];
	[tilespmem:v36+s16+$0x0] =	vst.idx.msk $0xffff, v10  }
0x235: {  	v22 =	vor.u32 v4, v48;
	v6 =	vcombine.low v27, v28;
	v8 =	vld [tilespmem:$0x1FAE0];
	[tilespmem:v37+s16+$0x0] =	vst.idx.msk $0xffff, v11  }
0x236: {  	v35 =	vld [tilespmem:$0x1FD90];
	[tilespmem:v38+s16+$0x0] =	vst.idx.msk $0xffff, v12  }
0x237: {  	v9 =	vld [tilespmem:$0x1FAF0];
	[tilespmem:v20+s16+$0x0] =	vst.idx.msk $0xffff, v13;
	v20 =	vor.u32 v6, v48  }
0x238: {  	v25 =	vor.u32 v7, v48;
	v36 =	vld [tilespmem:$0x1FA40];
	[tilespmem:v63+s16+$0x0] =	vst.idx.msk $0xffff, v14  }
0x239: {  	v37 =	vld [tilespmem:$0x1FA50];
	[tilespmem:v21+s16+$0x0] =	vst.idx.msk $0xffff, v15;
	v21 =	vor.u32 v32, v48  }
0x23a: {  	v63 =	vld [tilespmem:$0x1FB60];
	[tilespmem:v22+s16+$0x0] =	vst.idx.msk $0xffff, v16;
	v16 =	vor.u32 v33, v48  }
0x23b: {  	v14 =	vld [tilespmem:$0x1FB30];
	[tilespmem:v24+s16+$0x0] =	vst.idx.msk $0xffff, v17;
	v17 =	vor.u32 v34, v48  }
0x23c: {  	v10 =	vld [tilespmem:$0x1FB00];
	[tilespmem:v20+s16+$0x0] =	vst.idx.msk $0xffff, v19;
	v19 =	vor.u32 v35, v29  }
0x23d: {  	v38 =	vld [tilespmem:$0x1FDA0];
	v20 =	vor.u32 v36, v29;
	[tilespmem:v25+s16+$0x0] =	vst.idx.msk $0xffff, v23  }
0x23e: {  	v49 =	vlaneseq.u32;
	v11 =	vld [tilespmem:$0x1FB10];
	[tilespmem:v21+s16+$0x0] =	vst.idx.msk $0xffff, v26  }
0x23f: {  	v53 =	vor.u32 $0x20, v49;
	v12 =	vld [tilespmem:$0x1FB20];
	v49 =	vsel vm0, v63, v61;
	[tilespmem:v16+s16+$0x0] =	vst.idx.msk $0xffff, v30  }
0x240: {  	v4 =	vsel vm0, v14, v63;
	v63 =	vld [tilespmem:$0x1FE60];
	v21 =	vor.u32 v37, v29;
	[tilespmem:v17+s16+$0x0] =	vst.idx.msk $0xffff, v18  }
0x241: {  	v31 =	vor.u32 v52, v29;
	v52 =	vsel vm0, v1, v56;
	v22 =	vld.idx.msk [tilespmem:v19+s2+$0x0], $0xffff  }
0x242: {  	v16 =	vor.u32 v38, v29;
	v17 =	vor.u32 v39, v29;
	v39 =	vsel vm0, v56, v55;
	v24 =	vld.idx.msk [tilespmem:v20+s2+$0x0], $0xffff  }
0x243: {  	v56 =	vsel vm0, v58, v57;
	v20 =	vor.u32 v42, v29;
	v42 =	vsel vm0, v8, v58;
	v58 =	vld [tilespmem:$0x1FE40]  }
0x244: {  	v0 =	vsel vm0, v5, v8;
	v18 =	vor.u32 v40, v29;
	v8 =	vld [tilespmem:$0x1FBB0]  }
0x245: {  	v25 =	vld.idx.msk [tilespmem:v21+s2+$0x0], $0xffff  }
0x246: {  	v21 =	vor.u32 v50, v29;
	v50 =	vld.idx.msk [tilespmem:v31+s2+$0x0], $0xffff  }
0x247: {  	v19 =	vor.u32 v41, v29;
	v26 =	vld.idx.msk [tilespmem:v16+s2+$0x0], $0xffff  }
0x248: {  	v27 =	vld.idx.msk [tilespmem:v17+s2+$0x0], $0xffff  }
0x249: {  	v28 =	vld.idx.msk [tilespmem:v18+s2+$0x0], $0xffff;
	v18 =	vor.u32 v45, v29  }
0x24a: {  	v2 =	vsel vm0, v9, v12;
	v17 =	vor.u32 v44, v29;
	v44 =	vsel vm0, v10, v9;
	v9 =	vld [tilespmem:$0x1FBD0]  }
0x24b: {  	v23 =	vor.u32 v51, v29;
	v38 =	vsel vm0, v54, v1;
	v1 =	vsel vm0, v11, v10;
	v10 =	vld [tilespmem:$0x1FBE0]  }
0x24c: {  	v30 =	vld.idx.msk [tilespmem:v19+s2+$0x0], $0xffff  }
0x24d: {  	[tilespmem:$0x1F7A0] =	vst v33;
	v16 =	vor.u32 v43, v29;
	v33 =	vld.idx.msk [tilespmem:v20+s2+$0x0], $0xffff  }
0x24e: {  	[tilespmem:$0x1F7C0] =	vst v53;
	v36 =	vld.idx.msk [tilespmem:v18+s2+$0x0], $0xffff  }
0x24f: {  	[tilespmem:$0x1F770] =	vst v6;
	v19 =	vor.u32 v46, v29;
	v18 =	vld [tilespmem:$0x1FB40]  }
0x250: {  	[tilespmem:$0x1F790] =	vst v32;
	v32 =	vor.u32 v53, v48;
	v20 =	vor.u32 v47, v29;
	v46 =	vld.idx.msk [tilespmem:v23+s2+$0x0], $0xffff  }
0x251: {  	[tilespmem:$0x1F780] =	vst v7;
	v43 =	vld.idx.msk [tilespmem:v21+s2+$0x0], $0xffff  }
0x252: {  	[tilespmem:$0x1F7B0] =	vst v34;
	v15 =	vcombine.low v39, v38;
	v41 =	vsel vm0, v57, v5;
	v34 =	vld.idx.msk [tilespmem:v16+s2+$0x0], $0xffff  }
0x253: {  	v51 =	vsel vm0, v55, v54;
	v59 =	vcombine.low v42, v41;
	v45 =	vsel vm0, v12, v11;
	v35 =	vld.idx.msk [tilespmem:v17+s2+$0x0], $0xffff  }
0x254: {  	v31 =	vor.u32 v15, v48;
	v13 =	vcombine.low v45, v44;
	v37 =	vld.idx.msk [tilespmem:v19+s2+$0x0], $0xffff;
	v47 =	vsel vm0, v18, v14  }
0x255: {  	v40 =	vld.idx.msk [tilespmem:v20+s2+$0x0], $0xffff;
	[tilespmem:v32+s16+$0x0] =	vst.idx.msk $0xffff, v22;
	v32 =	vor.u32 v59, v48;
	v20 =	vcombine.low v49, v47  }
0x256: {  	v11 =	vld [tilespmem:$0x1FBF0];
	[tilespmem:$0x1F7F0] =	vst v13;
	v53 =	vor.u32 v13, v48;
	v13 =	vcombine.low v0, v56;
	v22 =	vcombine.low v52, v51  }
0x257: {  	[tilespmem:$0x1F7D0] =	vst v15;
	v15 =	vcombine.low v1, v2;
	v12 =	vld [tilespmem:$0x1FC00];
	v16 =	vcombine.low v2, v1;
	v54 =	vor.u32 v20, v48  }
0x258: {  	[tilespmem:$0x1F7E0] =	vst v59;
	v21 =	vld [tilespmem:$0x1FC50];
	v5 =	vor.u32 v13, v48;
	v55 =	vor.u32 v22, v48;
	v3 =	vsel vm0, v61, v18  }
0x259: {  	v1 =	vld [tilespmem:$0x1FB70];
	v6 =	vor.u32 v16, v48;
	[tilespmem:v31+s16+$0x0] =	vst.idx.msk $0xffff, v24;
	v31 =	vcombine.low v4, v3  }
0x25a: {  	v2 =	vld [tilespmem:$0x1FB80];
	[tilespmem:v32+s16+$0x0] =	vst.idx.msk $0xffff, v25;
	v25 =	vcombine.low v38, v39;
	v32 =	vcombine.low v47, v49  }
0x25b: {  	v19 =	vld [tilespmem:$0x1FC40];
	[tilespmem:v53+s16+$0x0] =	vst.idx.msk $0xffff, v26;
	v26 =	vcombine.low v41, v42;
	v7 =	vor.u32 v31, v48  }
0x25c: {  	v47 =	vld [tilespmem:$0x1FE90];
	v39 =	vor.u32 v25, v48;
	[tilespmem:v54+s16+$0x0] =	vst.idx.msk $0xffff, v27;
	v27 =	vcombine.low v44, v45  }
0x25d: {  	v24 =	vld [tilespmem:$0x1FC10];
	v41 =	vor.u32 v26, v48;
	[tilespmem:v55+s16+$0x0] =	vst.idx.msk $0xffff, v28  }
0x25e: {  	v18 =	vld [tilespmem:$0x1FC30];
	v28 =	vcombine.low v51, v52;
	[tilespmem:v5+s16+$0x0] =	vst.idx.msk $0xffff, v30;
	v30 =	vor.u32 v27, v48  }
0x25f: {  	v51 =	vor.u32 v32, v48;
	v55 =	vld [tilespmem:$0x1FE20];
	[tilespmem:v6+s16+$0x0] =	vst.idx.msk $0xffff, v33;
	v33 =	vcombine.low v56, v0  }
0x260: {  	v3 =	vld [tilespmem:$0x1FB90];
	v52 =	vor.u32 v28, v48;
	[tilespmem:v7+s16+$0x0] =	vst.idx.msk $0xffff, v34  }
0x261: {  	v49 =	vor.u32 v47, v29;
	v47 =	vld [tilespmem:$0x1FF10];
	[tilespmem:v39+s16+$0x0] =	vst.idx.msk $0xffff, v35;
	v53 =	vor.u32 v33, v48  }
0x262: {  	v54 =	vor.u32 v15, v48;
	v5 =	vld [tilespmem:$0x1FE70];
	[tilespmem:v41+s16+$0x0] =	vst.idx.msk $0xffff, v36  }
0x263: {  	v56 =	vld [tilespmem:$0x1FE30];
	[tilespmem:v30+s16+$0x0] =	vst.idx.msk $0xffff, v37  }
0x264: {  	v6 =	vld [tilespmem:$0x1FE80];
	v30 =	vor.u32 v55, v29;
	[tilespmem:v51+s16+$0x0] =	vst.idx.msk $0xffff, v40  }
0x265: {  	v59 =	vor.u32 v58, v29;
	v55 =	vld [tilespmem:$0x1FED0];
	[tilespmem:v52+s16+$0x0] =	vst.idx.msk $0xffff, v43  }
0x266: {  	v61 =	vor.u32 v60, v29;
	v52 =	vld [tilespmem:$0x1FEB0];
	[tilespmem:v53+s16+$0x0] =	vst.idx.msk $0xffff, v46  }
0x267: {  	[tilespmem:v54+s16+$0x0] =	vst.idx.msk $0xffff, v50;
	v50 =	vld [tilespmem:$0x1FEA0]  }
0x268: {  	v54 =	vld [tilespmem:$0x1FEC0]  }
0x269: {  	v38 =	vld.idx.msk [tilespmem:v30+s2+$0x0], $0xffff  }
0x26a: {  	v41 =	vld.idx.msk [tilespmem:v59+s2+$0x0], $0xffff  }
0x26b: {  	v57 =	vor.u32 v56, v29;
	v42 =	vld.idx.msk [tilespmem:v61+s2+$0x0], $0xffff  }
0x26c: {  	v46 =	vld.idx.msk [tilespmem:v49+s2+$0x0], $0xffff  }
0x26d: {  	v7 =	vor.u32 v6, v29;
	v59 =	vld [tilespmem:$0x1FEF0]  }
0x26e: {  	v30 =	vor.u32 v5, v29;
	v61 =	vld [tilespmem:$0x1FF00]  }
0x26f: {  	v49 =	vld [tilespmem:$0x1FBA0]  }
0x270: {  	v56 =	vor.u32 v55, v29;
	v40 =	vld.idx.msk [tilespmem:v57+s2+$0x0], $0xffff  }
0x271: {  	v57 =	vld [tilespmem:$0x1FEE0]  }
0x272: {  	v45 =	vld.idx.msk [tilespmem:v7+s2+$0x0], $0xffff;
	v51 =	vor.u32 v50, v29  }
0x273: {  	v44 =	vld.idx.msk [tilespmem:v30+s2+$0x0], $0xffff;
	v30 =	vor.u32 v54, v29  }
0x274: {  	v7 =	vld [tilespmem:$0x1FBC0]  }
0x275: {  	v4 =	vor.u32 v63, v29;
	v39 =	vor.u32 v47, v29;
	v53 =	vor.u32 v52, v29;
	v52 =	vld.idx.msk [tilespmem:v56+s2+$0x0], $0xffff  }
0x276: {  	v60 =	vor.u32 v59, v29;
	v63 =	vor.u32 v61, v29;
	v58 =	vor.u32 v57, v29;
	v29 =	vld [tilespmem:$0x1FC20]  }
0x277: {  	v23 =	vld.idx.msk [tilespmem:v51+s2+$0x0], $0xffff  }
0x278: {  	v17 =	vlaneseq.u32;
	v14 =	vmov v62;
	v62 =	vsel vm0, v3, v2;
	v51 =	vld.idx.msk [tilespmem:v30+s2+$0x0], $0xffff  }
0x279: {  	v47 =	vsel vm0, v2, v1;
	v56 =	vsel vm0, v10, v9;
	v30 =	vor.u32 $0x30, v17;
	v17 =	vld [tilespmem:$0x1FC60]  }
0x27a: {  	v61 =	vsel vm0, v19, v18;
	v1 =	vsel vm0, v1, v49;
	v55 =	vsel vm0, v7, v8  }
0x27b: {  	v7 =	vsel vm0, v9, v7;
	v8 =	vsel vm0, v8, v10;
	v50 =	vld.idx.msk [tilespmem:v53+s2+$0x0], $0xffff;
	v53 =	vsel vm0, v49, v3  }
0x27c: {  	v35 =	vcombine.low v56, v55;
	v34 =	vcombine.low v53, v47;
	v57 =	vld.idx.msk [tilespmem:v60+s2+$0x0], $0xffff;
	v37 =	vor.u32 v30, v48  }
0x27d: {  	v49 =	vcombine.low v1, v62;
	v54 =	vld.idx.msk [tilespmem:v58+s2+$0x0], $0xffff;
	v58 =	vsel vm0, v12, v11;
	v59 =	vsel vm0, v29, v24  }
0x27e: {  	v60 =	vld.idx.msk [tilespmem:v63+s2+$0x0], $0xffff;
	v2 =	vor.u32 v34, v48;
	v36 =	vcombine.low v59, v58;
	v63 =	vsel vm0, v17, v21  }
0x27f: {  	v0 =	vld.idx.msk [tilespmem:v39+s2+$0x0], $0xffff;
	v9 =	vsel vm0, v24, v12;
	v3 =	vor.u32 v35, v48;
	v39 =	vcombine.low v63, v61  }
0x280: {  	v43 =	vld.idx.msk [tilespmem:v4+s2+$0x0], $0xffff;
	v6 =	vor.u32 v49, v48;
	v10 =	vsel vm0, v11, v29;
	v4 =	vor.u32 v36, v48  }
0x281: {  	[tilespmem:v37+s16+$0x0] =	vst.idx.msk $0xffff, v38;
	v38 =	vcombine.low v8, v7;
	v5 =	vor.u32 v39, v48  }
0x282: {  	v11 =	vsel vm0, v21, v19;
	v24 =	vld [tilespmem:$0x1FFB0];
	v12 =	vsel vm0, v18, v17;
	v37 =	vcombine.low v10, v9  }
0x283: {  	[tilespmem:v2+s16+$0x0] =	vst.idx.msk $0xffff, v40;
	v40 =	vcombine.low v12, v11;
	v12 =	vld [tilespmem:$0x1FFE0];
	v2 =	vor.u32 v38, v48  }
0x284: {  	[tilespmem:v3+s16+$0x0] =	vst.idx.msk $0xffff, v41;
	v41 =	vcombine.low v47, v53;
	v53 =	vld [tilespmem:$0x1FF60];
	v3 =	vor.u32 v37, v48  }
0x285: {  	v47 =	vcombine.low v61, v63;
	v61 =	vld [tilespmem:$0x1FCB0];
	[tilespmem:v4+s16+$0x0] =	vst.idx.msk $0xffff, v42;
	v4 =	vor.u32 v40, v48  }
0x286: {  	v63 =	vld [tilespmem:$0x1FCC0];
	v42 =	vcombine.low v55, v56;
	[tilespmem:v5+s16+$0x0] =	vst.idx.msk $0xffff, v43;
	v5 =	vor.u32 v41, v48  }
0x287: {  	v56 =	vld [tilespmem:$0x1FF90];
	v43 =	vcombine.low v58, v59;
	[tilespmem:v6+s16+$0x0] =	vst.idx.msk $0xffff, v44  }
0x288: {  	v55 =	vld [tilespmem:$0x1FF80];
	v6 =	vor.u32 v42, v48;
	v44 =	vcombine.low v62, v1;
	[tilespmem:v2+s16+$0x0] =	vst.idx.msk $0xffff, v45  }
0x289: {  	v58 =	vld [tilespmem:$0x1FC90];
	v1 =	vor.u32 v43, v48;
	v45 =	vcombine.low v7, v8;
	[tilespmem:v3+s16+$0x0] =	vst.idx.msk $0xffff, v46  }
0x28a: {  	v59 =	vld [tilespmem:$0x1FC80];
	v2 =	vor.u32 v47, v48;
	v46 =	vcombine.low v9, v10;
	[tilespmem:v4+s16+$0x0] =	vst.idx.msk $0xffff, v23  }
0x28b: {  	v3 =	vor.u32 v44, v48;
	[tilespmem:v5+s16+$0x0] =	vst.idx.msk $0xffff, v50;
	v50 =	vld [tilespmem:$0x1FCE0]  }
0x28c: {  	v62 =	vor.u32 v45, v48;
	v5 =	vor.u32 v46, v48;
	v48 =	vld [tilespmem:$0x1FCD0]  }
0x28d: {  	p2 =	sne.s32 s28, $0xF0;
	[tilespmem:v6+s16+$0x0] =	vst.idx.msk $0xffff, v51;
	v51 =	vld [tilespmem:$0x1FFC0]  }
.Ltmp2:
0x28e: {  	[tilespmem:v1+s16+$0x0] =	vst.idx.msk $0xffff, v52;
	v52 =	vld [tilespmem:$0x1FCF0];
	(pc) =	sbr.rel @p2 .LBB2_3-.Ltmp2, $4  }
0x28f: {  	[tilespmem:v2+s16+$0x0] =	vst.idx.msk $0xffff, v54;
	v54 =	vld [tilespmem:$0x1FF70]  }
0x290: {  	[tilespmem:v3+s16+$0x0] =	vst.idx.msk $0xffff, v57;
	v57 =	vld [tilespmem:$0x1FFA0]  }
0x291: {  	[tilespmem:v62+s16+$0x0] =	vst.idx.msk $0xffff, v60;
	v60 =	vld [tilespmem:$0x1FFD0]  }
0x292: {  	s28 =	sadd.s32 $0x10, s28;
	v11 =	vmov v14;
	v62 =	vld [tilespmem:$0x1FCA0];
	[tilespmem:v5+s16+$0x0] =	vst.idx.msk $0xffff, v0  }
0x293: {  	s28 =	sadd.s32 s3, s26  }
0x294: {  	s28 =	sshll.u32 s28, $0xC  }
0x295: {  	p2 =	seq.s32 s24, $0x3C;
	s28 =	sand.u32 $0x1FFFF000, s28  }
0x296: {  	[tilespmem:$0x1F6C0] =	vst v16;
	s26 =	sadd.s32 @!p2 s26, s7;
	p3 =	seq.s32 @!p2 s24, $0x0;
	s28 =	sadd.s32 s5, s28  }
0x297: {  	[hbm4b:s28+s2] =	stream.linear.scatter [tilespmem:s16], [sflag:$0x3], $0x8000, $0x38;
	[tilespmem:$0x1A000] =	vst v63  }
0x298: {  	v23 =	vld [tilespmem:$0x1F7F0];
	s29 =	simm.s32 @!p2 $0x7A1400;
	s26 =	sshll.u32 @!p2 s26, $0x8;
	_ =	swait.ge [sflag:s17], $0x4000  }
0x299: {  	s30 =	simm.s32 @!p2 $0x0;
	s26 =	sand.u32 @!p2 $0x1FFFFF00, s26;
	[sflag:s17] =	ssyncset.done $0x0  }
0x29a: {  	s26 =	sadd.s32 @!p2 s0, s26;
	s28 =	simm.s32 @!p2 $0x800;
	[sflag:s17] =	ssyncadd.s32 $0xFFFFC000  }
0x29b: {  	[tilespmem:s30], [sflag:$0x1] =	stream.strided.gather @!p2 [hbm4b:s26+s28], $0x4000, s29, s28, $0x38;
	[tilespmem:$0x1A000] =	vst v63  }
0x29c: {  	p2 =	por p2, !p3  }
0x29d: {  	_ =	swait.ge @p2 [sflag:s20], $0x8000  }
0x29e: {  	v17 =	vld [tilespmem:$0x1F790]  }
0x29f: {  	v60 =	vld [tilespmem:$0x1F7A0]  }
0x2a0: {  	v18 =	vld [tilespmem:$0x1F7B0]  }
0x2a1: {  	v8 =	vmov v15;
	v1 =	vmov v13;
	v24 =	vmov v31;
	v14 =	vld [tilespmem:$0x1F7C0]  }
0x2a2: {  	v31 =	vmovc v25;
	v25 =	vmovc v26;
	v26 =	vmov v27;
	v27 =	vmov v32;
	v32 =	vmov v28;
	v16 =	vld [tilespmem:$0x1F7D0]  }
0x2a3: {  	v28 =	vmovc v33;
	v29 =	vmovc v30;
	v30 =	vmov v34;
	v34 =	vmov v35;
	v35 =	vmov v36;
	[sflag:s20] =	ssyncset.done @p2 $0x0;
	v15 =	vld [tilespmem:$0x1F7E0]  }
0x2a4: {  	v36 =	vmovc v39;
	v39 =	vmovc v49;
	v13 =	vmov v1;
	v33 =	vmov v8;
	v19 =	vmov v23;
	s26 =	simm.s32 $0x0;
	v21 =	vld [tilespmem:$0x1F6C0];
	[sflag:s20] =	ssyncadd.s32 @p2 $0xFFFF8000  }
.LBB2_5:
0x2a5: {  	v50 =	vld [tilespmem:$0x1F800]  }
0x2a6: {  	v51 =	vld [tilespmem:$0x1F810]  }
0x2a7: {  	v0 =	vmov s26;
	v54 =	vlaneseq.u32;
	v3 =	vld [tilespmem:$0x1F820]  }
0x2a8: {  	v52 =	vld [tilespmem:$0x1FCE0];
	v1 =	vor.u32 s26, v54;
	v0 =	vshll.u32 v0, $0x3  }
0x2a9: {  	v53 =	vld [tilespmem:$0x1FCF0];
	v2 =	vand.u32 $0x7F, v1;
	v0 =	vand.u32 $0x400, v0  }
0x2aa: {  	v23 =	vmov v19;
	v19 =	vld [tilespmem:$0x1FF60];
	v49 =	vor.u32 v0, v2  }
0x2ab: {  	v4 =	vld [tilespmem:$0x1F830];
	v7 =	vor.u32 v59, v49  }
0x2ac: {  	v12 =	vld [tilespmem:$0x1F860];
	v8 =	vor.u32 v58, v49  }
0x2ad: {  	v5 =	vld [tilespmem:$0x1F840];
	v9 =	vor.u32 v62, v49  }
0x2ae: {  	v6 =	vld [tilespmem:$0x1F850];
	v10 =	vor.u32 v61, v49;
	v11 =	vor.u32 v63, v49;
	v2 =	vor.u32 v51, v49  }
0x2af: {  	v51 =	vor.u32 v52, v49;
	v52 =	vor.u32 v53, v49;
	v53 =	vor.u32 v19, v49;
	v19 =	vld [tilespmem:$0x1FF70]  }
0x2b0: {  	v0 =	vor.u32 v50, v49;
	v7 =	vld.idx.msk [tilespmem:v7+s15+$0x0], $0xffff  }
0x2b1: {  	v12 =	vor.u32 v12, v49;
	v8 =	vld.idx.msk [tilespmem:v8+s15+$0x0], $0xffff  }
0x2b2: {  	v9 =	vld.idx.msk [tilespmem:v9+s15+$0x0], $0xffff  }
0x2b3: {  	v10 =	vld.idx.msk [tilespmem:v10+s15+$0x0], $0xffff  }
0x2b4: {  	v3 =	vor.u32 v3, v49;
	v11 =	vld.idx.msk [tilespmem:v11+s15+$0x0], $0xffff  }
0x2b5: {  	v4 =	vor.u32 v4, v49;
	v0 =	vld.idx.msk [tilespmem:v0+s15+$0x0], $0xffff  }
0x2b6: {  	v5 =	vor.u32 v5, v49;
	v50 =	vor.u32 v48, v49;
	v48 =	vshll.u32 v1, $0x7;
	v1 =	vld.idx.msk [tilespmem:v12+s15+$0x0], $0xffff  }
0x2b7: {  	v12 =	vor.u32 v54, v48;
	v54 =	vor.u32 v19, v48;
	v19 =	vld [tilespmem:$0x1FF80]  }
0x2b8: {  	v6 =	vor.u32 v6, v49;
	v2 =	vld.idx.msk [tilespmem:v2+s15+$0x0], $0xffff  }
0x2b9: {  	v3 =	vld.idx.msk [tilespmem:v3+s15+$0x0], $0xffff  }
0x2ba: {  	v4 =	vld.idx.msk [tilespmem:v4+s15+$0x0], $0xffff  }
0x2bb: {  	v5 =	vld.idx.msk [tilespmem:v5+s15+$0x0], $0xffff  }
0x2bc: {  	v55 =	vor.u32 v19, v48;
	v19 =	vld [tilespmem:$0x1FF90]  }
0x2bd: {  	v6 =	vld.idx.msk [tilespmem:v6+s15+$0x0], $0xffff  }
0x2be: {  	v50 =	vld.idx.msk [tilespmem:v50+s15+$0x0], $0xffff  }
0x2bf: {  	v51 =	vld.idx.msk [tilespmem:v51+s15+$0x0], $0xffff  }
0x2c0: {  	v52 =	vld.idx.msk [tilespmem:v52+s15+$0x0], $0xffff  }
0x2c1: {  	v56 =	vor.u32 v19, v48;
	v19 =	vld [tilespmem:$0x1FFA0]  }
0x2c2: {  	v53 =	vld.idx.msk [tilespmem:v53+s15+$0x0], $0xffff  }
0x2c3: {  	[tilespmem:v12+s18+$0x0] =	vst.idx.msk $0xffff, v0;
	v0 =	vld [tilespmem:$0x1FD00]  }
0x2c4: {  	[tilespmem:v54+s18+$0x0] =	vst.idx.msk $0xffff, v2;
	v54 =	vld [tilespmem:$0x1FD10]  }
0x2c5: {  	[tilespmem:v55+s18+$0x0] =	vst.idx.msk $0xffff, v3;
	v55 =	vld [tilespmem:$0x1FD20]  }
0x2c6: {  	v57 =	vor.u32 v19, v48  }
0x2c7: {  	[tilespmem:v56+s18+$0x0] =	vst.idx.msk $0xffff, v4;
	v56 =	vld [tilespmem:$0x1FD30]  }
0x2c8: {  	v12 =	vld [tilespmem:$0x1F920];
	v0 =	vor.u32 v0, v48  }
0x2c9: {  	v2 =	vor.u32 v54, v48;
	v54 =	vld [tilespmem:$0x1F870]  }
0x2ca: {  	v3 =	vor.u32 v55, v48;
	v55 =	vld [tilespmem:$0x1FFC0]  }
0x2cb: {  	[tilespmem:v57+s18+$0x0] =	vst.idx.msk $0xffff, v5;
	v57 =	vld [tilespmem:$0x1FD40]  }
0x2cc: {  	v4 =	vor.u32 v56, v48;
	v56 =	vld [tilespmem:$0x1F880]  }
0x2cd: {  	[tilespmem:v0+s18+$0x0] =	vst.idx.msk $0xffff, v6;
	v6 =	vld [tilespmem:$0x1FD50]  }
0x2ce: {  	[tilespmem:v2+s18+$0x0] =	vst.idx.msk $0xffff, v7;
	v7 =	vld [tilespmem:$0x1FD60]  }
0x2cf: {  	[tilespmem:v3+s18+$0x0] =	vst.idx.msk $0xffff, v8;
	v8 =	vld [tilespmem:$0x1FFB0]  }
0x2d0: {  	v5 =	vor.u32 v57, v48;
	v57 =	vld [tilespmem:$0x1FFD0]  }
0x2d1: {  	[tilespmem:v4+s18+$0x0] =	vst.idx.msk $0xffff, v9;
	v9 =	vld [tilespmem:$0x1F8A0]  }
0x2d2: {  	v4 =	vor.u32 v54, v48;
	v54 =	vld [tilespmem:$0x1F910]  }
0x2d3: {  	v0 =	vor.u32 v6, v48;
	v6 =	vld [tilespmem:$0x1F890]  }
0x2d4: {  	v2 =	vor.u32 v7, v48;
	v7 =	vld [tilespmem:$0x1FFE0]  }
0x2d5: {  	v3 =	vor.u32 v8, v48;
	v8 =	vld [tilespmem:$0x1FFF0]  }
0x2d6: {  	[tilespmem:v5+s18+$0x0] =	vst.idx.msk $0xffff, v10;
	v10 =	vld [tilespmem:$0x1F8B0]  }
0x2d7: {  	v5 =	vor.u32 v55, v48;
	v55 =	vld [tilespmem:$0x1F930]  }
0x2d8: {  	[tilespmem:v0+s18+$0x0] =	vst.idx.msk $0xffff, v11;
	v11 =	vld [tilespmem:$0x1F8C0]  }
0x2d9: {  	v0 =	vor.u32 v56, v48;
	v56 =	vld [tilespmem:$0x1F940]  }
0x2da: {  	[tilespmem:v2+s18+$0x0] =	vst.idx.msk $0xffff, v1;
	v1 =	vor.u32 v57, v49;
	v57 =	vld [tilespmem:$0x1F950]  }
0x2db: {  	v2 =	vor.u32 v6, v49;
	[tilespmem:v3+s18+$0x0] =	vst.idx.msk $0xffff, v50;
	v50 =	vld [tilespmem:$0x1F8D0]  }
0x2dc: {  	v12 =	vor.u32 v12, v49;
	[tilespmem:v4+s18+$0x0] =	vst.idx.msk $0xffff, v51;
	v51 =	vld [tilespmem:$0x1F8E0]  }
0x2dd: {  	v3 =	vor.u32 v7, v49;
	[tilespmem:v5+s18+$0x0] =	vst.idx.msk $0xffff, v52;
	v52 =	vld [tilespmem:$0x1F8F0]  }
0x2de: {  	v4 =	vor.u32 v8, v49;
	[tilespmem:v0+s18+$0x0] =	vst.idx.msk $0xffff, v53;
	v53 =	vld [tilespmem:$0x1F900]  }
0x2df: {  	v1 =	vld.idx.msk [tilespmem:v1+s15+$0x0], $0xffff  }
0x2e0: {  	v5 =	vor.u32 v10, v49;
	v2 =	vld.idx.msk [tilespmem:v2+s15+$0x0], $0xffff  }
0x2e1: {  	v12 =	vld.idx.msk [tilespmem:v12+s15+$0x0], $0xffff  }
0x2e2: {  	v0 =	vor.u32 v9, v49;
	v3 =	vld.idx.msk [tilespmem:v3+s15+$0x0], $0xffff  }
0x2e3: {  	v6 =	vor.u32 v11, v49;
	v4 =	vld.idx.msk [tilespmem:v4+s15+$0x0], $0xffff  }
0x2e4: {  	v11 =	vor.u32 v54, v49;
	v8 =	vor.u32 v51, v49;
	v51 =	vor.u32 v56, v49;
	v56 =	vld [tilespmem:$0x1FC70]  }
0x2e5: {  	v7 =	vor.u32 v50, v49;
	v5 =	vld.idx.msk [tilespmem:v5+s15+$0x0], $0xffff  }
0x2e6: {  	v50 =	vor.u32 v55, v49;
	v9 =	vor.u32 v52, v49;
	v52 =	vor.u32 v57, v49;
	v57 =	vld [tilespmem:$0x1F6D0]  }
0x2e7: {  	v0 =	vld.idx.msk [tilespmem:v0+s15+$0x0], $0xffff  }
0x2e8: {  	v6 =	vld.idx.msk [tilespmem:v6+s15+$0x0], $0xffff  }
0x2e9: {  	v11 =	vld.idx.msk [tilespmem:v11+s15+$0x0], $0xffff  }
0x2ea: {  	v7 =	vld.idx.msk [tilespmem:v7+s15+$0x0], $0xffff  }
0x2eb: {  	v50 =	vld.idx.msk [tilespmem:v50+s15+$0x0], $0xffff  }
0x2ec: {  	v8 =	vld.idx.msk [tilespmem:v8+s15+$0x0], $0xffff  }
0x2ed: {  	v54 =	vor.u32 v57, v48;
	v57 =	vld [tilespmem:$0x1F6E0]  }
0x2ee: {  	v10 =	vor.u32 v53, v49;
	v51 =	vld.idx.msk [tilespmem:v51+s15+$0x0], $0xffff  }
0x2ef: {  	v53 =	vor.u32 v56, v48;
	v56 =	vld [tilespmem:$0x1F6F0]  }
0x2f0: {  	v9 =	vld.idx.msk [tilespmem:v9+s15+$0x0], $0xffff  }
0x2f1: {  	v52 =	vld.idx.msk [tilespmem:v52+s15+$0x0], $0xffff  }
0x2f2: {  	v55 =	vor.u32 v57, v48;
	v57 =	vld [tilespmem:$0x1F700]  }
0x2f3: {  	v10 =	vld.idx.msk [tilespmem:v10+s15+$0x0], $0xffff  }
0x2f4: {  	[tilespmem:v53+s18+$0x0] =	vst.idx.msk $0xffff, v1;
	v53 =	vld [tilespmem:$0x1F710]  }
0x2f5: {  	[tilespmem:v54+s18+$0x0] =	vst.idx.msk $0xffff, v2;
	v54 =	vld [tilespmem:$0x1F720]  }
0x2f6: {  	v56 =	vor.u32 v56, v48  }
0x2f7: {  	v57 =	vor.u32 v57, v48;
	[tilespmem:v55+s18+$0x0] =	vst.idx.msk $0xffff, v3;
	v55 =	vld [tilespmem:$0x1F730];
	_ =	sdelay $0x1  }
0x2f8: {  	v1 =	vor.u32 v53, v48  }
0x2f9: {  	v2 =	vor.u32 v54, v48  }
0x2fa: {  	[tilespmem:v56+s18+$0x0] =	vst.idx.msk $0xffff, v4;
	v56 =	vld [tilespmem:$0x1F740]  }
0x2fb: {  	v3 =	vor.u32 v55, v48;
	[tilespmem:v57+s18+$0x0] =	vst.idx.msk $0xffff, v0;
	v57 =	vld [tilespmem:$0x1F750];
	_ =	sdelay $0x1  }
0x2fc: {  	[tilespmem:v1+s18+$0x0] =	vst.idx.msk $0xffff, v5;
	v5 =	vld [tilespmem:$0x1F760]  }
0x2fd: {  	[tilespmem:v2+s18+$0x0] =	vst.idx.msk $0xffff, v6;
	v6 =	vld [tilespmem:$0x1F770]  }
0x2fe: {  	v4 =	vor.u32 v56, v48  }
0x2ff: {  	v0 =	vor.u32 v57, v48;
	[tilespmem:v3+s18+$0x0] =	vst.idx.msk $0xffff, v7;
	v7 =	vld [tilespmem:$0x1F780]  }
0x300: {  	v57 =	vld [tilespmem:$0x1FA50]  }
0x301: {  	v1 =	vor.u32 v5, v48  }
0x302: {  	v55 =	vld [tilespmem:$0x1FD90];
	v2 =	vor.u32 v6, v48  }
0x303: {  	v56 =	vld [tilespmem:$0x1FA40];
	[tilespmem:v4+s18+$0x0] =	vst.idx.msk $0xffff, v8  }
0x304: {  	v3 =	vor.u32 v7, v48;
	[tilespmem:v0+s18+$0x0] =	vst.idx.msk $0xffff, v9;
	v9 =	vld [tilespmem:$0x1FA60]  }
0x305: {  	v4 =	vor.u32 v57, v49;
	v57 =	vld [tilespmem:$0x1FE10]  }
0x306: {  	v8 =	vor.u32 v17, v48;
	[tilespmem:v1+s18+$0x0] =	vst.idx.msk $0xffff, v10;
	v10 =	vld [tilespmem:$0x1FA70]  }
0x307: {  	[tilespmem:v2+s18+$0x0] =	vst.idx.msk $0xffff, v11;
	v11 =	vld [tilespmem:$0x1FA80]  }
0x308: {  	v53 =	vor.u32 v60, v48;
	v2 =	vor.u32 v55, v49;
	v55 =	vld [tilespmem:$0x1FDF0]  }
0x309: {  	[tilespmem:v3+s18+$0x0] =	vst.idx.msk $0xffff, v12;
	v12 =	vld [tilespmem:$0x1FDE0]  }
0x30a: {  	v54 =	vor.u32 v18, v48;
	v3 =	vor.u32 v56, v49;
	v56 =	vld [tilespmem:$0x1FE00]  }
0x30b: {  	[tilespmem:v8+s18+$0x0] =	vst.idx.msk $0xffff, v50;
	v8 =	vld [tilespmem:$0x1FDA0]  }
0x30c: {  	v50 =	vld [tilespmem:$0x1FA90]  }
0x30d: {  	[tilespmem:v53+s18+$0x0] =	vst.idx.msk $0xffff, v51;
	v51 =	vld [tilespmem:$0x1FDB0]  }
0x30e: {  	v53 =	vld [tilespmem:$0x1FDD0]  }
0x30f: {  	v1 =	vor.u32 v9, v49;
	[tilespmem:v54+s18+$0x0] =	vst.idx.msk $0xffff, v52;
	v52 =	vld [tilespmem:$0x1FDC0]  }
0x310: {  	v5 =	vor.u32 v10, v49;
	v54 =	vld [tilespmem:$0x1FAA0]  }
0x311: {  	v6 =	vor.u32 v11, v49;
	v2 =	vld.idx.msk [tilespmem:v2+s15+$0x0], $0xffff  }
0x312: {  	v4 =	vld.idx.msk [tilespmem:v4+s15+$0x0], $0xffff;
	v12 =	vor.u32 v12, v49  }
0x313: {  	v3 =	vld.idx.msk [tilespmem:v3+s15+$0x0], $0xffff;
	v0 =	vor.u32 v8, v49  }
0x314: {  	v1 =	vld.idx.msk [tilespmem:v1+s15+$0x0], $0xffff;
	v7 =	vor.u32 v50, v49  }
0x315: {  	v5 =	vld.idx.msk [tilespmem:v5+s15+$0x0], $0xffff;
	v50 =	vor.u32 v55, v49  }
0x316: {  	v8 =	vor.u32 v51, v49;
	v6 =	vld.idx.msk [tilespmem:v6+s15+$0x0], $0xffff  }
0x317: {  	v10 =	vor.u32 v53, v49;
	v12 =	vld.idx.msk [tilespmem:v12+s15+$0x0], $0xffff  }
0x318: {  	v51 =	vor.u32 v56, v49;
	v0 =	vld.idx.msk [tilespmem:v0+s15+$0x0], $0xffff  }
0x319: {  	v9 =	vor.u32 v52, v49;
	v7 =	vld.idx.msk [tilespmem:v7+s15+$0x0], $0xffff  }
0x31a: {  	v11 =	vor.u32 v54, v49;
	v50 =	vld.idx.msk [tilespmem:v50+s15+$0x0], $0xffff  }
0x31b: {  	v53 =	vor.u32 v14, v48;
	v52 =	vor.u32 v57, v49;
	v8 =	vld.idx.msk [tilespmem:v8+s15+$0x0], $0xffff  }
0x31c: {  	v54 =	vor.u32 v16, v48;
	v10 =	vld.idx.msk [tilespmem:v10+s15+$0x0], $0xffff  }
0x31d: {  	v55 =	vor.u32 v15, v48;
	v51 =	vld.idx.msk [tilespmem:v51+s15+$0x0], $0xffff  }
0x31e: {  	v56 =	vor.u32 v23, v48;
	v9 =	vld.idx.msk [tilespmem:v9+s15+$0x0], $0xffff  }
0x31f: {  	v57 =	vor.u32 v20, v48;
	v11 =	vld.idx.msk [tilespmem:v11+s15+$0x0], $0xffff  }
0x320: {  	v52 =	vld.idx.msk [tilespmem:v52+s15+$0x0], $0xffff;
	[tilespmem:v53+s18+$0x0] =	vst.idx.msk $0xffff, v2;
	v2 =	vor.u32 v22, v48  }
0x321: {  	[tilespmem:v54+s18+$0x0] =	vst.idx.msk $0xffff, v3;
	v3 =	vor.u32 v13, v48  }
0x322: {  	[tilespmem:v55+s18+$0x0] =	vst.idx.msk $0xffff, v4;
	v4 =	vor.u32 v21, v48  }
0x323: {  	[tilespmem:v56+s18+$0x0] =	vst.idx.msk $0xffff, v0;
	v0 =	vor.u32 v24, v48  }
0x324: {  	v53 =	vor.u32 v31, v48;
	[tilespmem:v57+s18+$0x0] =	vst.idx.msk $0xffff, v1  }
0x325: {  	v54 =	vor.u32 v25, v48;
	[tilespmem:v2+s18+$0x0] =	vst.idx.msk $0xffff, v5  }
0x326: {  	v55 =	vor.u32 v26, v48;
	[tilespmem:v3+s18+$0x0] =	vst.idx.msk $0xffff, v6  }
0x327: {  	v6 =	vld [tilespmem:$0x1FE40];
	[tilespmem:v4+s18+$0x0] =	vst.idx.msk $0xffff, v7  }
0x328: {  	v56 =	vor.u32 v27, v48;
	v7 =	vld [tilespmem:$0x1FE50];
	[tilespmem:v0+s18+$0x0] =	vst.idx.msk $0xffff, v8  }
0x329: {  	[tilespmem:v53+s18+$0x0] =	vst.idx.msk $0xffff, v9;
	v9 =	vld [tilespmem:$0x1FE70]  }
0x32a: {  	v8 =	vor.u32 v32, v48;
	[tilespmem:v54+s18+$0x0] =	vst.idx.msk $0xffff, v10;
	v10 =	vld [tilespmem:$0x1FE80]  }
0x32b: {  	[tilespmem:v55+s18+$0x0] =	vst.idx.msk $0xffff, v11;
	v55 =	vld [tilespmem:$0x1FE20]  }
0x32c: {  	v53 =	vor.u32 v28, v48;
	v11 =	vld [tilespmem:$0x1FE90]  }
0x32d: {  	[tilespmem:v56+s18+$0x0] =	vst.idx.msk $0xffff, v12;
	v56 =	vld [tilespmem:$0x1FE30]  }
0x32e: {  	v54 =	vor.u32 v33, v48;
	v12 =	vld [tilespmem:$0x1FEE0]  }
0x32f: {  	[tilespmem:v8+s18+$0x0] =	vst.idx.msk $0xffff, v50;
	v8 =	vld [tilespmem:$0x1FE60]  }
0x330: {  	v0 =	vor.u32 v6, v49;
	v50 =	vld [tilespmem:$0x1FEA0]  }
0x331: {  	[tilespmem:v53+s18+$0x0] =	vst.idx.msk $0xffff, v51;
	v51 =	vld [tilespmem:$0x1FEB0]  }
0x332: {  	v1 =	vor.u32 v7, v49;
	v53 =	vld [tilespmem:$0x1FED0]  }
0x333: {  	[tilespmem:v54+s18+$0x0] =	vst.idx.msk $0xffff, v52;
	v52 =	vld [tilespmem:$0x1FEC0]  }
0x334: {  	v5 =	vor.u32 v9, v49;
	v54 =	vld [tilespmem:$0x1FEF0]  }
0x335: {  	v6 =	vor.u32 v10, v49;
	v0 =	vld.idx.msk [tilespmem:v0+s15+$0x0], $0xffff  }
0x336: {  	v3 =	vor.u32 v55, v49;
	v55 =	vld [tilespmem:$0x1FF00]  }
0x337: {  	v7 =	vor.u32 v11, v49;
	v1 =	vld.idx.msk [tilespmem:v1+s15+$0x0], $0xffff  }
0x338: {  	v4 =	vor.u32 v56, v49;
	v56 =	vld [tilespmem:$0x1FF10]  }
0x339: {  	v12 =	vor.u32 v12, v49;
	v5 =	vld.idx.msk [tilespmem:v5+s15+$0x0], $0xffff  }
0x33a: {  	v2 =	vor.u32 v8, v49;
	v6 =	vld.idx.msk [tilespmem:v6+s15+$0x0], $0xffff  }
0x33b: {  	v8 =	vor.u32 v50, v49;
	v3 =	vld.idx.msk [tilespmem:v3+s15+$0x0], $0xffff  }
0x33c: {  	v9 =	vor.u32 v51, v49;
	v7 =	vld.idx.msk [tilespmem:v7+s15+$0x0], $0xffff  }
0x33d: {  	v11 =	vor.u32 v53, v49;
	v4 =	vld.idx.msk [tilespmem:v4+s15+$0x0], $0xffff  }
0x33e: {  	v10 =	vor.u32 v52, v49;
	v12 =	vld.idx.msk [tilespmem:v12+s15+$0x0], $0xffff  }
0x33f: {  	v50 =	vor.u32 v54, v49;
	v2 =	vld.idx.msk [tilespmem:v2+s15+$0x0], $0xffff  }
0x340: {  	v51 =	vor.u32 v55, v49;
	v8 =	vld.idx.msk [tilespmem:v8+s15+$0x0], $0xffff  }
0x341: {  	v52 =	vor.u32 v29, v48;
	v49 =	vor.u32 v56, v49;
	v9 =	vld.idx.msk [tilespmem:v9+s15+$0x0], $0xffff  }
0x342: {  	v53 =	vor.u32 v30, v48;
	v11 =	vld.idx.msk [tilespmem:v11+s15+$0x0], $0xffff  }
0x343: {  	v54 =	vor.u32 v34, v48;
	v10 =	vld.idx.msk [tilespmem:v10+s15+$0x0], $0xffff  }
0x344: {  	v55 =	vor.u32 v35, v48;
	v50 =	vld.idx.msk [tilespmem:v50+s15+$0x0], $0xffff  }
0x345: {  	v56 =	vor.u32 v36, v48;
	v51 =	vld.idx.msk [tilespmem:v51+s15+$0x0], $0xffff  }
0x346: {  	v49 =	vld.idx.msk [tilespmem:v49+s15+$0x0], $0xffff;
	[tilespmem:v52+s18+$0x0] =	vst.idx.msk $0xffff, v3;
	v3 =	vor.u32 v39, v48  }
0x347: {  	[tilespmem:v53+s18+$0x0] =	vst.idx.msk $0xffff, v4;
	v4 =	vor.u32 v38, v48  }
0x348: {  	[tilespmem:v54+s18+$0x0] =	vst.idx.msk $0xffff, v0;
	v0 =	vor.u32 v37, v48  }
0x349: {  	[tilespmem:v55+s18+$0x0] =	vst.idx.msk $0xffff, v1;
	v1 =	vor.u32 v40, v48  }
0x34a: {  	[tilespmem:v56+s18+$0x0] =	vst.idx.msk $0xffff, v2;
	v2 =	vor.u32 v41, v48  }
0x34b: {  	[tilespmem:v3+s18+$0x0] =	vst.idx.msk $0xffff, v5;
	v3 =	vor.u32 v42, v48  }
0x34c: {  	[tilespmem:v4+s18+$0x0] =	vst.idx.msk $0xffff, v6;
	v4 =	vor.u32 v43, v48  }
0x34d: {  	[tilespmem:v0+s18+$0x0] =	vst.idx.msk $0xffff, v7;
	v7 =	vor.u32 v47, v48  }
0x34e: {  	v57 =	vld [tilespmem:$0x1FFA0];
	[tilespmem:v1+s18+$0x0] =	vst.idx.msk $0xffff, v8;
	v8 =	vor.u32 v44, v48  }
0x34f: {  	v52 =	vld [tilespmem:$0x1FCF0];
	[tilespmem:v2+s18+$0x0] =	vst.idx.msk $0xffff, v9;
	v9 =	vor.u32 v45, v48  }
0x350: {  	p2 =	sne.s32 s26, $0xF0;
	v53 =	vld [tilespmem:$0x1FF60];
	[tilespmem:v3+s18+$0x0] =	vst.idx.msk $0xffff, v10;
	v10 =	vor.u32 v46, v48  }
.Ltmp3:
0x351: {  	v54 =	vld [tilespmem:$0x1FF70];
	[tilespmem:v4+s18+$0x0] =	vst.idx.msk $0xffff, v11;
	(pc) =	sbr.rel @p2 .LBB2_5-.Ltmp3, $4  }
0x352: {  	v55 =	vld [tilespmem:$0x1FF80];
	[tilespmem:v7+s18+$0x0] =	vst.idx.msk $0xffff, v12  }
0x353: {  	v56 =	vld [tilespmem:$0x1FF90];
	[tilespmem:v8+s18+$0x0] =	vst.idx.msk $0xffff, v50  }
0x354: {  	v48 =	vld [tilespmem:$0x1FCD0];
	[tilespmem:v9+s18+$0x0] =	vst.idx.msk $0xffff, v51  }
0x355: {  	s26 =	sadd.s32 $0x10, s26;
	v19 =	vmov v23;
	v50 =	vld [tilespmem:$0x1FCE0];
	[tilespmem:v10+s18+$0x0] =	vst.idx.msk $0xffff, v49  }
0x356: {  	s24 =	sadd.s32 $0x1, s24  }
0x357: {  	p2 =	sne.s32 s24, $0x3D  }
.Ltmp4:
0x358: {  	v49 =	vld [tilespmem:$0x1FFB0];
	(pc) =	sbr.rel @p2 .LBB2_2-.Ltmp4, $4  }
0x359: {  	s25 =	sshll.u32 s25, $0xC;
	v51 =	vld [tilespmem:$0x1FFC0]  }
0x35a: {  	v60 =	vld [tilespmem:$0x1FFD0];
	s25 =	sand.u32 $0x1FFFF000, s25  }
0x35b: {  	v12 =	vld [tilespmem:$0x1FFE0];
	s25 =	sadd.s32 s5, s25  }
0x35c: {  	v11 =	vld [tilespmem:$0x1FFF0];
	[hbm4b:s25+s2] =	stream.linear.scatter [tilespmem:s18], [sflag:$0x4], $0x8000, $0x38  }
0x35d: {  	_ =	swait.ge [sflag:s19], $0x8000  }
.Ltmp5:
0x35e: {  	[sflag:s19] =	ssyncset.done $0x0;
	(pc) =	sbr.rel @p0 .LBB2_11-.Ltmp5, $4  }
0x35f: {  	[sflag:s19] =	ssyncadd.s32 $0xFFFF8000  }
0x360: {  	_ =	swait.ge [sflag:s20], $0x8000  }
0x361: {  	[sflag:s20] =	ssyncset.done $0x0  }
0x362: {  	[sflag:s20] =	ssyncadd.s32 $0xFFFF8000  }
0x363: {  	s24 =	simm.s32 $0x0  }
0x364: {  	[tilespmem:s24], [sflag:$0x5] =	stream.strided.gather [hbm4b:s8+s12], $0x4000, s13, s12, $0x38;
	[tilespmem:$0x1A000] =	vst v63  }
0x365: {  	_ =	swait.ge [sflag:s21], $0x4000  }
0x366: {  	v18 =	vld [tilespmem:$0x1F790]  }
0x367: {  	v14 =	vld [tilespmem:$0x1F7A0]  }
0x368: {  	v17 =	vld [tilespmem:$0x1F7B0]  }
0x369: {  	v16 =	vld [tilespmem:$0x1F7C0]  }
0x36a: {  	v21 =	vmov v13;
	v13 =	vld [tilespmem:$0x1F7D0]  }
0x36b: {  	[sflag:s21] =	ssyncset.done $0x0;
	v60 =	vld [tilespmem:$0x1F7E0]  }
0x36c: {  	v15 =	vld [tilespmem:$0x1F6C0];
	[sflag:s21] =	ssyncadd.s32 $0xFFFFC000  }
.LBB2_9:
0x36d: {  	v50 =	vld [tilespmem:$0x1F800]  }
0x36e: {  	v51 =	vld [tilespmem:$0x1F810]  }
0x36f: {  	v0 =	vmov s24;
	v54 =	vlaneseq.u32;
	v3 =	vld [tilespmem:$0x1F820]  }
0x370: {  	v52 =	vld [tilespmem:$0x1FCE0];
	v1 =	vor.u32 s24, v54;
	v0 =	vshll.u32 v0, $0x3  }
0x371: {  	v53 =	vld [tilespmem:$0x1FCF0];
	v2 =	vand.u32 $0x7F, v1;
	v0 =	vand.u32 $0x400, v0  }
0x372: {  	v19 =	vld [tilespmem:$0x1FF60];
	v49 =	vor.u32 v0, v2  }
0x373: {  	v4 =	vld [tilespmem:$0x1F830];
	v7 =	vor.u32 v59, v49  }
0x374: {  	v12 =	vld [tilespmem:$0x1F860];
	v8 =	vor.u32 v58, v49  }
0x375: {  	v5 =	vld [tilespmem:$0x1F840];
	v9 =	vor.u32 v62, v49  }
0x376: {  	v6 =	vld [tilespmem:$0x1F850];
	v10 =	vor.u32 v61, v49;
	v11 =	vor.u32 v63, v49;
	v2 =	vor.u32 v51, v49  }
0x377: {  	v51 =	vor.u32 v52, v49;
	v52 =	vor.u32 v53, v49;
	v53 =	vor.u32 v19, v49;
	v19 =	vld [tilespmem:$0x1FF70]  }
0x378: {  	v0 =	vor.u32 v50, v49;
	v7 =	vld.idx.msk [tilespmem:v7+s2+$0x0], $0xffff  }
0x379: {  	v12 =	vor.u32 v12, v49;
	v8 =	vld.idx.msk [tilespmem:v8+s2+$0x0], $0xffff  }
0x37a: {  	v9 =	vld.idx.msk [tilespmem:v9+s2+$0x0], $0xffff  }
0x37b: {  	v10 =	vld.idx.msk [tilespmem:v10+s2+$0x0], $0xffff  }
0x37c: {  	v3 =	vor.u32 v3, v49;
	v11 =	vld.idx.msk [tilespmem:v11+s2+$0x0], $0xffff  }
0x37d: {  	v4 =	vor.u32 v4, v49;
	v0 =	vld.idx.msk [tilespmem:v0+s2+$0x0], $0xffff  }
0x37e: {  	v5 =	vor.u32 v5, v49;
	v50 =	vor.u32 v48, v49;
	v48 =	vshll.u32 v1, $0x7;
	v1 =	vld.idx.msk [tilespmem:v12+s2+$0x0], $0xffff  }
0x37f: {  	v12 =	vor.u32 v54, v48;
	v54 =	vor.u32 v19, v48;
	v19 =	vld [tilespmem:$0x1FF80]  }
0x380: {  	v6 =	vor.u32 v6, v49;
	v2 =	vld.idx.msk [tilespmem:v2+s2+$0x0], $0xffff  }
0x381: {  	v3 =	vld.idx.msk [tilespmem:v3+s2+$0x0], $0xffff  }
0x382: {  	v4 =	vld.idx.msk [tilespmem:v4+s2+$0x0], $0xffff  }
0x383: {  	v5 =	vld.idx.msk [tilespmem:v5+s2+$0x0], $0xffff  }
0x384: {  	v55 =	vor.u32 v19, v48;
	v19 =	vld [tilespmem:$0x1FF90]  }
0x385: {  	v6 =	vld.idx.msk [tilespmem:v6+s2+$0x0], $0xffff  }
0x386: {  	v50 =	vld.idx.msk [tilespmem:v50+s2+$0x0], $0xffff  }
0x387: {  	v51 =	vld.idx.msk [tilespmem:v51+s2+$0x0], $0xffff  }
0x388: {  	v52 =	vld.idx.msk [tilespmem:v52+s2+$0x0], $0xffff  }
0x389: {  	v56 =	vor.u32 v19, v48;
	v19 =	vld [tilespmem:$0x1FFA0]  }
0x38a: {  	v53 =	vld.idx.msk [tilespmem:v53+s2+$0x0], $0xffff  }
0x38b: {  	[tilespmem:v12+s16+$0x0] =	vst.idx.msk $0xffff, v0;
	v0 =	vld [tilespmem:$0x1FD00]  }
0x38c: {  	[tilespmem:v54+s16+$0x0] =	vst.idx.msk $0xffff, v2;
	v54 =	vld [tilespmem:$0x1FD10]  }
0x38d: {  	[tilespmem:v55+s16+$0x0] =	vst.idx.msk $0xffff, v3;
	v55 =	vld [tilespmem:$0x1FD20]  }
0x38e: {  	v57 =	vor.u32 v19, v48  }
0x38f: {  	[tilespmem:v56+s16+$0x0] =	vst.idx.msk $0xffff, v4;
	v56 =	vld [tilespmem:$0x1FD30]  }
0x390: {  	v12 =	vld [tilespmem:$0x1F920];
	v0 =	vor.u32 v0, v48  }
0x391: {  	v2 =	vor.u32 v54, v48;
	v54 =	vld [tilespmem:$0x1F870]  }
0x392: {  	v3 =	vor.u32 v55, v48;
	v55 =	vld [tilespmem:$0x1FFC0]  }
0x393: {  	[tilespmem:v57+s16+$0x0] =	vst.idx.msk $0xffff, v5;
	v57 =	vld [tilespmem:$0x1FD40]  }
0x394: {  	v4 =	vor.u32 v56, v48;
	v56 =	vld [tilespmem:$0x1F880]  }
0x395: {  	[tilespmem:v0+s16+$0x0] =	vst.idx.msk $0xffff, v6;
	v6 =	vld [tilespmem:$0x1FD50]  }
0x396: {  	[tilespmem:v2+s16+$0x0] =	vst.idx.msk $0xffff, v7;
	v7 =	vld [tilespmem:$0x1FD60]  }
0x397: {  	[tilespmem:v3+s16+$0x0] =	vst.idx.msk $0xffff, v8;
	v8 =	vld [tilespmem:$0x1FFB0]  }
0x398: {  	v5 =	vor.u32 v57, v48;
	v57 =	vld [tilespmem:$0x1FFD0]  }
0x399: {  	[tilespmem:v4+s16+$0x0] =	vst.idx.msk $0xffff, v9;
	v9 =	vld [tilespmem:$0x1F8A0]  }
0x39a: {  	v4 =	vor.u32 v54, v48;
	v54 =	vld [tilespmem:$0x1F910]  }
0x39b: {  	v0 =	vor.u32 v6, v48;
	v6 =	vld [tilespmem:$0x1F890]  }
0x39c: {  	v2 =	vor.u32 v7, v48;
	v7 =	vld [tilespmem:$0x1FFE0]  }
0x39d: {  	v3 =	vor.u32 v8, v48;
	v8 =	vld [tilespmem:$0x1FFF0]  }
0x39e: {  	[tilespmem:v5+s16+$0x0] =	vst.idx.msk $0xffff, v10;
	v10 =	vld [tilespmem:$0x1F8B0]  }
0x39f: {  	v5 =	vor.u32 v55, v48;
	v55 =	vld [tilespmem:$0x1F930]  }
0x3a0: {  	[tilespmem:v0+s16+$0x0] =	vst.idx.msk $0xffff, v11;
	v11 =	vld [tilespmem:$0x1F8C0]  }
0x3a1: {  	v0 =	vor.u32 v56, v48;
	v56 =	vld [tilespmem:$0x1F940]  }
0x3a2: {  	[tilespmem:v2+s16+$0x0] =	vst.idx.msk $0xffff, v1;
	v1 =	vor.u32 v57, v49;
	v57 =	vld [tilespmem:$0x1F950]  }
0x3a3: {  	v2 =	vor.u32 v6, v49;
	[tilespmem:v3+s16+$0x0] =	vst.idx.msk $0xffff, v50;
	v50 =	vld [tilespmem:$0x1F8D0]  }
0x3a4: {  	v12 =	vor.u32 v12, v49;
	[tilespmem:v4+s16+$0x0] =	vst.idx.msk $0xffff, v51;
	v51 =	vld [tilespmem:$0x1F8E0]  }
0x3a5: {  	v3 =	vor.u32 v7, v49;
	[tilespmem:v5+s16+$0x0] =	vst.idx.msk $0xffff, v52;
	v52 =	vld [tilespmem:$0x1F8F0]  }
0x3a6: {  	v4 =	vor.u32 v8, v49;
	[tilespmem:v0+s16+$0x0] =	vst.idx.msk $0xffff, v53;
	v53 =	vld [tilespmem:$0x1F900]  }
0x3a7: {  	v1 =	vld.idx.msk [tilespmem:v1+s2+$0x0], $0xffff  }
0x3a8: {  	v5 =	vor.u32 v10, v49;
	v2 =	vld.idx.msk [tilespmem:v2+s2+$0x0], $0xffff  }
0x3a9: {  	v12 =	vld.idx.msk [tilespmem:v12+s2+$0x0], $0xffff  }
0x3aa: {  	v0 =	vor.u32 v9, v49;
	v3 =	vld.idx.msk [tilespmem:v3+s2+$0x0], $0xffff  }
0x3ab: {  	v6 =	vor.u32 v11, v49;
	v4 =	vld.idx.msk [tilespmem:v4+s2+$0x0], $0xffff  }
0x3ac: {  	v11 =	vor.u32 v54, v49;
	v8 =	vor.u32 v51, v49;
	v51 =	vor.u32 v56, v49;
	v56 =	vld [tilespmem:$0x1FC70]  }
0x3ad: {  	v7 =	vor.u32 v50, v49;
	v5 =	vld.idx.msk [tilespmem:v5+s2+$0x0], $0xffff  }
0x3ae: {  	v50 =	vor.u32 v55, v49;
	v9 =	vor.u32 v52, v49;
	v52 =	vor.u32 v57, v49;
	v57 =	vld [tilespmem:$0x1F6D0]  }
0x3af: {  	v0 =	vld.idx.msk [tilespmem:v0+s2+$0x0], $0xffff  }
0x3b0: {  	v6 =	vld.idx.msk [tilespmem:v6+s2+$0x0], $0xffff  }
0x3b1: {  	v11 =	vld.idx.msk [tilespmem:v11+s2+$0x0], $0xffff  }
0x3b2: {  	v7 =	vld.idx.msk [tilespmem:v7+s2+$0x0], $0xffff  }
0x3b3: {  	v50 =	vld.idx.msk [tilespmem:v50+s2+$0x0], $0xffff  }
0x3b4: {  	v8 =	vld.idx.msk [tilespmem:v8+s2+$0x0], $0xffff  }
0x3b5: {  	v54 =	vor.u32 v57, v48;
	v57 =	vld [tilespmem:$0x1F6E0]  }
0x3b6: {  	v10 =	vor.u32 v53, v49;
	v51 =	vld.idx.msk [tilespmem:v51+s2+$0x0], $0xffff  }
0x3b7: {  	v53 =	vor.u32 v56, v48;
	v56 =	vld [tilespmem:$0x1F6F0]  }
0x3b8: {  	v9 =	vld.idx.msk [tilespmem:v9+s2+$0x0], $0xffff  }
0x3b9: {  	v52 =	vld.idx.msk [tilespmem:v52+s2+$0x0], $0xffff  }
0x3ba: {  	v55 =	vor.u32 v57, v48;
	v57 =	vld [tilespmem:$0x1F700]  }
0x3bb: {  	v10 =	vld.idx.msk [tilespmem:v10+s2+$0x0], $0xffff  }
0x3bc: {  	[tilespmem:v53+s16+$0x0] =	vst.idx.msk $0xffff, v1;
	v53 =	vld [tilespmem:$0x1F710]  }
0x3bd: {  	[tilespmem:v54+s16+$0x0] =	vst.idx.msk $0xffff, v2;
	v54 =	vld [tilespmem:$0x1F720]  }
0x3be: {  	v56 =	vor.u32 v56, v48  }
0x3bf: {  	v57 =	vor.u32 v57, v48;
	[tilespmem:v55+s16+$0x0] =	vst.idx.msk $0xffff, v3;
	v55 =	vld [tilespmem:$0x1F730];
	_ =	sdelay $0x1  }
0x3c0: {  	v1 =	vor.u32 v53, v48  }
0x3c1: {  	v2 =	vor.u32 v54, v48  }
0x3c2: {  	[tilespmem:v56+s16+$0x0] =	vst.idx.msk $0xffff, v4;
	v56 =	vld [tilespmem:$0x1F740]  }
0x3c3: {  	v3 =	vor.u32 v55, v48;
	[tilespmem:v57+s16+$0x0] =	vst.idx.msk $0xffff, v0;
	v57 =	vld [tilespmem:$0x1F750];
	_ =	sdelay $0x1  }
0x3c4: {  	[tilespmem:v1+s16+$0x0] =	vst.idx.msk $0xffff, v5;
	v5 =	vld [tilespmem:$0x1F760]  }
0x3c5: {  	[tilespmem:v2+s16+$0x0] =	vst.idx.msk $0xffff, v6;
	v6 =	vld [tilespmem:$0x1F770]  }
0x3c6: {  	v4 =	vor.u32 v56, v48  }
0x3c7: {  	v0 =	vor.u32 v57, v48;
	[tilespmem:v3+s16+$0x0] =	vst.idx.msk $0xffff, v7;
	v7 =	vld [tilespmem:$0x1F780]  }
0x3c8: {  	v57 =	vld [tilespmem:$0x1FA50]  }
0x3c9: {  	v1 =	vor.u32 v5, v48  }
0x3ca: {  	v55 =	vld [tilespmem:$0x1FD90];
	v2 =	vor.u32 v6, v48  }
0x3cb: {  	v56 =	vld [tilespmem:$0x1FA40];
	[tilespmem:v4+s16+$0x0] =	vst.idx.msk $0xffff, v8  }
0x3cc: {  	v3 =	vor.u32 v7, v48;
	[tilespmem:v0+s16+$0x0] =	vst.idx.msk $0xffff, v9;
	v9 =	vld [tilespmem:$0x1FA60]  }
0x3cd: {  	v4 =	vor.u32 v57, v49;
	v57 =	vld [tilespmem:$0x1FE10]  }
0x3ce: {  	v8 =	vor.u32 v18, v48;
	[tilespmem:v1+s16+$0x0] =	vst.idx.msk $0xffff, v10;
	v10 =	vld [tilespmem:$0x1FA70]  }
0x3cf: {  	[tilespmem:v2+s16+$0x0] =	vst.idx.msk $0xffff, v11;
	v11 =	vld [tilespmem:$0x1FA80]  }
0x3d0: {  	v53 =	vor.u32 v14, v48;
	v2 =	vor.u32 v55, v49;
	v55 =	vld [tilespmem:$0x1FDF0]  }
0x3d1: {  	[tilespmem:v3+s16+$0x0] =	vst.idx.msk $0xffff, v12;
	v12 =	vld [tilespmem:$0x1FDE0]  }
0x3d2: {  	v54 =	vor.u32 v17, v48;
	v3 =	vor.u32 v56, v49;
	v56 =	vld [tilespmem:$0x1FE00]  }
0x3d3: {  	[tilespmem:v8+s16+$0x0] =	vst.idx.msk $0xffff, v50;
	v8 =	vld [tilespmem:$0x1FDA0]  }
0x3d4: {  	v50 =	vld [tilespmem:$0x1FA90]  }
0x3d5: {  	[tilespmem:v53+s16+$0x0] =	vst.idx.msk $0xffff, v51;
	v51 =	vld [tilespmem:$0x1FDB0]  }
0x3d6: {  	v53 =	vld [tilespmem:$0x1FDD0]  }
0x3d7: {  	v1 =	vor.u32 v9, v49;
	[tilespmem:v54+s16+$0x0] =	vst.idx.msk $0xffff, v52;
	v52 =	vld [tilespmem:$0x1FDC0]  }
0x3d8: {  	v5 =	vor.u32 v10, v49;
	v54 =	vld [tilespmem:$0x1FAA0]  }
0x3d9: {  	v6 =	vor.u32 v11, v49;
	v2 =	vld.idx.msk [tilespmem:v2+s2+$0x0], $0xffff  }
0x3da: {  	v4 =	vld.idx.msk [tilespmem:v4+s2+$0x0], $0xffff;
	v12 =	vor.u32 v12, v49  }
0x3db: {  	v3 =	vld.idx.msk [tilespmem:v3+s2+$0x0], $0xffff;
	v0 =	vor.u32 v8, v49  }
0x3dc: {  	v1 =	vld.idx.msk [tilespmem:v1+s2+$0x0], $0xffff;
	v7 =	vor.u32 v50, v49  }
0x3dd: {  	v5 =	vld.idx.msk [tilespmem:v5+s2+$0x0], $0xffff;
	v50 =	vor.u32 v55, v49  }
0x3de: {  	v8 =	vor.u32 v51, v49;
	v6 =	vld.idx.msk [tilespmem:v6+s2+$0x0], $0xffff  }
0x3df: {  	v10 =	vor.u32 v53, v49;
	v12 =	vld.idx.msk [tilespmem:v12+s2+$0x0], $0xffff  }
0x3e0: {  	v51 =	vor.u32 v56, v49;
	v0 =	vld.idx.msk [tilespmem:v0+s2+$0x0], $0xffff  }
0x3e1: {  	v9 =	vor.u32 v52, v49;
	v7 =	vld.idx.msk [tilespmem:v7+s2+$0x0], $0xffff  }
0x3e2: {  	v11 =	vor.u32 v54, v49;
	v50 =	vld.idx.msk [tilespmem:v50+s2+$0x0], $0xffff  }
0x3e3: {  	v53 =	vor.u32 v16, v48;
	v52 =	vor.u32 v57, v49;
	v8 =	vld.idx.msk [tilespmem:v8+s2+$0x0], $0xffff  }
0x3e4: {  	v54 =	vor.u32 v13, v48;
	v10 =	vld.idx.msk [tilespmem:v10+s2+$0x0], $0xffff  }
0x3e5: {  	v55 =	vor.u32 v60, v48;
	v51 =	vld.idx.msk [tilespmem:v51+s2+$0x0], $0xffff  }
0x3e6: {  	v56 =	vor.u32 v23, v48;
	v9 =	vld.idx.msk [tilespmem:v9+s2+$0x0], $0xffff  }
0x3e7: {  	v57 =	vor.u32 v20, v48;
	v11 =	vld.idx.msk [tilespmem:v11+s2+$0x0], $0xffff  }
0x3e8: {  	v52 =	vld.idx.msk [tilespmem:v52+s2+$0x0], $0xffff;
	[tilespmem:v53+s16+$0x0] =	vst.idx.msk $0xffff, v2;
	v2 =	vor.u32 v22, v48  }
0x3e9: {  	[tilespmem:v54+s16+$0x0] =	vst.idx.msk $0xffff, v3;
	v3 =	vor.u32 v21, v48  }
0x3ea: {  	[tilespmem:v55+s16+$0x0] =	vst.idx.msk $0xffff, v4;
	v4 =	vor.u32 v15, v48  }
0x3eb: {  	[tilespmem:v56+s16+$0x0] =	vst.idx.msk $0xffff, v0;
	v0 =	vor.u32 v24, v48  }
0x3ec: {  	v53 =	vor.u32 v31, v48;
	[tilespmem:v57+s16+$0x0] =	vst.idx.msk $0xffff, v1  }
0x3ed: {  	v54 =	vor.u32 v25, v48;
	[tilespmem:v2+s16+$0x0] =	vst.idx.msk $0xffff, v5  }
0x3ee: {  	v55 =	vor.u32 v26, v48;
	[tilespmem:v3+s16+$0x0] =	vst.idx.msk $0xffff, v6  }
0x3ef: {  	[tilespmem:v4+s16+$0x0] =	vst.idx.msk $0xffff, v7  }
0x3f0: {  	v19 =	vld [tilespmem:$0x1FEF0];
	v56 =	vor.u32 v27, v48;
	[tilespmem:v0+s16+$0x0] =	vst.idx.msk $0xffff, v8  }
0x3f1: {  	[tilespmem:v53+s16+$0x0] =	vst.idx.msk $0xffff, v9;
	v9 =	vld [tilespmem:$0x1FE50]  }
0x3f2: {  	v8 =	vor.u32 v32, v48;
	[tilespmem:v54+s16+$0x0] =	vst.idx.msk $0xffff, v10;
	v10 =	vld [tilespmem:$0x1FE60]  }
0x3f3: {  	[tilespmem:v55+s16+$0x0] =	vst.idx.msk $0xffff, v11;
	v55 =	vld [tilespmem:$0x1FE20]  }
0x3f4: {  	v53 =	vor.u32 v28, v48;
	v11 =	vld [tilespmem:$0x1FE70]  }
0x3f5: {  	[tilespmem:v56+s16+$0x0] =	vst.idx.msk $0xffff, v12;
	v56 =	vld [tilespmem:$0x1FE30]  }
0x3f6: {  	v54 =	vor.u32 v33, v48;
	v12 =	vld [tilespmem:$0x1FEE0]  }
0x3f7: {  	[tilespmem:v8+s16+$0x0] =	vst.idx.msk $0xffff, v50;
	v8 =	vld [tilespmem:$0x1FE40]  }
0x3f8: {  	v50 =	vld [tilespmem:$0x1FE80]  }
0x3f9: {  	[tilespmem:v53+s16+$0x0] =	vst.idx.msk $0xffff, v51;
	v51 =	vld [tilespmem:$0x1FE90]  }
0x3fa: {  	v1 =	vor.u32 v9, v49;
	v53 =	vld [tilespmem:$0x1FEB0]  }
0x3fb: {  	[tilespmem:v54+s16+$0x0] =	vst.idx.msk $0xffff, v52;
	v2 =	vor.u32 v10, v49;
	v52 =	vld [tilespmem:$0x1FEA0]  }
0x3fc: {  	v54 =	vld [tilespmem:$0x1FEC0];
	v3 =	vor.u32 v55, v49  }
0x3fd: {  	v5 =	vor.u32 v11, v49;
	v55 =	vld [tilespmem:$0x1FED0]  }
0x3fe: {  	v4 =	vor.u32 v56, v49;
	v56 =	vor.u32 v19, v49;
	v19 =	vld [tilespmem:$0x1FF00]  }
0x3ff: {  	v1 =	vld.idx.msk [tilespmem:v1+s2+$0x0], $0xffff  }
0x400: {  	v12 =	vor.u32 v12, v49;
	v2 =	vld.idx.msk [tilespmem:v2+s2+$0x0], $0xffff  }
0x401: {  	v3 =	vld.idx.msk [tilespmem:v3+s2+$0x0], $0xffff  }
0x402: {  	v0 =	vor.u32 v8, v49;
	v5 =	vld.idx.msk [tilespmem:v5+s2+$0x0], $0xffff  }
0x403: {  	v6 =	vor.u32 v50, v49;
	v4 =	vld.idx.msk [tilespmem:v4+s2+$0x0], $0xffff  }
0x404: {  	v7 =	vor.u32 v51, v49;
	v51 =	vor.u32 v19, v49;
	v19 =	vld [tilespmem:$0x1FF10]  }
0x405: {  	v9 =	vor.u32 v53, v49;
	v12 =	vld.idx.msk [tilespmem:v12+s2+$0x0], $0xffff  }
0x406: {  	v8 =	vor.u32 v52, v49;
	v50 =	vld.idx.msk [tilespmem:v56+s2+$0x0], $0xffff  }
0x407: {  	v10 =	vor.u32 v54, v49;
	v0 =	vld.idx.msk [tilespmem:v0+s2+$0x0], $0xffff  }
0x408: {  	v11 =	vor.u32 v55, v49;
	v6 =	vld.idx.msk [tilespmem:v6+s2+$0x0], $0xffff  }
0x409: {  	v7 =	vld.idx.msk [tilespmem:v7+s2+$0x0], $0xffff  }
0x40a: {  	v52 =	vor.u32 v29, v48;
	v9 =	vld.idx.msk [tilespmem:v9+s2+$0x0], $0xffff;
	v49 =	vor.u32 v19, v49  }
0x40b: {  	v53 =	vor.u32 v30, v48;
	v8 =	vld.idx.msk [tilespmem:v8+s2+$0x0], $0xffff  }
0x40c: {  	v54 =	vor.u32 v34, v48;
	v10 =	vld.idx.msk [tilespmem:v10+s2+$0x0], $0xffff  }
0x40d: {  	v55 =	vor.u32 v35, v48;
	v11 =	vld.idx.msk [tilespmem:v11+s2+$0x0], $0xffff  }
0x40e: {  	v56 =	vor.u32 v36, v48;
	v51 =	vld.idx.msk [tilespmem:v51+s2+$0x0], $0xffff  }
0x40f: {  	v49 =	vld.idx.msk [tilespmem:v49+s2+$0x0], $0xffff;
	[tilespmem:v52+s16+$0x0] =	vst.idx.msk $0xffff, v3;
	v3 =	vor.u32 v39, v48  }
0x410: {  	[tilespmem:v53+s16+$0x0] =	vst.idx.msk $0xffff, v4;
	v4 =	vor.u32 v38, v48  }
0x411: {  	[tilespmem:v54+s16+$0x0] =	vst.idx.msk $0xffff, v0;
	v0 =	vor.u32 v37, v48  }
0x412: {  	[tilespmem:v55+s16+$0x0] =	vst.idx.msk $0xffff, v1;
	v1 =	vor.u32 v40, v48  }
0x413: {  	[tilespmem:v56+s16+$0x0] =	vst.idx.msk $0xffff, v2;
	v2 =	vor.u32 v41, v48  }
0x414: {  	[tilespmem:v3+s16+$0x0] =	vst.idx.msk $0xffff, v5;
	v3 =	vor.u32 v42, v48  }
0x415: {  	[tilespmem:v4+s16+$0x0] =	vst.idx.msk $0xffff, v6;
	v4 =	vor.u32 v43, v48  }
0x416: {  	[tilespmem:v0+s16+$0x0] =	vst.idx.msk $0xffff, v7;
	v7 =	vor.u32 v47, v48  }
0x417: {  	v57 =	vld [tilespmem:$0x1FFA0];
	[tilespmem:v1+s16+$0x0] =	vst.idx.msk $0xffff, v8;
	v8 =	vor.u32 v44, v48  }
0x418: {  	v52 =	vld [tilespmem:$0x1FCF0];
	[tilespmem:v2+s16+$0x0] =	vst.idx.msk $0xffff, v9;
	v9 =	vor.u32 v45, v48  }
0x419: {  	p2 =	sne.s32 s24, $0xF0;
	v53 =	vld [tilespmem:$0x1FF60];
	[tilespmem:v3+s16+$0x0] =	vst.idx.msk $0xffff, v10;
	v10 =	vor.u32 v46, v48  }
.Ltmp6:
0x41a: {  	v54 =	vld [tilespmem:$0x1FF70];
	[tilespmem:v4+s16+$0x0] =	vst.idx.msk $0xffff, v11;
	(pc) =	sbr.rel @p2 .LBB2_9-.Ltmp6, $4  }
0x41b: {  	v55 =	vld [tilespmem:$0x1FF80];
	[tilespmem:v7+s16+$0x0] =	vst.idx.msk $0xffff, v12  }
0x41c: {  	v56 =	vld [tilespmem:$0x1FF90];
	[tilespmem:v8+s16+$0x0] =	vst.idx.msk $0xffff, v50  }
0x41d: {  	v48 =	vld [tilespmem:$0x1FCD0];
	[tilespmem:v9+s16+$0x0] =	vst.idx.msk $0xffff, v51  }
0x41e: {  	s24 =	sadd.s32 $0x10, s24;
	v50 =	vld [tilespmem:$0x1FCE0];
	[tilespmem:v10+s16+$0x0] =	vst.idx.msk $0xffff, v49  }
0x41f: {  	[hbm4b:s9+s2] =	stream.linear.scatter [tilespmem:s16], [sflag:$0x5], $0x8000, $0x38;
	[tilespmem:$0x1A000] =	vst v63  }
0x420: {  	_ =	swait.ge [sflag:s21], $0x8000  }
0x421: {  	v49 =	vld [tilespmem:$0x1FFB0]  }
0x422: {  	v51 =	vld [tilespmem:$0x1FFC0]  }
0x423: {  	v60 =	vld [tilespmem:$0x1FFD0]  }
0x424: {  	[sflag:s21] =	ssyncset.done $0x0;
	v12 =	vld [tilespmem:$0x1FFE0]  }
0x425: {  	v11 =	vld [tilespmem:$0x1FFF0];
	[sflag:s21] =	ssyncadd.s32 $0xFFFF8000  }
.LBB2_11:
.Ltmp7:
0x426: {  	(pc) =	sbr.rel @p1 .LBB2_15-.Ltmp7, $1  }
0x427: {  	_ =	sdelay $0x3  }
0x428: {  	s24 =	simm.s32 $0x0  }
0x429: {  	v0 =	vmov s24  }
0x42a: {  	v1 =	vlaneseq.u32;
	v0 =	vand.u32 $0x7F, v0  }
0x42b: {  	v1 =	vmul.u32 $0x80, v1;
	v0 =	vbroadcast v0, $0x0;
	_ =	sdelay $0x1  }
0x42c: {  	v2 =	vor.u32 v1, v0  }
0x42d: {  	[tilespmem:s22], [sflag:$0x5] =	stream.linear.gather [hbm4b:s4+s24], $0x2000, $0x38;
	[tilespmem:$0x1A000] =	vst v63  }
0x42e: {  	_ =	swait.ge [sflag:s21], $0x2000  }
0x42f: {  	[sflag:s21] =	ssyncset.done $0x0  }
0x430: {  	[sflag:s21] =	ssyncadd.s32 $0xFFFFE000  }
0x431: {  	v3 =	vld.idx.msk [tilespmem:v2+s22+$0x0], $0xffff;
	v2 =	vor.u32 $0x800, v1  }
0x432: {  	v4 =	vor.u32 v2, v0;
	_ =	sdelay $0x2  }
0x433: {  	s24 =	simm.s32 $0x10020  }
0x434: {  	[tilespmem:s24+$0xFFFFFFE0] =	vst v3  }
0x435: {  	v3 =	vor.u32 $0x1000, v1;
	v4 =	vld.idx.msk [tilespmem:v4+s22+$0x0], $0xffff  }
0x436: {  	v5 =	vor.u32 v3, v0;
	_ =	sdelay $0x3  }
0x437: {  	[tilespmem:s24+$0xFFFFFFF0] =	vst v4  }
0x438: {  	v4 =	vor.u32 $0x1800, v1;
	v6 =	vld.idx.msk [tilespmem:v5+s22+$0x0], $0xffff  }
0x439: {  	v5 =	vor.u32 v4, v0;
	_ =	sdelay $0x1  }
0x43a: {  	s25 =	simm.s32 $0x1  }
0x43b: {  	v7 =	vmov s25;
	s25 =	simm.s32 $0x2  }
.LBB2_13:
0x43c: {  	p2 =	sne.s32 s25, $0x3F;
	v0 =	vand.u32 $0x7F, v7;
	[tilespmem:s24+$0x0] =	vst v6  }
0x43d: {  	v0 =	vbroadcast v0, $0x0;
	v5 =	vld.idx.msk [tilespmem:v5+s22+$0x0], $0xffff;
	_ =	sdelay $0x1  }
0x43e: {  	v6 =	vor.u32 v1, v0;
	_ =	sdelay $0x3  }
0x43f: {  	[tilespmem:s24+$0x10] =	vst v5  }
0x440: {  	v5 =	vld.idx.msk [tilespmem:v6+s22+$0x0], $0xffff;
	_ =	sdelay $0x1  }
0x441: {  	v6 =	vor.u32 v2, v0;
	_ =	sdelay $0x2  }
0x442: {  	s24 =	sadd.s32 $0x80, s24  }
0x443: {  	[tilespmem:s24+$0xFFFFFFE0] =	vst v5  }
0x444: {  	v5 =	vld.idx.msk [tilespmem:v6+s22+$0x0], $0xffff;
	_ =	sdelay $0x1  }
0x445: {  	v6 =	vor.u32 v3, v0;
	_ =	sdelay $0x3  }
0x446: {  	[tilespmem:s24+$0xFFFFFFF0] =	vst v5  }
0x447: {  	v6 =	vld.idx.msk [tilespmem:v6+s22+$0x0], $0xffff  }
.Ltmp8:
0x448: {  	(pc) =	sbr.rel @p2 .LBB2_13-.Ltmp8, $2  }
0x449: {  	v5 =	vor.u32 v4, v0;
	_ =	sdelay $0x2  }
0x44a: {  	v7 =	vmov s25;
	s25 =	sadd.s32 $0x1, s25  }
.Ltmp9:
0x44b: {  	_ = 	snop;
	(pc) =	sbr.rel .LBB2_14-.Ltmp9, $1  }
0x44c: {  	_ =	sdelay $0x3  }
.LBB2_16:
0x44d: {  	_ =	sfence.sel $0x180000  }
0x44e: {  	[bflag:$0x0] =	sbarrier.arrive $0xFFFF  }
0x44f: {  	_ =	strace $0x90000047  }
0x450: {  	s0 =	sadd.s32 @!p0 $0x100000, s1;
	[bflag:$0x2] =	sbarrier.arrive $0xFFFF  }
0x451: {  	[sflag:s0] =	ssyncadd.tile.s32 @!p0 $0x1;
	_ =	shalt  }
.Lfunc_end2:
_tile_overlayer_lowered:
.L_overlay_start_2:
0x452: {  	(tag) =	ssettag $0x2  }
0x453: {  	s0 =	rddreg [dreg:$0x0];
	s2 =	stileid.u32  }
0x454: {  	s1 =	rddreg [dreg:$0x1];
	p0 =	sne.s32 s2, $0x0  }
0x455: {  	s3 =	rddreg [dreg:$0x2];
	[bflag:$0x3] =	sbarrier.arrive $0xFFFF;
	s2 =	simm.s32 @!p0 $0x1C05  }
0x456: {  	[timem:s3], [sflag:s2] =	dma.local @!p0 [hbm:s0], s1  }
0x457: {  	s0 =	simm.s32 @!p0 $0x5  }
0x458: {  	_ =	swait.ge @!p0 [sflag:s0], s1  }
0x459: {  	s1 =	ssub.s32 @!p0 $0x0, s1;
	[sflag:s0] =	ssyncset.done @!p0 $0x0  }
0x45a: {  	[sflag:s0] =	ssyncadd.s32 @!p0 s1  }
0x45b: {  	[bflag:$0x3] =	sbarrier.arrive $0xFFFF  }
0x45c: {  	_ =	shalt  }

// kernel: kernel.7.cloned.1.call-start
scs
__scs_entry_jumppad:
0x0: {  	(pc) =	sbr.rel $0x88, $3  }
0x1: {  	(tag) =	ssettag $0x0;
	lr =	simm.s32 $0x1  }
0x2: {  	[smem:$0x3F9F] =	sst lr;
	_ =	strace $0xD0000000  }
0x3: {  	_ = 	snop  }
0x4: {  	_ = 	snop  }
0x5: {  	_ = 	snop  }
0x6: {  	_ = 	snop  }
0x7: {  	_ = 	snop  }
__scs_overlays_trampoline_lowered:
0x8: {  	[smem:$0x3FAE] =	sst s0  }
0x9: {  	[smem:$0x3FAF] =	sst s1  }
0xa: {  	[smem:$0x3FB0] =	sst s2  }
0xb: {  	[smem:$0x3FB1] =	sst s3  }
0xc: {  	[smem:$0x3FB2] =	sst s4  }
0xd: {  	[smem:$0x3FB3] =	sst s5  }
0xe: {  	[smem:$0x3FB4] =	sst s6  }
0xf: {  	[smem:$0x3FB5] =	sst s7  }
0x10: {  	[smem:$0x3FB6] =	sst s8  }
0x11: {  	[smem:$0x3FB7] =	sst s9;
	s0 =	simm.s32 @!p0 $0x0  }
0x12: {  	s1 =	sld [smem:$0x3F9D];
	s0 =	simm.s32 @p0 $0x1  }
0x13: {  	[smem:$0x3FB8] =	sst s0;
	s0 =	simm.s32 @!p1 $0x0  }
0x14: {  	s2 =	sld [smem:$0x3F9C];
	s0 =	simm.s32 @p1 $0x1  }
0x15: {  	[smem:$0x3FB9] =	sst s0;
	s0 =	simm.s32 @!p2 $0x0  }
0x16: {  	s3 =	sld [smem:$0x3FDB];
	s0 =	simm.s32 @p2 $0x1  }
0x17: {  	s4 =	simm.s32 $0x1BF5;
	[smem:$0x3FBB] =	sst s0  }
0x18: {  	s0 =	sld [smem:$0x3F9E];
	_ =	swait.ge [sflag:s4], $0x0  }
0x19: {  	s7 =	sld [smem:$0x3F9F]  }
0x1a: {  	s8 =	sadd.s32 $0xFFFFE003, lr  }
0x1b: {  	s9 =	sadd.s32 $0xFFFFFEF7, lr;
	s5 =	simm.s32 $0xFFFFFFFF;
	p2 =	slt.u32 s8, $0xFFFFF086  }
0x1c: {  	p1 =	slt.u32 s9, $0xF7A;
	s5 =	simm.s32 @!p2 $0x0  }
0x1d: {  	s5 =	simm.s32 @p1 $0x1;
	p0 =	seq.s32 s7, s2  }
0x1e: {  	s7 =	smul.u32 @!p0 $0xF7A, s2;
	p2 =	seq.s32 @!p0 s5, $0x0  }
0x1f: {  	s9 =	smul.u32 $0xF7A, s1;
	s8 =	simm.s32 @!p0 $0x1BF5;
	p2 =	por !p2, p0  }
0x20: {  	[sflag:s8] =	ssyncset.s32 @!p0 $0xFFFFF086;
	s6 =	sadd.s32 @!p0 s3, s7;
	s7 =	simm.s32 @!p0 $0x108  }
0x21: {  	s3 =	sadd.s32 s3, s9;
	s6 =	sadd.s32 @!p0 $0x88, s6;
	s7 =	simm.s32 @p2 $0x1082  }
0x22: {  	[simem:s7], [sflag:s8] =	dma.local @!p0 [hbm:s6], $0xF7A  }
0x23: {  	s9 =	sor.u32 $0xD0000000, s2;
	s6 =	simm.s32 $0x108;
	_ =	swait.ge @!p0 [sflag:s8], $0x0  }
0x24: {  	s3 =	sadd.s32 $0x88, s3;
	s6 =	simm.s32 @!p1 $0x1082;
	[sflag:s4] =	ssyncset.s32 $0xFFFFF086  }
0x25: {  	[simem:s6], [sflag:s4] =	dma.local [hbm:s3], $0xF7A  }
0x26: {  	[smem:$0x3F9F] =	sst s1;
	(tag) =	ssettag s2;
	_ =	strace s9  }
0x27: {  	s1 =	sld [smem:$0x3FAF]  }
0x28: {  	s2 =	sld [smem:$0x3FB0]  }
0x29: {  	s4 =	sld [smem:$0x3FB2]  }
0x2a: {  	p0 =	seq.s32 s5, $0x0;
	s5 =	sld [smem:$0x3FB3]  }
0x2b: {  	s6 =	sld [smem:$0x3FB4]  }
0x2c: {  	s7 =	sld [smem:$0x3FB5]  }
0x2d: {  	s3 =	simm.s32 $0x108;
	s8 =	sld [smem:$0x3FB6]  }
0x2e: {  	s3 =	simm.s32 @!p0 $0x1082;
	s9 =	sld [smem:$0x3FB7]  }
0x2f: {  	lr =	sadd.s32 s0, s3;
	s0 =	sld [smem:$0x3FAE]  }
0x30: {  	s3 =	sld [smem:$0x3FB1]  }
0x31: {  	[smem:$0x3FBA] =	sst s10  }
0x32: {  	s10 =	sld [smem:$0x3FB8];
	_ =	sdelay $0x3  }
0x33: {  	p0 =	seq.s32 s10, $0x1;
	s10 =	sld [smem:$0x3FBA];
	_ =	sdelay $0x3  }
0x34: {  	[smem:$0x3FBA] =	sst s10  }
0x35: {  	s10 =	sld [smem:$0x3FB9];
	_ =	sdelay $0x3  }
0x36: {  	p1 =	seq.s32 s10, $0x1;
	s10 =	sld [smem:$0x3FBA];
	_ =	sdelay $0x3  }
0x37: {  	[smem:$0x3FBA] =	sst s10  }
0x38: {  	s10 =	sld [smem:$0x3FBB]  }
0x39: {  	_ = 	snop;
	(pc) =	sbr.ind lr, $3  }
0x3a: {  	_ = 	snop  }
0x3b: {  	_ = 	snop  }
0x3c: {  	p2 =	seq.s32 s10, $0x1;
	s10 =	sld [smem:$0x3FBA]  }
0x3d: {  	_ =	shalt  }
0x3e: {  	_ =	shalt  }
0x3f: {  	_ =	shalt  }
0x40: {  	_ =	shalt  }
0x41: {  	_ =	shalt  }
0x42: {  	_ =	shalt  }
0x43: {  	_ =	shalt  }
0x44: {  	_ =	shalt  }
0x45: {  	_ =	shalt  }
0x46: {  	_ =	shalt  }
0x47: {  	_ =	shalt  }
0x48: {  	_ =	shalt  }
0x49: {  	_ =	shalt  }
0x4a: {  	_ =	shalt  }
0x4b: {  	_ =	shalt  }
0x4c: {  	_ =	shalt  }
0x4d: {  	_ =	shalt  }
0x4e: {  	_ =	shalt  }
0x4f: {  	_ =	shalt  }
0x50: {  	_ =	shalt  }
0x51: {  	_ =	shalt  }
0x52: {  	_ =	shalt  }
0x53: {  	_ =	shalt  }
0x54: {  	_ =	shalt  }
0x55: {  	_ =	shalt  }
0x56: {  	_ =	shalt  }
0x57: {  	_ =	shalt  }
0x58: {  	_ =	shalt  }
0x59: {  	_ =	shalt  }
0x5a: {  	_ =	shalt  }
0x5b: {  	_ =	shalt  }
0x5c: {  	_ =	shalt  }
0x5d: {  	_ =	shalt  }
0x5e: {  	_ =	shalt  }
0x5f: {  	_ =	shalt  }
0x60: {  	_ =	shalt  }
0x61: {  	_ =	shalt  }
0x62: {  	_ =	shalt  }
0x63: {  	_ =	shalt  }
0x64: {  	_ =	shalt  }
0x65: {  	_ =	shalt  }
0x66: {  	_ =	shalt  }
0x67: {  	_ =	shalt  }
0x68: {  	_ =	shalt  }
0x69: {  	_ =	shalt  }
0x6a: {  	_ =	shalt  }
0x6b: {  	_ =	shalt  }
0x6c: {  	_ =	shalt  }
0x6d: {  	_ =	shalt  }
0x6e: {  	_ =	shalt  }
0x6f: {  	_ =	shalt  }
0x70: {  	_ =	shalt  }
0x71: {  	_ =	shalt  }
0x72: {  	_ =	shalt  }
0x73: {  	_ =	shalt  }
0x74: {  	_ =	shalt  }
0x75: {  	_ =	shalt  }
0x76: {  	_ =	shalt  }
0x77: {  	_ =	shalt  }
0x78: {  	_ =	shalt  }
0x79: {  	_ =	shalt  }
0x7a: {  	_ =	shalt  }
0x7b: {  	_ =	shalt  }
0x7c: {  	_ =	shalt  }
0x7d: {  	_ =	shalt  }
0x7e: {  	_ =	shalt  }
0x7f: {  	_ =	shalt  }
0x80: {  	_ =	shalt  }
0x81: {  	_ =	shalt  }
0x82: {  	_ =	shalt  }
0x83: {  	_ =	shalt  }
0x84: {  	_ =	shalt  }
0x85: {  	_ =	shalt  }
0x86: {  	_ =	shalt  }
0x87: {  	_ =	shalt  }
.Lfunc_end0:
.L_simem_size_0:
called_computation.2_lowered:
.L_overlay_start_0:
0x88: {  	s2 =	sld [smem:$0x3FD9]  }
0x89: {  	s3 =	sld [smem:$0x3FFE];
	_ =	sdelay $0x1  }
0x8a: {  	s1 =	srdreg.scid  }
0x8b: {  	s0 =	sand.u32 $0x1, s1  }
0x8c: {  	s17 =	sshll.u32 s0, $0xA;
	s2 =	sadd.s32 s3, s2  }
0x8d: {  	s2 =	sadd.s32 s2, s17  }
0x8e: {  	[smem:$0x3FC6] =	sst s2  }
0x8f: {  	_ = 	snop  }
0x90: {  	s2 =	sld [smem:$0x3FD0];
	(tm) =	ssettm $0x1  }
0x91: {  	s18 =	sld [smem:$0x3FFB];
	_ =	sdelay $0x3  }
0x92: {  	_ =	strace s18  }
0x93: {  	s3 =	sld [smem:$0x3FFC];
	_ =	sdelay $0x3  }
0x94: {  	_ =	strace s3  }
0x95: {  	s3 =	sld [smem:$0x3FFD];
	_ =	sdelay $0x3  }
0x96: {  	_ =	strace s3  }
0x97: {  	_ =	strace $0x8FFFFFFF  }
0x98: {  	s19 =	sld [smem:$0x3FDB];
	_ =	sdelay $0x1  }
0x99: {  	s4 =	simm.s32 $_scs_section_size  }
0x9a: {  	s5 =	simm.s32 $_size__tile_overlayer_lowered;
	s6 =	simm.s32 $_tile_overlayer_lowered  }
0x9b: {  	s22 =	simm.s32 $0x1BFF;
	s21 =	sshll.u32 s6, $0x1;
	s3 =	sadd.s32 s4, s19  }
0x9c: {  	s7 =	simm.s32 $0x0;
	s20 =	sshll.u32 s5, $0x1;
	s5 =	sadd.s32 s21, s3  }
0x9d: {  	[timem:s7], [sflag:s22] =	dma.local [hbm:s5], s20  }
0x9e: {  	_ =	swait.ge [sflag:s22], s20  }
0x9f: {  	s4 =	ssub.s32 $0x0, s20;
	[sflag:s22] =	ssyncset.done $0x0  }
0xa0: {  	[sflag:s22] =	ssyncadd.s32 s4;
	_ =	sdelay $0x1  }
0xa1: {  	s23 =	simm.s32 $0x1B8B  }
0xa2: {  	_ =	swait.ge [sflag:s23], $0x1  }
0xa3: {  	[sflag:s23] =	ssyncset.done $0x0  }
0xa4: {  	s25 =	simm.s32 $0x1B8E;
	s24 =	sld [smem:$0x3FFE];
	[sflag:s23] =	ssyncadd.s32 $0xFFFFFFFF  }
0xa5: {  	s26 =	simm.s32 $execute0_lowered;
	[smem:$0x3FD2] =	sst s25  }
0xa6: {  	s5 =	sshll.u32 s26, $0x1;
	_ =	strace $0x80000049;
	[dreg:$0x1] =	wrdreg $0xFFFFFFFF  }
0xa7: {  	s28 =	simm.s32 $_size_execute0_lowered;
	s3 =	sadd.s32 s3, s5;
	[dreg:$0x0] =	wrdreg $0x0  }
0xa8: {  	s5 =	sshll.u32 s28, $0x1;
	[dreg:$0x2] =	wrdreg s3  }
0xa9: {  	[dreg:$0x3] =	wrdreg s5  }
0xaa: {  	[dreg:$0x4] =	wrdreg $0xC0  }
0xab: {  	_ =	task [dreg:s7], $0x5FFFF  }
0xac: {  	[dreg:$0x1] =	wrdreg $0xFFFFFFFF  }
0xad: {  	[dreg:$0x0] =	wrdreg $0x60  }
0xae: {  	[dreg:$0x2] =	wrdreg s24  }
0xaf: {  	[dreg:$0x3] =	wrdreg s2  }
0xb0: {  	[dreg:$0x4] =	wrdreg $0x9  }
0xb1: {  	_ =	task.clear_ibuf [dreg:s7], $0x5FFFF;
	_ =	strace $0x90000049  }
0xb2: {  	s29 =	simm.s32 $0x9;
	_ =	strace $0x8000004B  }
0xb3: {  	_ =	swait.ge [sflag:s29], $0x1  }
0xb4: {  	[sflag:s29] =	ssyncadd.s32 $0xFFFFFFFF  }
0xb5: {  	_ =	strace $0x9000004B  }
0xb6: {  	_ =	sfence  }
0xb7: {  	s30 =	sld [smem:$0x0];
	_ =	sdelay $0x2  }
0xb8: {  	s31 =	sshll.u32 s1, $0xD;
	s1 =	sshrl.u32 s1, $0x2  }
0xb9: {  	s3 =	sand.u32 $0x4000, s31;
	s1 =	sadd.s32 s1, s30  }
0xba: {  	s0 =	sor.u32 s3, s0;
	s1 =	sshll.u32 s1, $0x11  }
0xbb: {  	s0 =	sor.u32 s1, s0  }
0xbc: {  	s0 =	sadd.s32 $0x8F2B, s0  }
0xbd: {  	[sflag:s0] =	ssyncadd.remote.s32 $0x1  }
0xbe: {  	_ =	sfence.sel $0xFFFF  }
0xbf: {  	[dreg:$0x0] =	wrdreg $0xFFFFFFFF;
	(pc) =	sbr.abs _section_cstart, $3  }
0xc0: {  	[dreg:$0x1] =	wrdreg $0xFFFFFFFF  }
0xc1: {  	_ =	task.clear_ibuf [dreg:s7], $0x2FFFF;
	_ =	strace $0x9FFFFFFF  }
0xc2: {  	(tm) =	ssettm $0x7FFFFFFF  }
0xc3: {  	_ =	shalt  }
tec
execute0_lowered:
.L_overlay_start_1:
0x0: {  	(tag) =	ssettag $0x1  }
0x1: {  	s0 =	srdreg.scid  }
0x2: {  	s2 =	stileid.u32;
	s3 =	rddreg [dreg:$0x0]  }
0x3: {  	s0 =	sand.u32 $0x1, s0;
	s1 =	sshll.u32 s2, $0x1;
	s2 =	sshrl.u32 s2, $0x2  }
0x4: {  	s4 =	rddreg [dreg:$0x1];
	s1 =	sor.u32 s0, s1;
	s5 =	smul.u32 $0xC800, s2  }
0x5: {  	s2 =	simm.s32 $0x0;
	s6 =	sshll.u32 s1, $0x7;
	s26 =	smul.u32 $0xC8000, s1  }
0x6: {  	[smem:$0x7FF] =	sst s2;
	s1 =	smul.u32 $0x19000, s1;
	s6 =	sand.u32 $0x380, s6  }
0x7: {  	s7 =	sadd.s32 $0xF43A00, s3;
	_ =	strace $0x8000004A;
	s5 =	sor.u32 s5, s6  }
0x8: {  	s6 =	sshrl.u32 s26, $0x3;
	s1 =	sadd.s32 s7, s1;
	s5 =	sshrl.u32 s5, $0x3  }
0x9: {  	s7 =	sadd.s32 s7, s6;
	[dreg:$0x4] =	wrdreg s1;
	s4 =	sadd.s32 s4, s5  }
0xa: {  	s8 =	sadd.s32 $0x1400, s7;
	[dreg:$0x3] =	wrdreg s4  }
0xb: {  	s9 =	sadd.s32 $0x2800, s7;
	[dreg:$0x5] =	wrdreg s8  }
0xc: {  	s10 =	sadd.s32 $0x3C00, s7;
	[dreg:$0x6] =	wrdreg s9  }
0xd: {  	s11 =	sadd.s32 $0x5000, s7;
	[dreg:$0x7] =	wrdreg s10  }
0xe: {  	s30 =	simm.s32 $0x80;
	s12 =	sadd.s32 $0x6400, s7;
	[dreg:$0x8] =	wrdreg s11  }
0xf: {  	s31 =	simm.s32 $0x400;
	s13 =	sadd.s32 $0x7800, s7;
	[dreg:$0x9] =	wrdreg s12  }
0x10: {  	s29 =	simm.s32 $0x280;
	s14 =	sadd.s32 $0x8C00, s7;
	[dreg:$0xa] =	wrdreg s13  }
0x11: {  	s28 =	simm.s32 $0x3C0;
	s15 =	sadd.s32 $0xA000, s7;
	[dreg:$0xb] =	wrdreg s14  }
0x12: {  	p0 =	por $0x0, $0x0;
	s16 =	sadd.s32 $0xB400, s7;
	[dreg:$0xc] =	wrdreg s15  }
0x13: {  	s3 =	sadd.s32 $0x1200, s3;
	s17 =	sadd.s32 $0xC800, s7;
	[dreg:$0xd] =	wrdreg s16  }
0x14: {  	s0 =	ssub.s32 $0x2, s0;
	s18 =	sadd.s32 $0xDC00, s7;
	[dreg:$0xe] =	wrdreg s17  }
0x15: {  	s24 =	sshrl.u32 s0, $0x1;
	s19 =	sadd.s32 $0xF000, s7;
	[dreg:$0xf] =	wrdreg s18  }
0x16: {  	s0 =	ssub.s32 s0, s24;
	s20 =	sadd.s32 $0x10400, s7;
	[dreg:$0x10] =	wrdreg s19  }
0x17: {  	s24 =	simm.s32 $0x780;
	s21 =	sadd.s32 $0x11800, s7;
	[dreg:$0x11] =	wrdreg s20  }
0x18: {  	s0 =	smax.u32 s0, $0x1;
	s22 =	sadd.s32 $0x12C00, s7;
	[dreg:$0x12] =	wrdreg s21  }
0x19: {  	s6 =	simm.s32 $0xB900;
	s23 =	sadd.s32 $0x14000, s7;
	[dreg:$0x13] =	wrdreg s22  }
0x1a: {  	p1 =	sne.s32 s0, $0x1;
	s25 =	sadd.s32 $0x15400, s7;
	[dreg:$0x14] =	wrdreg s23  }
0x1b: {  	s1 =	sadd.s32 $0xFFFFFFFF, s0;
	s26 =	sadd.s32 $0x16800, s7;
	[dreg:$0x15] =	wrdreg s25  }
0x1c: {  	s5 =	simm.s32 $0x3;
	[dreg:$0x16] =	wrdreg s26;
	s4 =	sadd.s32 $0x17C00, s7  }
0x1d: {  	s10 =	simm.s32 $0x140;
	s8 =	simm.s32 $0x1900;
	s9 =	simm.s32 $0x1  }
0x1e: {  	s7 =	simm.s32 $0x2;
	s26 =	simm.s32 $0x500;
	s25 =	simm.s32 $0x640  }
.Ltmp0:
0x1f: {  	s23 =	simm.s32 $0x8C0;
	s22 =	simm.s32 $0xA00;
	(pc) =	sbr.rel @!p1 .LBB2_3-.Ltmp0, $4  }
0x20: {  	s21 =	simm.s32 $0xB40;
	s20 =	simm.s32 $0xC80;
	s19 =	simm.s32 $0xDC0  }
0x21: {  	s18 =	simm.s32 $0xF00;
	s17 =	simm.s32 $0x1040;
	s16 =	simm.s32 $0x1180  }
0x22: {  	s15 =	simm.s32 $0x12C0;
	s14 =	simm.s32 $0x1400;
	s13 =	simm.s32 $0x1540  }
0x23: {  	s12 =	simm.s32 $0x1680;
	s11 =	simm.s32 $0x17C0;
	s0 =	rddreg [dreg:$0x3]  }
0x24: {  	[tilespmem:s2], [sflag:$0x3] =	stream.strided.gather [hbm4b:s0+s30], $0x1900, s31, s30, $0x38;
	[tilespmem:$0x15900] =	vst v63  }
0x25: {  	_ =	swait.ge [sflag:s5], $0x1900  }
0x26: {  	[sflag:s5] =	ssyncset.done $0x0  }
0x27: {  	[sflag:s5] =	ssyncadd.s32 $0xFFFFE700  }
0x28: {  	[tilespmem:s8], [sflag:$0x1] =	stream.indirect.gather [hbm4b:s3+s10], $0x80, s2, s10, $0xb8;
	[tilespmem:$0x15900] =	vst v63  }
0x29: {  	_ = 	snop  }
0x2a: {  	[tilespmem:s6], [sflag:$0x2] =	stream.indirect.gather [hbm4b:s3+s10], $0x80, s10, s10, $0xb8;
	[tilespmem:$0x15900] =	vst v63  }
0x2b: {  	_ =	swait.ge [sflag:s9], $0xA000  }
0x2c: {  	[sflag:s9] =	ssyncset.done $0x0  }
0x2d: {  	s0 =	rddreg [dreg:$0x4];
	[sflag:s9] =	ssyncadd.s32 $0xFFFF6000  }
0x2e: {  	[hbm4b:s0+s2] =	stream.linear.scatter [tilespmem:s8], [sflag:$0x3], $0xA000, $0x38;
	[tilespmem:$0x15900] =	vst v63  }
0x2f: {  	_ =	swait.ge [sflag:s5], $0xA000  }
0x30: {  	[sflag:s5] =	ssyncset.done $0x0  }
0x31: {  	[sflag:s5] =	ssyncadd.s32 $0xFFFF6000  }
0x32: {  	[tilespmem:s8], [sflag:$0x1] =	stream.indirect.gather [hbm4b:s3+s10], $0x80, s29, s10, $0xb8;
	[tilespmem:$0x15900] =	vst v63  }
0x33: {  	_ =	swait.ge [sflag:s7], $0xA000  }
0x34: {  	[sflag:s7] =	ssyncset.done $0x0  }
0x35: {  	s0 =	rddreg [dreg:$0x5];
	[sflag:s7] =	ssyncadd.s32 $0xFFFF6000  }
0x36: {  	[hbm4b:s0+s2] =	stream.linear.scatter [tilespmem:s6], [sflag:$0x3], $0xA000, $0x38;
	[tilespmem:$0x15900] =	vst v63  }
0x37: {  	_ =	swait.ge [sflag:s5], $0xA000  }
0x38: {  	[sflag:s5] =	ssyncset.done $0x0  }
0x39: {  	[sflag:s5] =	ssyncadd.s32 $0xFFFF6000  }
0x3a: {  	[tilespmem:s6], [sflag:$0x2] =	stream.indirect.gather [hbm4b:s3+s10], $0x80, s28, s10, $0xb8;
	[tilespmem:$0x15900] =	vst v63  }
0x3b: {  	_ =	swait.ge [sflag:s9], $0xA000  }
0x3c: {  	[sflag:s9] =	ssyncset.done $0x0  }
0x3d: {  	s0 =	rddreg [dreg:$0x6];
	[sflag:s9] =	ssyncadd.s32 $0xFFFF6000  }
0x3e: {  	[hbm4b:s0+s2] =	stream.linear.scatter [tilespmem:s8], [sflag:$0x3], $0xA000, $0x38;
	[tilespmem:$0x15900] =	vst v63  }
0x3f: {  	_ =	swait.ge [sflag:s5], $0xA000  }
0x40: {  	[sflag:s5] =	ssyncset.done $0x0  }
0x41: {  	[sflag:s5] =	ssyncadd.s32 $0xFFFF6000  }
0x42: {  	[tilespmem:s8], [sflag:$0x1] =	stream.indirect.gather [hbm4b:s3+s10], $0x80, s26, s10, $0xb8;
	[tilespmem:$0x15900] =	vst v63  }
0x43: {  	_ =	swait.ge [sflag:s7], $0xA000  }
0x44: {  	[sflag:s7] =	ssyncset.done $0x0  }
0x45: {  	s0 =	rddreg [dreg:$0x7];
	[sflag:s7] =	ssyncadd.s32 $0xFFFF6000  }
0x46: {  	[hbm4b:s0+s2] =	stream.linear.scatter [tilespmem:s6], [sflag:$0x3], $0xA000, $0x38;
	[tilespmem:$0x15900] =	vst v63  }
0x47: {  	_ =	swait.ge [sflag:s5], $0xA000  }
0x48: {  	[sflag:s5] =	ssyncset.done $0x0  }
0x49: {  	[sflag:s5] =	ssyncadd.s32 $0xFFFF6000  }
0x4a: {  	[tilespmem:s6], [sflag:$0x2] =	stream.indirect.gather [hbm4b:s3+s10], $0x80, s25, s10, $0xb8;
	[tilespmem:$0x15900] =	vst v63  }
0x4b: {  	_ =	swait.ge [sflag:s9], $0xA000  }
0x4c: {  	[sflag:s9] =	ssyncset.done $0x0  }
0x4d: {  	s0 =	rddreg [dreg:$0x8];
	[sflag:s9] =	ssyncadd.s32 $0xFFFF6000  }
0x4e: {  	[hbm4b:s0+s2] =	stream.linear.scatter [tilespmem:s8], [sflag:$0x3], $0xA000, $0x38;
	[tilespmem:$0x15900] =	vst v63  }
0x4f: {  	_ =	swait.ge [sflag:s5], $0xA000  }
0x50: {  	[sflag:s5] =	ssyncset.done $0x0  }
0x51: {  	[sflag:s5] =	ssyncadd.s32 $0xFFFF6000  }
0x52: {  	[tilespmem:s8], [sflag:$0x1] =	stream.indirect.gather [hbm4b:s3+s10], $0x80, s24, s10, $0xb8;
	[tilespmem:$0x15900] =	vst v63  }
0x53: {  	_ =	swait.ge [sflag:s7], $0xA000  }
0x54: {  	[sflag:s7] =	ssyncset.done $0x0  }
0x55: {  	s0 =	rddreg [dreg:$0x9];
	[sflag:s7] =	ssyncadd.s32 $0xFFFF6000  }
0x56: {  	[hbm4b:s0+s2] =	stream.linear.scatter [tilespmem:s6], [sflag:$0x3], $0xA000, $0x38;
	[tilespmem:$0x15900] =	vst v63  }
0x57: {  	_ =	swait.ge [sflag:s5], $0xA000  }
0x58: {  	[sflag:s5] =	ssyncset.done $0x0  }
0x59: {  	[sflag:s5] =	ssyncadd.s32 $0xFFFF6000  }
0x5a: {  	[tilespmem:s6], [sflag:$0x2] =	stream.indirect.gather [hbm4b:s3+s10], $0x80, s23, s10, $0xb8;
	[tilespmem:$0x15900] =	vst v63  }
0x5b: {  	_ =	swait.ge [sflag:s9], $0xA000  }
0x5c: {  	[sflag:s9] =	ssyncset.done $0x0  }
0x5d: {  	s0 =	rddreg [dreg:$0xa];
	[sflag:s9] =	ssyncadd.s32 $0xFFFF6000  }
0x5e: {  	[hbm4b:s0+s2] =	stream.linear.scatter [tilespmem:s8], [sflag:$0x3], $0xA000, $0x38;
	[tilespmem:$0x15900] =	vst v63  }
0x5f: {  	_ =	swait.ge [sflag:s5], $0xA000  }
0x60: {  	[sflag:s5] =	ssyncset.done $0x0  }
0x61: {  	[sflag:s5] =	ssyncadd.s32 $0xFFFF6000  }
0x62: {  	[tilespmem:s8], [sflag:$0x1] =	stream.indirect.gather [hbm4b:s3+s10], $0x80, s22, s10, $0xb8;
	[tilespmem:$0x15900] =	vst v63  }
0x63: {  	_ =	swait.ge [sflag:s7], $0xA000  }
0x64: {  	[sflag:s7] =	ssyncset.done $0x0  }
0x65: {  	s0 =	rddreg [dreg:$0xb];
	[sflag:s7] =	ssyncadd.s32 $0xFFFF6000  }
0x66: {  	[hbm4b:s0+s2] =	stream.linear.scatter [tilespmem:s6], [sflag:$0x3], $0xA000, $0x38;
	[tilespmem:$0x15900] =	vst v63  }
0x67: {  	_ =	swait.ge [sflag:s5], $0xA000  }
0x68: {  	[sflag:s5] =	ssyncset.done $0x0  }
0x69: {  	[sflag:s5] =	ssyncadd.s32 $0xFFFF6000  }
0x6a: {  	[tilespmem:s6], [sflag:$0x2] =	stream.indirect.gather [hbm4b:s3+s10], $0x80, s21, s10, $0xb8;
	[tilespmem:$0x15900] =	vst v63  }
0x6b: {  	_ =	swait.ge [sflag:s9], $0xA000  }
0x6c: {  	[sflag:s9] =	ssyncset.done $0x0  }
0x6d: {  	s0 =	rddreg [dreg:$0xc];
	[sflag:s9] =	ssyncadd.s32 $0xFFFF6000  }
0x6e: {  	[hbm4b:s0+s2] =	stream.linear.scatter [tilespmem:s8], [sflag:$0x3], $0xA000, $0x38;
	[tilespmem:$0x15900] =	vst v63  }
0x6f: {  	_ =	swait.ge [sflag:s5], $0xA000  }
0x70: {  	[sflag:s5] =	ssyncset.done $0x0  }
0x71: {  	[sflag:s5] =	ssyncadd.s32 $0xFFFF6000  }
0x72: {  	[tilespmem:s8], [sflag:$0x1] =	stream.indirect.gather [hbm4b:s3+s10], $0x80, s20, s10, $0xb8;
	[tilespmem:$0x15900] =	vst v63  }
0x73: {  	_ =	swait.ge [sflag:s7], $0xA000  }
0x74: {  	[sflag:s7] =	ssyncset.done $0x0  }
0x75: {  	s0 =	rddreg [dreg:$0xd];
	[sflag:s7] =	ssyncadd.s32 $0xFFFF6000  }
0x76: {  	[hbm4b:s0+s2] =	stream.linear.scatter [tilespmem:s6], [sflag:$0x3], $0xA000, $0x38;
	[tilespmem:$0x15900] =	vst v63  }
0x77: {  	_ =	swait.ge [sflag:s5], $0xA000  }
0x78: {  	[sflag:s5] =	ssyncset.done $0x0  }
0x79: {  	[sflag:s5] =	ssyncadd.s32 $0xFFFF6000  }
0x7a: {  	[tilespmem:s6], [sflag:$0x2] =	stream.indirect.gather [hbm4b:s3+s10], $0x80, s19, s10, $0xb8;
	[tilespmem:$0x15900] =	vst v63  }
0x7b: {  	_ =	swait.ge [sflag:s9], $0xA000  }
0x7c: {  	[sflag:s9] =	ssyncset.done $0x0  }
0x7d: {  	s0 =	rddreg [dreg:$0xe];
	[sflag:s9] =	ssyncadd.s32 $0xFFFF6000  }
0x7e: {  	[hbm4b:s0+s2] =	stream.linear.scatter [tilespmem:s8], [sflag:$0x3], $0xA000, $0x38;
	[tilespmem:$0x15900] =	vst v63  }
0x7f: {  	_ =	swait.ge [sflag:s5], $0xA000  }
0x80: {  	[sflag:s5] =	ssyncset.done $0x0  }
0x81: {  	[sflag:s5] =	ssyncadd.s32 $0xFFFF6000  }
0x82: {  	[tilespmem:s8], [sflag:$0x1] =	stream.indirect.gather [hbm4b:s3+s10], $0x80, s18, s10, $0xb8;
	[tilespmem:$0x15900] =	vst v63  }
0x83: {  	_ =	swait.ge [sflag:s7], $0xA000  }
0x84: {  	[sflag:s7] =	ssyncset.done $0x0  }
0x85: {  	s0 =	rddreg [dreg:$0xf];
	[sflag:s7] =	ssyncadd.s32 $0xFFFF6000  }
0x86: {  	[hbm4b:s0+s2] =	stream.linear.scatter [tilespmem:s6], [sflag:$0x3], $0xA000, $0x38;
	[tilespmem:$0x15900] =	vst v63  }
0x87: {  	_ =	swait.ge [sflag:s5], $0xA000  }
0x88: {  	[sflag:s5] =	ssyncset.done $0x0  }
0x89: {  	[sflag:s5] =	ssyncadd.s32 $0xFFFF6000  }
0x8a: {  	[tilespmem:s6], [sflag:$0x2] =	stream.indirect.gather [hbm4b:s3+s10], $0x80, s17, s10, $0xb8;
	[tilespmem:$0x15900] =	vst v63  }
0x8b: {  	_ =	swait.ge [sflag:s9], $0xA000  }
0x8c: {  	[sflag:s9] =	ssyncset.done $0x0  }
0x8d: {  	s0 =	rddreg [dreg:$0x10];
	[sflag:s9] =	ssyncadd.s32 $0xFFFF6000  }
0x8e: {  	[hbm4b:s0+s2] =	stream.linear.scatter [tilespmem:s8], [sflag:$0x3], $0xA000, $0x38;
	[tilespmem:$0x15900] =	vst v63  }
0x8f: {  	_ =	swait.ge [sflag:s5], $0xA000  }
0x90: {  	[sflag:s5] =	ssyncset.done $0x0  }
0x91: {  	[sflag:s5] =	ssyncadd.s32 $0xFFFF6000  }
0x92: {  	[tilespmem:s8], [sflag:$0x1] =	stream.indirect.gather [hbm4b:s3+s10], $0x80, s16, s10, $0xb8;
	[tilespmem:$0x15900] =	vst v63  }
0x93: {  	_ =	swait.ge [sflag:s7], $0xA000  }
0x94: {  	[sflag:s7] =	ssyncset.done $0x0  }
0x95: {  	s0 =	rddreg [dreg:$0x11];
	[sflag:s7] =	ssyncadd.s32 $0xFFFF6000  }
0x96: {  	[hbm4b:s0+s2] =	stream.linear.scatter [tilespmem:s6], [sflag:$0x3], $0xA000, $0x38;
	[tilespmem:$0x15900] =	vst v63  }
0x97: {  	_ =	swait.ge [sflag:s5], $0xA000  }
0x98: {  	[sflag:s5] =	ssyncset.done $0x0  }
0x99: {  	[sflag:s5] =	ssyncadd.s32 $0xFFFF6000  }
0x9a: {  	[tilespmem:s6], [sflag:$0x2] =	stream.indirect.gather [hbm4b:s3+s10], $0x80, s15, s10, $0xb8;
	[tilespmem:$0x15900] =	vst v63  }
0x9b: {  	_ =	swait.ge [sflag:s9], $0xA000  }
0x9c: {  	[sflag:s9] =	ssyncset.done $0x0  }
0x9d: {  	s0 =	rddreg [dreg:$0x12];
	[sflag:s9] =	ssyncadd.s32 $0xFFFF6000  }
0x9e: {  	[hbm4b:s0+s2] =	stream.linear.scatter [tilespmem:s8], [sflag:$0x3], $0xA000, $0x38;
	[tilespmem:$0x15900] =	vst v63  }
0x9f: {  	_ =	swait.ge [sflag:s5], $0xA000  }
0xa0: {  	[sflag:s5] =	ssyncset.done $0x0  }
0xa1: {  	[sflag:s5] =	ssyncadd.s32 $0xFFFF6000  }
0xa2: {  	[tilespmem:s8], [sflag:$0x1] =	stream.indirect.gather [hbm4b:s3+s10], $0x80, s14, s10, $0xb8;
	[tilespmem:$0x15900] =	vst v63  }
0xa3: {  	_ =	swait.ge [sflag:s7], $0xA000  }
0xa4: {  	[sflag:s7] =	ssyncset.done $0x0  }
0xa5: {  	s0 =	rddreg [dreg:$0x13];
	[sflag:s7] =	ssyncadd.s32 $0xFFFF6000  }
0xa6: {  	[hbm4b:s0+s2] =	stream.linear.scatter [tilespmem:s6], [sflag:$0x3], $0xA000, $0x38;
	[tilespmem:$0x15900] =	vst v63  }
0xa7: {  	_ =	swait.ge [sflag:s5], $0xA000  }
0xa8: {  	[sflag:s5] =	ssyncset.done $0x0  }
0xa9: {  	[sflag:s5] =	ssyncadd.s32 $0xFFFF6000  }
0xaa: {  	[tilespmem:s6], [sflag:$0x2] =	stream.indirect.gather [hbm4b:s3+s10], $0x80, s13, s10, $0xb8;
	[tilespmem:$0x15900] =	vst v63  }
0xab: {  	_ =	swait.ge [sflag:s9], $0xA000  }
0xac: {  	[sflag:s9] =	ssyncset.done $0x0  }
0xad: {  	s0 =	rddreg [dreg:$0x14];
	[sflag:s9] =	ssyncadd.s32 $0xFFFF6000  }
0xae: {  	[hbm4b:s0+s2] =	stream.linear.scatter [tilespmem:s8], [sflag:$0x3], $0xA000, $0x38;
	[tilespmem:$0x15900] =	vst v63  }
0xaf: {  	_ =	swait.ge [sflag:s5], $0xA000  }
0xb0: {  	[sflag:s5] =	ssyncset.done $0x0  }
0xb1: {  	[sflag:s5] =	ssyncadd.s32 $0xFFFF6000  }
0xb2: {  	[tilespmem:s8], [sflag:$0x1] =	stream.indirect.gather [hbm4b:s3+s10], $0x80, s12, s10, $0xb8;
	[tilespmem:$0x15900] =	vst v63  }
0xb3: {  	_ =	swait.ge [sflag:s7], $0xA000  }
0xb4: {  	[sflag:s7] =	ssyncset.done $0x0  }
0xb5: {  	s0 =	rddreg [dreg:$0x15];
	[sflag:s7] =	ssyncadd.s32 $0xFFFF6000  }
0xb6: {  	[hbm4b:s0+s2] =	stream.linear.scatter [tilespmem:s6], [sflag:$0x3], $0xA000, $0x38;
	[tilespmem:$0x15900] =	vst v63  }
0xb7: {  	_ =	swait.ge [sflag:s5], $0xA000  }
0xb8: {  	[sflag:s5] =	ssyncset.done $0x0  }
0xb9: {  	[sflag:s5] =	ssyncadd.s32 $0xFFFF6000  }
0xba: {  	[tilespmem:s6], [sflag:$0x2] =	stream.indirect.gather [hbm4b:s3+s10], $0x80, s11, s10, $0xb8;
	[tilespmem:$0x15900] =	vst v63  }
0xbb: {  	_ =	swait.ge [sflag:s9], $0xA000  }
0xbc: {  	[sflag:s9] =	ssyncset.done $0x0  }
0xbd: {  	s0 =	rddreg [dreg:$0x16];
	[sflag:s9] =	ssyncadd.s32 $0xFFFF6000  }
0xbe: {  	[hbm4b:s0+s2] =	stream.linear.scatter [tilespmem:s8], [sflag:$0x3], $0xA000, $0x38;
	[tilespmem:$0x15900] =	vst v63  }
0xbf: {  	_ =	swait.ge [sflag:s5], $0xA000  }
0xc0: {  	[sflag:s5] =	ssyncset.done $0x0  }
0xc1: {  	[sflag:s5] =	ssyncadd.s32 $0xFFFF6000  }
0xc2: {  	p1 =	sne.s32 s1, $0x1;
	_ =	swait.ge [sflag:s7], $0xA000  }
.Ltmp1:
0xc3: {  	[sflag:s7] =	ssyncset.done $0x0;
	(pc) =	sbr.rel @!p1 .LBB2_3-.Ltmp1, $4  }
0xc4: {  	[sflag:s7] =	ssyncadd.s32 $0xFFFF6000  }
0xc5: {  	[hbm4b:s4+s2] =	stream.linear.scatter [tilespmem:s6], [sflag:$0x3], $0xA000, $0x38;
	[tilespmem:$0x15900] =	vst v63  }
0xc6: {  	s1 =	sadd.s32 $0xFFFFFFFF, s1;
	_ =	swait.ge [sflag:s5], $0xA000  }
0xc7: {  	p0 =	por $0x1, $0x1;
	s0 =	rddreg [dreg:$0x3];
	[sflag:s5] =	ssyncset.done $0x0  }
.LBB2_2:
0xc8: {  	[sflag:s5] =	ssyncadd.s32 $0xFFFF6000  }
0xc9: {  	[tilespmem:s2], [sflag:$0x3] =	stream.strided.gather [hbm4b:s0+s30], $0x1900, s31, s30, $0x38;
	[tilespmem:$0x15900] =	vst v63  }
0xca: {  	_ =	swait.ge [sflag:s5], $0x1900  }
0xcb: {  	[sflag:s5] =	ssyncset.done $0x0  }
0xcc: {  	[sflag:s5] =	ssyncadd.s32 $0xFFFFE700  }
0xcd: {  	[tilespmem:s8], [sflag:$0x1] =	stream.indirect.gather [hbm4b:s3+s10], $0x80, s2, s10, $0xb8;
	[tilespmem:$0x15900] =	vst v63  }
0xce: {  	_ = 	snop  }
0xcf: {  	[tilespmem:s6], [sflag:$0x2] =	stream.indirect.gather [hbm4b:s3+s10], $0x80, s10, s10, $0xb8;
	[tilespmem:$0x15900] =	vst v63  }
0xd0: {  	_ =	swait.ge [sflag:s9], $0xA000  }
0xd1: {  	[sflag:s9] =	ssyncset.done $0x0  }
0xd2: {  	s0 =	rddreg [dreg:$0x4];
	[sflag:s9] =	ssyncadd.s32 $0xFFFF6000  }
0xd3: {  	[hbm4b:s0+s2] =	stream.linear.scatter [tilespmem:s8], [sflag:$0x3], $0xA000, $0x38;
	[tilespmem:$0x15900] =	vst v63  }
0xd4: {  	_ =	swait.ge [sflag:s5], $0xA000  }
0xd5: {  	[sflag:s5] =	ssyncset.done $0x0  }
0xd6: {  	[sflag:s5] =	ssyncadd.s32 $0xFFFF6000  }
0xd7: {  	[tilespmem:s8], [sflag:$0x1] =	stream.indirect.gather [hbm4b:s3+s10], $0x80, s29, s10, $0xb8;
	[tilespmem:$0x15900] =	vst v63  }
0xd8: {  	_ =	swait.ge [sflag:s7], $0xA000  }
0xd9: {  	[sflag:s7] =	ssyncset.done $0x0  }
0xda: {  	s0 =	rddreg [dreg:$0x5];
	[sflag:s7] =	ssyncadd.s32 $0xFFFF6000  }
0xdb: {  	[hbm4b:s0+s2] =	stream.linear.scatter [tilespmem:s6], [sflag:$0x3], $0xA000, $0x38;
	[tilespmem:$0x15900] =	vst v63  }
0xdc: {  	_ =	swait.ge [sflag:s5], $0xA000  }
0xdd: {  	[sflag:s5] =	ssyncset.done $0x0  }
0xde: {  	[sflag:s5] =	ssyncadd.s32 $0xFFFF6000  }
0xdf: {  	[tilespmem:s6], [sflag:$0x2] =	stream.indirect.gather [hbm4b:s3+s10], $0x80, s28, s10, $0xb8;
	[tilespmem:$0x15900] =	vst v63  }
0xe0: {  	_ =	swait.ge [sflag:s9], $0xA000  }
0xe1: {  	[sflag:s9] =	ssyncset.done $0x0  }
0xe2: {  	s0 =	rddreg [dreg:$0x6];
	[sflag:s9] =	ssyncadd.s32 $0xFFFF6000  }
0xe3: {  	[hbm4b:s0+s2] =	stream.linear.scatter [tilespmem:s8], [sflag:$0x3], $0xA000, $0x38;
	[tilespmem:$0x15900] =	vst v63  }
0xe4: {  	_ =	swait.ge [sflag:s5], $0xA000  }
0xe5: {  	[sflag:s5] =	ssyncset.done $0x0  }
0xe6: {  	[sflag:s5] =	ssyncadd.s32 $0xFFFF6000  }
0xe7: {  	[tilespmem:s8], [sflag:$0x1] =	stream.indirect.gather [hbm4b:s3+s10], $0x80, s26, s10, $0xb8;
	[tilespmem:$0x15900] =	vst v63  }
0xe8: {  	_ =	swait.ge [sflag:s7], $0xA000  }
0xe9: {  	[sflag:s7] =	ssyncset.done $0x0  }
0xea: {  	s0 =	rddreg [dreg:$0x7];
	[sflag:s7] =	ssyncadd.s32 $0xFFFF6000  }
0xeb: {  	[hbm4b:s0+s2] =	stream.linear.scatter [tilespmem:s6], [sflag:$0x3], $0xA000, $0x38;
	[tilespmem:$0x15900] =	vst v63  }
0xec: {  	_ =	swait.ge [sflag:s5], $0xA000  }
0xed: {  	[sflag:s5] =	ssyncset.done $0x0  }
0xee: {  	[sflag:s5] =	ssyncadd.s32 $0xFFFF6000  }
0xef: {  	[tilespmem:s6], [sflag:$0x2] =	stream.indirect.gather [hbm4b:s3+s10], $0x80, s25, s10, $0xb8;
	[tilespmem:$0x15900] =	vst v63  }
0xf0: {  	_ =	swait.ge [sflag:s9], $0xA000  }
0xf1: {  	[sflag:s9] =	ssyncset.done $0x0  }
0xf2: {  	s0 =	rddreg [dreg:$0x8];
	[sflag:s9] =	ssyncadd.s32 $0xFFFF6000  }
0xf3: {  	[hbm4b:s0+s2] =	stream.linear.scatter [tilespmem:s8], [sflag:$0x3], $0xA000, $0x38;
	[tilespmem:$0x15900] =	vst v63  }
0xf4: {  	_ =	swait.ge [sflag:s5], $0xA000  }
0xf5: {  	[sflag:s5] =	ssyncset.done $0x0  }
0xf6: {  	[sflag:s5] =	ssyncadd.s32 $0xFFFF6000  }
0xf7: {  	[tilespmem:s8], [sflag:$0x1] =	stream.indirect.gather [hbm4b:s3+s10], $0x80, s24, s10, $0xb8;
	[tilespmem:$0x15900] =	vst v63  }
0xf8: {  	_ =	swait.ge [sflag:s7], $0xA000  }
0xf9: {  	[sflag:s7] =	ssyncset.done $0x0  }
0xfa: {  	s0 =	rddreg [dreg:$0x9];
	[sflag:s7] =	ssyncadd.s32 $0xFFFF6000  }
0xfb: {  	[hbm4b:s0+s2] =	stream.linear.scatter [tilespmem:s6], [sflag:$0x3], $0xA000, $0x38;
	[tilespmem:$0x15900] =	vst v63  }
0xfc: {  	_ =	swait.ge [sflag:s5], $0xA000  }
0xfd: {  	[sflag:s5] =	ssyncset.done $0x0  }
0xfe: {  	[sflag:s5] =	ssyncadd.s32 $0xFFFF6000  }
0xff: {  	[tilespmem:s6], [sflag:$0x2] =	stream.indirect.gather [hbm4b:s3+s10], $0x80, s23, s10, $0xb8;
	[tilespmem:$0x15900] =	vst v63  }
0x100: {  	_ =	swait.ge [sflag:s9], $0xA000  }
0x101: {  	[sflag:s9] =	ssyncset.done $0x0  }
0x102: {  	s0 =	rddreg [dreg:$0xa];
	[sflag:s9] =	ssyncadd.s32 $0xFFFF6000  }
0x103: {  	[hbm4b:s0+s2] =	stream.linear.scatter [tilespmem:s8], [sflag:$0x3], $0xA000, $0x38;
	[tilespmem:$0x15900] =	vst v63  }
0x104: {  	_ =	swait.ge [sflag:s5], $0xA000  }
0x105: {  	[sflag:s5] =	ssyncset.done $0x0  }
0x106: {  	[sflag:s5] =	ssyncadd.s32 $0xFFFF6000  }
0x107: {  	[tilespmem:s8], [sflag:$0x1] =	stream.indirect.gather [hbm4b:s3+s10], $0x80, s22, s10, $0xb8;
	[tilespmem:$0x15900] =	vst v63  }
0x108: {  	_ =	swait.ge [sflag:s7], $0xA000  }
0x109: {  	[sflag:s7] =	ssyncset.done $0x0  }
0x10a: {  	s0 =	rddreg [dreg:$0xb];
	[sflag:s7] =	ssyncadd.s32 $0xFFFF6000  }
0x10b: {  	[hbm4b:s0+s2] =	stream.linear.scatter [tilespmem:s6], [sflag:$0x3], $0xA000, $0x38;
	[tilespmem:$0x15900] =	vst v63  }
0x10c: {  	_ =	swait.ge [sflag:s5], $0xA000  }
0x10d: {  	[sflag:s5] =	ssyncset.done $0x0  }
0x10e: {  	[sflag:s5] =	ssyncadd.s32 $0xFFFF6000  }
0x10f: {  	[tilespmem:s6], [sflag:$0x2] =	stream.indirect.gather [hbm4b:s3+s10], $0x80, s21, s10, $0xb8;
	[tilespmem:$0x15900] =	vst v63  }
0x110: {  	_ =	swait.ge [sflag:s9], $0xA000  }
0x111: {  	[sflag:s9] =	ssyncset.done $0x0  }
0x112: {  	s0 =	rddreg [dreg:$0xc];
	[sflag:s9] =	ssyncadd.s32 $0xFFFF6000  }
0x113: {  	[hbm4b:s0+s2] =	stream.linear.scatter [tilespmem:s8], [sflag:$0x3], $0xA000, $0x38;
	[tilespmem:$0x15900] =	vst v63  }
0x114: {  	_ =	swait.ge [sflag:s5], $0xA000  }
0x115: {  	[sflag:s5] =	ssyncset.done $0x0  }
0x116: {  	[sflag:s5] =	ssyncadd.s32 $0xFFFF6000  }
0x117: {  	[tilespmem:s8], [sflag:$0x1] =	stream.indirect.gather [hbm4b:s3+s10], $0x80, s20, s10, $0xb8;
	[tilespmem:$0x15900] =	vst v63  }
0x118: {  	_ =	swait.ge [sflag:s7], $0xA000  }
0x119: {  	[sflag:s7] =	ssyncset.done $0x0  }
0x11a: {  	s0 =	rddreg [dreg:$0xd];
	[sflag:s7] =	ssyncadd.s32 $0xFFFF6000  }
0x11b: {  	[hbm4b:s0+s2] =	stream.linear.scatter [tilespmem:s6], [sflag:$0x3], $0xA000, $0x38;
	[tilespmem:$0x15900] =	vst v63  }
0x11c: {  	_ =	swait.ge [sflag:s5], $0xA000  }
0x11d: {  	[sflag:s5] =	ssyncset.done $0x0  }
0x11e: {  	[sflag:s5] =	ssyncadd.s32 $0xFFFF6000  }
0x11f: {  	[tilespmem:s6], [sflag:$0x2] =	stream.indirect.gather [hbm4b:s3+s10], $0x80, s19, s10, $0xb8;
	[tilespmem:$0x15900] =	vst v63  }
0x120: {  	_ =	swait.ge [sflag:s9], $0xA000  }
0x121: {  	[sflag:s9] =	ssyncset.done $0x0  }
0x122: {  	s0 =	rddreg [dreg:$0xe];
	[sflag:s9] =	ssyncadd.s32 $0xFFFF6000  }
0x123: {  	[hbm4b:s0+s2] =	stream.linear.scatter [tilespmem:s8], [sflag:$0x3], $0xA000, $0x38;
	[tilespmem:$0x15900] =	vst v63  }
0x124: {  	_ =	swait.ge [sflag:s5], $0xA000  }
0x125: {  	[sflag:s5] =	ssyncset.done $0x0  }
0x126: {  	[sflag:s5] =	ssyncadd.s32 $0xFFFF6000  }
0x127: {  	[tilespmem:s8], [sflag:$0x1] =	stream.indirect.gather [hbm4b:s3+s10], $0x80, s18, s10, $0xb8;
	[tilespmem:$0x15900] =	vst v63  }
0x128: {  	_ =	swait.ge [sflag:s7], $0xA000  }
0x129: {  	[sflag:s7] =	ssyncset.done $0x0  }
0x12a: {  	s0 =	rddreg [dreg:$0xf];
	[sflag:s7] =	ssyncadd.s32 $0xFFFF6000  }
0x12b: {  	[hbm4b:s0+s2] =	stream.linear.scatter [tilespmem:s6], [sflag:$0x3], $0xA000, $0x38;
	[tilespmem:$0x15900] =	vst v63  }
0x12c: {  	_ =	swait.ge [sflag:s5], $0xA000  }
0x12d: {  	[sflag:s5] =	ssyncset.done $0x0  }
0x12e: {  	[sflag:s5] =	ssyncadd.s32 $0xFFFF6000  }
0x12f: {  	[tilespmem:s6], [sflag:$0x2] =	stream.indirect.gather [hbm4b:s3+s10], $0x80, s17, s10, $0xb8;
	[tilespmem:$0x15900] =	vst v63  }
0x130: {  	_ =	swait.ge [sflag:s9], $0xA000  }
0x131: {  	[sflag:s9] =	ssyncset.done $0x0  }
0x132: {  	s0 =	rddreg [dreg:$0x10];
	[sflag:s9] =	ssyncadd.s32 $0xFFFF6000  }
0x133: {  	[hbm4b:s0+s2] =	stream.linear.scatter [tilespmem:s8], [sflag:$0x3], $0xA000, $0x38;
	[tilespmem:$0x15900] =	vst v63  }
0x134: {  	_ =	swait.ge [sflag:s5], $0xA000  }
0x135: {  	[sflag:s5] =	ssyncset.done $0x0  }
0x136: {  	[sflag:s5] =	ssyncadd.s32 $0xFFFF6000  }
0x137: {  	[tilespmem:s8], [sflag:$0x1] =	stream.indirect.gather [hbm4b:s3+s10], $0x80, s16, s10, $0xb8;
	[tilespmem:$0x15900] =	vst v63  }
0x138: {  	_ =	swait.ge [sflag:s7], $0xA000  }
0x139: {  	[sflag:s7] =	ssyncset.done $0x0  }
0x13a: {  	s0 =	rddreg [dreg:$0x11];
	[sflag:s7] =	ssyncadd.s32 $0xFFFF6000  }
0x13b: {  	[hbm4b:s0+s2] =	stream.linear.scatter [tilespmem:s6], [sflag:$0x3], $0xA000, $0x38;
	[tilespmem:$0x15900] =	vst v63  }
0x13c: {  	_ =	swait.ge [sflag:s5], $0xA000  }
0x13d: {  	[sflag:s5] =	ssyncset.done $0x0  }
0x13e: {  	[sflag:s5] =	ssyncadd.s32 $0xFFFF6000  }
0x13f: {  	[tilespmem:s6], [sflag:$0x2] =	stream.indirect.gather [hbm4b:s3+s10], $0x80, s15, s10, $0xb8;
	[tilespmem:$0x15900] =	vst v63  }
0x140: {  	_ =	swait.ge [sflag:s9], $0xA000  }
0x141: {  	[sflag:s9] =	ssyncset.done $0x0  }
0x142: {  	s0 =	rddreg [dreg:$0x12];
	[sflag:s9] =	ssyncadd.s32 $0xFFFF6000  }
0x143: {  	[hbm4b:s0+s2] =	stream.linear.scatter [tilespmem:s8], [sflag:$0x3], $0xA000, $0x38;
	[tilespmem:$0x15900] =	vst v63  }
0x144: {  	_ =	swait.ge [sflag:s5], $0xA000  }
0x145: {  	[sflag:s5] =	ssyncset.done $0x0  }
0x146: {  	[sflag:s5] =	ssyncadd.s32 $0xFFFF6000  }
0x147: {  	[tilespmem:s8], [sflag:$0x1] =	stream.indirect.gather [hbm4b:s3+s10], $0x80, s14, s10, $0xb8;
	[tilespmem:$0x15900] =	vst v63  }
0x148: {  	_ =	swait.ge [sflag:s7], $0xA000  }
0x149: {  	[sflag:s7] =	ssyncset.done $0x0  }
0x14a: {  	s0 =	rddreg [dreg:$0x13];
	[sflag:s7] =	ssyncadd.s32 $0xFFFF6000  }
0x14b: {  	[hbm4b:s0+s2] =	stream.linear.scatter [tilespmem:s6], [sflag:$0x3], $0xA000, $0x38;
	[tilespmem:$0x15900] =	vst v63  }
0x14c: {  	_ =	swait.ge [sflag:s5], $0xA000  }
0x14d: {  	[sflag:s5] =	ssyncset.done $0x0  }
0x14e: {  	[sflag:s5] =	ssyncadd.s32 $0xFFFF6000  }
0x14f: {  	[tilespmem:s6], [sflag:$0x2] =	stream.indirect.gather [hbm4b:s3+s10], $0x80, s13, s10, $0xb8;
	[tilespmem:$0x15900] =	vst v63  }
0x150: {  	_ =	swait.ge [sflag:s9], $0xA000  }
0x151: {  	[sflag:s9] =	ssyncset.done $0x0  }
0x152: {  	s0 =	rddreg [dreg:$0x14];
	[sflag:s9] =	ssyncadd.s32 $0xFFFF6000  }
0x153: {  	[hbm4b:s0+s2] =	stream.linear.scatter [tilespmem:s8], [sflag:$0x3], $0xA000, $0x38;
	[tilespmem:$0x15900] =	vst v63  }
0x154: {  	_ =	swait.ge [sflag:s5], $0xA000  }
0x155: {  	[sflag:s5] =	ssyncset.done $0x0  }
0x156: {  	[sflag:s5] =	ssyncadd.s32 $0xFFFF6000  }
0x157: {  	[tilespmem:s8], [sflag:$0x1] =	stream.indirect.gather [hbm4b:s3+s10], $0x80, s12, s10, $0xb8;
	[tilespmem:$0x15900] =	vst v63  }
0x158: {  	_ =	swait.ge [sflag:s7], $0xA000  }
0x159: {  	[sflag:s7] =	ssyncset.done $0x0  }
0x15a: {  	s0 =	rddreg [dreg:$0x15];
	[sflag:s7] =	ssyncadd.s32 $0xFFFF6000  }
0x15b: {  	[hbm4b:s0+s2] =	stream.linear.scatter [tilespmem:s6], [sflag:$0x3], $0xA000, $0x38;
	[tilespmem:$0x15900] =	vst v63  }
0x15c: {  	_ =	swait.ge [sflag:s5], $0xA000  }
0x15d: {  	[sflag:s5] =	ssyncset.done $0x0  }
0x15e: {  	[sflag:s5] =	ssyncadd.s32 $0xFFFF6000  }
0x15f: {  	[tilespmem:s6], [sflag:$0x2] =	stream.indirect.gather [hbm4b:s3+s10], $0x80, s11, s10, $0xb8;
	[tilespmem:$0x15900] =	vst v63  }
0x160: {  	_ =	swait.ge [sflag:s9], $0xA000  }
0x161: {  	[sflag:s9] =	ssyncset.done $0x0  }
0x162: {  	s0 =	rddreg [dreg:$0x16];
	[sflag:s9] =	ssyncadd.s32 $0xFFFF6000  }
0x163: {  	[hbm4b:s0+s2] =	stream.linear.scatter [tilespmem:s8], [sflag:$0x3], $0xA000, $0x38;
	[tilespmem:$0x15900] =	vst v63  }
0x164: {  	_ =	swait.ge [sflag:s5], $0xA000  }
0x165: {  	[sflag:s5] =	ssyncset.done $0x0  }
0x166: {  	[sflag:s5] =	ssyncadd.s32 $0xFFFF6000  }
0x167: {  	p1 =	sne.s32 s1, $0x1;
	_ =	swait.ge [sflag:s7], $0xA000  }
.Ltmp2:
0x168: {  	[sflag:s7] =	ssyncset.done $0x0;
	(pc) =	sbr.rel @p1 .LBB2_2-.Ltmp2, $4  }
0x169: {  	[sflag:s7] =	ssyncadd.s32 $0xFFFF6000  }
0x16a: {  	[hbm4b:s4+s2] =	stream.linear.scatter [tilespmem:s6], [sflag:$0x3], $0xA000, $0x38;
	[tilespmem:$0x15900] =	vst v63  }
0x16b: {  	_ =	swait.ge [sflag:s5], $0xA000  }
0x16c: {  	s1 =	sadd.s32 $0xFFFFFFFF, s1;
	s0 =	rddreg [dreg:$0x3];
	[sflag:s5] =	ssyncset.done $0x0  }
.LBB2_3:
0x16d: {  	[sflag:s5] =	ssyncadd.s32 @p0 $0xFFFF6000  }
0x16e: {  	[tilespmem:s2], [sflag:$0x3] =	stream.strided.gather [hbm4b:s0+s30], $0x1900, s31, s30, $0x38;
	[tilespmem:$0x15900] =	vst v63  }
0x16f: {  	_ =	swait.ge [sflag:s5], $0x1900  }
0x170: {  	[sflag:s5] =	ssyncset.done $0x0  }
0x171: {  	[sflag:s5] =	ssyncadd.s32 $0xFFFFE700  }
0x172: {  	[tilespmem:s8], [sflag:$0x1] =	stream.indirect.gather [hbm4b:s3+s10], $0x80, s2, s10, $0xb8;
	[tilespmem:$0x15900] =	vst v63  }
0x173: {  	_ = 	snop  }
0x174: {  	[tilespmem:s6], [sflag:$0x2] =	stream.indirect.gather [hbm4b:s3+s10], $0x80, s10, s10, $0xb8;
	[tilespmem:$0x15900] =	vst v63  }
0x175: {  	_ =	swait.ge [sflag:s9], $0xA000  }
0x176: {  	[sflag:s9] =	ssyncset.done $0x0  }
0x177: {  	s30 =	rddreg [dreg:$0x4];
	[sflag:s9] =	ssyncadd.s32 $0xFFFF6000  }
0x178: {  	[hbm4b:s30+s2] =	stream.linear.scatter [tilespmem:s8], [sflag:$0x3], $0xA000, $0x38;
	[tilespmem:$0x15900] =	vst v63  }
0x179: {  	_ =	swait.ge [sflag:s5], $0xA000  }
0x17a: {  	[sflag:s5] =	ssyncset.done $0x0  }
0x17b: {  	[sflag:s5] =	ssyncadd.s32 $0xFFFF6000  }
0x17c: {  	[tilespmem:s8], [sflag:$0x1] =	stream.indirect.gather [hbm4b:s3+s10], $0x80, s29, s10, $0xb8;
	[tilespmem:$0x15900] =	vst v63  }
0x17d: {  	_ =	swait.ge [sflag:s7], $0xA000  }
0x17e: {  	[sflag:s7] =	ssyncset.done $0x0  }
0x17f: {  	s31 =	rddreg [dreg:$0x5];
	[sflag:s7] =	ssyncadd.s32 $0xFFFF6000  }
0x180: {  	[hbm4b:s31+s2] =	stream.linear.scatter [tilespmem:s6], [sflag:$0x3], $0xA000, $0x38;
	[tilespmem:$0x15900] =	vst v63  }
0x181: {  	_ =	swait.ge [sflag:s5], $0xA000  }
0x182: {  	[sflag:s5] =	ssyncset.done $0x0  }
0x183: {  	[sflag:s5] =	ssyncadd.s32 $0xFFFF6000  }
0x184: {  	[tilespmem:s6], [sflag:$0x2] =	stream.indirect.gather [hbm4b:s3+s10], $0x80, s28, s10, $0xb8;
	[tilespmem:$0x15900] =	vst v63  }
0x185: {  	_ =	swait.ge [sflag:s9], $0xA000  }
0x186: {  	[sflag:s9] =	ssyncset.done $0x0  }
0x187: {  	s1 =	rddreg [dreg:$0x6];
	[sflag:s9] =	ssyncadd.s32 $0xFFFF6000  }
0x188: {  	[hbm4b:s1+s2] =	stream.linear.scatter [tilespmem:s8], [sflag:$0x3], $0xA000, $0x38;
	[tilespmem:$0x15900] =	vst v63  }
0x189: {  	_ =	swait.ge [sflag:s5], $0xA000  }
0x18a: {  	[sflag:s5] =	ssyncset.done $0x0  }
0x18b: {  	[sflag:s5] =	ssyncadd.s32 $0xFFFF6000  }
0x18c: {  	[tilespmem:s8], [sflag:$0x1] =	stream.indirect.gather [hbm4b:s3+s10], $0x80, s26, s10, $0xb8;
	[tilespmem:$0x15900] =	vst v63  }
0x18d: {  	_ =	swait.ge [sflag:s7], $0xA000  }
0x18e: {  	[sflag:s7] =	ssyncset.done $0x0  }
0x18f: {  	s26 =	rddreg [dreg:$0x7];
	[sflag:s7] =	ssyncadd.s32 $0xFFFF6000  }
0x190: {  	[hbm4b:s26+s2] =	stream.linear.scatter [tilespmem:s6], [sflag:$0x3], $0xA000, $0x38;
	[tilespmem:$0x15900] =	vst v63  }
0x191: {  	_ =	swait.ge [sflag:s5], $0xA000  }
0x192: {  	[sflag:s5] =	ssyncset.done $0x0  }
0x193: {  	[sflag:s5] =	ssyncadd.s32 $0xFFFF6000  }
0x194: {  	[tilespmem:s6], [sflag:$0x2] =	stream.indirect.gather [hbm4b:s3+s10], $0x80, s25, s10, $0xb8;
	[tilespmem:$0x15900] =	vst v63  }
0x195: {  	_ =	swait.ge [sflag:s9], $0xA000  }
0x196: {  	[sflag:s9] =	ssyncset.done $0x0  }
0x197: {  	s28 =	rddreg [dreg:$0x8];
	[sflag:s9] =	ssyncadd.s32 $0xFFFF6000  }
0x198: {  	[hbm4b:s28+s2] =	stream.linear.scatter [tilespmem:s8], [sflag:$0x3], $0xA000, $0x38;
	[tilespmem:$0x15900] =	vst v63  }
0x199: {  	_ =	swait.ge [sflag:s5], $0xA000  }
0x19a: {  	[sflag:s5] =	ssyncset.done $0x0  }
0x19b: {  	[sflag:s5] =	ssyncadd.s32 $0xFFFF6000  }
0x19c: {  	[tilespmem:s8], [sflag:$0x1] =	stream.indirect.gather [hbm4b:s3+s10], $0x80, s24, s10, $0xb8;
	[tilespmem:$0x15900] =	vst v63  }
0x19d: {  	_ =	swait.ge [sflag:s7], $0xA000  }
0x19e: {  	[sflag:s7] =	ssyncset.done $0x0  }
0x19f: {  	s29 =	rddreg [dreg:$0x9];
	[sflag:s7] =	ssyncadd.s32 $0xFFFF6000  }
0x1a0: {  	[hbm4b:s29+s2] =	stream.linear.scatter [tilespmem:s6], [sflag:$0x3], $0xA000, $0x38;
	[tilespmem:$0x15900] =	vst v63  }
0x1a1: {  	_ =	swait.ge [sflag:s5], $0xA000  }
0x1a2: {  	[sflag:s5] =	ssyncset.done $0x0  }
0x1a3: {  	[sflag:s5] =	ssyncadd.s32 $0xFFFF6000  }
0x1a4: {  	[tilespmem:s6], [sflag:$0x2] =	stream.indirect.gather [hbm4b:s3+s10], $0x80, s23, s10, $0xb8;
	[tilespmem:$0x15900] =	vst v63  }
0x1a5: {  	_ =	swait.ge [sflag:s9], $0xA000  }
0x1a6: {  	[sflag:s9] =	ssyncset.done $0x0  }
0x1a7: {  	s30 =	rddreg [dreg:$0xa];
	[sflag:s9] =	ssyncadd.s32 $0xFFFF6000  }
0x1a8: {  	[hbm4b:s30+s2] =	stream.linear.scatter [tilespmem:s8], [sflag:$0x3], $0xA000, $0x38;
	[tilespmem:$0x15900] =	vst v63  }
0x1a9: {  	_ =	swait.ge [sflag:s5], $0xA000  }
0x1aa: {  	[sflag:s5] =	ssyncset.done $0x0  }
0x1ab: {  	[sflag:s5] =	ssyncadd.s32 $0xFFFF6000  }
0x1ac: {  	[tilespmem:s8], [sflag:$0x1] =	stream.indirect.gather [hbm4b:s3+s10], $0x80, s22, s10, $0xb8;
	[tilespmem:$0x15900] =	vst v63  }
0x1ad: {  	_ =	swait.ge [sflag:s7], $0xA000  }
0x1ae: {  	[sflag:s7] =	ssyncset.done $0x0  }
0x1af: {  	s31 =	rddreg [dreg:$0xb];
	[sflag:s7] =	ssyncadd.s32 $0xFFFF6000  }
0x1b0: {  	[hbm4b:s31+s2] =	stream.linear.scatter [tilespmem:s6], [sflag:$0x3], $0xA000, $0x38;
	[tilespmem:$0x15900] =	vst v63  }
0x1b1: {  	_ =	swait.ge [sflag:s5], $0xA000  }
0x1b2: {  	[sflag:s5] =	ssyncset.done $0x0  }
0x1b3: {  	[sflag:s5] =	ssyncadd.s32 $0xFFFF6000  }
0x1b4: {  	[tilespmem:s6], [sflag:$0x2] =	stream.indirect.gather [hbm4b:s3+s10], $0x80, s21, s10, $0xb8;
	[tilespmem:$0x15900] =	vst v63  }
0x1b5: {  	_ =	swait.ge [sflag:s9], $0xA000  }
0x1b6: {  	[sflag:s9] =	ssyncset.done $0x0  }
0x1b7: {  	s1 =	rddreg [dreg:$0xc];
	[sflag:s9] =	ssyncadd.s32 $0xFFFF6000  }
0x1b8: {  	[hbm4b:s1+s2] =	stream.linear.scatter [tilespmem:s8], [sflag:$0x3], $0xA000, $0x38;
	[tilespmem:$0x15900] =	vst v63  }
0x1b9: {  	_ =	swait.ge [sflag:s5], $0xA000  }
0x1ba: {  	[sflag:s5] =	ssyncset.done $0x0  }
0x1bb: {  	[sflag:s5] =	ssyncadd.s32 $0xFFFF6000  }
0x1bc: {  	[tilespmem:s8], [sflag:$0x1] =	stream.indirect.gather [hbm4b:s3+s10], $0x80, s20, s10, $0xb8;
	[tilespmem:$0x15900] =	vst v63  }
0x1bd: {  	_ =	swait.ge [sflag:s7], $0xA000  }
0x1be: {  	[sflag:s7] =	ssyncset.done $0x0  }
0x1bf: {  	s20 =	rddreg [dreg:$0xd];
	[sflag:s7] =	ssyncadd.s32 $0xFFFF6000  }
0x1c0: {  	[hbm4b:s20+s2] =	stream.linear.scatter [tilespmem:s6], [sflag:$0x3], $0xA000, $0x38;
	[tilespmem:$0x15900] =	vst v63  }
0x1c1: {  	_ =	swait.ge [sflag:s5], $0xA000  }
0x1c2: {  	[sflag:s5] =	ssyncset.done $0x0  }
0x1c3: {  	[sflag:s5] =	ssyncadd.s32 $0xFFFF6000  }
0x1c4: {  	[tilespmem:s6], [sflag:$0x2] =	stream.indirect.gather [hbm4b:s3+s10], $0x80, s19, s10, $0xb8;
	[tilespmem:$0x15900] =	vst v63  }
0x1c5: {  	_ =	swait.ge [sflag:s9], $0xA000  }
0x1c6: {  	[sflag:s9] =	ssyncset.done $0x0  }
0x1c7: {  	s21 =	rddreg [dreg:$0xe];
	[sflag:s9] =	ssyncadd.s32 $0xFFFF6000  }
0x1c8: {  	[hbm4b:s21+s2] =	stream.linear.scatter [tilespmem:s8], [sflag:$0x3], $0xA000, $0x38;
	[tilespmem:$0x15900] =	vst v63  }
0x1c9: {  	_ =	swait.ge [sflag:s5], $0xA000  }
0x1ca: {  	[sflag:s5] =	ssyncset.done $0x0  }
0x1cb: {  	[sflag:s5] =	ssyncadd.s32 $0xFFFF6000  }
0x1cc: {  	[tilespmem:s8], [sflag:$0x1] =	stream.indirect.gather [hbm4b:s3+s10], $0x80, s18, s10, $0xb8;
	[tilespmem:$0x15900] =	vst v63  }
0x1cd: {  	_ =	swait.ge [sflag:s7], $0xA000  }
0x1ce: {  	[sflag:s7] =	ssyncset.done $0x0  }
0x1cf: {  	s22 =	rddreg [dreg:$0xf];
	[sflag:s7] =	ssyncadd.s32 $0xFFFF6000  }
0x1d0: {  	[hbm4b:s22+s2] =	stream.linear.scatter [tilespmem:s6], [sflag:$0x3], $0xA000, $0x38;
	[tilespmem:$0x15900] =	vst v63  }
0x1d1: {  	_ =	swait.ge [sflag:s5], $0xA000  }
0x1d2: {  	[sflag:s5] =	ssyncset.done $0x0  }
0x1d3: {  	[sflag:s5] =	ssyncadd.s32 $0xFFFF6000  }
0x1d4: {  	[tilespmem:s6], [sflag:$0x2] =	stream.indirect.gather [hbm4b:s3+s10], $0x80, s17, s10, $0xb8;
	[tilespmem:$0x15900] =	vst v63  }
0x1d5: {  	_ =	swait.ge [sflag:s9], $0xA000  }
0x1d6: {  	[sflag:s9] =	ssyncset.done $0x0  }
0x1d7: {  	s23 =	rddreg [dreg:$0x10];
	[sflag:s9] =	ssyncadd.s32 $0xFFFF6000  }
0x1d8: {  	[hbm4b:s23+s2] =	stream.linear.scatter [tilespmem:s8], [sflag:$0x3], $0xA000, $0x38;
	[tilespmem:$0x15900] =	vst v63  }
0x1d9: {  	_ =	swait.ge [sflag:s5], $0xA000  }
0x1da: {  	[sflag:s5] =	ssyncset.done $0x0  }
0x1db: {  	[sflag:s5] =	ssyncadd.s32 $0xFFFF6000  }
0x1dc: {  	[tilespmem:s8], [sflag:$0x1] =	stream.indirect.gather [hbm4b:s3+s10], $0x80, s16, s10, $0xb8;
	[tilespmem:$0x15900] =	vst v63  }
0x1dd: {  	_ =	swait.ge [sflag:s7], $0xA000  }
0x1de: {  	[sflag:s7] =	ssyncset.done $0x0  }
0x1df: {  	s24 =	rddreg [dreg:$0x11];
	[sflag:s7] =	ssyncadd.s32 $0xFFFF6000  }
0x1e0: {  	[hbm4b:s24+s2] =	stream.linear.scatter [tilespmem:s6], [sflag:$0x3], $0xA000, $0x38;
	[tilespmem:$0x15900] =	vst v63  }
0x1e1: {  	_ =	swait.ge [sflag:s5], $0xA000  }
0x1e2: {  	[sflag:s5] =	ssyncset.done $0x0  }
0x1e3: {  	[sflag:s5] =	ssyncadd.s32 $0xFFFF6000  }
0x1e4: {  	[tilespmem:s6], [sflag:$0x2] =	stream.indirect.gather [hbm4b:s3+s10], $0x80, s15, s10, $0xb8;
	[tilespmem:$0x15900] =	vst v63  }
0x1e5: {  	_ =	swait.ge [sflag:s9], $0xA000  }
0x1e6: {  	[sflag:s9] =	ssyncset.done $0x0  }
0x1e7: {  	s25 =	rddreg [dreg:$0x12];
	[sflag:s9] =	ssyncadd.s32 $0xFFFF6000  }
0x1e8: {  	[hbm4b:s25+s2] =	stream.linear.scatter [tilespmem:s8], [sflag:$0x3], $0xA000, $0x38;
	[tilespmem:$0x15900] =	vst v63  }
0x1e9: {  	_ =	swait.ge [sflag:s5], $0xA000  }
0x1ea: {  	[sflag:s5] =	ssyncset.done $0x0  }
0x1eb: {  	[sflag:s5] =	ssyncadd.s32 $0xFFFF6000  }
0x1ec: {  	[tilespmem:s8], [sflag:$0x1] =	stream.indirect.gather [hbm4b:s3+s10], $0x80, s14, s10, $0xb8;
	[tilespmem:$0x15900] =	vst v63  }
0x1ed: {  	_ =	swait.ge [sflag:s7], $0xA000  }
0x1ee: {  	[sflag:s7] =	ssyncset.done $0x0  }
0x1ef: {  	s26 =	rddreg [dreg:$0x13];
	[sflag:s7] =	ssyncadd.s32 $0xFFFF6000  }
0x1f0: {  	[hbm4b:s26+s2] =	stream.linear.scatter [tilespmem:s6], [sflag:$0x3], $0xA000, $0x38;
	[tilespmem:$0x15900] =	vst v63  }
0x1f1: {  	_ =	swait.ge [sflag:s5], $0xA000  }
0x1f2: {  	[sflag:s5] =	ssyncset.done $0x0  }
0x1f3: {  	[sflag:s5] =	ssyncadd.s32 $0xFFFF6000  }
0x1f4: {  	[tilespmem:s6], [sflag:$0x2] =	stream.indirect.gather [hbm4b:s3+s10], $0x80, s13, s10, $0xb8;
	[tilespmem:$0x15900] =	vst v63  }
0x1f5: {  	_ =	swait.ge [sflag:s9], $0xA000  }
0x1f6: {  	[sflag:s9] =	ssyncset.done $0x0  }
0x1f7: {  	s28 =	rddreg [dreg:$0x14];
	[sflag:s9] =	ssyncadd.s32 $0xFFFF6000  }
0x1f8: {  	[hbm4b:s28+s2] =	stream.linear.scatter [tilespmem:s8], [sflag:$0x3], $0xA000, $0x38;
	[tilespmem:$0x15900] =	vst v63  }
0x1f9: {  	_ =	swait.ge [sflag:s5], $0xA000  }
0x1fa: {  	[sflag:s5] =	ssyncset.done $0x0  }
0x1fb: {  	[sflag:s5] =	ssyncadd.s32 $0xFFFF6000  }
0x1fc: {  	[tilespmem:s8], [sflag:$0x1] =	stream.indirect.gather [hbm4b:s3+s10], $0x80, s12, s10, $0xb8;
	[tilespmem:$0x15900] =	vst v63  }
0x1fd: {  	_ =	swait.ge [sflag:s7], $0xA000  }
0x1fe: {  	[sflag:s7] =	ssyncset.done $0x0  }
0x1ff: {  	s29 =	rddreg [dreg:$0x15];
	[sflag:s7] =	ssyncadd.s32 $0xFFFF6000  }
0x200: {  	[hbm4b:s29+s2] =	stream.linear.scatter [tilespmem:s6], [sflag:$0x3], $0xA000, $0x38;
	[tilespmem:$0x15900] =	vst v63  }
0x201: {  	_ =	swait.ge [sflag:s5], $0xA000  }
0x202: {  	[sflag:s5] =	ssyncset.done $0x0  }
0x203: {  	[sflag:s5] =	ssyncadd.s32 $0xFFFF6000  }
0x204: {  	[tilespmem:s6], [sflag:$0x2] =	stream.indirect.gather [hbm4b:s3+s10], $0x80, s11, s10, $0xb8;
	[tilespmem:$0x15900] =	vst v63  }
0x205: {  	_ =	swait.ge [sflag:s9], $0xA000  }
0x206: {  	[sflag:s9] =	ssyncset.done $0x0  }
0x207: {  	s30 =	rddreg [dreg:$0x16];
	[sflag:s9] =	ssyncadd.s32 $0xFFFF6000  }
0x208: {  	[hbm4b:s30+s2] =	stream.linear.scatter [tilespmem:s8], [sflag:$0x3], $0xA000, $0x38;
	[tilespmem:$0x15900] =	vst v63  }
0x209: {  	_ =	swait.ge [sflag:s5], $0xA000  }
0x20a: {  	[sflag:s5] =	ssyncset.done $0x0  }
0x20b: {  	[sflag:s5] =	ssyncadd.s32 $0xFFFF6000  }
0x20c: {  	_ =	swait.ge [sflag:s7], $0xA000  }
0x20d: {  	[sflag:s7] =	ssyncset.done $0x0  }
0x20e: {  	[sflag:s7] =	ssyncadd.s32 $0xFFFF6000  }
0x20f: {  	[hbm4b:s4+s2] =	stream.linear.scatter [tilespmem:s6], [sflag:$0x3], $0xA000, $0x38;
	[tilespmem:$0x15900] =	vst v63  }
0x210: {  	_ =	swait.ge [sflag:s5], $0xA000  }
0x211: {  	[sflag:s5] =	ssyncset.done $0x0  }
0x212: {  	[sflag:s5] =	ssyncadd.s32 $0xFFFF6000  }
0x213: {  	_ =	sfence.sel $0x180000  }
0x214: {  	[bflag:$0x0] =	sbarrier.arrive $0xFFFF  }
0x215: {  	_ =	strace $0x9000004A  }
0x216: {  	s31 =	stileid.u32;
	[bflag:$0x2] =	sbarrier.arrive $0xFFFF  }
0x217: {  	p0 =	sne.s32 s31, $0x0;
	s0 =	rddreg [dreg:$0x2]  }
0x218: {  	s0 =	sadd.s32 @!p0 $0x100000, s0  }
0x219: {  	[sflag:s0] =	ssyncadd.tile.s32 @!p0 $0x1;
	_ =	shalt  }
.Lfunc_end2:
_tile_overlayer_lowered:
.L_overlay_start_2:
0x21a: {  	(tag) =	ssettag $0x2  }
0x21b: {  	s0 =	rddreg [dreg:$0x0];
	s2 =	stileid.u32  }
0x21c: {  	s1 =	rddreg [dreg:$0x1];
	p0 =	sne.s32 s2, $0x0  }
0x21d: {  	s3 =	rddreg [dreg:$0x2];
	[bflag:$0x3] =	sbarrier.arrive $0xFFFF;
	s2 =	simm.s32 @!p0 $0x1C03  }
0x21e: {  	[timem:s3], [sflag:s2] =	dma.local @!p0 [hbm:s0], s1  }
0x21f: {  	s0 =	simm.s32 @!p0 $0x3  }
0x220: {  	_ =	swait.ge @!p0 [sflag:s0], s1  }
0x221: {  	s1 =	ssub.s32 @!p0 $0x0, s1;
	[sflag:s0] =	ssyncset.done @!p0 $0x0  }
0x222: {  	[sflag:s0] =	ssyncadd.s32 @!p0 s1  }
0x223: {  	[bflag:$0x3] =	sbarrier.arrive $0xFFFF  }
0x224: {  	_ =	shalt  }

// kernel: sparse-core-data-format-call.cloned.1.call-start
scs
called_computation_lowered:
.L_overlay_start_0:
0x0: {  	s2 =	sld [smem:$0x3FD9]  }
0x1: {  	s3 =	sld [smem:$0x3FFE];
	_ =	sdelay $0x1  }
0x2: {  	s1 =	srdreg.scid  }
0x3: {  	s0 =	sand.u32 $0x1, s1  }
0x4: {  	s18 =	sshll.u32 s0, $0xA;
	s2 =	sadd.s32 s3, s2  }
0x5: {  	s2 =	sadd.s32 s2, s18  }
0x6: {  	[smem:$0x3FC6] =	sst s2  }
0x7: {  	_ = 	snop  }
0x8: {  	s2 =	sld [smem:$0x3FD0];
	(tm) =	ssettm $0x1  }
0x9: {  	s19 =	sld [smem:$0x3FFB];
	_ =	sdelay $0x3  }
0xa: {  	_ =	strace s19  }
0xb: {  	s3 =	sld [smem:$0x3FFC];
	_ =	sdelay $0x3  }
0xc: {  	_ =	strace s3  }
0xd: {  	s3 =	sld [smem:$0x3FFD];
	_ =	sdelay $0x3  }
0xe: {  	_ =	strace s3  }
0xf: {  	_ =	strace $0x8FFFFFFF  }
0x10: {  	s20 =	sld [smem:$0x3FDB];
	_ =	sdelay $0x1  }
0x11: {  	s4 =	simm.s32 $_scs_section_size  }
0x12: {  	s5 =	simm.s32 $_size__tile_overlayer_lowered;
	s6 =	simm.s32 $_tile_overlayer_lowered  }
0x13: {  	s23 =	simm.s32 $0x1BFF;
	s22 =	sshll.u32 s6, $0x1;
	s3 =	sadd.s32 s4, s20  }
0x14: {  	s7 =	simm.s32 $0x0;
	s21 =	sshll.u32 s5, $0x1;
	s5 =	sadd.s32 s22, s3  }
0x15: {  	[timem:s7], [sflag:s23] =	dma.local [hbm:s5], s21  }
0x16: {  	_ =	swait.ge [sflag:s23], s21  }
0x17: {  	s4 =	ssub.s32 $0x0, s21;
	[sflag:s23] =	ssyncset.done $0x0  }
0x18: {  	[sflag:s23] =	ssyncadd.s32 s4;
	_ =	sdelay $0x1  }
0x19: {  	s24 =	simm.s32 $0x1B8B  }
0x1a: {  	_ =	swait.ge [sflag:s24], $0x1  }
0x1b: {  	[sflag:s24] =	ssyncset.done $0x0  }
0x1c: {  	s26 =	simm.s32 $0x1B8E;
	s25 =	sld [smem:$0x3FFE];
	[sflag:s24] =	ssyncadd.s32 $0xFFFFFFFF  }
0x1d: {  	s27 =	simm.s32 $execute0_lowered;
	[smem:$0x3FD2] =	sst s26  }
0x1e: {  	s5 =	sshll.u32 s27, $0x1;
	_ =	strace $0x8000004C;
	[dreg:$0x1] =	wrdreg $0xFFFFFFFF  }
0x1f: {  	s28 =	simm.s32 $_size_execute0_lowered;
	s3 =	sadd.s32 s3, s5;
	[dreg:$0x0] =	wrdreg $0x0  }
0x20: {  	s5 =	sshll.u32 s28, $0x1;
	[dreg:$0x2] =	wrdreg s3  }
0x21: {  	[dreg:$0x3] =	wrdreg s5  }
0x22: {  	[dreg:$0x4] =	wrdreg $0xC0  }
0x23: {  	_ =	task [dreg:s7], $0x5FFFF  }
0x24: {  	[dreg:$0x1] =	wrdreg $0xFFFFFFFF  }
0x25: {  	[dreg:$0x0] =	wrdreg $0x60  }
0x26: {  	[dreg:$0x2] =	wrdreg s25  }
0x27: {  	[dreg:$0x3] =	wrdreg s2  }
0x28: {  	[dreg:$0x4] =	wrdreg $0x9  }
0x29: {  	_ =	task.clear_ibuf [dreg:s7], $0x5FFFF;
	_ =	strace $0x9000004C  }
0x2a: {  	s29 =	simm.s32 $0x9;
	_ =	strace $0x8000004E  }
0x2b: {  	_ =	swait.ge [sflag:s29], $0x1  }
0x2c: {  	[sflag:s29] =	ssyncadd.s32 $0xFFFFFFFF  }
0x2d: {  	_ =	strace $0x9000004E  }
0x2e: {  	_ =	sfence  }
0x2f: {  	s30 =	sld [smem:$0x0];
	_ =	sdelay $0x2  }
0x30: {  	s31 =	sshll.u32 s1, $0xD;
	s1 =	sshrl.u32 s1, $0x2  }
0x31: {  	s3 =	sand.u32 $0x4000, s31;
	s1 =	sadd.s32 s1, s30  }
0x32: {  	s0 =	sor.u32 s3, s0;
	s1 =	sshll.u32 s1, $0x11  }
0x33: {  	s0 =	sor.u32 s1, s0  }
0x34: {  	s0 =	sadd.s32 $0x8F2B, s0  }
0x35: {  	[sflag:s0] =	ssyncadd.remote.s32 $0x1  }
0x36: {  	_ =	sfence.sel $0xFFFF  }
0x37: {  	[dreg:$0x0] =	wrdreg $0xFFFFFFFF;
	(pc) =	sbr.abs _section_cstart, $3  }
0x38: {  	[dreg:$0x1] =	wrdreg $0xFFFFFFFF  }
0x39: {  	_ =	task.clear_ibuf [dreg:s7], $0x2FFFF;
	_ =	strace $0x9FFFFFFF  }
0x3a: {  	(tm) =	ssettm $0x7FFFFFFF  }
0x3b: {  	_ =	shalt  }
tec
execute0_lowered:
.L_overlay_start_1:
0x0: {  	(tag) =	ssettag $0x1  }
0x1: {  	s0 =	srdreg.scid  }
0x2: {  	s1 =	sshll.u32 s0, $0x4  }
0x3: {  	s0 =	stileid.u32;
	s1 =	sand.u32 $0x10, s1  }
0x4: {  	s1 =	sor.u32 s0, s1  }
0x5: {  	s6 =	rddreg [dreg:$0x0];
	s4 =	simm.s32 $0x1;
	s2 =	sshll.u32 s1, $0x7  }
0x6: {  	s7 =	simm.s32 $0x2;
	s12 =	simm.s32 $0x0;
	s1 =	ssub.s32 $0x1000, s2  }
0x7: {  	s8 =	simm.s32 $0x8000;
	s13 =	simm.s32 $0x0;
	s3 =	sand.u32 $0xF80, s1  }
0x8: {  	s9 =	simm.s32 $0x0;
	s5 =	sshrl.u32 s1, $0xC;
	p0 =	sne.s32 s3, $0x0  }
.Ltmp0:
0x9: {  	s1 =	rddreg [dreg:$0x2];
	s4 =	simm.s32 @!p0 $0x0;
	(pc) =	sbr.rel .LBB1_1-.Ltmp0, $4  }
0xa: {  	s11 =	simm.s32 $0x0;
	s3 =	rddreg [dreg:$0x1];
	s5 =	sadd.s32 s4, s5  }
0xb: {  	_ =	strace $0x8000004D;
	s4 =	simm.s32 $0x1;
	s5 =	smul.u32 $0x32, s5  }
0xc: {  	s6 =	sadd.s32 $0xE00, s6;
	s10 =	smov.u32 s2;
	[sflag:s4] =	ssyncpa.u1 $0x0  }
0xd: {  	p0 =	por $0x0, $0x0;
	[sflag:s7] =	ssyncpa.u1 $0x0;
	s7 =	sor.u32 $0x1, s5  }
.LBB1_4:
0xe: {  	s16 =	sshll.u32 s13, $0x3;
	s17 =	sand.u32 $0x78, s13  }
0xf: {  	s30 =	sand.u32 $0x7E00, s13;
	s12 =	sshll.u32 s12, $0xF;
	s16 =	sand.u32 $0xC00, s16  }
0x10: {  	[tilespmem:s15+$0x810 ss:$0x81] =	vst.msk $0xffff, v2;
	s31 =	sand.u32 $0x7, s13;
	s16 =	sor.u32 s17, s16;
	s17 =	sadd.s32 s3, s30  }
0x11: {  	[tilespmem:s15+$0x1020 ss:$0x81] =	vst.msk $0xffff, v0;
	s13 =	sshll.u32 s31, $0x12;
	s12 =	sadd.s32 s12, s17;
	s16 =	sshrl.u32 s16, $0x3  }
0x12: {  	[tilespmem:s15+$0x0 ss:$0x81] =	vst.msk $0xffff, v1;
	s13 =	sor.u32 $0x400, s13;
	s12 =	sadd.s32 s16, s12  }
0x13: {  	[hbm4b:s12+s13] =	stream.strided.scatter [tilespmem:s14], [sflag:$0x2], $0x2000, s8, s13, $0x20;
	[tilespmem:$0x8080] =	vst v63  }
.LBB1_5:
0x14: {  	s14 =	sadd.s32 $0x1, s9  }
0x15: {  	s12 =	sadd.s32 $0x1000, s10;
	s16 =	smov.u32 s10;
	p2 =	sgt.s32 s14, $0x31  }
0x16: {  	s16 =	smov.u32 @p2 s12  }
0x17: {  	s14 =	simm.s32 @p2 $0x0;
	p2 =	sgt.s32 s16, $0xFFF  }
0x18: {  	s16 =	smov.u32 @p2 s2;
	p2 =	sne.s32 s11, s7  }
.Ltmp1:
0x19: {  	p1 =	slt.u32 s11, $0x2;
	(pc) =	sbr.rel @!p2 .LBB1_6-.Ltmp1, $4  }
0x1a: {  	s15 =	simm.s32 @!p1 $0x2  }
0x1b: {  	s13 =	smov.u32 s10;
	p0 =	por !p0, !p0;
	_ =	swait.ge @!p1 [sflag:s15], $0x2000  }
0x1c: {  	s12 =	smov.u32 s9;
	[sflag:s15] =	ssyncset.done @!p1 $0x0;
	s9 =	smov.u32 s14  }
0x1d: {  	s11 =	sadd.s32 $0x1, s11;
	[sflag:s15] =	ssyncadd.s32 @!p1 $0xFFFFE000;
	s10 =	smov.u32 s16  }
.LBB1_1:
0x1e: {  	p1 =	sge.u32 s11, s5  }
0x1f: {  	s14 =	sand.u32 @!p1 $0x1FFFFFF, s9  }
0x20: {  	s15 =	smulhi.u32 @!p1 $0x4924925, s14;
	_ =	sdelay $0x1  }
0x21: {  	s15 =	smul.u32 @!p1 $0x38, s15  }
0x22: {  	s16 =	sxor.u32 @!p1 $0xFFFFFFFF, s11;
	s17 =	smul.u32 @!p1 $0x380, s10  }
0x23: {  	s31 =	sadd.s32 $0xFFFFFFFF, s11;
	s16 =	sshll.u32 @!p1 s16, $0xD;
	s14 =	ssub.s32 @!p1 s14, s15  }
0x24: {  	s15 =	sand.u32 @!p1 $0x2000, s16;
	s16 =	sadd.s32 @!p1 s6, s17;
	s14 =	sshll.u32 @!p1 s14, $0x4  }
0x25: {  	s17 =	simm.s32 @!p1 $0x1C00;
	s14 =	sadd.s32 @!p1 s14, s16;
	s16 =	simm.s32 @!p1 $0x40  }
0x26: {  	[tilespmem:s15], [sflag:$0x1] =	stream.strided.gather @!p1 [hbm4b:s14+s16], $0x2000, s17, s16, $0x38;
	[tilespmem:$0x8080] =	vst v63  }
0x27: {  	p1 =	sge.u32 s31, s5  }
.Ltmp2:
0x28: {  	_ = 	snop;
	(pc) =	sbr.rel @p1 .LBB1_5-.Ltmp2, $1  }
0x29: {  	_ =	sdelay $0x3  }
0x2a: {  	s14 =	simm.s32 $0x1  }
0x2b: {  	_ =	swait.ge [sflag:s4], $0x2000;
	s14 =	simm.s32 @!p0 $0x0  }
0x2c: {  	[sflag:s4] =	ssyncset.done $0x0;
	s15 =	sshll.u32 s14, $0xD  }
0x2d: {  	[sflag:s4] =	ssyncadd.s32 $0xFFFFE000;
	s18 =	sor.u32 $0x20, s15  }
0x2e: {  	s14 =	smul.u32 $0x8100, s14;
	v3 =	vld [tilespmem:s18+$0x10]  }
0x2f: {  	s30 =	sand.u32 $0x1, s11;
	v2 =	vld [tilespmem:s18+$0xFFFFFFF0]  }
0x30: {  	s15 =	smul.u32 $0x8100, s30;
	s14 =	sshrl.u32 s14, $0x2;
	v0 =	vld [tilespmem:s18+$0x0]  }
0x31: {  	v1 =	vld [tilespmem:s18+$0xFFFFFFE0];
	s16 =	sor.u32 $0x4000, s14  }
0x32: {  	s31 =	sshrl.u32 s15, $0x2;
	s15 =	sadd.s32 $0x0, s16  }
0x33: {  	s17 =	simm.s32 $0x4;
	s18 =	sadd.s32 $0x40, s18;
	s14 =	sor.u32 $0x4000, s31;
	[tilespmem:s15+$0x1830 ss:$0x81] =	vst.msk $0xffff, v3  }
.LBB1_3:
0x34: {  	v3 =	vld [tilespmem:s18+$0x10];
	p1 =	sne.s32 s17, $0x1FC;
	[tilespmem:s15+$0x810 ss:$0x81] =	vst.msk $0xffff, v2;
	s19 =	smov.u32 s17;
	s17 =	sadd.s32 $0x4, s17  }
.Ltmp3:
0x35: {  	v2 =	vld [tilespmem:s18+$0xFFFFFFF0];
	[tilespmem:s15+$0x1020 ss:$0x81] =	vst.msk $0xffff, v0;
	(pc) =	sbr.rel @p1 .LBB1_3-.Ltmp3, $4  }
0x36: {  	v0 =	vld [tilespmem:s18+$0x0];
	[tilespmem:s15+$0x0 ss:$0x81] =	vst.msk $0xffff, v1  }
0x37: {  	s15 =	sshra.s32 s19, $0x2;
	v1 =	vld [tilespmem:s18+$0xFFFFFFE0]  }
0x38: {  	s15 =	sadd.s32 s15, s16  }
0x39: {  	s18 =	sadd.s32 $0x40, s18;
	[tilespmem:s15+$0x1830 ss:$0x81] =	vst.msk $0xffff, v3  }
.Ltmp4:
0x3a: {  	_ = 	snop;
	(pc) =	sbr.rel .LBB1_4-.Ltmp4, $1  }
0x3b: {  	_ =	sdelay $0x3  }
.LBB1_6:
0x3c: {  	_ =	sfence.sel $0x180000  }
0x3d: {  	s2 =	simm.s32 $0x1;
	[bflag:$0x0] =	sbarrier.arrive $0xFFFF  }
0x3e: {  	s31 =	simm.s32 $0x2;
	[sflag:s2] =	ssyncpa.u1 $0x1  }
0x3f: {  	[sflag:s31] =	ssyncpa.u1 $0x1  }
0x40: {  	p0 =	sne.s32 s0, $0x0;
	_ =	strace $0x9000004D  }
0x41: {  	s0 =	sadd.s32 @!p0 $0x100000, s1;
	[bflag:$0x2] =	sbarrier.arrive $0xFFFF  }
0x42: {  	[sflag:s0] =	ssyncadd.tile.s32 @!p0 $0x1;
	_ =	shalt  }
.Lfunc_end1:
_tile_overlayer_lowered:
.L_overlay_start_2:
0x43: {  	(tag) =	ssettag $0x2  }
0x44: {  	s0 =	rddreg [dreg:$0x0];
	s2 =	stileid.u32  }
0x45: {  	s1 =	rddreg [dreg:$0x1];
	p0 =	sne.s32 s2, $0x0  }
0x46: {  	s3 =	rddreg [dreg:$0x2];
	[bflag:$0x3] =	sbarrier.arrive $0xFFFF;
	s2 =	simm.s32 @!p0 $0x1C01  }
0x47: {  	[timem:s3], [sflag:s2] =	dma.local @!p0 [hbm:s0], s1  }
0x48: {  	s0 =	simm.s32 @!p0 $0x1  }
0x49: {  	_ =	swait.ge @!p0 [sflag:s0], s1  }
0x4a: {  	s1 =	ssub.s32 @!p0 $0x0, s1;
	[sflag:s0] =	ssyncset.done @!p0 $0x0  }
0x4b: {  	[sflag:s0] =	ssyncadd.s32 @!p0 s1  }
0x4c: {  	[bflag:$0x3] =	sbarrier.arrive $0xFFFF  }
0x4d: {  	_ =	shalt  }

</sc_bundles>
